<compile_context>
chip_gen: v7x
topology: tpu7x:2x2x1
jax: 0.10.2.dev20260603
libtpu: 0.0.44.dev20260713+nightly
codegen_flags: <defaults>
</compile_context>

<pallas_src>
import functools

import jax
import jax.numpy as jnp
from jax import lax
from jax.experimental import pallas as pl
from jax.experimental.pallas import tpu as pltpu
from jax.experimental.pallas import tpu_sc as plsc

_BATCH = 16384
_D = 32
_NC = 2
_NS = 16
_L = 16
_NW = _NC * _NS
_BW = _BATCH // _NW
_GE = 4
_NST = _BW // _GE
_NROW = 1000000
_BLK = 128
_WD = 0.0001

_mesh = plsc.VectorSubcoreMesh(core_axis_name="c", subcore_axis_name="s")


@functools.partial(
    pl.kernel,
    out_type=(
        jax.ShapeDtypeStruct((_BATCH,), jnp.float32),
        jax.ShapeDtypeStruct((_BATCH,), jnp.float32),
        jax.ShapeDtypeStruct((_NW, _L), jnp.float32),
    ),
    mesh=_mesh,
    compiler_params=pltpu.CompilerParams(
        needs_layout_passes=False, use_tc_tiling_on_sc=True),
    scratch_types=[
        pltpu.VMEM((_BW + _L,), jnp.int32),
        pltpu.VMEM((_BW + _L,), jnp.int32),
        pltpu.VMEM((_BW + _L,), jnp.int32),
        pltpu.VMEM((2, _GE, _D, _BLK), jnp.float32),
        pltpu.VMEM((2, _GE, _D, _BLK), jnp.float32),
        pltpu.VMEM((2, _GE, _D, _BLK), jnp.float32),
        pltpu.VMEM((_BW,), jnp.float32),
        pltpu.VMEM((_BW,), jnp.float32),
        pltpu.VMEM((_L,), jnp.float32),
        pltpu.SemaphoreType.DMA((2, _GE)),
        pltpu.SemaphoreType.DMA,
    ],
)
def _sc_gather_dot(users, pos, neg, ue_t, ie_t,
                   s_pos_out, s_neg_out, sq_out,
                   idx_u, idx_p, idx_n, bu, bp, bn,
                   sp_v, sn_v, sq_v, sems, sem):
    wid = lax.axis_index("s") * _NC + lax.axis_index("c")
    base = wid * _BW

    pltpu.sync_copy(users.at[pl.ds(base, _BW)], idx_u.at[pl.ds(0, _BW)])
    pltpu.sync_copy(pos.at[pl.ds(base, _BW)], idx_p.at[pl.ds(0, _BW)])
    pltpu.sync_copy(neg.at[pl.ds(base, _BW)], idx_n.at[pl.ds(0, _BW)])

    d_lo = lax.iota(jnp.int32, _L)
    d_hi = d_lo + _L
    max_off = _NROW - _BLK
    dummy = ue_t.at[:, pl.ds(0, _BLK)]

    def block_off(r):
        boff = jnp.minimum(r - lax.rem(r, _BLK), max_off)
        return pl.multiple_of(boff, _BLK)

    def fire(step, buf):
        e0 = step * _GE
        vu = idx_u[pl.ds(e0, _L)]
        vp = idx_p[pl.ds(e0, _L)]
        vn = idx_n[pl.ds(e0, _L)]
        for t in range(_GE):
            for vec, tbl, dst in ((vu, ue_t, bu), (vp, ie_t, bp), (vn, ie_t, bn)):
                pltpu.async_copy(
                    tbl.at[:, pl.ds(block_off(vec[t]), _BLK)],
                    dst.at[buf, t], sems.at[buf, t])

    def consume(step, buf, sq_acc):
        e0 = step * _GE
        vu = idx_u[pl.ds(e0, _L)]
        vp = idx_p[pl.ds(e0, _L)]
        vn = idx_n[pl.ds(e0, _L)]
        s_pos = []
        s_neg = []
        for t in range(_GE):
            for dst in (bu, bp, bn):
                pltpu.make_async_copy(dummy, dst.at[buf, t],
                                      sems.at[buf, t]).wait()
            lu = vu[t] - block_off(vu[t])
            lp = vp[t] - block_off(vp[t])
            ln = vn[t] - block_off(vn[t])
            u0 = plsc.load_gather(bu.at[buf, t], [d_lo, jnp.full((_L,), 0, jnp.int32) + lu])
            u1 = plsc.load_gather(bu.at[buf, t], [d_hi, jnp.full((_L,), 0, jnp.int32) + lu])
            p0 = plsc.load_gather(bp.at[buf, t], [d_lo, jnp.full((_L,), 0, jnp.int32) + lp])
            p1 = plsc.load_gather(bp.at[buf, t], [d_hi, jnp.full((_L,), 0, jnp.int32) + lp])
            n0 = plsc.load_gather(bn.at[buf, t], [d_lo, jnp.full((_L,), 0, jnp.int32) + ln])
            n1 = plsc.load_gather(bn.at[buf, t], [d_hi, jnp.full((_L,), 0, jnp.int32) + ln])
            s_pos.append(jnp.sum(u0 * p0 + u1 * p1))
            s_neg.append(jnp.sum(u0 * n0 + u1 * n1))
            sq_acc = sq_acc + (u0 * u0 + u1 * u1 + p0 * p0 + p1 * p1
                               + n0 * n0 + n1 * n1)
        pos_vec = s_pos[-1]
        neg_vec = s_neg[-1]
        for t in range(_GE - 2, -1, -1):
            pos_vec = jnp.where(d_lo == t, s_pos[t], pos_vec)
            neg_vec = jnp.where(d_lo == t, s_neg[t], neg_vec)
        mask = d_lo < _GE
        plsc.store_scatter(sp_v, [e0 + d_lo], pos_vec, mask=mask)
        plsc.store_scatter(sn_v, [e0 + d_lo], neg_vec, mask=mask)
        return sq_acc

    fire(0, 0)

    def body(i, sq_acc):
        fire(2 * i + 1, 1)
        sq_acc = consume(2 * i, 0, sq_acc)

        @pl.when(i < _NST // 2 - 1)
        def _():
            fire(2 * i + 2, 0)

        return consume(2 * i + 1, 1, sq_acc)

    sq_acc = lax.fori_loop(0, _NST // 2, body, jnp.zeros((_L,), jnp.float32))
    sq_v[...] = sq_acc

    pltpu.sync_copy(sp_v, s_pos_out.at[pl.ds(base, _BW)])
    pltpu.sync_copy(sn_v, s_neg_out.at[pl.ds(base, _BW)])
    pltpu.sync_copy(sq_v, sq_out.at[wid])


def _tc_loss_body(pos_ref, neg_ref, sq_ref, out_ref):
    sp = pos_ref[...]
    sn = neg_ref[...]
    bce = jnp.sum(jnp.log(1.0 + jnp.exp(-sp))) + jnp.sum(jnp.log(1.0 + jnp.exp(sn)))
    reg = jnp.sum(sq_ref[...])
    out_ref[0, 0] = bce / (2.0 * _BATCH) + _WD * 0.5 * reg / _BATCH


_tc_loss = pl.pallas_call(
    _tc_loss_body,
    out_shape=jax.ShapeDtypeStruct((1, 1), jnp.float32),
    out_specs=pl.BlockSpec(memory_space=pltpu.SMEM),
)


def kernel(users, positive_items, negative_items, user_embedding, item_embedding):
    s_pos, s_neg, sq = _sc_gather_dot(
        users, positive_items, negative_items,
        user_embedding.T, item_embedding.T)
    out = _tc_loss(s_pos.reshape(128, 128), s_neg.reshape(128, 128),
                   sq.reshape(4, 128))
    return out.reshape(())

# --- scband reference (transcript-rebuilt; emitter-appended) ---
"""Pipeline reference for scband-wmf-31147102830634 (READ-ONLY COPY).

The authoritative reference and input builder live on the scoring server;
editing this copy changes nothing except your own understanding.
"""

import jax, jax.numpy as jnp
import numpy as np
import math

NUM_USERS = 1000000
NUM_ITEMS = 1000000
EMBED_DIM = 32
WEIGHT_DECAY = 0.0001
BATCH = 16384

def setup_inputs(seed: int = 0) -> dict:
    key = jax.random.key(seed)
    k_u, k_p, k_n, k_ue, k_ie = jax.random.split(key, 5)
    users = jax.random.randint(k_u, (BATCH,), 0, NUM_USERS, dtype=jnp.int64 if jax.config.jax_enable_x64 else jnp.int32)
    positive_items = jax.random.randint(k_p, (BATCH,), 0, NUM_ITEMS, dtype=jnp.int64 if jax.config.jax_enable_x64 else jnp.int32)
    negative_items = jax.random.randint(k_n, (BATCH,), 0, NUM_ITEMS, dtype=jnp.int64 if jax.config.jax_enable_x64 else jnp.int32)
    stdv = 1.0 / math.sqrt(EMBED_DIM)
    user_embedding = jax.random.uniform(k_ue, (NUM_USERS, EMBED_DIM), minval=-stdv, maxval=stdv, dtype=jnp.float32)
    item_embedding = jax.random.uniform(k_ie, (NUM_ITEMS, EMBED_DIM), minval=-stdv, maxval=stdv, dtype=jnp.float32)
    return {"users": users, "positive_items": positive_items, "negative_items": negative_items, "user_embedding": user_embedding, "item_embedding": item_embedding}

def _bce(pred, label):
    eps = 1e-12
    pred = jnp.clip(pred, eps, 1.0 - eps)
    return -jnp.mean(label * jnp.log(pred) + (1.0 - label) * jnp.log(1.0 - pred))

def reference(users, positive_items, negative_items, user_embedding, item_embedding):
    users_embed = jnp.take(user_embedding, users, axis=0)
    pos_embed = jnp.take(item_embedding, positive_items, axis=0)
    neg_embed = jnp.take(item_embedding, negative_items, axis=0)
    n = users.shape[0]
    regular_loss = 0.5 * (jnp.sum(users_embed ** 2) + jnp.sum(pos_embed ** 2) + jnp.sum(neg_embed ** 2)) / float(n)
    positive_scores = jnp.sum(users_embed * pos_embed, axis=-1)
    positive_rating = jax.nn.sigmoid(positive_scores)
    negative_scores = jnp.sum(users_embed * neg_embed, axis=-1)
    negative_rating = jax.nn.sigmoid(negative_scores)
    positive_label = jnp.ones((positive_rating.shape[0],), dtype=jnp.float32)
    negative_label = jnp.zeros((negative_rating.shape[0],), dtype=jnp.float32)
    loss = (_bce(positive_rating, positive_label) + _bce(negative_rating, negative_label)) / 2.0
    loss = loss + WEIGHT_DECAY * regular_loss
    return loss

if __name__ == "__main__":
    import jax
    _d = setup_inputs()
    print(jax.jit(kernel)(*tuple(_d.values())))

</pallas_src>

<mosaic_0001>
#map = affine_map<(d0, d1) -> (0)>
#map1 = affine_map<(d0, d1) -> (0, 0)>
module attributes {stable_mosaic.version = 14 : i64} {
  func.func @_sc_gather_dot(%arg0: i32, %arg1: i32, %arg2: memref<16384xi32, #tpu.memory_space<hbm>>, %arg3: memref<16384xi32, #tpu.memory_space<hbm>>, %arg4: memref<16384xi32, #tpu.memory_space<hbm>>, %arg5: memref<32x1000000xf32, #tpu.memory_space<hbm>>, %arg6: memref<32x1000000xf32, #tpu.memory_space<hbm>>, %arg7: memref<16384xf32, #tpu.memory_space<hbm>>, %arg8: memref<16384xf32, #tpu.memory_space<hbm>>, %arg9: memref<32x16xf32, #tpu.memory_space<hbm>>, %arg10: memref<528xi32, #tpu.memory_space<vmem>>, %arg11: memref<528xi32, #tpu.memory_space<vmem>>, %arg12: memref<528xi32, #tpu.memory_space<vmem>>, %arg13: memref<2x4x32x128xf32, #tpu.memory_space<vmem>>, %arg14: memref<2x4x32x128xf32, #tpu.memory_space<vmem>>, %arg15: memref<2x4x32x128xf32, #tpu.memory_space<vmem>>, %arg16: memref<512xf32, #tpu.memory_space<vmem>>, %arg17: memref<512xf32, #tpu.memory_space<vmem>>, %arg18: memref<16xf32, #tpu.memory_space<vmem>>, %arg19: memref<2x4x!tpu.dma_semaphore, #tpu.memory_space<semaphore_mem>>, %arg20: memref<!tpu.dma_semaphore, #tpu.memory_space<semaphore_mem>>) attributes {dimension_semantics = [#tpu.dimension_semantics<core_parallel>, #tpu.dimension_semantics<subcore_parallel>], iteration_bounds = array<i64: 2, 16>, scalar_prefetch = 0 : i64, scratch_operands = 11 : i64, tpu.core_type = #tpu.core_type<sc_vector_subcore>, window_params = [{transform_indices = #map}, {transform_indices = #map}, {transform_indices = #map}, {transform_indices = #map1}, {transform_indices = #map1}, {transform_indices = #map}, {transform_indices = #map}, {transform_indices = #map1}]} {
    %mul3A = arith.constant 2 : i32
    %mul3A_0 = arith.muli %arg1, %mul3A : i32
    %add3A = arith.addi %mul3A_0, %arg0 : i32
    %mul3A_1 = arith.constant 512 : i32
    %mul3A_2 = arith.muli %add3A, %mul3A_1 : i32
    "tpu.region"() ({
      %run_scoped3A = tpu.sem_alloc : memref<!tpu.dma_semaphore, #tpu.memory_space<semaphore_mem>>
      %dma_start3A_323 = arith.constant 0 : i32
      %dma_start3A_324 = tpu.memref_slice %arg10[%dma_start3A_323] : memref<528xi32, #tpu.memory_space<vmem>> -> memref<512xi32, #tpu.memory_space<vmem>>
      %dma_start3A_325 = tpu.memref_slice %arg2[%mul3A_2] : memref<16384xi32, #tpu.memory_space<hbm>> -> memref<512xi32, #tpu.memory_space<hbm>>
      %dma_start3A_326 = arith.constant 0 : i32
      %dma_start3A_327 = tpu.memref_slice %arg10[%dma_start3A_326] : memref<528xi32, #tpu.memory_space<vmem>> -> memref<512xi32, #tpu.memory_space<vmem>>
      %dma_start3A_328 = tpu.memref_slice %arg2[%mul3A_2] : memref<16384xi32, #tpu.memory_space<hbm>> -> memref<512xi32, #tpu.memory_space<hbm>>
      tpu.enqueue_dma source(%dma_start3A_328 : memref<512xi32, #tpu.memory_space<hbm>>) target(%dma_start3A_327 : memref<512xi32, #tpu.memory_space<vmem>>) target_semaphore(%run_scoped3A : memref<!tpu.dma_semaphore, #tpu.memory_space<semaphore_mem>>)
      %dma_wait3A = arith.constant 0 : i32
      %dma_wait3A_329 = tpu.memref_slice %arg10[%dma_wait3A] : memref<528xi32, #tpu.memory_space<vmem>> -> memref<512xi32, #tpu.memory_space<vmem>>
      %dma_wait3A_330 = tpu.memref_slice %arg2[%mul3A_2] : memref<16384xi32, #tpu.memory_space<hbm>> -> memref<512xi32, #tpu.memory_space<hbm>>
      %dma_wait3A_331 = arith.constant 0 : i32
      %dma_wait3A_332 = tpu.memref_slice %arg10[%dma_wait3A_331] : memref<528xi32, #tpu.memory_space<vmem>> -> memref<512xi32, #tpu.memory_space<vmem>>
      %dma_wait3A_333 = tpu.memref_slice %arg2[%mul3A_2] : memref<16384xi32, #tpu.memory_space<hbm>> -> memref<512xi32, #tpu.memory_space<hbm>>
      tpu.wait_dma2 semaphore(%run_scoped3A : memref<!tpu.dma_semaphore, #tpu.memory_space<semaphore_mem>>) src(%dma_wait3A_333 : memref<512xi32, #tpu.memory_space<hbm>>) dst(%dma_wait3A_332 : memref<512xi32, #tpu.memory_space<vmem>>)
      tpu.yield
    }) : () -> ()
    "tpu.region"() ({
      %run_scoped3A = tpu.sem_alloc : memref<!tpu.dma_semaphore, #tpu.memory_space<semaphore_mem>>
      %dma_start3A_323 = arith.constant 0 : i32
      %dma_start3A_324 = tpu.memref_slice %arg11[%dma_start3A_323] : memref<528xi32, #tpu.memory_space<vmem>> -> memref<512xi32, #tpu.memory_space<vmem>>
      %dma_start3A_325 = tpu.memref_slice %arg3[%mul3A_2] : memref<16384xi32, #tpu.memory_space<hbm>> -> memref<512xi32, #tpu.memory_space<hbm>>
      %dma_start3A_326 = arith.constant 0 : i32
      %dma_start3A_327 = tpu.memref_slice %arg11[%dma_start3A_326] : memref<528xi32, #tpu.memory_space<vmem>> -> memref<512xi32, #tpu.memory_space<vmem>>
      %dma_start3A_328 = tpu.memref_slice %arg3[%mul3A_2] : memref<16384xi32, #tpu.memory_space<hbm>> -> memref<512xi32, #tpu.memory_space<hbm>>
      tpu.enqueue_dma source(%dma_start3A_328 : memref<512xi32, #tpu.memory_space<hbm>>) target(%dma_start3A_327 : memref<512xi32, #tpu.memory_space<vmem>>) target_semaphore(%run_scoped3A : memref<!tpu.dma_semaphore, #tpu.memory_space<semaphore_mem>>)
      %dma_wait3A = arith.constant 0 : i32
      %dma_wait3A_329 = tpu.memref_slice %arg11[%dma_wait3A] : memref<528xi32, #tpu.memory_space<vmem>> -> memref<512xi32, #tpu.memory_space<vmem>>
      %dma_wait3A_330 = tpu.memref_slice %arg3[%mul3A_2] : memref<16384xi32, #tpu.memory_space<hbm>> -> memref<512xi32, #tpu.memory_space<hbm>>
      %dma_wait3A_331 = arith.constant 0 : i32
      %dma_wait3A_332 = tpu.memref_slice %arg11[%dma_wait3A_331] : memref<528xi32, #tpu.memory_space<vmem>> -> memref<512xi32, #tpu.memory_space<vmem>>
      %dma_wait3A_333 = tpu.memref_slice %arg3[%mul3A_2] : memref<16384xi32, #tpu.memory_space<hbm>> -> memref<512xi32, #tpu.memory_space<hbm>>
      tpu.wait_dma2 semaphore(%run_scoped3A : memref<!tpu.dma_semaphore, #tpu.memory_space<semaphore_mem>>) src(%dma_wait3A_333 : memref<512xi32, #tpu.memory_space<hbm>>) dst(%dma_wait3A_332 : memref<512xi32, #tpu.memory_space<vmem>>)
      tpu.yield
    }) : () -> ()
    "tpu.region"() ({
      %run_scoped3A = tpu.sem_alloc : memref<!tpu.dma_semaphore, #tpu.memory_space<semaphore_mem>>
      %dma_start3A_323 = arith.constant 0 : i32
      %dma_start3A_324 = tpu.memref_slice %arg12[%dma_start3A_323] : memref<528xi32, #tpu.memory_space<vmem>> -> memref<512xi32, #tpu.memory_space<vmem>>
      %dma_start3A_325 = tpu.memref_slice %arg4[%mul3A_2] : memref<16384xi32, #tpu.memory_space<hbm>> -> memref<512xi32, #tpu.memory_space<hbm>>
      %dma_start3A_326 = arith.constant 0 : i32
      %dma_start3A_327 = tpu.memref_slice %arg12[%dma_start3A_326] : memref<528xi32, #tpu.memory_space<vmem>> -> memref<512xi32, #tpu.memory_space<vmem>>
      %dma_start3A_328 = tpu.memref_slice %arg4[%mul3A_2] : memref<16384xi32, #tpu.memory_space<hbm>> -> memref<512xi32, #tpu.memory_space<hbm>>
      tpu.enqueue_dma source(%dma_start3A_328 : memref<512xi32, #tpu.memory_space<hbm>>) target(%dma_start3A_327 : memref<512xi32, #tpu.memory_space<vmem>>) target_semaphore(%run_scoped3A : memref<!tpu.dma_semaphore, #tpu.memory_space<semaphore_mem>>)
      %dma_wait3A = arith.constant 0 : i32
      %dma_wait3A_329 = tpu.memref_slice %arg12[%dma_wait3A] : memref<528xi32, #tpu.memory_space<vmem>> -> memref<512xi32, #tpu.memory_space<vmem>>
      %dma_wait3A_330 = tpu.memref_slice %arg4[%mul3A_2] : memref<16384xi32, #tpu.memory_space<hbm>> -> memref<512xi32, #tpu.memory_space<hbm>>
      %dma_wait3A_331 = arith.constant 0 : i32
      %dma_wait3A_332 = tpu.memref_slice %arg12[%dma_wait3A_331] : memref<528xi32, #tpu.memory_space<vmem>> -> memref<512xi32, #tpu.memory_space<vmem>>
      %dma_wait3A_333 = tpu.memref_slice %arg4[%mul3A_2] : memref<16384xi32, #tpu.memory_space<hbm>> -> memref<512xi32, #tpu.memory_space<hbm>>
      tpu.wait_dma2 semaphore(%run_scoped3A : memref<!tpu.dma_semaphore, #tpu.memory_space<semaphore_mem>>) src(%dma_wait3A_333 : memref<512xi32, #tpu.memory_space<hbm>>) dst(%dma_wait3A_332 : memref<512xi32, #tpu.memory_space<vmem>>)
      tpu.yield
    }) : () -> ()
    %iota3A = tpu.iota {dimensions = array<i32: 0>} : vector<16xi32>
    %add3A_3 = arith.constant 16 : i32
    %add3A_4 = vector.broadcast %add3A_3 : i32 to vector<16xi32>
    %add3A_5 = arith.addi %iota3A, %add3A_4 : vector<16xi32>
    %get3A = arith.constant 0 : index
    %get3A_6 = tpu.vector_load %arg10[%get3A] {strides = array<i32>} : memref<528xi32, #tpu.memory_space<vmem>>, vector<16xi32>,
    %get3A_7 = arith.constant 0 : index
    %get3A_8 = tpu.vector_load %arg11[%get3A_7] {strides = array<i32>} : memref<528xi32, #tpu.memory_space<vmem>>, vector<16xi32>,
    %get3A_9 = arith.constant 0 : index
    %get3A_10 = tpu.vector_load %arg12[%get3A_9] {strides = array<i32>} : memref<528xi32, #tpu.memory_space<vmem>>, vector<16xi32>,
    %slice3A = vector.extract_strided_slice %get3A_6 {offsets = [0], sizes = [1], strides = [1]} : vector<16xi32> to vector<1xi32>
    %squeeze3A = vector.extract %slice3A[0] : i32 from vector<1xi32>
    %rem3A = arith.constant 128 : i32
    %rem3A_11 = arith.remsi %squeeze3A, %rem3A : i32
    %sub3A = arith.subi %squeeze3A, %rem3A_11 : i32
    %min3A = arith.constant 999872 : i32
    %min3A_12 = arith.minsi %sub3A, %min3A : i32
    %multiple_of3A = tpu.assume_multiple %min3A_12, 128 : i32
    %dma_start3A = arith.constant 0 : i32
    %dma_start3A_13 = arith.constant 0 : i32
    %dma_start3A_14 = arith.constant 0 : i32
    %dma_start3A_15 = arith.constant 0 : i32
    %dma_start3A_16 = arith.constant 0 : i32
    %dma_start3A_17 = arith.constant 0 : i32
    %dma_start3A_18 = tpu.memref_slice %arg13[%dma_start3A, %dma_start3A_13, %dma_start3A_16, %dma_start3A_17] : memref<2x4x32x128xf32, #tpu.memory_space<vmem>> -> memref<1x1x32x128xf32, #tpu.memory_space<vmem>>
    %dma_start3A_19 = tpu.memref_squeeze %dma_start3A_18 : memref<1x1x32x128xf32, #tpu.memory_space<vmem>> -> memref<32x128xf32, #tpu.memory_space<vmem>>
    %dma_start3A_20 = arith.constant 0 : i32
    %dma_start3A_21 = tpu.memref_slice %arg5[%dma_start3A_20, %multiple_of3A] : memref<32x1000000xf32, #tpu.memory_space<hbm>> -> memref<32x128xf32, #tpu.memory_space<hbm>>
    %dma_start3A_22 = tpu.memref_slice %arg19[%dma_start3A_14, %dma_start3A_15] : memref<2x4x!tpu.dma_semaphore, #tpu.memory_space<semaphore_mem>> -> memref<1x1x!tpu.dma_semaphore, #tpu.memory_space<semaphore_mem>>
    %dma_start3A_23 = tpu.memref_squeeze %dma_start3A_22 : memref<1x1x!tpu.dma_semaphore, #tpu.memory_space<semaphore_mem>> -> memref<!tpu.dma_semaphore, #tpu.memory_space<semaphore_mem>>
    %dma_start3A_24 = arith.constant 0 : i32
    %dma_start3A_25 = arith.constant 0 : i32
    %dma_start3A_26 = tpu.memref_slice %arg13[%dma_start3A, %dma_start3A_13, %dma_start3A_24, %dma_start3A_25] : memref<2x4x32x128xf32, #tpu.memory_space<vmem>> -> memref<1x1x32x128xf32, #tpu.memory_space<vmem>>
    %dma_start3A_27 = tpu.memref_squeeze %dma_start3A_26 : memref<1x1x32x128xf32, #tpu.memory_space<vmem>> -> memref<32x128xf32, #tpu.memory_space<vmem>>
    %dma_start3A_28 = arith.constant 0 : i32
    %dma_start3A_29 = tpu.memref_slice %arg5[%dma_start3A_28, %multiple_of3A] : memref<32x1000000xf32, #tpu.memory_space<hbm>> -> memref<32x128xf32, #tpu.memory_space<hbm>>
    tpu.enqueue_dma source(%dma_start3A_29 : memref<32x128xf32, #tpu.memory_space<hbm>>) target(%dma_start3A_27 : memref<32x128xf32, #tpu.memory_space<vmem>>) target_semaphore(%dma_start3A_23 : memref<!tpu.dma_semaphore, #tpu.memory_space<semaphore_mem>>)
    %slice3A_30 = vector.extract_strided_slice %get3A_8 {offsets = [0], sizes = [1], strides = [1]} : vector<16xi32> to vector<1xi32>
    %squeeze3A_31 = vector.extract %slice3A_30[0] : i32 from vector<1xi32>
    %rem3A_32 = arith.constant 128 : i32
    %rem3A_33 = arith.remsi %squeeze3A_31, %rem3A_32 : i32
    %sub3A_34 = arith.subi %squeeze3A_31, %rem3A_33 : i32
    %min3A_35 = arith.constant 999872 : i32
    %min3A_36 = arith.minsi %sub3A_34, %min3A_35 : i32
    %multiple_of3A_37 = tpu.assume_multiple %min3A_36, 128 : i32
    %dma_start3A_38 = arith.constant 0 : i32
    %dma_start3A_39 = arith.constant 0 : i32
    %dma_start3A_40 = arith.constant 0 : i32
    %dma_start3A_41 = arith.constant 0 : i32
    %dma_start3A_42 = arith.constant 0 : i32
    %dma_start3A_43 = arith.constant 0 : i32
    %dma_start3A_44 = tpu.memref_slice %arg14[%dma_start3A_38, %dma_start3A_39, %dma_start3A_42, %dma_start3A_43] : memref<2x4x32x128xf32, #tpu.memory_space<vmem>> -> memref<1x1x32x128xf32, #tpu.memory_space<vmem>>
    %dma_start3A_45 = tpu.memref_squeeze %dma_start3A_44 : memref<1x1x32x128xf32, #tpu.memory_space<vmem>> -> memref<32x128xf32, #tpu.memory_space<vmem>>
    %dma_start3A_46 = arith.constant 0 : i32
    %dma_start3A_47 = tpu.memref_slice %arg6[%dma_start3A_46, %multiple_of3A_37] : memref<32x1000000xf32, #tpu.memory_space<hbm>> -> memref<32x128xf32, #tpu.memory_space<hbm>>
    %dma_start3A_48 = tpu.memref_slice %arg19[%dma_start3A_40, %dma_start3A_41] : memref<2x4x!tpu.dma_semaphore, #tpu.memory_space<semaphore_mem>> -> memref<1x1x!tpu.dma_semaphore, #tpu.memory_space<semaphore_mem>>
    %dma_start3A_49 = tpu.memref_squeeze %dma_start3A_48 : memref<1x1x!tpu.dma_semaphore, #tpu.memory_space<semaphore_mem>> -> memref<!tpu.dma_semaphore, #tpu.memory_space<semaphore_mem>>
    %dma_start3A_50 = arith.constant 0 : i32
    %dma_start3A_51 = arith.constant 0 : i32
    %dma_start3A_52 = tpu.memref_slice %arg14[%dma_start3A_38, %dma_start3A_39, %dma_start3A_50, %dma_start3A_51] : memref<2x4x32x128xf32, #tpu.memory_space<vmem>> -> memref<1x1x32x128xf32, #tpu.memory_space<vmem>>
    %dma_start3A_53 = tpu.memref_squeeze %dma_start3A_52 : memref<1x1x32x128xf32, #tpu.memory_space<vmem>> -> memref<32x128xf32, #tpu.memory_space<vmem>>
    %dma_start3A_54 = arith.constant 0 : i32
    %dma_start3A_55 = tpu.memref_slice %arg6[%dma_start3A_54, %multiple_of3A_37] : memref<32x1000000xf32, #tpu.memory_space<hbm>> -> memref<32x128xf32, #tpu.memory_space<hbm>>
    tpu.enqueue_dma source(%dma_start3A_55 : memref<32x128xf32, #tpu.memory_space<hbm>>) target(%dma_start3A_53 : memref<32x128xf32, #tpu.memory_space<vmem>>) target_semaphore(%dma_start3A_49 : memref<!tpu.dma_semaphore, #tpu.memory_space<semaphore_mem>>)
    %slice3A_56 = vector.extract_strided_slice %get3A_10 {offsets = [0], sizes = [1], strides = [1]} : vector<16xi32> to vector<1xi32>
    %squeeze3A_57 = vector.extract %slice3A_56[0] : i32 from vector<1xi32>
    %rem3A_58 = arith.constant 128 : i32
    %rem3A_59 = arith.remsi %squeeze3A_57, %rem3A_58 : i32
    %sub3A_60 = arith.subi %squeeze3A_57, %rem3A_59 : i32
    %min3A_61 = arith.constant 999872 : i32
    %min3A_62 = arith.minsi %sub3A_60, %min3A_61 : i32
    %multiple_of3A_63 = tpu.assume_multiple %min3A_62, 128 : i32
    %dma_start3A_64 = arith.constant 0 : i32
    %dma_start3A_65 = arith.constant 0 : i32
    %dma_start3A_66 = arith.constant 0 : i32
    %dma_start3A_67 = arith.constant 0 : i32
    %dma_start3A_68 = arith.constant 0 : i32
    %dma_start3A_69 = arith.constant 0 : i32
    %dma_start3A_70 = tpu.memref_slice %arg15[%dma_start3A_64, %dma_start3A_65, %dma_start3A_68, %dma_start3A_69] : memref<2x4x32x128xf32, #tpu.memory_space<vmem>> -> memref<1x1x32x128xf32, #tpu.memory_space<vmem>>
    %dma_start3A_71 = tpu.memref_squeeze %dma_start3A_70 : memref<1x1x32x128xf32, #tpu.memory_space<vmem>> -> memref<32x128xf32, #tpu.memory_space<vmem>>
    %dma_start3A_72 = arith.constant 0 : i32
    %dma_start3A_73 = tpu.memref_slice %arg6[%dma_start3A_72, %multiple_of3A_63] : memref<32x1000000xf32, #tpu.memory_space<hbm>> -> memref<32x128xf32, #tpu.memory_space<hbm>>
    %dma_start3A_74 = tpu.memref_slice %arg19[%dma_start3A_66, %dma_start3A_67] : memref<2x4x!tpu.dma_semaphore, #tpu.memory_space<semaphore_mem>> -> memref<1x1x!tpu.dma_semaphore, #tpu.memory_space<semaphore_mem>>
    %dma_start3A_75 = tpu.memref_squeeze %dma_start3A_74 : memref<1x1x!tpu.dma_semaphore, #tpu.memory_space<semaphore_mem>> -> memref<!tpu.dma_semaphore, #tpu.memory_space<semaphore_mem>>
    %dma_start3A_76 = arith.constant 0 : i32
    %dma_start3A_77 = arith.constant 0 : i32
    %dma_start3A_78 = tpu.memref_slice %arg15[%dma_start3A_64, %dma_start3A_65, %dma_start3A_76, %dma_start3A_77] : memref<2x4x32x128xf32, #tpu.memory_space<vmem>> -> memref<1x1x32x128xf32, #tpu.memory_space<vmem>>
    %dma_start3A_79 = tpu.memref_squeeze %dma_start3A_78 : memref<1x1x32x128xf32, #tpu.memory_space<vmem>> -> memref<32x128xf32, #tpu.memory_space<vmem>>
    %dma_start3A_80 = arith.constant 0 : i32
    %dma_start3A_81 = tpu.memref_slice %arg6[%dma_start3A_80, %multiple_of3A_63] : memref<32x1000000xf32, #tpu.memory_space<hbm>> -> memref<32x128xf32, #tpu.memory_space<hbm>>
    tpu.enqueue_dma source(%dma_start3A_81 : memref<32x128xf32, #tpu.memory_space<hbm>>) target(%dma_start3A_79 : memref<32x128xf32, #tpu.memory_space<vmem>>) target_semaphore(%dma_start3A_75 : memref<!tpu.dma_semaphore, #tpu.memory_space<semaphore_mem>>)
    %slice3A_82 = vector.extract_strided_slice %get3A_6 {offsets = [1], sizes = [1], strides = [1]} : vector<16xi32> to vector<1xi32>
    %squeeze3A_83 = vector.extract %slice3A_82[0] : i32 from vector<1xi32>
    %rem3A_84 = arith.constant 128 : i32
    %rem3A_85 = arith.remsi %squeeze3A_83, %rem3A_84 : i32
    %sub3A_86 = arith.subi %squeeze3A_83, %rem3A_85 : i32
    %min3A_87 = arith.constant 999872 : i32
    %min3A_88 = arith.minsi %sub3A_86, %min3A_87 : i32
    %multiple_of3A_89 = tpu.assume_multiple %min3A_88, 128 : i32
    %dma_start3A_90 = arith.constant 0 : i32
    %dma_start3A_91 = arith.constant 1 : i32
    %dma_start3A_92 = arith.constant 0 : i32
    %dma_start3A_93 = arith.constant 1 : i32
    %dma_start3A_94 = arith.constant 0 : i32
    %dma_start3A_95 = arith.constant 0 : i32
    %dma_start3A_96 = tpu.memref_slice %arg13[%dma_start3A_90, %dma_start3A_91, %dma_start3A_94, %dma_start3A_95] : memref<2x4x32x128xf32, #tpu.memory_space<vmem>> -> memref<1x1x32x128xf32, #tpu.memory_space<vmem>>
    %dma_start3A_97 = tpu.memref_squeeze %dma_start3A_96 : memref<1x1x32x128xf32, #tpu.memory_space<vmem>> -> memref<32x128xf32, #tpu.memory_space<vmem>>
    %dma_start3A_98 = arith.constant 0 : i32
    %dma_start3A_99 = tpu.memref_slice %arg5[%dma_start3A_98, %multiple_of3A_89] : memref<32x1000000xf32, #tpu.memory_space<hbm>> -> memref<32x128xf32, #tpu.memory_space<hbm>>
    %dma_start3A_100 = tpu.memref_slice %arg19[%dma_start3A_92, %dma_start3A_93] : memref<2x4x!tpu.dma_semaphore, #tpu.memory_space<semaphore_mem>> -> memref<1x1x!tpu.dma_semaphore, #tpu.memory_space<semaphore_mem>>
    %dma_start3A_101 = tpu.memref_squeeze %dma_start3A_100 : memref<1x1x!tpu.dma_semaphore, #tpu.memory_space<semaphore_mem>> -> memref<!tpu.dma_semaphore, #tpu.memory_space<semaphore_mem>>
    %dma_start3A_102 = arith.constant 0 : i32
    %dma_start3A_103 = arith.constant 0 : i32
    %dma_start3A_104 = tpu.memref_slice %arg13[%dma_start3A_90, %dma_start3A_91, %dma_start3A_102, %dma_start3A_103] : memref<2x4x32x128xf32, #tpu.memory_space<vmem>> -> memref<1x1x32x128xf32, #tpu.memory_space<vmem>>
    %dma_start3A_105 = tpu.memref_squeeze %dma_start3A_104 : memref<1x1x32x128xf32, #tpu.memory_space<vmem>> -> memref<32x128xf32, #tpu.memory_space<vmem>>
    %dma_start3A_106 = arith.constant 0 : i32
    %dma_start3A_107 = tpu.memref_slice %arg5[%dma_start3A_106, %multiple_of3A_89] : memref<32x1000000xf32, #tpu.memory_space<hbm>> -> memref<32x128xf32, #tpu.memory_space<hbm>>
    tpu.enqueue_dma source(%dma_start3A_107 : memref<32x128xf32, #tpu.memory_space<hbm>>) target(%dma_start3A_105 : memref<32x128xf32, #tpu.memory_space<vmem>>) target_semaphore(%dma_start3A_101 : memref<!tpu.dma_semaphore, #tpu.memory_space<semaphore_mem>>)
    %slice3A_108 = vector.extract_strided_slice %get3A_8 {offsets = [1], sizes = [1], strides = [1]} : vector<16xi32> to vector<1xi32>
    %squeeze3A_109 = vector.extract %slice3A_108[0] : i32 from vector<1xi32>
    %rem3A_110 = arith.constant 128 : i32
    %rem3A_111 = arith.remsi %squeeze3A_109, %rem3A_110 : i32
    %sub3A_112 = arith.subi %squeeze3A_109, %rem3A_111 : i32
    %min3A_113 = arith.constant 999872 : i32
    %min3A_114 = arith.minsi %sub3A_112, %min3A_113 : i32
    %multiple_of3A_115 = tpu.assume_multiple %min3A_114, 128 : i32
    %dma_start3A_116 = arith.constant 0 : i32
    %dma_start3A_117 = arith.constant 1 : i32
    %dma_start3A_118 = arith.constant 0 : i32
    %dma_start3A_119 = arith.constant 1 : i32
    %dma_start3A_120 = arith.constant 0 : i32
    %dma_start3A_121 = arith.constant 0 : i32
    %dma_start3A_122 = tpu.memref_slice %arg14[%dma_start3A_116, %dma_start3A_117, %dma_start3A_120, %dma_start3A_121] : memref<2x4x32x128xf32, #tpu.memory_space<vmem>> -> memref<1x1x32x128xf32, #tpu.memory_space<vmem>>
    %dma_start3A_123 = tpu.memref_squeeze %dma_start3A_122 : memref<1x1x32x128xf32, #tpu.memory_space<vmem>> -> memref<32x128xf32, #tpu.memory_space<vmem>>
    %dma_start3A_124 = arith.constant 0 : i32
    %dma_start3A_125 = tpu.memref_slice %arg6[%dma_start3A_124, %multiple_of3A_115] : memref<32x1000000xf32, #tpu.memory_space<hbm>> -> memref<32x128xf32, #tpu.memory_space<hbm>>
    %dma_start3A_126 = tpu.memref_slice %arg19[%dma_start3A_118, %dma_start3A_119] : memref<2x4x!tpu.dma_semaphore, #tpu.memory_space<semaphore_mem>> -> memref<1x1x!tpu.dma_semaphore, #tpu.memory_space<semaphore_mem>>
    %dma_start3A_127 = tpu.memref_squeeze %dma_start3A_126 : memref<1x1x!tpu.dma_semaphore, #tpu.memory_space<semaphore_mem>> -> memref<!tpu.dma_semaphore, #tpu.memory_space<semaphore_mem>>
    %dma_start3A_128 = arith.constant 0 : i32
    %dma_start3A_129 = arith.constant 0 : i32
    %dma_start3A_130 = tpu.memref_slice %arg14[%dma_start3A_116, %dma_start3A_117, %dma_start3A_128, %dma_start3A_129] : memref<2x4x32x128xf32, #tpu.memory_space<vmem>> -> memref<1x1x32x128xf32, #tpu.memory_space<vmem>>
    %dma_start3A_131 = tpu.memref_squeeze %dma_start3A_130 : memref<1x1x32x128xf32, #tpu.memory_space<vmem>> -> memref<32x128xf32, #tpu.memory_space<vmem>>
    %dma_start3A_132 = arith.constant 0 : i32
    %dma_start3A_133 = tpu.memref_slice %arg6[%dma_start3A_132, %multiple_of3A_115] : memref<32x1000000xf32, #tpu.memory_space<hbm>> -> memref<32x128xf32, #tpu.memory_space<hbm>>
    tpu.enqueue_dma source(%dma_start3A_133 : memref<32x128xf32, #tpu.memory_space<hbm>>) target(%dma_start3A_131 : memref<32x128xf32, #tpu.memory_space<vmem>>) target_semaphore(%dma_start3A_127 : memref<!tpu.dma_semaphore, #tpu.memory_space<semaphore_mem>>)
    %slice3A_134 = vector.extract_strided_slice %get3A_10 {offsets = [1], sizes = [1], strides = [1]} : vector<16xi32> to vector<1xi32>
    %squeeze3A_135 = vector.extract %slice3A_134[0] : i32 from vector<1xi32>
    %rem3A_136 = arith.constant 128 : i32
    %rem3A_137 = arith.remsi %squeeze3A_135, %rem3A_136 : i32
    %sub3A_138 = arith.subi %squeeze3A_135, %rem3A_137 : i32
    %min3A_139 = arith.constant 999872 : i32
    %min3A_140 = arith.minsi %sub3A_138, %min3A_139 : i32
    %multiple_of3A_141 = tpu.assume_multiple %min3A_140, 128 : i32
    %dma_start3A_142 = arith.constant 0 : i32
    %dma_start3A_143 = arith.constant 1 : i32
    %dma_start3A_144 = arith.constant 0 : i32
    %dma_start3A_145 = arith.constant 1 : i32
    %dma_start3A_146 = arith.constant 0 : i32
    %dma_start3A_147 = arith.constant 0 : i32
    %dma_start3A_148 = tpu.memref_slice %arg15[%dma_start3A_142, %dma_start3A_143, %dma_start3A_146, %dma_start3A_147] : memref<2x4x32x128xf32, #tpu.memory_space<vmem>> -> memref<1x1x32x128xf32, #tpu.memory_space<vmem>>
    %dma_start3A_149 = tpu.memref_squeeze %dma_start3A_148 : memref<1x1x32x128xf32, #tpu.memory_space<vmem>> -> memref<32x128xf32, #tpu.memory_space<vmem>>
    %dma_start3A_150 = arith.constant 0 : i32
    %dma_start3A_151 = tpu.memref_slice %arg6[%dma_start3A_150, %multiple_of3A_141] : memref<32x1000000xf32, #tpu.memory_space<hbm>> -> memref<32x128xf32, #tpu.memory_space<hbm>>
    %dma_start3A_152 = tpu.memref_slice %arg19[%dma_start3A_144, %dma_start3A_145] : memref<2x4x!tpu.dma_semaphore, #tpu.memory_space<semaphore_mem>> -> memref<1x1x!tpu.dma_semaphore, #tpu.memory_space<semaphore_mem>>
    %dma_start3A_153 = tpu.memref_squeeze %dma_start3A_152 : memref<1x1x!tpu.dma_semaphore, #tpu.memory_space<semaphore_mem>> -> memref<!tpu.dma_semaphore, #tpu.memory_space<semaphore_mem>>
    %dma_start3A_154 = arith.constant 0 : i32
    %dma_start3A_155 = arith.constant 0 : i32
    %dma_start3A_156 = tpu.memref_slice %arg15[%dma_start3A_142, %dma_start3A_143, %dma_start3A_154, %dma_start3A_155] : memref<2x4x32x128xf32, #tpu.memory_space<vmem>> -> memref<1x1x32x128xf32, #tpu.memory_space<vmem>>
    %dma_start3A_157 = tpu.memref_squeeze %dma_start3A_156 : memref<1x1x32x128xf32, #tpu.memory_space<vmem>> -> memref<32x128xf32, #tpu.memory_space<vmem>>
    %dma_start3A_158 = arith.constant 0 : i32
    %dma_start3A_159 = tpu.memref_slice %arg6[%dma_start3A_158, %multiple_of3A_141] : memref<32x1000000xf32, #tpu.memory_space<hbm>> -> memref<32x128xf32, #tpu.memory_space<hbm>>
    tpu.enqueue_dma source(%dma_start3A_159 : memref<32x128xf32, #tpu.memory_space<hbm>>) target(%dma_start3A_157 : memref<32x128xf32, #tpu.memory_space<vmem>>) target_semaphore(%dma_start3A_153 : memref<!tpu.dma_semaphore, #tpu.memory_space<semaphore_mem>>)
    %slice3A_160 = vector.extract_strided_slice %get3A_6 {offsets = [2], sizes = [1], strides = [1]} : vector<16xi32> to vector<1xi32>
    %squeeze3A_161 = vector.extract %slice3A_160[0] : i32 from vector<1xi32>
    %rem3A_162 = arith.constant 128 : i32
    %rem3A_163 = arith.remsi %squeeze3A_161, %rem3A_162 : i32
    %sub3A_164 = arith.subi %squeeze3A_161, %rem3A_163 : i32
    %min3A_165 = arith.constant 999872 : i32
    %min3A_166 = arith.minsi %sub3A_164, %min3A_165 : i32
    %multiple_of3A_167 = tpu.assume_multiple %min3A_166, 128 : i32
    %dma_start3A_168 = arith.constant 0 : i32
    %dma_start3A_169 = arith.constant 2 : i32
    %dma_start3A_170 = arith.constant 0 : i32
    %dma_start3A_171 = arith.constant 2 : i32
    %dma_start3A_172 = arith.constant 0 : i32
    %dma_start3A_173 = arith.constant 0 : i32
    %dma_start3A_174 = tpu.memref_slice %arg13[%dma_start3A_168, %dma_start3A_169, %dma_start3A_172, %dma_start3A_173] : memref<2x4x32x128xf32, #tpu.memory_space<vmem>> -> memref<1x1x32x128xf32, #tpu.memory_space<vmem>>
    %dma_start3A_175 = tpu.memref_squeeze %dma_start3A_174 : memref<1x1x32x128xf32, #tpu.memory_space<vmem>> -> memref<32x128xf32, #tpu.memory_space<vmem>>
    %dma_start3A_176 = arith.constant 0 : i32
    %dma_start3A_177 = tpu.memref_slice %arg5[%dma_start3A_176, %multiple_of3A_167] : memref<32x1000000xf32, #tpu.memory_space<hbm>> -> memref<32x128xf32, #tpu.memory_space<hbm>>
    %dma_start3A_178 = tpu.memref_slice %arg19[%dma_start3A_170, %dma_start3A_171] : memref<2x4x!tpu.dma_semaphore, #tpu.memory_space<semaphore_mem>> -> memref<1x1x!tpu.dma_semaphore, #tpu.memory_space<semaphore_mem>>
    %dma_start3A_179 = tpu.memref_squeeze %dma_start3A_178 : memref<1x1x!tpu.dma_semaphore, #tpu.memory_space<semaphore_mem>> -> memref<!tpu.dma_semaphore, #tpu.memory_space<semaphore_mem>>
    %dma_start3A_180 = arith.constant 0 : i32
    %dma_start3A_181 = arith.constant 0 : i32
    %dma_start3A_182 = tpu.memref_slice %arg13[%dma_start3A_168, %dma_start3A_169, %dma_start3A_180, %dma_start3A_181] : memref<2x4x32x128xf32, #tpu.memory_space<vmem>> -> memref<1x1x32x128xf32, #tpu.memory_space<vmem>>
    %dma_start3A_183 = tpu.memref_squeeze %dma_start3A_182 : memref<1x1x32x128xf32, #tpu.memory_space<vmem>> -> memref<32x128xf32, #tpu.memory_space<vmem>>
    %dma_start3A_184 = arith.constant 0 : i32
    %dma_start3A_185 = tpu.memref_slice %arg5[%dma_start3A_184, %multiple_of3A_167] : memref<32x1000000xf32, #tpu.memory_space<hbm>> -> memref<32x128xf32, #tpu.memory_space<hbm>>
    tpu.enqueue_dma source(%dma_start3A_185 : memref<32x128xf32, #tpu.memory_space<hbm>>) target(%dma_start3A_183 : memref<32x128xf32, #tpu.memory_space<vmem>>) target_semaphore(%dma_start3A_179 : memref<!tpu.dma_semaphore, #tpu.memory_space<semaphore_mem>>)
    %slice3A_186 = vector.extract_strided_slice %get3A_8 {offsets = [2], sizes = [1], strides = [1]} : vector<16xi32> to vector<1xi32>
    %squeeze3A_187 = vector.extract %slice3A_186[0] : i32 from vector<1xi32>
    %rem3A_188 = arith.constant 128 : i32
    %rem3A_189 = arith.remsi %squeeze3A_187, %rem3A_188 : i32
    %sub3A_190 = arith.subi %squeeze3A_187, %rem3A_189 : i32
    %min3A_191 = arith.constant 999872 : i32
    %min3A_192 = arith.minsi %sub3A_190, %min3A_191 : i32
    %multiple_of3A_193 = tpu.assume_multiple %min3A_192, 128 : i32
    %dma_start3A_194 = arith.constant 0 : i32
    %dma_start3A_195 = arith.constant 2 : i32
    %dma_start3A_196 = arith.constant 0 : i32
    %dma_start3A_197 = arith.constant 2 : i32
    %dma_start3A_198 = arith.constant 0 : i32
    %dma_start3A_199 = arith.constant 0 : i32
    %dma_start3A_200 = tpu.memref_slice %arg14[%dma_start3A_194, %dma_start3A_195, %dma_start3A_198, %dma_start3A_199] : memref<2x4x32x128xf32, #tpu.memory_space<vmem>> -> memref<1x1x32x128xf32, #tpu.memory_space<vmem>>
    %dma_start3A_201 = tpu.memref_squeeze %dma_start3A_200 : memref<1x1x32x128xf32, #tpu.memory_space<vmem>> -> memref<32x128xf32, #tpu.memory_space<vmem>>
    %dma_start3A_202 = arith.constant 0 : i32
    %dma_start3A_203 = tpu.memref_slice %arg6[%dma_start3A_202, %multiple_of3A_193] : memref<32x1000000xf32, #tpu.memory_space<hbm>> -> memref<32x128xf32, #tpu.memory_space<hbm>>
    %dma_start3A_204 = tpu.memref_slice %arg19[%dma_start3A_196, %dma_start3A_197] : memref<2x4x!tpu.dma_semaphore, #tpu.memory_space<semaphore_mem>> -> memref<1x1x!tpu.dma_semaphore, #tpu.memory_space<semaphore_mem>>
    %dma_start3A_205 = tpu.memref_squeeze %dma_start3A_204 : memref<1x1x!tpu.dma_semaphore, #tpu.memory_space<semaphore_mem>> -> memref<!tpu.dma_semaphore, #tpu.memory_space<semaphore_mem>>
    %dma_start3A_206 = arith.constant 0 : i32
    %dma_start3A_207 = arith.constant 0 : i32
    %dma_start3A_208 = tpu.memref_slice %arg14[%dma_start3A_194, %dma_start3A_195, %dma_start3A_206, %dma_start3A_207] : memref<2x4x32x128xf32, #tpu.memory_space<vmem>> -> memref<1x1x32x128xf32, #tpu.memory_space<vmem>>
    %dma_start3A_209 = tpu.memref_squeeze %dma_start3A_208 : memref<1x1x32x128xf32, #tpu.memory_space<vmem>> -> memref<32x128xf32, #tpu.memory_space<vmem>>
    %dma_start3A_210 = arith.constant 0 : i32
    %dma_start3A_211 = tpu.memref_slice %arg6[%dma_start3A_210, %multiple_of3A_193] : memref<32x1000000xf32, #tpu.memory_space<hbm>> -> memref<32x128xf32, #tpu.memory_space<hbm>>
    tpu.enqueue_dma source(%dma_start3A_211 : memref<32x128xf32, #tpu.memory_space<hbm>>) target(%dma_start3A_209 : memref<32x128xf32, #tpu.memory_space<vmem>>) target_semaphore(%dma_start3A_205 : memref<!tpu.dma_semaphore, #tpu.memory_space<semaphore_mem>>)
    %slice3A_212 = vector.extract_strided_slice %get3A_10 {offsets = [2], sizes = [1], strides = [1]} : vector<16xi32> to vector<1xi32>
    %squeeze3A_213 = vector.extract %slice3A_212[0] : i32 from vector<1xi32>
    %rem3A_214 = arith.constant 128 : i32
    %rem3A_215 = arith.remsi %squeeze3A_213, %rem3A_214 : i32
    %sub3A_216 = arith.subi %squeeze3A_213, %rem3A_215 : i32
    %min3A_217 = arith.constant 999872 : i32
    %min3A_218 = arith.minsi %sub3A_216, %min3A_217 : i32
    %multiple_of3A_219 = tpu.assume_multiple %min3A_218, 128 : i32
    %dma_start3A_220 = arith.constant 0 : i32
    %dma_start3A_221 = arith.constant 2 : i32
    %dma_start3A_222 = arith.constant 0 : i32
    %dma_start3A_223 = arith.constant 2 : i32
    %dma_start3A_224 = arith.constant 0 : i32
    %dma_start3A_225 = arith.constant 0 : i32
    %dma_start3A_226 = tpu.memref_slice %arg15[%dma_start3A_220, %dma_start3A_221, %dma_start3A_224, %dma_start3A_225] : memref<2x4x32x128xf32, #tpu.memory_space<vmem>> -> memref<1x1x32x128xf32, #tpu.memory_space<vmem>>
    %dma_start3A_227 = tpu.memref_squeeze %dma_start3A_226 : memref<1x1x32x128xf32, #tpu.memory_space<vmem>> -> memref<32x128xf32, #tpu.memory_space<vmem>>
    %dma_start3A_228 = arith.constant 0 : i32
    %dma_start3A_229 = tpu.memref_slice %arg6[%dma_start3A_228, %multiple_of3A_219] : memref<32x1000000xf32, #tpu.memory_space<hbm>> -> memref<32x128xf32, #tpu.memory_space<hbm>>
    %dma_start3A_230 = tpu.memref_slice %arg19[%dma_start3A_222, %dma_start3A_223] : memref<2x4x!tpu.dma_semaphore, #tpu.memory_space<semaphore_mem>> -> memref<1x1x!tpu.dma_semaphore, #tpu.memory_space<semaphore_mem>>
    %dma_start3A_231 = tpu.memref_squeeze %dma_start3A_230 : memref<1x1x!tpu.dma_semaphore, #tpu.memory_space<semaphore_mem>> -> memref<!tpu.dma_semaphore, #tpu.memory_space<semaphore_mem>>
    %dma_start3A_232 = arith.constant 0 : i32
    %dma_start3A_233 = arith.constant 0 : i32
    %dma_start3A_234 = tpu.memref_slice %arg15[%dma_start3A_220, %dma_start3A_221, %dma_start3A_232, %dma_start3A_233] : memref<2x4x32x128xf32, #tpu.memory_space<vmem>> -> memref<1x1x32x128xf32, #tpu.memory_space<vmem>>
    %dma_start3A_235 = tpu.memref_squeeze %dma_start3A_234 : memref<1x1x32x128xf32, #tpu.memory_space<vmem>> -> memref<32x128xf32, #tpu.memory_space<vmem>>
    %dma_start3A_236 = arith.constant 0 : i32
    %dma_start3A_237 = tpu.memref_slice %arg6[%dma_start3A_236, %multiple_of3A_219] : memref<32x1000000xf32, #tpu.memory_space<hbm>> -> memref<32x128xf32, #tpu.memory_space<hbm>>
    tpu.enqueue_dma source(%dma_start3A_237 : memref<32x128xf32, #tpu.memory_space<hbm>>) target(%dma_start3A_235 : memref<32x128xf32, #tpu.memory_space<vmem>>) target_semaphore(%dma_start3A_231 : memref<!tpu.dma_semaphore, #tpu.memory_space<semaphore_mem>>)
    %slice3A_238 = vector.extract_strided_slice %get3A_6 {offsets = [3], sizes = [1], strides = [1]} : vector<16xi32> to vector<1xi32>
    %squeeze3A_239 = vector.extract %slice3A_238[0] : i32 from vector<1xi32>
    %rem3A_240 = arith.constant 128 : i32
    %rem3A_241 = arith.remsi %squeeze3A_239, %rem3A_240 : i32
    %sub3A_242 = arith.subi %squeeze3A_239, %rem3A_241 : i32
    %min3A_243 = arith.constant 999872 : i32
    %min3A_244 = arith.minsi %sub3A_242, %min3A_243 : i32
    %multiple_of3A_245 = tpu.assume_multiple %min3A_244, 128 : i32
    %dma_start3A_246 = arith.constant 0 : i32
    %dma_start3A_247 = arith.constant 3 : i32
    %dma_start3A_248 = arith.constant 0 : i32
    %dma_start3A_249 = arith.constant 3 : i32
    %dma_start3A_250 = arith.constant 0 : i32
    %dma_start3A_251 = arith.constant 0 : i32
    %dma_start3A_252 = tpu.memref_slice %arg13[%dma_start3A_246, %dma_start3A_247, %dma_start3A_250, %dma_start3A_251] : memref<2x4x32x128xf32, #tpu.memory_space<vmem>> -> memref<1x1x32x128xf32, #tpu.memory_space<vmem>>
    %dma_start3A_253 = tpu.memref_squeeze %dma_start3A_252 : memref<1x1x32x128xf32, #tpu.memory_space<vmem>> -> memref<32x128xf32, #tpu.memory_space<vmem>>
    %dma_start3A_254 = arith.constant 0 : i32
    %dma_start3A_255 = tpu.memref_slice %arg5[%dma_start3A_254, %multiple_of3A_245] : memref<32x1000000xf32, #tpu.memory_space<hbm>> -> memref<32x128xf32, #tpu.memory_space<hbm>>
    %dma_start3A_256 = tpu.memref_slice %arg19[%dma_start3A_248, %dma_start3A_249] : memref<2x4x!tpu.dma_semaphore, #tpu.memory_space<semaphore_mem>> -> memref<1x1x!tpu.dma_semaphore, #tpu.memory_space<semaphore_mem>>
    %dma_start3A_257 = tpu.memref_squeeze %dma_start3A_256 : memref<1x1x!tpu.dma_semaphore, #tpu.memory_space<semaphore_mem>> -> memref<!tpu.dma_semaphore, #tpu.memory_space<semaphore_mem>>
    %dma_start3A_258 = arith.constant 0 : i32
    %dma_start3A_259 = arith.constant 0 : i32
    %dma_start3A_260 = tpu.memref_slice %arg13[%dma_start3A_246, %dma_start3A_247, %dma_start3A_258, %dma_start3A_259] : memref<2x4x32x128xf32, #tpu.memory_space<vmem>> -> memref<1x1x32x128xf32, #tpu.memory_space<vmem>>
    %dma_start3A_261 = tpu.memref_squeeze %dma_start3A_260 : memref<1x1x32x128xf32, #tpu.memory_space<vmem>> -> memref<32x128xf32, #tpu.memory_space<vmem>>
    %dma_start3A_262 = arith.constant 0 : i32
    %dma_start3A_263 = tpu.memref_slice %arg5[%dma_start3A_262, %multiple_of3A_245] : memref<32x1000000xf32, #tpu.memory_space<hbm>> -> memref<32x128xf32, #tpu.memory_space<hbm>>
    tpu.enqueue_dma source(%dma_start3A_263 : memref<32x128xf32, #tpu.memory_space<hbm>>) target(%dma_start3A_261 : memref<32x128xf32, #tpu.memory_space<vmem>>) target_semaphore(%dma_start3A_257 : memref<!tpu.dma_semaphore, #tpu.memory_space<semaphore_mem>>)
    %slice3A_264 = vector.extract_strided_slice %get3A_8 {offsets = [3], sizes = [1], strides = [1]} : vector<16xi32> to vector<1xi32>
    %squeeze3A_265 = vector.extract %slice3A_264[0] : i32 from vector<1xi32>
    %rem3A_266 = arith.constant 128 : i32
    %rem3A_267 = arith.remsi %squeeze3A_265, %rem3A_266 : i32
    %sub3A_268 = arith.subi %squeeze3A_265, %rem3A_267 : i32
    %min3A_269 = arith.constant 999872 : i32
    %min3A_270 = arith.minsi %sub3A_268, %min3A_269 : i32
    %multiple_of3A_271 = tpu.assume_multiple %min3A_270, 128 : i32
    %dma_start3A_272 = arith.constant 0 : i32
    %dma_start3A_273 = arith.constant 3 : i32
    %dma_start3A_274 = arith.constant 0 : i32
    %dma_start3A_275 = arith.constant 3 : i32
    %dma_start3A_276 = arith.constant 0 : i32
    %dma_start3A_277 = arith.constant 0 : i32
    %dma_start3A_278 = tpu.memref_slice %arg14[%dma_start3A_272, %dma_start3A_273, %dma_start3A_276, %dma_start3A_277] : memref<2x4x32x128xf32, #tpu.memory_space<vmem>> -> memref<1x1x32x128xf32, #tpu.memory_space<vmem>>
    %dma_start3A_279 = tpu.memref_squeeze %dma_start3A_278 : memref<1x1x32x128xf32, #tpu.memory_space<vmem>> -> memref<32x128xf32, #tpu.memory_space<vmem>>
    %dma_start3A_280 = arith.constant 0 : i32
    %dma_start3A_281 = tpu.memref_slice %arg6[%dma_start3A_280, %multiple_of3A_271] : memref<32x1000000xf32, #tpu.memory_space<hbm>> -> memref<32x128xf32, #tpu.memory_space<hbm>>
    %dma_start3A_282 = tpu.memref_slice %arg19[%dma_start3A_274, %dma_start3A_275] : memref<2x4x!tpu.dma_semaphore, #tpu.memory_space<semaphore_mem>> -> memref<1x1x!tpu.dma_semaphore, #tpu.memory_space<semaphore_mem>>
    %dma_start3A_283 = tpu.memref_squeeze %dma_start3A_282 : memref<1x1x!tpu.dma_semaphore, #tpu.memory_space<semaphore_mem>> -> memref<!tpu.dma_semaphore, #tpu.memory_space<semaphore_mem>>
    %dma_start3A_284 = arith.constant 0 : i32
    %dma_start3A_285 = arith.constant 0 : i32
    %dma_start3A_286 = tpu.memref_slice %arg14[%dma_start3A_272, %dma_start3A_273, %dma_start3A_284, %dma_start3A_285] : memref<2x4x32x128xf32, #tpu.memory_space<vmem>> -> memref<1x1x32x128xf32, #tpu.memory_space<vmem>>
    %dma_start3A_287 = tpu.memref_squeeze %dma_start3A_286 : memref<1x1x32x128xf32, #tpu.memory_space<vmem>> -> memref<32x128xf32, #tpu.memory_space<vmem>>
    %dma_start3A_288 = arith.constant 0 : i32
    %dma_start3A_289 = tpu.memref_slice %arg6[%dma_start3A_288, %multiple_of3A_271] : memref<32x1000000xf32, #tpu.memory_space<hbm>> -> memref<32x128xf32, #tpu.memory_space<hbm>>
    tpu.enqueue_dma source(%dma_start3A_289 : memref<32x128xf32, #tpu.memory_space<hbm>>) target(%dma_start3A_287 : memref<32x128xf32, #tpu.memory_space<vmem>>) target_semaphore(%dma_start3A_283 : memref<!tpu.dma_semaphore, #tpu.memory_space<semaphore_mem>>)
    %slice3A_290 = vector.extract_strided_slice %get3A_10 {offsets = [3], sizes = [1], strides = [1]} : vector<16xi32> to vector<1xi32>
    %squeeze3A_291 = vector.extract %slice3A_290[0] : i32 from vector<1xi32>
    %rem3A_292 = arith.constant 128 : i32
    %rem3A_293 = arith.remsi %squeeze3A_291, %rem3A_292 : i32
    %sub3A_294 = arith.subi %squeeze3A_291, %rem3A_293 : i32
    %min3A_295 = arith.constant 999872 : i32
    %min3A_296 = arith.minsi %sub3A_294, %min3A_295 : i32
    %multiple_of3A_297 = tpu.assume_multiple %min3A_296, 128 : i32
    %dma_start3A_298 = arith.constant 0 : i32
    %dma_start3A_299 = arith.constant 3 : i32
    %dma_start3A_300 = arith.constant 0 : i32
    %dma_start3A_301 = arith.constant 3 : i32
    %dma_start3A_302 = arith.constant 0 : i32
    %dma_start3A_303 = arith.constant 0 : i32
    %dma_start3A_304 = tpu.memref_slice %arg15[%dma_start3A_298, %dma_start3A_299, %dma_start3A_302, %dma_start3A_303] : memref<2x4x32x128xf32, #tpu.memory_space<vmem>> -> memref<1x1x32x128xf32, #tpu.memory_space<vmem>>
    %dma_start3A_305 = tpu.memref_squeeze %dma_start3A_304 : memref<1x1x32x128xf32, #tpu.memory_space<vmem>> -> memref<32x128xf32, #tpu.memory_space<vmem>>
    %dma_start3A_306 = arith.constant 0 : i32
    %dma_start3A_307 = tpu.memref_slice %arg6[%dma_start3A_306, %multiple_of3A_297] : memref<32x1000000xf32, #tpu.memory_space<hbm>> -> memref<32x128xf32, #tpu.memory_space<hbm>>
    %dma_start3A_308 = tpu.memref_slice %arg19[%dma_start3A_300, %dma_start3A_301] : memref<2x4x!tpu.dma_semaphore, #tpu.memory_space<semaphore_mem>> -> memref<1x1x!tpu.dma_semaphore, #tpu.memory_space<semaphore_mem>>
    %dma_start3A_309 = tpu.memref_squeeze %dma_start3A_308 : memref<1x1x!tpu.dma_semaphore, #tpu.memory_space<semaphore_mem>> -> memref<!tpu.dma_semaphore, #tpu.memory_space<semaphore_mem>>
    %dma_start3A_310 = arith.constant 0 : i32
    %dma_start3A_311 = arith.constant 0 : i32
    %dma_start3A_312 = tpu.memref_slice %arg15[%dma_start3A_298, %dma_start3A_299, %dma_start3A_310, %dma_start3A_311] : memref<2x4x32x128xf32, #tpu.memory_space<vmem>> -> memref<1x1x32x128xf32, #tpu.memory_space<vmem>>
    %dma_start3A_313 = tpu.memref_squeeze %dma_start3A_312 : memref<1x1x32x128xf32, #tpu.memory_space<vmem>> -> memref<32x128xf32, #tpu.memory_space<vmem>>
    %dma_start3A_314 = arith.constant 0 : i32
    %dma_start3A_315 = tpu.memref_slice %arg6[%dma_start3A_314, %multiple_of3A_297] : memref<32x1000000xf32, #tpu.memory_space<hbm>> -> memref<32x128xf32, #tpu.memory_space<hbm>>
    tpu.enqueue_dma source(%dma_start3A_315 : memref<32x128xf32, #tpu.memory_space<hbm>>) target(%dma_start3A_313 : memref<32x128xf32, #tpu.memory_space<vmem>>) target_semaphore(%dma_start3A_309 : memref<!tpu.dma_semaphore, #tpu.memory_space<semaphore_mem>>)
    %broadcast_in_dim3A = arith.constant 0.000000e+00 : f32
    %broadcast_in_dim3A_316 = vector.broadcast %broadcast_in_dim3A : f32 to vector<16xf32>
    %scan3A = arith.constant 0 : i32
    %scan3A_317 = arith.constant 64 : i32
    %scan3A_318 = arith.addi %scan3A, %scan3A_317 : i32
    %scan3A_319 = arith.constant 1 : i32
    %scan3A_320 = scf.for %scan3A_323 = %scan3A to %scan3A_318 step %scan3A_319 iter_args(%scan3A_324 = %broadcast_in_dim3A_316) -> (vector<16xf32>)  : i32 {
      %mul3A_325 = arith.constant 2 : i32
      %mul3A_326 = arith.muli %mul3A_325, %scan3A_323 : i32
      %add3A_327 = arith.constant 1 : i32
      %add3A_328 = arith.addi %mul3A_326, %add3A_327 : i32
      %mul3A_329 = arith.constant 4 : i32
      %mul3A_330 = arith.muli %add3A_328, %mul3A_329 : i32
      %get3A_331 = arith.index_cast %mul3A_330 : i32 to index
      %get3A_332 = tpu.vector_load %arg10[%get3A_331] {strides = array<i32>} : memref<528xi32, #tpu.memory_space<vmem>>, vector<16xi32>,
      %get3A_333 = arith.index_cast %mul3A_330 : i32 to index
      %get3A_334 = tpu.vector_load %arg11[%get3A_333] {strides = array<i32>} : memref<528xi32, #tpu.memory_space<vmem>>, vector<16xi32>,
      %get3A_335 = arith.index_cast %mul3A_330 : i32 to index
      %get3A_336 = tpu.vector_load %arg12[%get3A_335] {strides = array<i32>} : memref<528xi32, #tpu.memory_space<vmem>>, vector<16xi32>,
      %slice3A_337 = vector.extract_strided_slice %get3A_332 {offsets = [0], sizes = [1], strides = [1]} : vector<16xi32> to vector<1xi32>
      %squeeze3A_338 = vector.extract %slice3A_337[0] : i32 from vector<1xi32>
      %rem3A_339 = arith.constant 128 : i32
      %rem3A_340 = arith.remsi %squeeze3A_338, %rem3A_339 : i32
      %sub3A_341 = arith.subi %squeeze3A_338, %rem3A_340 : i32
      %min3A_342 = arith.constant 999872 : i32
      %min3A_343 = arith.minsi %sub3A_341, %min3A_342 : i32
      %multiple_of3A_344 = tpu.assume_multiple %min3A_343, 128 : i32
      %dma_start3A_345 = arith.constant 1 : i32
      %dma_start3A_346 = arith.constant 0 : i32
      %dma_start3A_347 = arith.constant 1 : i32
      %dma_start3A_348 = arith.constant 0 : i32
      %dma_start3A_349 = arith.constant 0 : i32
      %dma_start3A_350 = arith.constant 0 : i32
      %dma_start3A_351 = tpu.memref_slice %arg13[%dma_start3A_345, %dma_start3A_346, %dma_start3A_349, %dma_start3A_350] : memref<2x4x32x128xf32, #tpu.memory_space<vmem>> -> memref<1x1x32x128xf32, #tpu.memory_space<vmem>>
      %dma_start3A_352 = tpu.memref_squeeze %dma_start3A_351 : memref<1x1x32x128xf32, #tpu.memory_space<vmem>> -> memref<32x128xf32, #tpu.memory_space<vmem>>
      %dma_start3A_353 = arith.constant 0 : i32
      %dma_start3A_354 = tpu.memref_slice %arg5[%dma_start3A_353, %multiple_of3A_344] : memref<32x1000000xf32, #tpu.memory_space<hbm>> -> memref<32x128xf32, #tpu.memory_space<hbm>>
      %dma_start3A_355 = tpu.memref_slice %arg19[%dma_start3A_347, %dma_start3A_348] : memref<2x4x!tpu.dma_semaphore, #tpu.memory_space<semaphore_mem>> -> memref<1x1x!tpu.dma_semaphore, #tpu.memory_space<semaphore_mem>>
      %dma_start3A_356 = tpu.memref_squeeze %dma_start3A_355 : memref<1x1x!tpu.dma_semaphore, #tpu.memory_space<semaphore_mem>> -> memref<!tpu.dma_semaphore, #tpu.memory_space<semaphore_mem>>
      %dma_start3A_357 = arith.constant 0 : i32
      %dma_start3A_358 = arith.constant 0 : i32
      %dma_start3A_359 = tpu.memref_slice %arg13[%dma_start3A_345, %dma_start3A_346, %dma_start3A_357, %dma_start3A_358] : memref<2x4x32x128xf32, #tpu.memory_space<vmem>> -> memref<1x1x32x128xf32, #tpu.memory_space<vmem>>
      %dma_start3A_360 = tpu.memref_squeeze %dma_start3A_359 : memref<1x1x32x128xf32, #tpu.memory_space<vmem>> -> memref<32x128xf32, #tpu.memory_space<vmem>>
      %dma_start3A_361 = arith.constant 0 : i32
      %dma_start3A_362 = tpu.memref_slice %arg5[%dma_start3A_361, %multiple_of3A_344] : memref<32x1000000xf32, #tpu.memory_space<hbm>> -> memref<32x128xf32, #tpu.memory_space<hbm>>
      tpu.enqueue_dma source(%dma_start3A_362 : memref<32x128xf32, #tpu.memory_space<hbm>>) target(%dma_start3A_360 : memref<32x128xf32, #tpu.memory_space<vmem>>) target_semaphore(%dma_start3A_356 : memref<!tpu.dma_semaphore, #tpu.memory_space<semaphore_mem>>)
      %slice3A_363 = vector.extract_strided_slice %get3A_334 {offsets = [0], sizes = [1], strides = [1]} : vector<16xi32> to vector<1xi32>
      %squeeze3A_364 = vector.extract %slice3A_363[0] : i32 from vector<1xi32>
      %rem3A_365 = arith.constant 128 : i32
      %rem3A_366 = arith.remsi %squeeze3A_364, %rem3A_365 : i32
      %sub3A_367 = arith.subi %squeeze3A_364, %rem3A_366 : i32
      %min3A_368 = arith.constant 999872 : i32
      %min3A_369 = arith.minsi %sub3A_367, %min3A_368 : i32
      %multiple_of3A_370 = tpu.assume_multiple %min3A_369, 128 : i32
      %dma_start3A_371 = arith.constant 1 : i32
      %dma_start3A_372 = arith.constant 0 : i32
      %dma_start3A_373 = arith.constant 1 : i32
      %dma_start3A_374 = arith.constant 0 : i32
      %dma_start3A_375 = arith.constant 0 : i32
      %dma_start3A_376 = arith.constant 0 : i32
      %dma_start3A_377 = tpu.memref_slice %arg14[%dma_start3A_371, %dma_start3A_372, %dma_start3A_375, %dma_start3A_376] : memref<2x4x32x128xf32, #tpu.memory_space<vmem>> -> memref<1x1x32x128xf32, #tpu.memory_space<vmem>>
      %dma_start3A_378 = tpu.memref_squeeze %dma_start3A_377 : memref<1x1x32x128xf32, #tpu.memory_space<vmem>> -> memref<32x128xf32, #tpu.memory_space<vmem>>
      %dma_start3A_379 = arith.constant 0 : i32
      %dma_start3A_380 = tpu.memref_slice %arg6[%dma_start3A_379, %multiple_of3A_370] : memref<32x1000000xf32, #tpu.memory_space<hbm>> -> memref<32x128xf32, #tpu.memory_space<hbm>>
      %dma_start3A_381 = tpu.memref_slice %arg19[%dma_start3A_373, %dma_start3A_374] : memref<2x4x!tpu.dma_semaphore, #tpu.memory_space<semaphore_mem>> -> memref<1x1x!tpu.dma_semaphore, #tpu.memory_space<semaphore_mem>>
      %dma_start3A_382 = tpu.memref_squeeze %dma_start3A_381 : memref<1x1x!tpu.dma_semaphore, #tpu.memory_space<semaphore_mem>> -> memref<!tpu.dma_semaphore, #tpu.memory_space<semaphore_mem>>
      %dma_start3A_383 = arith.constant 0 : i32
      %dma_start3A_384 = arith.constant 0 : i32
      %dma_start3A_385 = tpu.memref_slice %arg14[%dma_start3A_371, %dma_start3A_372, %dma_start3A_383, %dma_start3A_384] : memref<2x4x32x128xf32, #tpu.memory_space<vmem>> -> memref<1x1x32x128xf32, #tpu.memory_space<vmem>>
      %dma_start3A_386 = tpu.memref_squeeze %dma_start3A_385 : memref<1x1x32x128xf32, #tpu.memory_space<vmem>> -> memref<32x128xf32, #tpu.memory_space<vmem>>
      %dma_start3A_387 = arith.constant 0 : i32
      %dma_start3A_388 = tpu.memref_slice %arg6[%dma_start3A_387, %multiple_of3A_370] : memref<32x1000000xf32, #tpu.memory_space<hbm>> -> memref<32x128xf32, #tpu.memory_space<hbm>>
      tpu.enqueue_dma source(%dma_start3A_388 : memref<32x128xf32, #tpu.memory_space<hbm>>) target(%dma_start3A_386 : memref<32x128xf32, #tpu.memory_space<vmem>>) target_semaphore(%dma_start3A_382 : memref<!tpu.dma_semaphore, #tpu.memory_space<semaphore_mem>>)
      %slice3A_389 = vector.extract_strided_slice %get3A_336 {offsets = [0], sizes = [1], strides = [1]} : vector<16xi32> to vector<1xi32>
      %squeeze3A_390 = vector.extract %slice3A_389[0] : i32 from vector<1xi32>
      %rem3A_391 = arith.constant 128 : i32
      %rem3A_392 = arith.remsi %squeeze3A_390, %rem3A_391 : i32
      %sub3A_393 = arith.subi %squeeze3A_390, %rem3A_392 : i32
      %min3A_394 = arith.constant 999872 : i32
      %min3A_395 = arith.minsi %sub3A_393, %min3A_394 : i32
      %multiple_of3A_396 = tpu.assume_multiple %min3A_395, 128 : i32
      %dma_start3A_397 = arith.constant 1 : i32
      %dma_start3A_398 = arith.constant 0 : i32
      %dma_start3A_399 = arith.constant 1 : i32
      %dma_start3A_400 = arith.constant 0 : i32
      %dma_start3A_401 = arith.constant 0 : i32
      %dma_start3A_402 = arith.constant 0 : i32
      %dma_start3A_403 = tpu.memref_slice %arg15[%dma_start3A_397, %dma_start3A_398, %dma_start3A_401, %dma_start3A_402] : memref<2x4x32x128xf32, #tpu.memory_space<vmem>> -> memref<1x1x32x128xf32, #tpu.memory_space<vmem>>
      %dma_start3A_404 = tpu.memref_squeeze %dma_start3A_403 : memref<1x1x32x128xf32, #tpu.memory_space<vmem>> -> memref<32x128xf32, #tpu.memory_space<vmem>>
      %dma_start3A_405 = arith.constant 0 : i32
      %dma_start3A_406 = tpu.memref_slice %arg6[%dma_start3A_405, %multiple_of3A_396] : memref<32x1000000xf32, #tpu.memory_space<hbm>> -> memref<32x128xf32, #tpu.memory_space<hbm>>
      %dma_start3A_407 = tpu.memref_slice %arg19[%dma_start3A_399, %dma_start3A_400] : memref<2x4x!tpu.dma_semaphore, #tpu.memory_space<semaphore_mem>> -> memref<1x1x!tpu.dma_semaphore, #tpu.memory_space<semaphore_mem>>
      %dma_start3A_408 = tpu.memref_squeeze %dma_start3A_407 : memref<1x1x!tpu.dma_semaphore, #tpu.memory_space<semaphore_mem>> -> memref<!tpu.dma_semaphore, #tpu.memory_space<semaphore_mem>>
      %dma_start3A_409 = arith.constant 0 : i32
      %dma_start3A_410 = arith.constant 0 : i32
      %dma_start3A_411 = tpu.memref_slice %arg15[%dma_start3A_397, %dma_start3A_398, %dma_start3A_409, %dma_start3A_410] : memref<2x4x32x128xf32, #tpu.memory_space<vmem>> -> memref<1x1x32x128xf32, #tpu.memory_space<vmem>>
      %dma_start3A_412 = tpu.memref_squeeze %dma_start3A_411 : memref<1x1x32x128xf32, #tpu.memory_space<vmem>> -> memref<32x128xf32, #tpu.memory_space<vmem>>
      %dma_start3A_413 = arith.constant 0 : i32
      %dma_start3A_414 = tpu.memref_slice %arg6[%dma_start3A_413, %multiple_of3A_396] : memref<32x1000000xf32, #tpu.memory_space<hbm>> -> memref<32x128xf32, #tpu.memory_space<hbm>>
      tpu.enqueue_dma source(%dma_start3A_414 : memref<32x128xf32, #tpu.memory_space<hbm>>) target(%dma_start3A_412 : memref<32x128xf32, #tpu.memory_space<vmem>>) target_semaphore(%dma_start3A_408 : memref<!tpu.dma_semaphore, #tpu.memory_space<semaphore_mem>>)
      %slice3A_415 = vector.extract_strided_slice %get3A_332 {offsets = [1], sizes = [1], strides = [1]} : vector<16xi32> to vector<1xi32>
      %squeeze3A_416 = vector.extract %slice3A_415[0] : i32 from vector<1xi32>
      %rem3A_417 = arith.constant 128 : i32
      %rem3A_418 = arith.remsi %squeeze3A_416, %rem3A_417 : i32
      %sub3A_419 = arith.subi %squeeze3A_416, %rem3A_418 : i32
      %min3A_420 = arith.constant 999872 : i32
      %min3A_421 = arith.minsi %sub3A_419, %min3A_420 : i32
      %multiple_of3A_422 = tpu.assume_multiple %min3A_421, 128 : i32
      %dma_start3A_423 = arith.constant 1 : i32
      %dma_start3A_424 = arith.constant 1 : i32
      %dma_start3A_425 = arith.constant 1 : i32
      %dma_start3A_426 = arith.constant 1 : i32
      %dma_start3A_427 = arith.constant 0 : i32
      %dma_start3A_428 = arith.constant 0 : i32
      %dma_start3A_429 = tpu.memref_slice %arg13[%dma_start3A_423, %dma_start3A_424, %dma_start3A_427, %dma_start3A_428] : memref<2x4x32x128xf32, #tpu.memory_space<vmem>> -> memref<1x1x32x128xf32, #tpu.memory_space<vmem>>
      %dma_start3A_430 = tpu.memref_squeeze %dma_start3A_429 : memref<1x1x32x128xf32, #tpu.memory_space<vmem>> -> memref<32x128xf32, #tpu.memory_space<vmem>>
      %dma_start3A_431 = arith.constant 0 : i32
      %dma_start3A_432 = tpu.memref_slice %arg5[%dma_start3A_431, %multiple_of3A_422] : memref<32x1000000xf32, #tpu.memory_space<hbm>> -> memref<32x128xf32, #tpu.memory_space<hbm>>
      %dma_start3A_433 = tpu.memref_slice %arg19[%dma_start3A_425, %dma_start3A_426] : memref<2x4x!tpu.dma_semaphore, #tpu.memory_space<semaphore_mem>> -> memref<1x1x!tpu.dma_semaphore, #tpu.memory_space<semaphore_mem>>
      %dma_start3A_434 = tpu.memref_squeeze %dma_start3A_433 : memref<1x1x!tpu.dma_semaphore, #tpu.memory_space<semaphore_mem>> -> memref<!tpu.dma_semaphore, #tpu.memory_space<semaphore_mem>>
      %dma_start3A_435 = arith.constant 0 : i32
      %dma_start3A_436 = arith.constant 0 : i32
      %dma_start3A_437 = tpu.memref_slice %arg13[%dma_start3A_423, %dma_start3A_424, %dma_start3A_435, %dma_start3A_436] : memref<2x4x32x128xf32, #tpu.memory_space<vmem>> -> memref<1x1x32x128xf32, #tpu.memory_space<vmem>>
      %dma_start3A_438 = tpu.memref_squeeze %dma_start3A_437 : memref<1x1x32x128xf32, #tpu.memory_space<vmem>> -> memref<32x128xf32, #tpu.memory_space<vmem>>
      %dma_start3A_439 = arith.constant 0 : i32
      %dma_start3A_440 = tpu.memref_slice %arg5[%dma_start3A_439, %multiple_of3A_422] : memref<32x1000000xf32, #tpu.memory_space<hbm>> -> memref<32x128xf32, #tpu.memory_space<hbm>>
      tpu.enqueue_dma source(%dma_start3A_440 : memref<32x128xf32, #tpu.memory_space<hbm>>) target(%dma_start3A_438 : memref<32x128xf32, #tpu.memory_space<vmem>>) target_semaphore(%dma_start3A_434 : memref<!tpu.dma_semaphore, #tpu.memory_space<semaphore_mem>>)
      %slice3A_441 = vector.extract_strided_slice %get3A_334 {offsets = [1], sizes = [1], strides = [1]} : vector<16xi32> to vector<1xi32>
      %squeeze3A_442 = vector.extract %slice3A_441[0] : i32 from vector<1xi32>
      %rem3A_443 = arith.constant 128 : i32
      %rem3A_444 = arith.remsi %squeeze3A_442, %rem3A_443 : i32
      %sub3A_445 = arith.subi %squeeze3A_442, %rem3A_444 : i32
      %min3A_446 = arith.constant 999872 : i32
      %min3A_447 = arith.minsi %sub3A_445, %min3A_446 : i32
      %multiple_of3A_448 = tpu.assume_multiple %min3A_447, 128 : i32
      %dma_start3A_449 = arith.constant 1 : i32
      %dma_start3A_450 = arith.constant 1 : i32
      %dma_start3A_451 = arith.constant 1 : i32
      %dma_start3A_452 = arith.constant 1 : i32
      %dma_start3A_453 = arith.constant 0 : i32
      %dma_start3A_454 = arith.constant 0 : i32
      %dma_start3A_455 = tpu.memref_slice %arg14[%dma_start3A_449, %dma_start3A_450, %dma_start3A_453, %dma_start3A_454] : memref<2x4x32x128xf32, #tpu.memory_space<vmem>> -> memref<1x1x32x128xf32, #tpu.memory_space<vmem>>
      %dma_start3A_456 = tpu.memref_squeeze %dma_start3A_455 : memref<1x1x32x128xf32, #tpu.memory_space<vmem>> -> memref<32x128xf32, #tpu.memory_space<vmem>>
      %dma_start3A_457 = arith.constant 0 : i32
      %dma_start3A_458 = tpu.memref_slice %arg6[%dma_start3A_457, %multiple_of3A_448] : memref<32x1000000xf32, #tpu.memory_space<hbm>> -> memref<32x128xf32, #tpu.memory_space<hbm>>
      %dma_start3A_459 = tpu.memref_slice %arg19[%dma_start3A_451, %dma_start3A_452] : memref<2x4x!tpu.dma_semaphore, #tpu.memory_space<semaphore_mem>> -> memref<1x1x!tpu.dma_semaphore, #tpu.memory_space<semaphore_mem>>
      %dma_start3A_460 = tpu.memref_squeeze %dma_start3A_459 : memref<1x1x!tpu.dma_semaphore, #tpu.memory_space<semaphore_mem>> -> memref<!tpu.dma_semaphore, #tpu.memory_space<semaphore_mem>>
      %dma_start3A_461 = arith.constant 0 : i32
      %dma_start3A_462 = arith.constant 0 : i32
      %dma_start3A_463 = tpu.memref_slice %arg14[%dma_start3A_449, %dma_start3A_450, %dma_start3A_461, %dma_start3A_462] : memref<2x4x32x128xf32, #tpu.memory_space<vmem>> -> memref<1x1x32x128xf32, #tpu.memory_space<vmem>>
      %dma_start3A_464 = tpu.memref_squeeze %dma_start3A_463 : memref<1x1x32x128xf32, #tpu.memory_space<vmem>> -> memref<32x128xf32, #tpu.memory_space<vmem>>
      %dma_start3A_465 = arith.constant 0 : i32
      %dma_start3A_466 = tpu.memref_slice %arg6[%dma_start3A_465, %multiple_of3A_448] : memref<32x1000000xf32, #tpu.memory_space<hbm>> -> memref<32x128xf32, #tpu.memory_space<hbm>>
      tpu.enqueue_dma source(%dma_start3A_466 : memref<32x128xf32, #tpu.memory_space<hbm>>) target(%dma_start3A_464 : memref<32x128xf32, #tpu.memory_space<vmem>>) target_semaphore(%dma_start3A_460 : memref<!tpu.dma_semaphore, #tpu.memory_space<semaphore_mem>>)
      %slice3A_467 = vector.extract_strided_slice %get3A_336 {offsets = [1], sizes = [1], strides = [1]} : vector<16xi32> to vector<1xi32>
      %squeeze3A_468 = vector.extract %slice3A_467[0] : i32 from vector<1xi32>
      %rem3A_469 = arith.constant 128 : i32
      %rem3A_470 = arith.remsi %squeeze3A_468, %rem3A_469 : i32
      %sub3A_471 = arith.subi %squeeze3A_468, %rem3A_470 : i32
      %min3A_472 = arith.constant 999872 : i32
      %min3A_473 = arith.minsi %sub3A_471, %min3A_472 : i32
      %multiple_of3A_474 = tpu.assume_multiple %min3A_473, 128 : i32
      %dma_start3A_475 = arith.constant 1 : i32
      %dma_start3A_476 = arith.constant 1 : i32
      %dma_start3A_477 = arith.constant 1 : i32
      %dma_start3A_478 = arith.constant 1 : i32
      %dma_start3A_479 = arith.constant 0 : i32
      %dma_start3A_480 = arith.constant 0 : i32
      %dma_start3A_481 = tpu.memref_slice %arg15[%dma_start3A_475, %dma_start3A_476, %dma_start3A_479, %dma_start3A_480] : memref<2x4x32x128xf32, #tpu.memory_space<vmem>> -> memref<1x1x32x128xf32, #tpu.memory_space<vmem>>
      %dma_start3A_482 = tpu.memref_squeeze %dma_start3A_481 : memref<1x1x32x128xf32, #tpu.memory_space<vmem>> -> memref<32x128xf32, #tpu.memory_space<vmem>>
      %dma_start3A_483 = arith.constant 0 : i32
      %dma_start3A_484 = tpu.memref_slice %arg6[%dma_start3A_483, %multiple_of3A_474] : memref<32x1000000xf32, #tpu.memory_space<hbm>> -> memref<32x128xf32, #tpu.memory_space<hbm>>
      %dma_start3A_485 = tpu.memref_slice %arg19[%dma_start3A_477, %dma_start3A_478] : memref<2x4x!tpu.dma_semaphore, #tpu.memory_space<semaphore_mem>> -> memref<1x1x!tpu.dma_semaphore, #tpu.memory_space<semaphore_mem>>
      %dma_start3A_486 = tpu.memref_squeeze %dma_start3A_485 : memref<1x1x!tpu.dma_semaphore, #tpu.memory_space<semaphore_mem>> -> memref<!tpu.dma_semaphore, #tpu.memory_space<semaphore_mem>>
      %dma_start3A_487 = arith.constant 0 : i32
      %dma_start3A_488 = arith.constant 0 : i32
      %dma_start3A_489 = tpu.memref_slice %arg15[%dma_start3A_475, %dma_start3A_476, %dma_start3A_487, %dma_start3A_488] : memref<2x4x32x128xf32, #tpu.memory_space<vmem>> -> memref<1x1x32x128xf32, #tpu.memory_space<vmem>>
      %dma_start3A_490 = tpu.memref_squeeze %dma_start3A_489 : memref<1x1x32x128xf32, #tpu.memory_space<vmem>> -> memref<32x128xf32, #tpu.memory_space<vmem>>
      %dma_start3A_491 = arith.constant 0 : i32
      %dma_start3A_492 = tpu.memref_slice %arg6[%dma_start3A_491, %multiple_of3A_474] : memref<32x1000000xf32, #tpu.memory_space<hbm>> -> memref<32x128xf32, #tpu.memory_space<hbm>>
      tpu.enqueue_dma source(%dma_start3A_492 : memref<32x128xf32, #tpu.memory_space<hbm>>) target(%dma_start3A_490 : memref<32x128xf32, #tpu.memory_space<vmem>>) target_semaphore(%dma_start3A_486 : memref<!tpu.dma_semaphore, #tpu.memory_space<semaphore_mem>>)
      %slice3A_493 = vector.extract_strided_slice %get3A_332 {offsets = [2], sizes = [1], strides = [1]} : vector<16xi32> to vector<1xi32>
      %squeeze3A_494 = vector.extract %slice3A_493[0] : i32 from vector<1xi32>
      %rem3A_495 = arith.constant 128 : i32
      %rem3A_496 = arith.remsi %squeeze3A_494, %rem3A_495 : i32
      %sub3A_497 = arith.subi %squeeze3A_494, %rem3A_496 : i32
      %min3A_498 = arith.constant 999872 : i32
      %min3A_499 = arith.minsi %sub3A_497, %min3A_498 : i32
      %multiple_of3A_500 = tpu.assume_multiple %min3A_499, 128 : i32
      %dma_start3A_501 = arith.constant 1 : i32
      %dma_start3A_502 = arith.constant 2 : i32
      %dma_start3A_503 = arith.constant 1 : i32
      %dma_start3A_504 = arith.constant 2 : i32
      %dma_start3A_505 = arith.constant 0 : i32
      %dma_start3A_506 = arith.constant 0 : i32
      %dma_start3A_507 = tpu.memref_slice %arg13[%dma_start3A_501, %dma_start3A_502, %dma_start3A_505, %dma_start3A_506] : memref<2x4x32x128xf32, #tpu.memory_space<vmem>> -> memref<1x1x32x128xf32, #tpu.memory_space<vmem>>
      %dma_start3A_508 = tpu.memref_squeeze %dma_start3A_507 : memref<1x1x32x128xf32, #tpu.memory_space<vmem>> -> memref<32x128xf32, #tpu.memory_space<vmem>>
      %dma_start3A_509 = arith.constant 0 : i32
      %dma_start3A_510 = tpu.memref_slice %arg5[%dma_start3A_509, %multiple_of3A_500] : memref<32x1000000xf32, #tpu.memory_space<hbm>> -> memref<32x128xf32, #tpu.memory_space<hbm>>
      %dma_start3A_511 = tpu.memref_slice %arg19[%dma_start3A_503, %dma_start3A_504] : memref<2x4x!tpu.dma_semaphore, #tpu.memory_space<semaphore_mem>> -> memref<1x1x!tpu.dma_semaphore, #tpu.memory_space<semaphore_mem>>
      %dma_start3A_512 = tpu.memref_squeeze %dma_start3A_511 : memref<1x1x!tpu.dma_semaphore, #tpu.memory_space<semaphore_mem>> -> memref<!tpu.dma_semaphore, #tpu.memory_space<semaphore_mem>>
      %dma_start3A_513 = arith.constant 0 : i32
      %dma_start3A_514 = arith.constant 0 : i32
      %dma_start3A_515 = tpu.memref_slice %arg13[%dma_start3A_501, %dma_start3A_502, %dma_start3A_513, %dma_start3A_514] : memref<2x4x32x128xf32, #tpu.memory_space<vmem>> -> memref<1x1x32x128xf32, #tpu.memory_space<vmem>>
      %dma_start3A_516 = tpu.memref_squeeze %dma_start3A_515 : memref<1x1x32x128xf32, #tpu.memory_space<vmem>> -> memref<32x128xf32, #tpu.memory_space<vmem>>
      %dma_start3A_517 = arith.constant 0 : i32
      %dma_start3A_518 = tpu.memref_slice %arg5[%dma_start3A_517, %multiple_of3A_500] : memref<32x1000000xf32, #tpu.memory_space<hbm>> -> memref<32x128xf32, #tpu.memory_space<hbm>>
      tpu.enqueue_dma source(%dma_start3A_518 : memref<32x128xf32, #tpu.memory_space<hbm>>) target(%dma_start3A_516 : memref<32x128xf32, #tpu.memory_space<vmem>>) target_semaphore(%dma_start3A_512 : memref<!tpu.dma_semaphore, #tpu.memory_space<semaphore_mem>>)
      %slice3A_519 = vector.extract_strided_slice %get3A_334 {offsets = [2], sizes = [1], strides = [1]} : vector<16xi32> to vector<1xi32>
      %squeeze3A_520 = vector.extract %slice3A_519[0] : i32 from vector<1xi32>
      %rem3A_521 = arith.constant 128 : i32
      %rem3A_522 = arith.remsi %squeeze3A_520, %rem3A_521 : i32
      %sub3A_523 = arith.subi %squeeze3A_520, %rem3A_522 : i32
      %min3A_524 = arith.constant 999872 : i32
      %min3A_525 = arith.minsi %sub3A_523, %min3A_524 : i32
      %multiple_of3A_526 = tpu.assume_multiple %min3A_525, 128 : i32
      %dma_start3A_527 = arith.constant 1 : i32
      %dma_start3A_528 = arith.constant 2 : i32
      %dma_start3A_529 = arith.constant 1 : i32
      %dma_start3A_530 = arith.constant 2 : i32
      %dma_start3A_531 = arith.constant 0 : i32
      %dma_start3A_532 = arith.constant 0 : i32
      %dma_start3A_533 = tpu.memref_slice %arg14[%dma_start3A_527, %dma_start3A_528, %dma_start3A_531, %dma_start3A_532] : memref<2x4x32x128xf32, #tpu.memory_space<vmem>> -> memref<1x1x32x128xf32, #tpu.memory_space<vmem>>
      %dma_start3A_534 = tpu.memref_squeeze %dma_start3A_533 : memref<1x1x32x128xf32, #tpu.memory_space<vmem>> -> memref<32x128xf32, #tpu.memory_space<vmem>>
      %dma_start3A_535 = arith.constant 0 : i32
      %dma_start3A_536 = tpu.memref_slice %arg6[%dma_start3A_535, %multiple_of3A_526] : memref<32x1000000xf32, #tpu.memory_space<hbm>> -> memref<32x128xf32, #tpu.memory_space<hbm>>
      %dma_start3A_537 = tpu.memref_slice %arg19[%dma_start3A_529, %dma_start3A_530] : memref<2x4x!tpu.dma_semaphore, #tpu.memory_space<semaphore_mem>> -> memref<1x1x!tpu.dma_semaphore, #tpu.memory_space<semaphore_mem>>
      %dma_start3A_538 = tpu.memref_squeeze %dma_start3A_537 : memref<1x1x!tpu.dma_semaphore, #tpu.memory_space<semaphore_mem>> -> memref<!tpu.dma_semaphore, #tpu.memory_space<semaphore_mem>>
      %dma_start3A_539 = arith.constant 0 : i32
      %dma_start3A_540 = arith.constant 0 : i32
      %dma_start3A_541 = tpu.memref_slice %arg14[%dma_start3A_527, %dma_start3A_528, %dma_start3A_539, %dma_start3A_540] : memref<2x4x32x128xf32, #tpu.memory_space<vmem>> -> memref<1x1x32x128xf32, #tpu.memory_space<vmem>>
      %dma_start3A_542 = tpu.memref_squeeze %dma_start3A_541 : memref<1x1x32x128xf32, #tpu.memory_space<vmem>> -> memref<32x128xf32, #tpu.memory_space<vmem>>
      %dma_start3A_543 = arith.constant 0 : i32
      %dma_start3A_544 = tpu.memref_slice %arg6[%dma_start3A_543, %multiple_of3A_526] : memref<32x1000000xf32, #tpu.memory_space<hbm>> -> memref<32x128xf32, #tpu.memory_space<hbm>>
      tpu.enqueue_dma source(%dma_start3A_544 : memref<32x128xf32, #tpu.memory_space<hbm>>) target(%dma_start3A_542 : memref<32x128xf32, #tpu.memory_space<vmem>>) target_semaphore(%dma_start3A_538 : memref<!tpu.dma_semaphore, #tpu.memory_space<semaphore_mem>>)
      %slice3A_545 = vector.extract_strided_slice %get3A_336 {offsets = [2], sizes = [1], strides = [1]} : vector<16xi32> to vector<1xi32>
      %squeeze3A_546 = vector.extract %slice3A_545[0] : i32 from vector<1xi32>
      %rem3A_547 = arith.constant 128 : i32
      %rem3A_548 = arith.remsi %squeeze3A_546, %rem3A_547 : i32
      %sub3A_549 = arith.subi %squeeze3A_546, %rem3A_548 : i32
      %min3A_550 = arith.constant 999872 : i32
      %min3A_551 = arith.minsi %sub3A_549, %min3A_550 : i32
      %multiple_of3A_552 = tpu.assume_multiple %min3A_551, 128 : i32
      %dma_start3A_553 = arith.constant 1 : i32
      %dma_start3A_554 = arith.constant 2 : i32
      %dma_start3A_555 = arith.constant 1 : i32
      %dma_start3A_556 = arith.constant 2 : i32
      %dma_start3A_557 = arith.constant 0 : i32
      %dma_start3A_558 = arith.constant 0 : i32
      %dma_start3A_559 = tpu.memref_slice %arg15[%dma_start3A_553, %dma_start3A_554, %dma_start3A_557, %dma_start3A_558] : memref<2x4x32x128xf32, #tpu.memory_space<vmem>> -> memref<1x1x32x128xf32, #tpu.memory_space<vmem>>
      %dma_start3A_560 = tpu.memref_squeeze %dma_start3A_559 : memref<1x1x32x128xf32, #tpu.memory_space<vmem>> -> memref<32x128xf32, #tpu.memory_space<vmem>>
      %dma_start3A_561 = arith.constant 0 : i32
      %dma_start3A_562 = tpu.memref_slice %arg6[%dma_start3A_561, %multiple_of3A_552] : memref<32x1000000xf32, #tpu.memory_space<hbm>> -> memref<32x128xf32, #tpu.memory_space<hbm>>
      %dma_start3A_563 = tpu.memref_slice %arg19[%dma_start3A_555, %dma_start3A_556] : memref<2x4x!tpu.dma_semaphore, #tpu.memory_space<semaphore_mem>> -> memref<1x1x!tpu.dma_semaphore, #tpu.memory_space<semaphore_mem>>
      %dma_start3A_564 = tpu.memref_squeeze %dma_start3A_563 : memref<1x1x!tpu.dma_semaphore, #tpu.memory_space<semaphore_mem>> -> memref<!tpu.dma_semaphore, #tpu.memory_space<semaphore_mem>>
      %dma_start3A_565 = arith.constant 0 : i32
      %dma_start3A_566 = arith.constant 0 : i32
      %dma_start3A_567 = tpu.memref_slice %arg15[%dma_start3A_553, %dma_start3A_554, %dma_start3A_565, %dma_start3A_566] : memref<2x4x32x128xf32, #tpu.memory_space<vmem>> -> memref<1x1x32x128xf32, #tpu.memory_space<vmem>>
      %dma_start3A_568 = tpu.memref_squeeze %dma_start3A_567 : memref<1x1x32x128xf32, #tpu.memory_space<vmem>> -> memref<32x128xf32, #tpu.memory_space<vmem>>
      %dma_start3A_569 = arith.constant 0 : i32
      %dma_start3A_570 = tpu.memref_slice %arg6[%dma_start3A_569, %multiple_of3A_552] : memref<32x1000000xf32, #tpu.memory_space<hbm>> -> memref<32x128xf32, #tpu.memory_space<hbm>>
      tpu.enqueue_dma source(%dma_start3A_570 : memref<32x128xf32, #tpu.memory_space<hbm>>) target(%dma_start3A_568 : memref<32x128xf32, #tpu.memory_space<vmem>>) target_semaphore(%dma_start3A_564 : memref<!tpu.dma_semaphore, #tpu.memory_space<semaphore_mem>>)
      %slice3A_571 = vector.extract_strided_slice %get3A_332 {offsets = [3], sizes = [1], strides = [1]} : vector<16xi32> to vector<1xi32>
      %squeeze3A_572 = vector.extract %slice3A_571[0] : i32 from vector<1xi32>
      %rem3A_573 = arith.constant 128 : i32
      %rem3A_574 = arith.remsi %squeeze3A_572, %rem3A_573 : i32
      %sub3A_575 = arith.subi %squeeze3A_572, %rem3A_574 : i32
      %min3A_576 = arith.constant 999872 : i32
      %min3A_577 = arith.minsi %sub3A_575, %min3A_576 : i32
      %multiple_of3A_578 = tpu.assume_multiple %min3A_577, 128 : i32
      %dma_start3A_579 = arith.constant 1 : i32
      %dma_start3A_580 = arith.constant 3 : i32
      %dma_start3A_581 = arith.constant 1 : i32
      %dma_start3A_582 = arith.constant 3 : i32
      %dma_start3A_583 = arith.constant 0 : i32
      %dma_start3A_584 = arith.constant 0 : i32
      %dma_start3A_585 = tpu.memref_slice %arg13[%dma_start3A_579, %dma_start3A_580, %dma_start3A_583, %dma_start3A_584] : memref<2x4x32x128xf32, #tpu.memory_space<vmem>> -> memref<1x1x32x128xf32, #tpu.memory_space<vmem>>
      %dma_start3A_586 = tpu.memref_squeeze %dma_start3A_585 : memref<1x1x32x128xf32, #tpu.memory_space<vmem>> -> memref<32x128xf32, #tpu.memory_space<vmem>>
      %dma_start3A_587 = arith.constant 0 : i32
      %dma_start3A_588 = tpu.memref_slice %arg5[%dma_start3A_587, %multiple_of3A_578] : memref<32x1000000xf32, #tpu.memory_space<hbm>> -> memref<32x128xf32, #tpu.memory_space<hbm>>
      %dma_start3A_589 = tpu.memref_slice %arg19[%dma_start3A_581, %dma_start3A_582] : memref<2x4x!tpu.dma_semaphore, #tpu.memory_space<semaphore_mem>> -> memref<1x1x!tpu.dma_semaphore, #tpu.memory_space<semaphore_mem>>
      %dma_start3A_590 = tpu.memref_squeeze %dma_start3A_589 : memref<1x1x!tpu.dma_semaphore, #tpu.memory_space<semaphore_mem>> -> memref<!tpu.dma_semaphore, #tpu.memory_space<semaphore_mem>>
      %dma_start3A_591 = arith.constant 0 : i32
      %dma_start3A_592 = arith.constant 0 : i32
      %dma_start3A_593 = tpu.memref_slice %arg13[%dma_start3A_579, %dma_start3A_580, %dma_start3A_591, %dma_start3A_592] : memref<2x4x32x128xf32, #tpu.memory_space<vmem>> -> memref<1x1x32x128xf32, #tpu.memory_space<vmem>>
      %dma_start3A_594 = tpu.memref_squeeze %dma_start3A_593 : memref<1x1x32x128xf32, #tpu.memory_space<vmem>> -> memref<32x128xf32, #tpu.memory_space<vmem>>
      %dma_start3A_595 = arith.constant 0 : i32
      %dma_start3A_596 = tpu.memref_slice %arg5[%dma_start3A_595, %multiple_of3A_578] : memref<32x1000000xf32, #tpu.memory_space<hbm>> -> memref<32x128xf32, #tpu.memory_space<hbm>>
      tpu.enqueue_dma source(%dma_start3A_596 : memref<32x128xf32, #tpu.memory_space<hbm>>) target(%dma_start3A_594 : memref<32x128xf32, #tpu.memory_space<vmem>>) target_semaphore(%dma_start3A_590 : memref<!tpu.dma_semaphore, #tpu.memory_space<semaphore_mem>>)
      %slice3A_597 = vector.extract_strided_slice %get3A_334 {offsets = [3], sizes = [1], strides = [1]} : vector<16xi32> to vector<1xi32>
      %squeeze3A_598 = vector.extract %slice3A_597[0] : i32 from vector<1xi32>
      %rem3A_599 = arith.constant 128 : i32
      %rem3A_600 = arith.remsi %squeeze3A_598, %rem3A_599 : i32
      %sub3A_601 = arith.subi %squeeze3A_598, %rem3A_600 : i32
      %min3A_602 = arith.constant 999872 : i32
      %min3A_603 = arith.minsi %sub3A_601, %min3A_602 : i32
      %multiple_of3A_604 = tpu.assume_multiple %min3A_603, 128 : i32
      %dma_start3A_605 = arith.constant 1 : i32
      %dma_start3A_606 = arith.constant 3 : i32
      %dma_start3A_607 = arith.constant 1 : i32
      %dma_start3A_608 = arith.constant 3 : i32
      %dma_start3A_609 = arith.constant 0 : i32
      %dma_start3A_610 = arith.constant 0 : i32
      %dma_start3A_611 = tpu.memref_slice %arg14[%dma_start3A_605, %dma_start3A_606, %dma_start3A_609, %dma_start3A_610] : memref<2x4x32x128xf32, #tpu.memory_space<vmem>> -> memref<1x1x32x128xf32, #tpu.memory_space<vmem>>
      %dma_start3A_612 = tpu.memref_squeeze %dma_start3A_611 : memref<1x1x32x128xf32, #tpu.memory_space<vmem>> -> memref<32x128xf32, #tpu.memory_space<vmem>>
      %dma_start3A_613 = arith.constant 0 : i32
      %dma_start3A_614 = tpu.memref_slice %arg6[%dma_start3A_613, %multiple_of3A_604] : memref<32x1000000xf32, #tpu.memory_space<hbm>> -> memref<32x128xf32, #tpu.memory_space<hbm>>
      %dma_start3A_615 = tpu.memref_slice %arg19[%dma_start3A_607, %dma_start3A_608] : memref<2x4x!tpu.dma_semaphore, #tpu.memory_space<semaphore_mem>> -> memref<1x1x!tpu.dma_semaphore, #tpu.memory_space<semaphore_mem>>
      %dma_start3A_616 = tpu.memref_squeeze %dma_start3A_615 : memref<1x1x!tpu.dma_semaphore, #tpu.memory_space<semaphore_mem>> -> memref<!tpu.dma_semaphore, #tpu.memory_space<semaphore_mem>>
      %dma_start3A_617 = arith.constant 0 : i32
      %dma_start3A_618 = arith.constant 0 : i32
      %dma_start3A_619 = tpu.memref_slice %arg14[%dma_start3A_605, %dma_start3A_606, %dma_start3A_617, %dma_start3A_618] : memref<2x4x32x128xf32, #tpu.memory_space<vmem>> -> memref<1x1x32x128xf32, #tpu.memory_space<vmem>>
      %dma_start3A_620 = tpu.memref_squeeze %dma_start3A_619 : memref<1x1x32x128xf32, #tpu.memory_space<vmem>> -> memref<32x128xf32, #tpu.memory_space<vmem>>
      %dma_start3A_621 = arith.constant 0 : i32
      %dma_start3A_622 = tpu.memref_slice %arg6[%dma_start3A_621, %multiple_of3A_604] : memref<32x1000000xf32, #tpu.memory_space<hbm>> -> memref<32x128xf32, #tpu.memory_space<hbm>>
      tpu.enqueue_dma source(%dma_start3A_622 : memref<32x128xf32, #tpu.memory_space<hbm>>) target(%dma_start3A_620 : memref<32x128xf32, #tpu.memory_space<vmem>>) target_semaphore(%dma_start3A_616 : memref<!tpu.dma_semaphore, #tpu.memory_space<semaphore_mem>>)
      %slice3A_623 = vector.extract_strided_slice %get3A_336 {offsets = [3], sizes = [1], strides = [1]} : vector<16xi32> to vector<1xi32>
      %squeeze3A_624 = vector.extract %slice3A_623[0] : i32 from vector<1xi32>
      %rem3A_625 = arith.constant 128 : i32
      %rem3A_626 = arith.remsi %squeeze3A_624, %rem3A_625 : i32
      %sub3A_627 = arith.subi %squeeze3A_624, %rem3A_626 : i32
      %min3A_628 = arith.constant 999872 : i32
      %min3A_629 = arith.minsi %sub3A_627, %min3A_628 : i32
      %multiple_of3A_630 = tpu.assume_multiple %min3A_629, 128 : i32
      %dma_start3A_631 = arith.constant 1 : i32
      %dma_start3A_632 = arith.constant 3 : i32
      %dma_start3A_633 = arith.constant 1 : i32
      %dma_start3A_634 = arith.constant 3 : i32
      %dma_start3A_635 = arith.constant 0 : i32
      %dma_start3A_636 = arith.constant 0 : i32
      %dma_start3A_637 = tpu.memref_slice %arg15[%dma_start3A_631, %dma_start3A_632, %dma_start3A_635, %dma_start3A_636] : memref<2x4x32x128xf32, #tpu.memory_space<vmem>> -> memref<1x1x32x128xf32, #tpu.memory_space<vmem>>
      %dma_start3A_638 = tpu.memref_squeeze %dma_start3A_637 : memref<1x1x32x128xf32, #tpu.memory_space<vmem>> -> memref<32x128xf32, #tpu.memory_space<vmem>>
      %dma_start3A_639 = arith.constant 0 : i32
      %dma_start3A_640 = tpu.memref_slice %arg6[%dma_start3A_639, %multiple_of3A_630] : memref<32x1000000xf32, #tpu.memory_space<hbm>> -> memref<32x128xf32, #tpu.memory_space<hbm>>
      %dma_start3A_641 = tpu.memref_slice %arg19[%dma_start3A_633, %dma_start3A_634] : memref<2x4x!tpu.dma_semaphore, #tpu.memory_space<semaphore_mem>> -> memref<1x1x!tpu.dma_semaphore, #tpu.memory_space<semaphore_mem>>
      %dma_start3A_642 = tpu.memref_squeeze %dma_start3A_641 : memref<1x1x!tpu.dma_semaphore, #tpu.memory_space<semaphore_mem>> -> memref<!tpu.dma_semaphore, #tpu.memory_space<semaphore_mem>>
      %dma_start3A_643 = arith.constant 0 : i32
      %dma_start3A_644 = arith.constant 0 : i32
      %dma_start3A_645 = tpu.memref_slice %arg15[%dma_start3A_631, %dma_start3A_632, %dma_start3A_643, %dma_start3A_644] : memref<2x4x32x128xf32, #tpu.memory_space<vmem>> -> memref<1x1x32x128xf32, #tpu.memory_space<vmem>>
      %dma_start3A_646 = tpu.memref_squeeze %dma_start3A_645 : memref<1x1x32x128xf32, #tpu.memory_space<vmem>> -> memref<32x128xf32, #tpu.memory_space<vmem>>
      %dma_start3A_647 = arith.constant 0 : i32
      %dma_start3A_648 = tpu.memref_slice %arg6[%dma_start3A_647, %multiple_of3A_630] : memref<32x1000000xf32, #tpu.memory_space<hbm>> -> memref<32x128xf32, #tpu.memory_space<hbm>>
      tpu.enqueue_dma source(%dma_start3A_648 : memref<32x128xf32, #tpu.memory_space<hbm>>) target(%dma_start3A_646 : memref<32x128xf32, #tpu.memory_space<vmem>>) target_semaphore(%dma_start3A_642 : memref<!tpu.dma_semaphore, #tpu.memory_space<semaphore_mem>>)
      %mul3A_649 = arith.constant 2 : i32
      %mul3A_650 = arith.muli %mul3A_649, %scan3A_323 : i32
      %mul3A_651 = arith.constant 4 : i32
      %mul3A_652 = arith.muli %mul3A_650, %mul3A_651 : i32
      %get3A_653 = arith.index_cast %mul3A_652 : i32 to index
      %get3A_654 = tpu.vector_load %arg10[%get3A_653] {strides = array<i32>} : memref<528xi32, #tpu.memory_space<vmem>>, vector<16xi32>,
      %get3A_655 = arith.index_cast %mul3A_652 : i32 to index
      %get3A_656 = tpu.vector_load %arg11[%get3A_655] {strides = array<i32>} : memref<528xi32, #tpu.memory_space<vmem>>, vector<16xi32>,
      %get3A_657 = arith.index_cast %mul3A_652 : i32 to index
      %get3A_658 = tpu.vector_load %arg12[%get3A_657] {strides = array<i32>} : memref<528xi32, #tpu.memory_space<vmem>>, vector<16xi32>,
      %dma_wait3A = arith.constant 0 : i32
      %dma_wait3A_659 = arith.constant 0 : i32
      %dma_wait3A_660 = arith.constant 0 : i32
      %dma_wait3A_661 = arith.constant 0 : i32
      %dma_wait3A_662 = arith.constant 0 : i32
      %dma_wait3A_663 = arith.constant 0 : i32
      %dma_wait3A_664 = tpu.memref_slice %arg13[%dma_wait3A, %dma_wait3A_659, %dma_wait3A_662, %dma_wait3A_663] : memref<2x4x32x128xf32, #tpu.memory_space<vmem>> -> memref<1x1x32x128xf32, #tpu.memory_space<vmem>>
      %dma_wait3A_665 = tpu.memref_squeeze %dma_wait3A_664 : memref<1x1x32x128xf32, #tpu.memory_space<vmem>> -> memref<32x128xf32, #tpu.memory_space<vmem>>
      %dma_wait3A_666 = arith.constant 0 : i32
      %dma_wait3A_667 = arith.constant 0 : i32
      %dma_wait3A_668 = tpu.memref_slice %arg5[%dma_wait3A_666, %dma_wait3A_667] : memref<32x1000000xf32, #tpu.memory_space<hbm>> -> memref<32x128xf32, #tpu.memory_space<hbm>>
      %dma_wait3A_669 = tpu.memref_slice %arg19[%dma_wait3A_660, %dma_wait3A_661] : memref<2x4x!tpu.dma_semaphore, #tpu.memory_space<semaphore_mem>> -> memref<1x1x!tpu.dma_semaphore, #tpu.memory_space<semaphore_mem>>
      %dma_wait3A_670 = tpu.memref_squeeze %dma_wait3A_669 : memref<1x1x!tpu.dma_semaphore, #tpu.memory_space<semaphore_mem>> -> memref<!tpu.dma_semaphore, #tpu.memory_space<semaphore_mem>>
      %dma_wait3A_671 = arith.constant 0 : i32
      %dma_wait3A_672 = arith.constant 0 : i32
      %dma_wait3A_673 = tpu.memref_slice %arg13[%dma_wait3A, %dma_wait3A_659, %dma_wait3A_671, %dma_wait3A_672] : memref<2x4x32x128xf32, #tpu.memory_space<vmem>> -> memref<1x1x32x128xf32, #tpu.memory_space<vmem>>
      %dma_wait3A_674 = tpu.memref_squeeze %dma_wait3A_673 : memref<1x1x32x128xf32, #tpu.memory_space<vmem>> -> memref<32x128xf32, #tpu.memory_space<vmem>>
      %dma_wait3A_675 = arith.constant 0 : i32
      %dma_wait3A_676 = arith.constant 0 : i32
      %dma_wait3A_677 = tpu.memref_slice %arg5[%dma_wait3A_675, %dma_wait3A_676] : memref<32x1000000xf32, #tpu.memory_space<hbm>> -> memref<32x128xf32, #tpu.memory_space<hbm>>
      tpu.wait_dma2 semaphore(%dma_wait3A_670 : memref<!tpu.dma_semaphore, #tpu.memory_space<semaphore_mem>>) src(%dma_wait3A_677 : memref<32x128xf32, #tpu.memory_space<hbm>>) dst(%dma_wait3A_674 : memref<32x128xf32, #tpu.memory_space<vmem>>)
      %dma_wait3A_678 = arith.constant 0 : i32
      %dma_wait3A_679 = arith.constant 0 : i32
      %dma_wait3A_680 = arith.constant 0 : i32
      %dma_wait3A_681 = arith.constant 0 : i32
      %dma_wait3A_682 = arith.constant 0 : i32
      %dma_wait3A_683 = arith.constant 0 : i32
      %dma_wait3A_684 = tpu.memref_slice %arg14[%dma_wait3A_678, %dma_wait3A_679, %dma_wait3A_682, %dma_wait3A_683] : memref<2x4x32x128xf32, #tpu.memory_space<vmem>> -> memref<1x1x32x128xf32, #tpu.memory_space<vmem>>
      %dma_wait3A_685 = tpu.memref_squeeze %dma_wait3A_684 : memref<1x1x32x128xf32, #tpu.memory_space<vmem>> -> memref<32x128xf32, #tpu.memory_space<vmem>>
      %dma_wait3A_686 = arith.constant 0 : i32
      %dma_wait3A_687 = arith.constant 0 : i32
      %dma_wait3A_688 = tpu.memref_slice %arg5[%dma_wait3A_686, %dma_wait3A_687] : memref<32x1000000xf32, #tpu.memory_space<hbm>> -> memref<32x128xf32, #tpu.memory_space<hbm>>
      %dma_wait3A_689 = tpu.memref_slice %arg19[%dma_wait3A_680, %dma_wait3A_681] : memref<2x4x!tpu.dma_semaphore, #tpu.memory_space<semaphore_mem>> -> memref<1x1x!tpu.dma_semaphore, #tpu.memory_space<semaphore_mem>>
      %dma_wait3A_690 = tpu.memref_squeeze %dma_wait3A_689 : memref<1x1x!tpu.dma_semaphore, #tpu.memory_space<semaphore_mem>> -> memref<!tpu.dma_semaphore, #tpu.memory_space<semaphore_mem>>
      %dma_wait3A_691 = arith.constant 0 : i32
      %dma_wait3A_692 = arith.constant 0 : i32
      %dma_wait3A_693 = tpu.memref_slice %arg14[%dma_wait3A_678, %dma_wait3A_679, %dma_wait3A_691, %dma_wait3A_692] : memref<2x4x32x128xf32, #tpu.memory_space<vmem>> -> memref<1x1x32x128xf32, #tpu.memory_space<vmem>>
      %dma_wait3A_694 = tpu.memref_squeeze %dma_wait3A_693 : memref<1x1x32x128xf32, #tpu.memory_space<vmem>> -> memref<32x128xf32, #tpu.memory_space<vmem>>
      %dma_wait3A_695 = arith.constant 0 : i32
      %dma_wait3A_696 = arith.constant 0 : i32
      %dma_wait3A_697 = tpu.memref_slice %arg5[%dma_wait3A_695, %dma_wait3A_696] : memref<32x1000000xf32, #tpu.memory_space<hbm>> -> memref<32x128xf32, #tpu.memory_space<hbm>>
      tpu.wait_dma2 semaphore(%dma_wait3A_690 : memref<!tpu.dma_semaphore, #tpu.memory_space<semaphore_mem>>) src(%dma_wait3A_697 : memref<32x128xf32, #tpu.memory_space<hbm>>) dst(%dma_wait3A_694 : memref<32x128xf32, #tpu.memory_space<vmem>>)
      %dma_wait3A_698 = arith.constant 0 : i32
      %dma_wait3A_699 = arith.constant 0 : i32
      %dma_wait3A_700 = arith.constant 0 : i32
      %dma_wait3A_701 = arith.constant 0 : i32
      %dma_wait3A_702 = arith.constant 0 : i32
      %dma_wait3A_703 = arith.constant 0 : i32
      %dma_wait3A_704 = tpu.memref_slice %arg15[%dma_wait3A_698, %dma_wait3A_699, %dma_wait3A_702, %dma_wait3A_703] : memref<2x4x32x128xf32, #tpu.memory_space<vmem>> -> memref<1x1x32x128xf32, #tpu.memory_space<vmem>>
      %dma_wait3A_705 = tpu.memref_squeeze %dma_wait3A_704 : memref<1x1x32x128xf32, #tpu.memory_space<vmem>> -> memref<32x128xf32, #tpu.memory_space<vmem>>
      %dma_wait3A_706 = arith.constant 0 : i32
      %dma_wait3A_707 = arith.constant 0 : i32
      %dma_wait3A_708 = tpu.memref_slice %arg5[%dma_wait3A_706, %dma_wait3A_707] : memref<32x1000000xf32, #tpu.memory_space<hbm>> -> memref<32x128xf32, #tpu.memory_space<hbm>>
      %dma_wait3A_709 = tpu.memref_slice %arg19[%dma_wait3A_700, %dma_wait3A_701] : memref<2x4x!tpu.dma_semaphore, #tpu.memory_space<semaphore_mem>> -> memref<1x1x!tpu.dma_semaphore, #tpu.memory_space<semaphore_mem>>
      %dma_wait3A_710 = tpu.memref_squeeze %dma_wait3A_709 : memref<1x1x!tpu.dma_semaphore, #tpu.memory_space<semaphore_mem>> -> memref<!tpu.dma_semaphore, #tpu.memory_space<semaphore_mem>>
      %dma_wait3A_711 = arith.constant 0 : i32
      %dma_wait3A_712 = arith.constant 0 : i32
      %dma_wait3A_713 = tpu.memref_slice %arg15[%dma_wait3A_698, %dma_wait3A_699, %dma_wait3A_711, %dma_wait3A_712] : memref<2x4x32x128xf32, #tpu.memory_space<vmem>> -> memref<1x1x32x128xf32, #tpu.memory_space<vmem>>
      %dma_wait3A_714 = tpu.memref_squeeze %dma_wait3A_713 : memref<1x1x32x128xf32, #tpu.memory_space<vmem>> -> memref<32x128xf32, #tpu.memory_space<vmem>>
      %dma_wait3A_715 = arith.constant 0 : i32
      %dma_wait3A_716 = arith.constant 0 : i32
      %dma_wait3A_717 = tpu.memref_slice %arg5[%dma_wait3A_715, %dma_wait3A_716] : memref<32x1000000xf32, #tpu.memory_space<hbm>> -> memref<32x128xf32, #tpu.memory_space<hbm>>
      tpu.wait_dma2 semaphore(%dma_wait3A_710 : memref<!tpu.dma_semaphore, #tpu.memory_space<semaphore_mem>>) src(%dma_wait3A_717 : memref<32x128xf32, #tpu.memory_space<hbm>>) dst(%dma_wait3A_714 : memref<32x128xf32, #tpu.memory_space<vmem>>)
      %slice3A_718 = vector.extract_strided_slice %get3A_654 {offsets = [0], sizes = [1], strides = [1]} : vector<16xi32> to vector<1xi32>
      %squeeze3A_719 = vector.extract %slice3A_718[0] : i32 from vector<1xi32>
      %slice3A_720 = vector.extract_strided_slice %get3A_654 {offsets = [0], sizes = [1], strides = [1]} : vector<16xi32> to vector<1xi32>
      %squeeze3A_721 = vector.extract %slice3A_720[0] : i32 from vector<1xi32>
      %rem3A_722 = arith.constant 128 : i32
      %rem3A_723 = arith.remsi %squeeze3A_721, %rem3A_722 : i32
      %sub3A_724 = arith.subi %squeeze3A_721, %rem3A_723 : i32
      %min3A_725 = arith.constant 999872 : i32
      %min3A_726 = arith.minsi %sub3A_724, %min3A_725 : i32
      %multiple_of3A_727 = tpu.assume_multiple %min3A_726, 128 : i32
      %sub3A_728 = arith.subi %squeeze3A_719, %multiple_of3A_727 : i32
      %slice3A_729 = vector.extract_strided_slice %get3A_656 {offsets = [0], sizes = [1], strides = [1]} : vector<16xi32> to vector<1xi32>
      %squeeze3A_730 = vector.extract %slice3A_729[0] : i32 from vector<1xi32>
      %slice3A_731 = vector.extract_strided_slice %get3A_656 {offsets = [0], sizes = [1], strides = [1]} : vector<16xi32> to vector<1xi32>
      %squeeze3A_732 = vector.extract %slice3A_731[0] : i32 from vector<1xi32>
      %rem3A_733 = arith.constant 128 : i32
      %rem3A_734 = arith.remsi %squeeze3A_732, %rem3A_733 : i32
      %sub3A_735 = arith.subi %squeeze3A_732, %rem3A_734 : i32
      %min3A_736 = arith.constant 999872 : i32
      %min3A_737 = arith.minsi %sub3A_735, %min3A_736 : i32
      %multiple_of3A_738 = tpu.assume_multiple %min3A_737, 128 : i32
      %sub3A_739 = arith.subi %squeeze3A_730, %multiple_of3A_738 : i32
      %slice3A_740 = vector.extract_strided_slice %get3A_658 {offsets = [0], sizes = [1], strides = [1]} : vector<16xi32> to vector<1xi32>
      %squeeze3A_741 = vector.extract %slice3A_740[0] : i32 from vector<1xi32>
      %slice3A_742 = vector.extract_strided_slice %get3A_658 {offsets = [0], sizes = [1], strides = [1]} : vector<16xi32> to vector<1xi32>
      %squeeze3A_743 = vector.extract %slice3A_742[0] : i32 from vector<1xi32>
      %rem3A_744 = arith.constant 128 : i32
      %rem3A_745 = arith.remsi %squeeze3A_743, %rem3A_744 : i32
      %sub3A_746 = arith.subi %squeeze3A_743, %rem3A_745 : i32
      %min3A_747 = arith.constant 999872 : i32
      %min3A_748 = arith.minsi %sub3A_746, %min3A_747 : i32
      %multiple_of3A_749 = tpu.assume_multiple %min3A_748, 128 : i32
      %sub3A_750 = arith.subi %squeeze3A_741, %multiple_of3A_749 : i32
      %broadcast_in_dim3A_751 = arith.constant 0 : i32
      %broadcast_in_dim3A_752 = vector.broadcast %broadcast_in_dim3A_751 : i32 to vector<16xi32>
      %add3A_753 = vector.broadcast %sub3A_728 : i32 to vector<16xi32>
      %add3A_754 = arith.addi %broadcast_in_dim3A_752, %add3A_753 : vector<16xi32>
      %gather3A = arith.constant 0 : i32
      %gather3A_755 = arith.constant 0 : i32
      %gather3A_756 = arith.constant 0 : i32
      %gather3A_757 = arith.constant 0 : i32
      %gather3A_758 = tpu.memref_slice %arg13[%gather3A, %gather3A_755, %gather3A_756, %gather3A_757] : memref<2x4x32x128xf32, #tpu.memory_space<vmem>> -> memref<1x1x32x128xf32, #tpu.memory_space<vmem>>
      %gather3A_759 = tpu.memref_squeeze %gather3A_758 : memref<1x1x32x128xf32, #tpu.memory_space<vmem>> -> memref<32x128xf32, #tpu.memory_space<vmem>>
      %gather3A_760 = tpu.vector_load_idx %gather3A_759[%iota3A, %add3A_754] : memref<32x128xf32, #tpu.memory_space<vmem>>[vector<16xi32>, vector<16xi32>], vector<16xf32>,
      %broadcast_in_dim3A_761 = arith.constant 0 : i32
      %broadcast_in_dim3A_762 = vector.broadcast %broadcast_in_dim3A_761 : i32 to vector<16xi32>
      %add3A_763 = vector.broadcast %sub3A_728 : i32 to vector<16xi32>
      %add3A_764 = arith.addi %broadcast_in_dim3A_762, %add3A_763 : vector<16xi32>
      %gather3A_765 = arith.constant 0 : i32
      %gather3A_766 = arith.constant 0 : i32
      %gather3A_767 = arith.constant 0 : i32
      %gather3A_768 = arith.constant 0 : i32
      %gather3A_769 = tpu.memref_slice %arg13[%gather3A_765, %gather3A_766, %gather3A_767, %gather3A_768] : memref<2x4x32x128xf32, #tpu.memory_space<vmem>> -> memref<1x1x32x128xf32, #tpu.memory_space<vmem>>
      %gather3A_770 = tpu.memref_squeeze %gather3A_769 : memref<1x1x32x128xf32, #tpu.memory_space<vmem>> -> memref<32x128xf32, #tpu.memory_space<vmem>>
      %gather3A_771 = tpu.vector_load_idx %gather3A_770[%add3A_5, %add3A_764] : memref<32x128xf32, #tpu.memory_space<vmem>>[vector<16xi32>, vector<16xi32>], vector<16xf32>,
      %broadcast_in_dim3A_772 = arith.constant 0 : i32
      %broadcast_in_dim3A_773 = vector.broadcast %broadcast_in_dim3A_772 : i32 to vector<16xi32>
      %add3A_774 = vector.broadcast %sub3A_739 : i32 to vector<16xi32>
      %add3A_775 = arith.addi %broadcast_in_dim3A_773, %add3A_774 : vector<16xi32>
      %gather3A_776 = arith.constant 0 : i32
      %gather3A_777 = arith.constant 0 : i32
      %gather3A_778 = arith.constant 0 : i32
      %gather3A_779 = arith.constant 0 : i32
      %gather3A_780 = tpu.memref_slice %arg14[%gather3A_776, %gather3A_777, %gather3A_778, %gather3A_779] : memref<2x4x32x128xf32, #tpu.memory_space<vmem>> -> memref<1x1x32x128xf32, #tpu.memory_space<vmem>>
      %gather3A_781 = tpu.memref_squeeze %gather3A_780 : memref<1x1x32x128xf32, #tpu.memory_space<vmem>> -> memref<32x128xf32, #tpu.memory_space<vmem>>
      %gather3A_782 = tpu.vector_load_idx %gather3A_781[%iota3A, %add3A_775] : memref<32x128xf32, #tpu.memory_space<vmem>>[vector<16xi32>, vector<16xi32>], vector<16xf32>,
      %broadcast_in_dim3A_783 = arith.constant 0 : i32
      %broadcast_in_dim3A_784 = vector.broadcast %broadcast_in_dim3A_783 : i32 to vector<16xi32>
      %add3A_785 = vector.broadcast %sub3A_739 : i32 to vector<16xi32>
      %add3A_786 = arith.addi %broadcast_in_dim3A_784, %add3A_785 : vector<16xi32>
      %gather3A_787 = arith.constant 0 : i32
      %gather3A_788 = arith.constant 0 : i32
      %gather3A_789 = arith.constant 0 : i32
      %gather3A_790 = arith.constant 0 : i32
      %gather3A_791 = tpu.memref_slice %arg14[%gather3A_787, %gather3A_788, %gather3A_789, %gather3A_790] : memref<2x4x32x128xf32, #tpu.memory_space<vmem>> -> memref<1x1x32x128xf32, #tpu.memory_space<vmem>>
      %gather3A_792 = tpu.memref_squeeze %gather3A_791 : memref<1x1x32x128xf32, #tpu.memory_space<vmem>> -> memref<32x128xf32, #tpu.memory_space<vmem>>
      %gather3A_793 = tpu.vector_load_idx %gather3A_792[%add3A_5, %add3A_786] : memref<32x128xf32, #tpu.memory_space<vmem>>[vector<16xi32>, vector<16xi32>], vector<16xf32>,
      %broadcast_in_dim3A_794 = arith.constant 0 : i32
      %broadcast_in_dim3A_795 = vector.broadcast %broadcast_in_dim3A_794 : i32 to vector<16xi32>
      %add3A_796 = vector.broadcast %sub3A_750 : i32 to vector<16xi32>
      %add3A_797 = arith.addi %broadcast_in_dim3A_795, %add3A_796 : vector<16xi32>
      %gather3A_798 = arith.constant 0 : i32
      %gather3A_799 = arith.constant 0 : i32
      %gather3A_800 = arith.constant 0 : i32
      %gather3A_801 = arith.constant 0 : i32
      %gather3A_802 = tpu.memref_slice %arg15[%gather3A_798, %gather3A_799, %gather3A_800, %gather3A_801] : memref<2x4x32x128xf32, #tpu.memory_space<vmem>> -> memref<1x1x32x128xf32, #tpu.memory_space<vmem>>
      %gather3A_803 = tpu.memref_squeeze %gather3A_802 : memref<1x1x32x128xf32, #tpu.memory_space<vmem>> -> memref<32x128xf32, #tpu.memory_space<vmem>>
      %gather3A_804 = tpu.vector_load_idx %gather3A_803[%iota3A, %add3A_797] : memref<32x128xf32, #tpu.memory_space<vmem>>[vector<16xi32>, vector<16xi32>], vector<16xf32>,
      %broadcast_in_dim3A_805 = arith.constant 0 : i32
      %broadcast_in_dim3A_806 = vector.broadcast %broadcast_in_dim3A_805 : i32 to vector<16xi32>
      %add3A_807 = vector.broadcast %sub3A_750 : i32 to vector<16xi32>
      %add3A_808 = arith.addi %broadcast_in_dim3A_806, %add3A_807 : vector<16xi32>
      %gather3A_809 = arith.constant 0 : i32
      %gather3A_810 = arith.constant 0 : i32
      %gather3A_811 = arith.constant 0 : i32
      %gather3A_812 = arith.constant 0 : i32
      %gather3A_813 = tpu.memref_slice %arg15[%gather3A_809, %gather3A_810, %gather3A_811, %gather3A_812] : memref<2x4x32x128xf32, #tpu.memory_space<vmem>> -> memref<1x1x32x128xf32, #tpu.memory_space<vmem>>
      %gather3A_814 = tpu.memref_squeeze %gather3A_813 : memref<1x1x32x128xf32, #tpu.memory_space<vmem>> -> memref<32x128xf32, #tpu.memory_space<vmem>>
      %gather3A_815 = tpu.vector_load_idx %gather3A_814[%add3A_5, %add3A_808] : memref<32x128xf32, #tpu.memory_space<vmem>>[vector<16xi32>, vector<16xi32>], vector<16xf32>,
      %mul3A_816 = arith.mulf %gather3A_760, %gather3A_782 : vector<16xf32>
      %mul3A_817 = arith.mulf %gather3A_771, %gather3A_793 : vector<16xf32>
      %add3A_818 = arith.addf %mul3A_816, %mul3A_817 : vector<16xf32>
      %reduce_sum3A = arith.constant true
      %reduce_sum3A_819 = vector.broadcast %reduce_sum3A : i1 to vector<16xi1>
      %reduce_sum3A_820 = tpu.scan <sum>, %add3A_818 masked %reduce_sum3A_819 : vector<16xf32>, vector<16xi1> -> vector<16xf32>
      %reduce_sum3A_821 = vector.extract %reduce_sum3A_820[15] : f32 from vector<16xf32>
      %mul3A_822 = arith.mulf %gather3A_760, %gather3A_804 : vector<16xf32>
      %mul3A_823 = arith.mulf %gather3A_771, %gather3A_815 : vector<16xf32>
      %add3A_824 = arith.addf %mul3A_822, %mul3A_823 : vector<16xf32>
      %reduce_sum3A_825 = arith.constant true
      %reduce_sum3A_826 = vector.broadcast %reduce_sum3A_825 : i1 to vector<16xi1>
      %reduce_sum3A_827 = tpu.scan <sum>, %add3A_824 masked %reduce_sum3A_826 : vector<16xf32>, vector<16xi1> -> vector<16xf32>
      %reduce_sum3A_828 = vector.extract %reduce_sum3A_827[15] : f32 from vector<16xf32>
      %mul3A_829 = arith.mulf %gather3A_760, %gather3A_760 : vector<16xf32>
      %mul3A_830 = arith.mulf %gather3A_771, %gather3A_771 : vector<16xf32>
      %add3A_831 = arith.addf %mul3A_829, %mul3A_830 : vector<16xf32>
      %mul3A_832 = arith.mulf %gather3A_782, %gather3A_782 : vector<16xf32>
      %add3A_833 = arith.addf %add3A_831, %mul3A_832 : vector<16xf32>
      %mul3A_834 = arith.mulf %gather3A_793, %gather3A_793 : vector<16xf32>
      %add3A_835 = arith.addf %add3A_833, %mul3A_834 : vector<16xf32>
      %mul3A_836 = arith.mulf %gather3A_804, %gather3A_804 : vector<16xf32>
      %add3A_837 = arith.addf %add3A_835, %mul3A_836 : vector<16xf32>
      %mul3A_838 = arith.mulf %gather3A_815, %gather3A_815 : vector<16xf32>
      %add3A_839 = arith.addf %add3A_837, %mul3A_838 : vector<16xf32>
      %add3A_840 = arith.addf %scan3A_324, %add3A_839 : vector<16xf32>
      %dma_wait3A_841 = arith.constant 0 : i32
      %dma_wait3A_842 = arith.constant 1 : i32
      %dma_wait3A_843 = arith.constant 0 : i32
      %dma_wait3A_844 = arith.constant 1 : i32
      %dma_wait3A_845 = arith.constant 0 : i32
      %dma_wait3A_846 = arith.constant 0 : i32
      %dma_wait3A_847 = tpu.memref_slice %arg13[%dma_wait3A_841, %dma_wait3A_842, %dma_wait3A_845, %dma_wait3A_846] : memref<2x4x32x128xf32, #tpu.memory_space<vmem>> -> memref<1x1x32x128xf32, #tpu.memory_space<vmem>>
      %dma_wait3A_848 = tpu.memref_squeeze %dma_wait3A_847 : memref<1x1x32x128xf32, #tpu.memory_space<vmem>> -> memref<32x128xf32, #tpu.memory_space<vmem>>
      %dma_wait3A_849 = arith.constant 0 : i32
      %dma_wait3A_850 = arith.constant 0 : i32
      %dma_wait3A_851 = tpu.memref_slice %arg5[%dma_wait3A_849, %dma_wait3A_850] : memref<32x1000000xf32, #tpu.memory_space<hbm>> -> memref<32x128xf32, #tpu.memory_space<hbm>>
      %dma_wait3A_852 = tpu.memref_slice %arg19[%dma_wait3A_843, %dma_wait3A_844] : memref<2x4x!tpu.dma_semaphore, #tpu.memory_space<semaphore_mem>> -> memref<1x1x!tpu.dma_semaphore, #tpu.memory_space<semaphore_mem>>
      %dma_wait3A_853 = tpu.memref_squeeze %dma_wait3A_852 : memref<1x1x!tpu.dma_semaphore, #tpu.memory_space<semaphore_mem>> -> memref<!tpu.dma_semaphore, #tpu.memory_space<semaphore_mem>>
      %dma_wait3A_854 = arith.constant 0 : i32
      %dma_wait3A_855 = arith.constant 0 : i32
      %dma_wait3A_856 = tpu.memref_slice %arg13[%dma_wait3A_841, %dma_wait3A_842, %dma_wait3A_854, %dma_wait3A_855] : memref<2x4x32x128xf32, #tpu.memory_space<vmem>> -> memref<1x1x32x128xf32, #tpu.memory_space<vmem>>
      %dma_wait3A_857 = tpu.memref_squeeze %dma_wait3A_856 : memref<1x1x32x128xf32, #tpu.memory_space<vmem>> -> memref<32x128xf32, #tpu.memory_space<vmem>>
      %dma_wait3A_858 = arith.constant 0 : i32
      %dma_wait3A_859 = arith.constant 0 : i32
      %dma_wait3A_860 = tpu.memref_slice %arg5[%dma_wait3A_858, %dma_wait3A_859] : memref<32x1000000xf32, #tpu.memory_space<hbm>> -> memref<32x128xf32, #tpu.memory_space<hbm>>
      tpu.wait_dma2 semaphore(%dma_wait3A_853 : memref<!tpu.dma_semaphore, #tpu.memory_space<semaphore_mem>>) src(%dma_wait3A_860 : memref<32x128xf32, #tpu.memory_space<hbm>>) dst(%dma_wait3A_857 : memref<32x128xf32, #tpu.memory_space<vmem>>)
      %dma_wait3A_861 = arith.constant 0 : i32
      %dma_wait3A_862 = arith.constant 1 : i32
      %dma_wait3A_863 = arith.constant 0 : i32
      %dma_wait3A_864 = arith.constant 1 : i32
      %dma_wait3A_865 = arith.constant 0 : i32
      %dma_wait3A_866 = arith.constant 0 : i32
      %dma_wait3A_867 = tpu.memref_slice %arg14[%dma_wait3A_861, %dma_wait3A_862, %dma_wait3A_865, %dma_wait3A_866] : memref<2x4x32x128xf32, #tpu.memory_space<vmem>> -> memref<1x1x32x128xf32, #tpu.memory_space<vmem>>
      %dma_wait3A_868 = tpu.memref_squeeze %dma_wait3A_867 : memref<1x1x32x128xf32, #tpu.memory_space<vmem>> -> memref<32x128xf32, #tpu.memory_space<vmem>>
      %dma_wait3A_869 = arith.constant 0 : i32
      %dma_wait3A_870 = arith.constant 0 : i32
      %dma_wait3A_871 = tpu.memref_slice %arg5[%dma_wait3A_869, %dma_wait3A_870] : memref<32x1000000xf32, #tpu.memory_space<hbm>> -> memref<32x128xf32, #tpu.memory_space<hbm>>
      %dma_wait3A_872 = tpu.memref_slice %arg19[%dma_wait3A_863, %dma_wait3A_864] : memref<2x4x!tpu.dma_semaphore, #tpu.memory_space<semaphore_mem>> -> memref<1x1x!tpu.dma_semaphore, #tpu.memory_space<semaphore_mem>>
      %dma_wait3A_873 = tpu.memref_squeeze %dma_wait3A_872 : memref<1x1x!tpu.dma_semaphore, #tpu.memory_space<semaphore_mem>> -> memref<!tpu.dma_semaphore, #tpu.memory_space<semaphore_mem>>
      %dma_wait3A_874 = arith.constant 0 : i32
      %dma_wait3A_875 = arith.constant 0 : i32
      %dma_wait3A_876 = tpu.memref_slice %arg14[%dma_wait3A_861, %dma_wait3A_862, %dma_wait3A_874, %dma_wait3A_875] : memref<2x4x32x128xf32, #tpu.memory_space<vmem>> -> memref<1x1x32x128xf32, #tpu.memory_space<vmem>>
      %dma_wait3A_877 = tpu.memref_squeeze %dma_wait3A_876 : memref<1x1x32x128xf32, #tpu.memory_space<vmem>> -> memref<32x128xf32, #tpu.memory_space<vmem>>
      %dma_wait3A_878 = arith.constant 0 : i32
      %dma_wait3A_879 = arith.constant 0 : i32
      %dma_wait3A_880 = tpu.memref_slice %arg5[%dma_wait3A_878, %dma_wait3A_879] : memref<32x1000000xf32, #tpu.memory_space<hbm>> -> memref<32x128xf32, #tpu.memory_space<hbm>>
      tpu.wait_dma2 semaphore(%dma_wait3A_873 : memref<!tpu.dma_semaphore, #tpu.memory_space<semaphore_mem>>) src(%dma_wait3A_880 : memref<32x128xf32, #tpu.memory_space<hbm>>) dst(%dma_wait3A_877 : memref<32x128xf32, #tpu.memory_space<vmem>>)
      %dma_wait3A_881 = arith.constant 0 : i32
      %dma_wait3A_882 = arith.constant 1 : i32
      %dma_wait3A_883 = arith.constant 0 : i32
      %dma_wait3A_884 = arith.constant 1 : i32
      %dma_wait3A_885 = arith.constant 0 : i32
      %dma_wait3A_886 = arith.constant 0 : i32
      %dma_wait3A_887 = tpu.memref_slice %arg15[%dma_wait3A_881, %dma_wait3A_882, %dma_wait3A_885, %dma_wait3A_886] : memref<2x4x32x128xf32, #tpu.memory_space<vmem>> -> memref<1x1x32x128xf32, #tpu.memory_space<vmem>>
      %dma_wait3A_888 = tpu.memref_squeeze %dma_wait3A_887 : memref<1x1x32x128xf32, #tpu.memory_space<vmem>> -> memref<32x128xf32, #tpu.memory_space<vmem>>
      %dma_wait3A_889 = arith.constant 0 : i32
      %dma_wait3A_890 = arith.constant 0 : i32
      %dma_wait3A_891 = tpu.memref_slice %arg5[%dma_wait3A_889, %dma_wait3A_890] : memref<32x1000000xf32, #tpu.memory_space<hbm>> -> memref<32x128xf32, #tpu.memory_space<hbm>>
      %dma_wait3A_892 = tpu.memref_slice %arg19[%dma_wait3A_883, %dma_wait3A_884] : memref<2x4x!tpu.dma_semaphore, #tpu.memory_space<semaphore_mem>> -> memref<1x1x!tpu.dma_semaphore, #tpu.memory_space<semaphore_mem>>
      %dma_wait3A_893 = tpu.memref_squeeze %dma_wait3A_892 : memref<1x1x!tpu.dma_semaphore, #tpu.memory_space<semaphore_mem>> -> memref<!tpu.dma_semaphore, #tpu.memory_space<semaphore_mem>>
      %dma_wait3A_894 = arith.constant 0 : i32
      %dma_wait3A_895 = arith.constant 0 : i32
      %dma_wait3A_896 = tpu.memref_slice %arg15[%dma_wait3A_881, %dma_wait3A_882, %dma_wait3A_894, %dma_wait3A_895] : memref<2x4x32x128xf32, #tpu.memory_space<vmem>> -> memref<1x1x32x128xf32, #tpu.memory_space<vmem>>
      %dma_wait3A_897 = tpu.memref_squeeze %dma_wait3A_896 : memref<1x1x32x128xf32, #tpu.memory_space<vmem>> -> memref<32x128xf32, #tpu.memory_space<vmem>>
      %dma_wait3A_898 = arith.constant 0 : i32
      %dma_wait3A_899 = arith.constant 0 : i32
      %dma_wait3A_900 = tpu.memref_slice %arg5[%dma_wait3A_898, %dma_wait3A_899] : memref<32x1000000xf32, #tpu.memory_space<hbm>> -> memref<32x128xf32, #tpu.memory_space<hbm>>
      tpu.wait_dma2 semaphore(%dma_wait3A_893 : memref<!tpu.dma_semaphore, #tpu.memory_space<semaphore_mem>>) src(%dma_wait3A_900 : memref<32x128xf32, #tpu.memory_space<hbm>>) dst(%dma_wait3A_897 : memref<32x128xf32, #tpu.memory_space<vmem>>)
      %slice3A_901 = vector.extract_strided_slice %get3A_654 {offsets = [1], sizes = [1], strides = [1]} : vector<16xi32> to vector<1xi32>
      %squeeze3A_902 = vector.extract %slice3A_901[0] : i32 from vector<1xi32>
      %slice3A_903 = vector.extract_strided_slice %get3A_654 {offsets = [1], sizes = [1], strides = [1]} : vector<16xi32> to vector<1xi32>
      %squeeze3A_904 = vector.extract %slice3A_903[0] : i32 from vector<1xi32>
      %rem3A_905 = arith.constant 128 : i32
      %rem3A_906 = arith.remsi %squeeze3A_904, %rem3A_905 : i32
      %sub3A_907 = arith.subi %squeeze3A_904, %rem3A_906 : i32
      %min3A_908 = arith.constant 999872 : i32
      %min3A_909 = arith.minsi %sub3A_907, %min3A_908 : i32
      %multiple_of3A_910 = tpu.assume_multiple %min3A_909, 128 : i32
      %sub3A_911 = arith.subi %squeeze3A_902, %multiple_of3A_910 : i32
      %slice3A_912 = vector.extract_strided_slice %get3A_656 {offsets = [1], sizes = [1], strides = [1]} : vector<16xi32> to vector<1xi32>
      %squeeze3A_913 = vector.extract %slice3A_912[0] : i32 from vector<1xi32>
      %slice3A_914 = vector.extract_strided_slice %get3A_656 {offsets = [1], sizes = [1], strides = [1]} : vector<16xi32> to vector<1xi32>
      %squeeze3A_915 = vector.extract %slice3A_914[0] : i32 from vector<1xi32>
      %rem3A_916 = arith.constant 128 : i32
      %rem3A_917 = arith.remsi %squeeze3A_915, %rem3A_916 : i32
      %sub3A_918 = arith.subi %squeeze3A_915, %rem3A_917 : i32
      %min3A_919 = arith.constant 999872 : i32
      %min3A_920 = arith.minsi %sub3A_918, %min3A_919 : i32
      %multiple_of3A_921 = tpu.assume_multiple %min3A_920, 128 : i32
      %sub3A_922 = arith.subi %squeeze3A_913, %multiple_of3A_921 : i32
      %slice3A_923 = vector.extract_strided_slice %get3A_658 {offsets = [1], sizes = [1], strides = [1]} : vector<16xi32> to vector<1xi32>
      %squeeze3A_924 = vector.extract %slice3A_923[0] : i32 from vector<1xi32>
      %slice3A_925 = vector.extract_strided_slice %get3A_658 {offsets = [1], sizes = [1], strides = [1]} : vector<16xi32> to vector<1xi32>
      %squeeze3A_926 = vector.extract %slice3A_925[0] : i32 from vector<1xi32>
      %rem3A_927 = arith.constant 128 : i32
      %rem3A_928 = arith.remsi %squeeze3A_926, %rem3A_927 : i32
      %sub3A_929 = arith.subi %squeeze3A_926, %rem3A_928 : i32
      %min3A_930 = arith.constant 999872 : i32
      %min3A_931 = arith.minsi %sub3A_929, %min3A_930 : i32
      %multiple_of3A_932 = tpu.assume_multiple %min3A_931, 128 : i32
      %sub3A_933 = arith.subi %squeeze3A_924, %multiple_of3A_932 : i32
      %broadcast_in_dim3A_934 = arith.constant 0 : i32
      %broadcast_in_dim3A_935 = vector.broadcast %broadcast_in_dim3A_934 : i32 to vector<16xi32>
      %add3A_936 = vector.broadcast %sub3A_911 : i32 to vector<16xi32>
      %add3A_937 = arith.addi %broadcast_in_dim3A_935, %add3A_936 : vector<16xi32>
      %gather3A_938 = arith.constant 0 : i32
      %gather3A_939 = arith.constant 1 : i32
      %gather3A_940 = arith.constant 0 : i32
      %gather3A_941 = arith.constant 0 : i32
      %gather3A_942 = tpu.memref_slice %arg13[%gather3A_938, %gather3A_939, %gather3A_940, %gather3A_941] : memref<2x4x32x128xf32, #tpu.memory_space<vmem>> -> memref<1x1x32x128xf32, #tpu.memory_space<vmem>>
      %gather3A_943 = tpu.memref_squeeze %gather3A_942 : memref<1x1x32x128xf32, #tpu.memory_space<vmem>> -> memref<32x128xf32, #tpu.memory_space<vmem>>
      %gather3A_944 = tpu.vector_load_idx %gather3A_943[%iota3A, %add3A_937] : memref<32x128xf32, #tpu.memory_space<vmem>>[vector<16xi32>, vector<16xi32>], vector<16xf32>,
      %broadcast_in_dim3A_945 = arith.constant 0 : i32
      %broadcast_in_dim3A_946 = vector.broadcast %broadcast_in_dim3A_945 : i32 to vector<16xi32>
      %add3A_947 = vector.broadcast %sub3A_911 : i32 to vector<16xi32>
      %add3A_948 = arith.addi %broadcast_in_dim3A_946, %add3A_947 : vector<16xi32>
      %gather3A_949 = arith.constant 0 : i32
      %gather3A_950 = arith.constant 1 : i32
      %gather3A_951 = arith.constant 0 : i32
      %gather3A_952 = arith.constant 0 : i32
      %gather3A_953 = tpu.memref_slice %arg13[%gather3A_949, %gather3A_950, %gather3A_951, %gather3A_952] : memref<2x4x32x128xf32, #tpu.memory_space<vmem>> -> memref<1x1x32x128xf32, #tpu.memory_space<vmem>>
      %gather3A_954 = tpu.memref_squeeze %gather3A_953 : memref<1x1x32x128xf32, #tpu.memory_space<vmem>> -> memref<32x128xf32, #tpu.memory_space<vmem>>
      %gather3A_955 = tpu.vector_load_idx %gather3A_954[%add3A_5, %add3A_948] : memref<32x128xf32, #tpu.memory_space<vmem>>[vector<16xi32>, vector<16xi32>], vector<16xf32>,
      %broadcast_in_dim3A_956 = arith.constant 0 : i32
      %broadcast_in_dim3A_957 = vector.broadcast %broadcast_in_dim3A_956 : i32 to vector<16xi32>
      %add3A_958 = vector.broadcast %sub3A_922 : i32 to vector<16xi32>
      %add3A_959 = arith.addi %broadcast_in_dim3A_957, %add3A_958 : vector<16xi32>
      %gather3A_960 = arith.constant 0 : i32
      %gather3A_961 = arith.constant 1 : i32
      %gather3A_962 = arith.constant 0 : i32
      %gather3A_963 = arith.constant 0 : i32
      %gather3A_964 = tpu.memref_slice %arg14[%gather3A_960, %gather3A_961, %gather3A_962, %gather3A_963] : memref<2x4x32x128xf32, #tpu.memory_space<vmem>> -> memref<1x1x32x128xf32, #tpu.memory_space<vmem>>
      %gather3A_965 = tpu.memref_squeeze %gather3A_964 : memref<1x1x32x128xf32, #tpu.memory_space<vmem>> -> memref<32x128xf32, #tpu.memory_space<vmem>>
      %gather3A_966 = tpu.vector_load_idx %gather3A_965[%iota3A, %add3A_959] : memref<32x128xf32, #tpu.memory_space<vmem>>[vector<16xi32>, vector<16xi32>], vector<16xf32>,
      %broadcast_in_dim3A_967 = arith.constant 0 : i32
      %broadcast_in_dim3A_968 = vector.broadcast %broadcast_in_dim3A_967 : i32 to vector<16xi32>
      %add3A_969 = vector.broadcast %sub3A_922 : i32 to vector<16xi32>
      %add3A_970 = arith.addi %broadcast_in_dim3A_968, %add3A_969 : vector<16xi32>
      %gather3A_971 = arith.constant 0 : i32
      %gather3A_972 = arith.constant 1 : i32
      %gather3A_973 = arith.constant 0 : i32
      %gather3A_974 = arith.constant 0 : i32
      %gather3A_975 = tpu.memref_slice %arg14[%gather3A_971, %gather3A_972, %gather3A_973, %gather3A_974] : memref<2x4x32x128xf32, #tpu.memory_space<vmem>> -> memref<1x1x32x128xf32, #tpu.memory_space<vmem>>
      %gather3A_976 = tpu.memref_squeeze %gather3A_975 : memref<1x1x32x128xf32, #tpu.memory_space<vmem>> -> memref<32x128xf32, #tpu.memory_space<vmem>>
      %gather3A_977 = tpu.vector_load_idx %gather3A_976[%add3A_5, %add3A_970] : memref<32x128xf32, #tpu.memory_space<vmem>>[vector<16xi32>, vector<16xi32>], vector<16xf32>,
      %broadcast_in_dim3A_978 = arith.constant 0 : i32
      %broadcast_in_dim3A_979 = vector.broadcast %broadcast_in_dim3A_978 : i32 to vector<16xi32>
      %add3A_980 = vector.broadcast %sub3A_933 : i32 to vector<16xi32>
      %add3A_981 = arith.addi %broadcast_in_dim3A_979, %add3A_980 : vector<16xi32>
      %gather3A_982 = arith.constant 0 : i32
      %gather3A_983 = arith.constant 1 : i32
      %gather3A_984 = arith.constant 0 : i32
      %gather3A_985 = arith.constant 0 : i32
      %gather3A_986 = tpu.memref_slice %arg15[%gather3A_982, %gather3A_983, %gather3A_984, %gather3A_985] : memref<2x4x32x128xf32, #tpu.memory_space<vmem>> -> memref<1x1x32x128xf32, #tpu.memory_space<vmem>>
      %gather3A_987 = tpu.memref_squeeze %gather3A_986 : memref<1x1x32x128xf32, #tpu.memory_space<vmem>> -> memref<32x128xf32, #tpu.memory_space<vmem>>
      %gather3A_988 = tpu.vector_load_idx %gather3A_987[%iota3A, %add3A_981] : memref<32x128xf32, #tpu.memory_space<vmem>>[vector<16xi32>, vector<16xi32>], vector<16xf32>,
      %broadcast_in_dim3A_989 = arith.constant 0 : i32
      %broadcast_in_dim3A_990 = vector.broadcast %broadcast_in_dim3A_989 : i32 to vector<16xi32>
      %add3A_991 = vector.broadcast %sub3A_933 : i32 to vector<16xi32>
      %add3A_992 = arith.addi %broadcast_in_dim3A_990, %add3A_991 : vector<16xi32>
      %gather3A_993 = arith.constant 0 : i32
      %gather3A_994 = arith.constant 1 : i32
      %gather3A_995 = arith.constant 0 : i32
      %gather3A_996 = arith.constant 0 : i32
      %gather3A_997 = tpu.memref_slice %arg15[%gather3A_993, %gather3A_994, %gather3A_995, %gather3A_996] : memref<2x4x32x128xf32, #tpu.memory_space<vmem>> -> memref<1x1x32x128xf32, #tpu.memory_space<vmem>>
      %gather3A_998 = tpu.memref_squeeze %gather3A_997 : memref<1x1x32x128xf32, #tpu.memory_space<vmem>> -> memref<32x128xf32, #tpu.memory_space<vmem>>
      %gather3A_999 = tpu.vector_load_idx %gather3A_998[%add3A_5, %add3A_992] : memref<32x128xf32, #tpu.memory_space<vmem>>[vector<16xi32>, vector<16xi32>], vector<16xf32>,
      %mul3A_1000 = arith.mulf %gather3A_944, %gather3A_966 : vector<16xf32>
      %mul3A_1001 = arith.mulf %gather3A_955, %gather3A_977 : vector<16xf32>
      %add3A_1002 = arith.addf %mul3A_1000, %mul3A_1001 : vector<16xf32>
      %reduce_sum3A_1003 = arith.constant true
      %reduce_sum3A_1004 = vector.broadcast %reduce_sum3A_1003 : i1 to vector<16xi1>
      %reduce_sum3A_1005 = tpu.scan <sum>, %add3A_1002 masked %reduce_sum3A_1004 : vector<16xf32>, vector<16xi1> -> vector<16xf32>
      %reduce_sum3A_1006 = vector.extract %reduce_sum3A_1005[15] : f32 from vector<16xf32>
      %mul3A_1007 = arith.mulf %gather3A_944, %gather3A_988 : vector<16xf32>
      %mul3A_1008 = arith.mulf %gather3A_955, %gather3A_999 : vector<16xf32>
      %add3A_1009 = arith.addf %mul3A_1007, %mul3A_1008 : vector<16xf32>
      %reduce_sum3A_1010 = arith.constant true
      %reduce_sum3A_1011 = vector.broadcast %reduce_sum3A_1010 : i1 to vector<16xi1>
      %reduce_sum3A_1012 = tpu.scan <sum>, %add3A_1009 masked %reduce_sum3A_1011 : vector<16xf32>, vector<16xi1> -> vector<16xf32>
      %reduce_sum3A_1013 = vector.extract %reduce_sum3A_1012[15] : f32 from vector<16xf32>
      %mul3A_1014 = arith.mulf %gather3A_944, %gather3A_944 : vector<16xf32>
      %mul3A_1015 = arith.mulf %gather3A_955, %gather3A_955 : vector<16xf32>
      %add3A_1016 = arith.addf %mul3A_1014, %mul3A_1015 : vector<16xf32>
      %mul3A_1017 = arith.mulf %gather3A_966, %gather3A_966 : vector<16xf32>
      %add3A_1018 = arith.addf %add3A_1016, %mul3A_1017 : vector<16xf32>
      %mul3A_1019 = arith.mulf %gather3A_977, %gather3A_977 : vector<16xf32>
      %add3A_1020 = arith.addf %add3A_1018, %mul3A_1019 : vector<16xf32>
      %mul3A_1021 = arith.mulf %gather3A_988, %gather3A_988 : vector<16xf32>
      %add3A_1022 = arith.addf %add3A_1020, %mul3A_1021 : vector<16xf32>
      %mul3A_1023 = arith.mulf %gather3A_999, %gather3A_999 : vector<16xf32>
      %add3A_1024 = arith.addf %add3A_1022, %mul3A_1023 : vector<16xf32>
      %add3A_1025 = arith.addf %add3A_840, %add3A_1024 : vector<16xf32>
      %dma_wait3A_1026 = arith.constant 0 : i32
      %dma_wait3A_1027 = arith.constant 2 : i32
      %dma_wait3A_1028 = arith.constant 0 : i32
      %dma_wait3A_1029 = arith.constant 2 : i32
      %dma_wait3A_1030 = arith.constant 0 : i32
      %dma_wait3A_1031 = arith.constant 0 : i32
      %dma_wait3A_1032 = tpu.memref_slice %arg13[%dma_wait3A_1026, %dma_wait3A_1027, %dma_wait3A_1030, %dma_wait3A_1031] : memref<2x4x32x128xf32, #tpu.memory_space<vmem>> -> memref<1x1x32x128xf32, #tpu.memory_space<vmem>>
      %dma_wait3A_1033 = tpu.memref_squeeze %dma_wait3A_1032 : memref<1x1x32x128xf32, #tpu.memory_space<vmem>> -> memref<32x128xf32, #tpu.memory_space<vmem>>
      %dma_wait3A_1034 = arith.constant 0 : i32
      %dma_wait3A_1035 = arith.constant 0 : i32
      %dma_wait3A_1036 = tpu.memref_slice %arg5[%dma_wait3A_1034, %dma_wait3A_1035] : memref<32x1000000xf32, #tpu.memory_space<hbm>> -> memref<32x128xf32, #tpu.memory_space<hbm>>
      %dma_wait3A_1037 = tpu.memref_slice %arg19[%dma_wait3A_1028, %dma_wait3A_1029] : memref<2x4x!tpu.dma_semaphore, #tpu.memory_space<semaphore_mem>> -> memref<1x1x!tpu.dma_semaphore, #tpu.memory_space<semaphore_mem>>
      %dma_wait3A_1038 = tpu.memref_squeeze %dma_wait3A_1037 : memref<1x1x!tpu.dma_semaphore, #tpu.memory_space<semaphore_mem>> -> memref<!tpu.dma_semaphore, #tpu.memory_space<semaphore_mem>>
      %dma_wait3A_1039 = arith.constant 0 : i32
      %dma_wait3A_1040 = arith.constant 0 : i32
      %dma_wait3A_1041 = tpu.memref_slice %arg13[%dma_wait3A_1026, %dma_wait3A_1027, %dma_wait3A_1039, %dma_wait3A_1040] : memref<2x4x32x128xf32, #tpu.memory_space<vmem>> -> memref<1x1x32x128xf32, #tpu.memory_space<vmem>>
      %dma_wait3A_1042 = tpu.memref_squeeze %dma_wait3A_1041 : memref<1x1x32x128xf32, #tpu.memory_space<vmem>> -> memref<32x128xf32, #tpu.memory_space<vmem>>
      %dma_wait3A_1043 = arith.constant 0 : i32
      %dma_wait3A_1044 = arith.constant 0 : i32
      %dma_wait3A_1045 = tpu.memref_slice %arg5[%dma_wait3A_1043, %dma_wait3A_1044] : memref<32x1000000xf32, #tpu.memory_space<hbm>> -> memref<32x128xf32, #tpu.memory_space<hbm>>
      tpu.wait_dma2 semaphore(%dma_wait3A_1038 : memref<!tpu.dma_semaphore, #tpu.memory_space<semaphore_mem>>) src(%dma_wait3A_1045 : memref<32x128xf32, #tpu.memory_space<hbm>>) dst(%dma_wait3A_1042 : memref<32x128xf32, #tpu.memory_space<vmem>>)
      %dma_wait3A_1046 = arith.constant 0 : i32
      %dma_wait3A_1047 = arith.constant 2 : i32
      %dma_wait3A_1048 = arith.constant 0 : i32
      %dma_wait3A_1049 = arith.constant 2 : i32
      %dma_wait3A_1050 = arith.constant 0 : i32
      %dma_wait3A_1051 = arith.constant 0 : i32
      %dma_wait3A_1052 = tpu.memref_slice %arg14[%dma_wait3A_1046, %dma_wait3A_1047, %dma_wait3A_1050, %dma_wait3A_1051] : memref<2x4x32x128xf32, #tpu.memory_space<vmem>> -> memref<1x1x32x128xf32, #tpu.memory_space<vmem>>
      %dma_wait3A_1053 = tpu.memref_squeeze %dma_wait3A_1052 : memref<1x1x32x128xf32, #tpu.memory_space<vmem>> -> memref<32x128xf32, #tpu.memory_space<vmem>>
      %dma_wait3A_1054 = arith.constant 0 : i32
      %dma_wait3A_1055 = arith.constant 0 : i32
      %dma_wait3A_1056 = tpu.memref_slice %arg5[%dma_wait3A_1054, %dma_wait3A_1055] : memref<32x1000000xf32, #tpu.memory_space<hbm>> -> memref<32x128xf32, #tpu.memory_space<hbm>>
      %dma_wait3A_1057 = tpu.memref_slice %arg19[%dma_wait3A_1048, %dma_wait3A_1049] : memref<2x4x!tpu.dma_semaphore, #tpu.memory_space<semaphore_mem>> -> memref<1x1x!tpu.dma_semaphore, #tpu.memory_space<semaphore_mem>>
      %dma_wait3A_1058 = tpu.memref_squeeze %dma_wait3A_1057 : memref<1x1x!tpu.dma_semaphore, #tpu.memory_space<semaphore_mem>> -> memref<!tpu.dma_semaphore, #tpu.memory_space<semaphore_mem>>
      %dma_wait3A_1059 = arith.constant 0 : i32
      %dma_wait3A_1060 = arith.constant 0 : i32
      %dma_wait3A_1061 = tpu.memref_slice %arg14[%dma_wait3A_1046, %dma_wait3A_1047, %dma_wait3A_1059, %dma_wait3A_1060] : memref<2x4x32x128xf32, #tpu.memory_space<vmem>> -> memref<1x1x32x128xf32, #tpu.memory_space<vmem>>
      %dma_wait3A_1062 = tpu.memref_squeeze %dma_wait3A_1061 : memref<1x1x32x128xf32, #tpu.memory_space<vmem>> -> memref<32x128xf32, #tpu.memory_space<vmem>>
      %dma_wait3A_1063 = arith.constant 0 : i32
      %dma_wait3A_1064 = arith.constant 0 : i32
      %dma_wait3A_1065 = tpu.memref_slice %arg5[%dma_wait3A_1063, %dma_wait3A_1064] : memref<32x1000000xf32, #tpu.memory_space<hbm>> -> memref<32x128xf32, #tpu.memory_space<hbm>>
      tpu.wait_dma2 semaphore(%dma_wait3A_1058 : memref<!tpu.dma_semaphore, #tpu.memory_space<semaphore_mem>>) src(%dma_wait3A_1065 : memref<32x128xf32, #tpu.memory_space<hbm>>) dst(%dma_wait3A_1062 : memref<32x128xf32, #tpu.memory_space<vmem>>)
      %dma_wait3A_1066 = arith.constant 0 : i32
      %dma_wait3A_1067 = arith.constant 2 : i32
      %dma_wait3A_1068 = arith.constant 0 : i32
      %dma_wait3A_1069 = arith.constant 2 : i32
      %dma_wait3A_1070 = arith.constant 0 : i32
      %dma_wait3A_1071 = arith.constant 0 : i32
      %dma_wait3A_1072 = tpu.memref_slice %arg15[%dma_wait3A_1066, %dma_wait3A_1067, %dma_wait3A_1070, %dma_wait3A_1071] : memref<2x4x32x128xf32, #tpu.memory_space<vmem>> -> memref<1x1x32x128xf32, #tpu.memory_space<vmem>>
      %dma_wait3A_1073 = tpu.memref_squeeze %dma_wait3A_1072 : memref<1x1x32x128xf32, #tpu.memory_space<vmem>> -> memref<32x128xf32, #tpu.memory_space<vmem>>
      %dma_wait3A_1074 = arith.constant 0 : i32
      %dma_wait3A_1075 = arith.constant 0 : i32
      %dma_wait3A_1076 = tpu.memref_slice %arg5[%dma_wait3A_1074, %dma_wait3A_1075] : memref<32x1000000xf32, #tpu.memory_space<hbm>> -> memref<32x128xf32, #tpu.memory_space<hbm>>
      %dma_wait3A_1077 = tpu.memref_slice %arg19[%dma_wait3A_1068, %dma_wait3A_1069] : memref<2x4x!tpu.dma_semaphore, #tpu.memory_space<semaphore_mem>> -> memref<1x1x!tpu.dma_semaphore, #tpu.memory_space<semaphore_mem>>
      %dma_wait3A_1078 = tpu.memref_squeeze %dma_wait3A_1077 : memref<1x1x!tpu.dma_semaphore, #tpu.memory_space<semaphore_mem>> -> memref<!tpu.dma_semaphore, #tpu.memory_space<semaphore_mem>>
      %dma_wait3A_1079 = arith.constant 0 : i32
      %dma_wait3A_1080 = arith.constant 0 : i32
      %dma_wait3A_1081 = tpu.memref_slice %arg15[%dma_wait3A_1066, %dma_wait3A_1067, %dma_wait3A_1079, %dma_wait3A_1080] : memref<2x4x32x128xf32, #tpu.memory_space<vmem>> -> memref<1x1x32x128xf32, #tpu.memory_space<vmem>>
      %dma_wait3A_1082 = tpu.memref_squeeze %dma_wait3A_1081 : memref<1x1x32x128xf32, #tpu.memory_space<vmem>> -> memref<32x128xf32, #tpu.memory_space<vmem>>
      %dma_wait3A_1083 = arith.constant 0 : i32
      %dma_wait3A_1084 = arith.constant 0 : i32
      %dma_wait3A_1085 = tpu.memref_slice %arg5[%dma_wait3A_1083, %dma_wait3A_1084] : memref<32x1000000xf32, #tpu.memory_space<hbm>> -> memref<32x128xf32, #tpu.memory_space<hbm>>
      tpu.wait_dma2 semaphore(%dma_wait3A_1078 : memref<!tpu.dma_semaphore, #tpu.memory_space<semaphore_mem>>) src(%dma_wait3A_1085 : memref<32x128xf32, #tpu.memory_space<hbm>>) dst(%dma_wait3A_1082 : memref<32x128xf32, #tpu.memory_space<vmem>>)
      %slice3A_1086 = vector.extract_strided_slice %get3A_654 {offsets = [2], sizes = [1], strides = [1]} : vector<16xi32> to vector<1xi32>
      %squeeze3A_1087 = vector.extract %slice3A_1086[0] : i32 from vector<1xi32>
      %slice3A_1088 = vector.extract_strided_slice %get3A_654 {offsets = [2], sizes = [1], strides = [1]} : vector<16xi32> to vector<1xi32>
      %squeeze3A_1089 = vector.extract %slice3A_1088[0] : i32 from vector<1xi32>
      %rem3A_1090 = arith.constant 128 : i32
      %rem3A_1091 = arith.remsi %squeeze3A_1089, %rem3A_1090 : i32
      %sub3A_1092 = arith.subi %squeeze3A_1089, %rem3A_1091 : i32
      %min3A_1093 = arith.constant 999872 : i32
      %min3A_1094 = arith.minsi %sub3A_1092, %min3A_1093 : i32
      %multiple_of3A_1095 = tpu.assume_multiple %min3A_1094, 128 : i32
      %sub3A_1096 = arith.subi %squeeze3A_1087, %multiple_of3A_1095 : i32
      %slice3A_1097 = vector.extract_strided_slice %get3A_656 {offsets = [2], sizes = [1], strides = [1]} : vector<16xi32> to vector<1xi32>
      %squeeze3A_1098 = vector.extract %slice3A_1097[0] : i32 from vector<1xi32>
      %slice3A_1099 = vector.extract_strided_slice %get3A_656 {offsets = [2], sizes = [1], strides = [1]} : vector<16xi32> to vector<1xi32>
      %squeeze3A_1100 = vector.extract %slice3A_1099[0] : i32 from vector<1xi32>
      %rem3A_1101 = arith.constant 128 : i32
      %rem3A_1102 = arith.remsi %squeeze3A_1100, %rem3A_1101 : i32
      %sub3A_1103 = arith.subi %squeeze3A_1100, %rem3A_1102 : i32
      %min3A_1104 = arith.constant 999872 : i32
      %min3A_1105 = arith.minsi %sub3A_1103, %min3A_1104 : i32
      %multiple_of3A_1106 = tpu.assume_multiple %min3A_1105, 128 : i32
      %sub3A_1107 = arith.subi %squeeze3A_1098, %multiple_of3A_1106 : i32
      %slice3A_1108 = vector.extract_strided_slice %get3A_658 {offsets = [2], sizes = [1], strides = [1]} : vector<16xi32> to vector<1xi32>
      %squeeze3A_1109 = vector.extract %slice3A_1108[0] : i32 from vector<1xi32>
      %slice3A_1110 = vector.extract_strided_slice %get3A_658 {offsets = [2], sizes = [1], strides = [1]} : vector<16xi32> to vector<1xi32>
      %squeeze3A_1111 = vector.extract %slice3A_1110[0] : i32 from vector<1xi32>
      %rem3A_1112 = arith.constant 128 : i32
      %rem3A_1113 = arith.remsi %squeeze3A_1111, %rem3A_1112 : i32
      %sub3A_1114 = arith.subi %squeeze3A_1111, %rem3A_1113 : i32
      %min3A_1115 = arith.constant 999872 : i32
      %min3A_1116 = arith.minsi %sub3A_1114, %min3A_1115 : i32
      %multiple_of3A_1117 = tpu.assume_multiple %min3A_1116, 128 : i32
      %sub3A_1118 = arith.subi %squeeze3A_1109, %multiple_of3A_1117 : i32
      %broadcast_in_dim3A_1119 = arith.constant 0 : i32
      %broadcast_in_dim3A_1120 = vector.broadcast %broadcast_in_dim3A_1119 : i32 to vector<16xi32>
      %add3A_1121 = vector.broadcast %sub3A_1096 : i32 to vector<16xi32>
      %add3A_1122 = arith.addi %broadcast_in_dim3A_1120, %add3A_1121 : vector<16xi32>
      %gather3A_1123 = arith.constant 0 : i32
      %gather3A_1124 = arith.constant 2 : i32
      %gather3A_1125 = arith.constant 0 : i32
      %gather3A_1126 = arith.constant 0 : i32
      %gather3A_1127 = tpu.memref_slice %arg13[%gather3A_1123, %gather3A_1124, %gather3A_1125, %gather3A_1126] : memref<2x4x32x128xf32, #tpu.memory_space<vmem>> -> memref<1x1x32x128xf32, #tpu.memory_space<vmem>>
      %gather3A_1128 = tpu.memref_squeeze %gather3A_1127 : memref<1x1x32x128xf32, #tpu.memory_space<vmem>> -> memref<32x128xf32, #tpu.memory_space<vmem>>
      %gather3A_1129 = tpu.vector_load_idx %gather3A_1128[%iota3A, %add3A_1122] : memref<32x128xf32, #tpu.memory_space<vmem>>[vector<16xi32>, vector<16xi32>], vector<16xf32>,
      %broadcast_in_dim3A_1130 = arith.constant 0 : i32
      %broadcast_in_dim3A_1131 = vector.broadcast %broadcast_in_dim3A_1130 : i32 to vector<16xi32>
      %add3A_1132 = vector.broadcast %sub3A_1096 : i32 to vector<16xi32>
      %add3A_1133 = arith.addi %broadcast_in_dim3A_1131, %add3A_1132 : vector<16xi32>
      %gather3A_1134 = arith.constant 0 : i32
      %gather3A_1135 = arith.constant 2 : i32
      %gather3A_1136 = arith.constant 0 : i32
      %gather3A_1137 = arith.constant 0 : i32
      %gather3A_1138 = tpu.memref_slice %arg13[%gather3A_1134, %gather3A_1135, %gather3A_1136, %gather3A_1137] : memref<2x4x32x128xf32, #tpu.memory_space<vmem>> -> memref<1x1x32x128xf32, #tpu.memory_space<vmem>>
      %gather3A_1139 = tpu.memref_squeeze %gather3A_1138 : memref<1x1x32x128xf32, #tpu.memory_space<vmem>> -> memref<32x128xf32, #tpu.memory_space<vmem>>
      %gather3A_1140 = tpu.vector_load_idx %gather3A_1139[%add3A_5, %add3A_1133] : memref<32x128xf32, #tpu.memory_space<vmem>>[vector<16xi32>, vector<16xi32>], vector<16xf32>,
      %broadcast_in_dim3A_1141 = arith.constant 0 : i32
      %broadcast_in_dim3A_1142 = vector.broadcast %broadcast_in_dim3A_1141 : i32 to vector<16xi32>
      %add3A_1143 = vector.broadcast %sub3A_1107 : i32 to vector<16xi32>
      %add3A_1144 = arith.addi %broadcast_in_dim3A_1142, %add3A_1143 : vector<16xi32>
      %gather3A_1145 = arith.constant 0 : i32
      %gather3A_1146 = arith.constant 2 : i32
      %gather3A_1147 = arith.constant 0 : i32
      %gather3A_1148 = arith.constant 0 : i32
      %gather3A_1149 = tpu.memref_slice %arg14[%gather3A_1145, %gather3A_1146, %gather3A_1147, %gather3A_1148] : memref<2x4x32x128xf32, #tpu.memory_space<vmem>> -> memref<1x1x32x128xf32, #tpu.memory_space<vmem>>
      %gather3A_1150 = tpu.memref_squeeze %gather3A_1149 : memref<1x1x32x128xf32, #tpu.memory_space<vmem>> -> memref<32x128xf32, #tpu.memory_space<vmem>>
      %gather3A_1151 = tpu.vector_load_idx %gather3A_1150[%iota3A, %add3A_1144] : memref<32x128xf32, #tpu.memory_space<vmem>>[vector<16xi32>, vector<16xi32>], vector<16xf32>,
      %broadcast_in_dim3A_1152 = arith.constant 0 : i32
      %broadcast_in_dim3A_1153 = vector.broadcast %broadcast_in_dim3A_1152 : i32 to vector<16xi32>
      %add3A_1154 = vector.broadcast %sub3A_1107 : i32 to vector<16xi32>
      %add3A_1155 = arith.addi %broadcast_in_dim3A_1153, %add3A_1154 : vector<16xi32>
      %gather3A_1156 = arith.constant 0 : i32
      %gather3A_1157 = arith.constant 2 : i32
      %gather3A_1158 = arith.constant 0 : i32
      %gather3A_1159 = arith.constant 0 : i32
      %gather3A_1160 = tpu.memref_slice %arg14[%gather3A_1156, %gather3A_1157, %gather3A_1158, %gather3A_1159] : memref<2x4x32x128xf32, #tpu.memory_space<vmem>> -> memref<1x1x32x128xf32, #tpu.memory_space<vmem>>
      %gather3A_1161 = tpu.memref_squeeze %gather3A_1160 : memref<1x1x32x128xf32, #tpu.memory_space<vmem>> -> memref<32x128xf32, #tpu.memory_space<vmem>>
      %gather3A_1162 = tpu.vector_load_idx %gather3A_1161[%add3A_5, %add3A_1155] : memref<32x128xf32, #tpu.memory_space<vmem>>[vector<16xi32>, vector<16xi32>], vector<16xf32>,
      %broadcast_in_dim3A_1163 = arith.constant 0 : i32
      %broadcast_in_dim3A_1164 = vector.broadcast %broadcast_in_dim3A_1163 : i32 to vector<16xi32>
      %add3A_1165 = vector.broadcast %sub3A_1118 : i32 to vector<16xi32>
      %add3A_1166 = arith.addi %broadcast_in_dim3A_1164, %add3A_1165 : vector<16xi32>
      %gather3A_1167 = arith.constant 0 : i32
      %gather3A_1168 = arith.constant 2 : i32
      %gather3A_1169 = arith.constant 0 : i32
      %gather3A_1170 = arith.constant 0 : i32
      %gather3A_1171 = tpu.memref_slice %arg15[%gather3A_1167, %gather3A_1168, %gather3A_1169, %gather3A_1170] : memref<2x4x32x128xf32, #tpu.memory_space<vmem>> -> memref<1x1x32x128xf32, #tpu.memory_space<vmem>>
      %gather3A_1172 = tpu.memref_squeeze %gather3A_1171 : memref<1x1x32x128xf32, #tpu.memory_space<vmem>> -> memref<32x128xf32, #tpu.memory_space<vmem>>
      %gather3A_1173 = tpu.vector_load_idx %gather3A_1172[%iota3A, %add3A_1166] : memref<32x128xf32, #tpu.memory_space<vmem>>[vector<16xi32>, vector<16xi32>], vector<16xf32>,
      %broadcast_in_dim3A_1174 = arith.constant 0 : i32
      %broadcast_in_dim3A_1175 = vector.broadcast %broadcast_in_dim3A_1174 : i32 to vector<16xi32>
      %add3A_1176 = vector.broadcast %sub3A_1118 : i32 to vector<16xi32>
      %add3A_1177 = arith.addi %broadcast_in_dim3A_1175, %add3A_1176 : vector<16xi32>
      %gather3A_1178 = arith.constant 0 : i32
      %gather3A_1179 = arith.constant 2 : i32
      %gather3A_1180 = arith.constant 0 : i32
      %gather3A_1181 = arith.constant 0 : i32
      %gather3A_1182 = tpu.memref_slice %arg15[%gather3A_1178, %gather3A_1179, %gather3A_1180, %gather3A_1181] : memref<2x4x32x128xf32, #tpu.memory_space<vmem>> -> memref<1x1x32x128xf32, #tpu.memory_space<vmem>>
      %gather3A_1183 = tpu.memref_squeeze %gather3A_1182 : memref<1x1x32x128xf32, #tpu.memory_space<vmem>> -> memref<32x128xf32, #tpu.memory_space<vmem>>
      %gather3A_1184 = tpu.vector_load_idx %gather3A_1183[%add3A_5, %add3A_1177] : memref<32x128xf32, #tpu.memory_space<vmem>>[vector<16xi32>, vector<16xi32>], vector<16xf32>,
      %mul3A_1185 = arith.mulf %gather3A_1129, %gather3A_1151 : vector<16xf32>
      %mul3A_1186 = arith.mulf %gather3A_1140, %gather3A_1162 : vector<16xf32>
      %add3A_1187 = arith.addf %mul3A_1185, %mul3A_1186 : vector<16xf32>
      %reduce_sum3A_1188 = arith.constant true
      %reduce_sum3A_1189 = vector.broadcast %reduce_sum3A_1188 : i1 to vector<16xi1>
      %reduce_sum3A_1190 = tpu.scan <sum>, %add3A_1187 masked %reduce_sum3A_1189 : vector<16xf32>, vector<16xi1> -> vector<16xf32>
      %reduce_sum3A_1191 = vector.extract %reduce_sum3A_1190[15] : f32 from vector<16xf32>
      %mul3A_1192 = arith.mulf %gather3A_1129, %gather3A_1173 : vector<16xf32>
      %mul3A_1193 = arith.mulf %gather3A_1140, %gather3A_1184 : vector<16xf32>
      %add3A_1194 = arith.addf %mul3A_1192, %mul3A_1193 : vector<16xf32>
      %reduce_sum3A_1195 = arith.constant true
      %reduce_sum3A_1196 = vector.broadcast %reduce_sum3A_1195 : i1 to vector<16xi1>
      %reduce_sum3A_1197 = tpu.scan <sum>, %add3A_1194 masked %reduce_sum3A_1196 : vector<16xf32>, vector<16xi1> -> vector<16xf32>
      %reduce_sum3A_1198 = vector.extract %reduce_sum3A_1197[15] : f32 from vector<16xf32>
      %mul3A_1199 = arith.mulf %gather3A_1129, %gather3A_1129 : vector<16xf32>
      %mul3A_1200 = arith.mulf %gather3A_1140, %gather3A_1140 : vector<16xf32>
      %add3A_1201 = arith.addf %mul3A_1199, %mul3A_1200 : vector<16xf32>
      %mul3A_1202 = arith.mulf %gather3A_1151, %gather3A_1151 : vector<16xf32>
      %add3A_1203 = arith.addf %add3A_1201, %mul3A_1202 : vector<16xf32>
      %mul3A_1204 = arith.mulf %gather3A_1162, %gather3A_1162 : vector<16xf32>
      %add3A_1205 = arith.addf %add3A_1203, %mul3A_1204 : vector<16xf32>
      %mul3A_1206 = arith.mulf %gather3A_1173, %gather3A_1173 : vector<16xf32>
      %add3A_1207 = arith.addf %add3A_1205, %mul3A_1206 : vector<16xf32>
      %mul3A_1208 = arith.mulf %gather3A_1184, %gather3A_1184 : vector<16xf32>
      %add3A_1209 = arith.addf %add3A_1207, %mul3A_1208 : vector<16xf32>
      %add3A_1210 = arith.addf %add3A_1025, %add3A_1209 : vector<16xf32>
      %dma_wait3A_1211 = arith.constant 0 : i32
      %dma_wait3A_1212 = arith.constant 3 : i32
      %dma_wait3A_1213 = arith.constant 0 : i32
      %dma_wait3A_1214 = arith.constant 3 : i32
      %dma_wait3A_1215 = arith.constant 0 : i32
      %dma_wait3A_1216 = arith.constant 0 : i32
      %dma_wait3A_1217 = tpu.memref_slice %arg13[%dma_wait3A_1211, %dma_wait3A_1212, %dma_wait3A_1215, %dma_wait3A_1216] : memref<2x4x32x128xf32, #tpu.memory_space<vmem>> -> memref<1x1x32x128xf32, #tpu.memory_space<vmem>>
      %dma_wait3A_1218 = tpu.memref_squeeze %dma_wait3A_1217 : memref<1x1x32x128xf32, #tpu.memory_space<vmem>> -> memref<32x128xf32, #tpu.memory_space<vmem>>
      %dma_wait3A_1219 = arith.constant 0 : i32
      %dma_wait3A_1220 = arith.constant 0 : i32
      %dma_wait3A_1221 = tpu.memref_slice %arg5[%dma_wait3A_1219, %dma_wait3A_1220] : memref<32x1000000xf32, #tpu.memory_space<hbm>> -> memref<32x128xf32, #tpu.memory_space<hbm>>
      %dma_wait3A_1222 = tpu.memref_slice %arg19[%dma_wait3A_1213, %dma_wait3A_1214] : memref<2x4x!tpu.dma_semaphore, #tpu.memory_space<semaphore_mem>> -> memref<1x1x!tpu.dma_semaphore, #tpu.memory_space<semaphore_mem>>
      %dma_wait3A_1223 = tpu.memref_squeeze %dma_wait3A_1222 : memref<1x1x!tpu.dma_semaphore, #tpu.memory_space<semaphore_mem>> -> memref<!tpu.dma_semaphore, #tpu.memory_space<semaphore_mem>>
      %dma_wait3A_1224 = arith.constant 0 : i32
      %dma_wait3A_1225 = arith.constant 0 : i32
      %dma_wait3A_1226 = tpu.memref_slice %arg13[%dma_wait3A_1211, %dma_wait3A_1212, %dma_wait3A_1224, %dma_wait3A_1225] : memref<2x4x32x128xf32, #tpu.memory_space<vmem>> -> memref<1x1x32x128xf32, #tpu.memory_space<vmem>>
      %dma_wait3A_1227 = tpu.memref_squeeze %dma_wait3A_1226 : memref<1x1x32x128xf32, #tpu.memory_space<vmem>> -> memref<32x128xf32, #tpu.memory_space<vmem>>
      %dma_wait3A_1228 = arith.constant 0 : i32
      %dma_wait3A_1229 = arith.constant 0 : i32
      %dma_wait3A_1230 = tpu.memref_slice %arg5[%dma_wait3A_1228, %dma_wait3A_1229] : memref<32x1000000xf32, #tpu.memory_space<hbm>> -> memref<32x128xf32, #tpu.memory_space<hbm>>
      tpu.wait_dma2 semaphore(%dma_wait3A_1223 : memref<!tpu.dma_semaphore, #tpu.memory_space<semaphore_mem>>) src(%dma_wait3A_1230 : memref<32x128xf32, #tpu.memory_space<hbm>>) dst(%dma_wait3A_1227 : memref<32x128xf32, #tpu.memory_space<vmem>>)
      %dma_wait3A_1231 = arith.constant 0 : i32
      %dma_wait3A_1232 = arith.constant 3 : i32
      %dma_wait3A_1233 = arith.constant 0 : i32
      %dma_wait3A_1234 = arith.constant 3 : i32
      %dma_wait3A_1235 = arith.constant 0 : i32
      %dma_wait3A_1236 = arith.constant 0 : i32
      %dma_wait3A_1237 = tpu.memref_slice %arg14[%dma_wait3A_1231, %dma_wait3A_1232, %dma_wait3A_1235, %dma_wait3A_1236] : memref<2x4x32x128xf32, #tpu.memory_space<vmem>> -> memref<1x1x32x128xf32, #tpu.memory_space<vmem>>
      %dma_wait3A_1238 = tpu.memref_squeeze %dma_wait3A_1237 : memref<1x1x32x128xf32, #tpu.memory_space<vmem>> -> memref<32x128xf32, #tpu.memory_space<vmem>>
      %dma_wait3A_1239 = arith.constant 0 : i32
      %dma_wait3A_1240 = arith.constant 0 : i32
      %dma_wait3A_1241 = tpu.memref_slice %arg5[%dma_wait3A_1239, %dma_wait3A_1240] : memref<32x1000000xf32, #tpu.memory_space<hbm>> -> memref<32x128xf32, #tpu.memory_space<hbm>>
      %dma_wait3A_1242 = tpu.memref_slice %arg19[%dma_wait3A_1233, %dma_wait3A_1234] : memref<2x4x!tpu.dma_semaphore, #tpu.memory_space<semaphore_mem>> -> memref<1x1x!tpu.dma_semaphore, #tpu.memory_space<semaphore_mem>>
      %dma_wait3A_1243 = tpu.memref_squeeze %dma_wait3A_1242 : memref<1x1x!tpu.dma_semaphore, #tpu.memory_space<semaphore_mem>> -> memref<!tpu.dma_semaphore, #tpu.memory_space<semaphore_mem>>
      %dma_wait3A_1244 = arith.constant 0 : i32
      %dma_wait3A_1245 = arith.constant 0 : i32
      %dma_wait3A_1246 = tpu.memref_slice %arg14[%dma_wait3A_1231, %dma_wait3A_1232, %dma_wait3A_1244, %dma_wait3A_1245] : memref<2x4x32x128xf32, #tpu.memory_space<vmem>> -> memref<1x1x32x128xf32, #tpu.memory_space<vmem>>
      %dma_wait3A_1247 = tpu.memref_squeeze %dma_wait3A_1246 : memref<1x1x32x128xf32, #tpu.memory_space<vmem>> -> memref<32x128xf32, #tpu.memory_space<vmem>>
      %dma_wait3A_1248 = arith.constant 0 : i32
      %dma_wait3A_1249 = arith.constant 0 : i32
      %dma_wait3A_1250 = tpu.memref_slice %arg5[%dma_wait3A_1248, %dma_wait3A_1249] : memref<32x1000000xf32, #tpu.memory_space<hbm>> -> memref<32x128xf32, #tpu.memory_space<hbm>>
      tpu.wait_dma2 semaphore(%dma_wait3A_1243 : memref<!tpu.dma_semaphore, #tpu.memory_space<semaphore_mem>>) src(%dma_wait3A_1250 : memref<32x128xf32, #tpu.memory_space<hbm>>) dst(%dma_wait3A_1247 : memref<32x128xf32, #tpu.memory_space<vmem>>)
      %dma_wait3A_1251 = arith.constant 0 : i32
      %dma_wait3A_1252 = arith.constant 3 : i32
      %dma_wait3A_1253 = arith.constant 0 : i32
      %dma_wait3A_1254 = arith.constant 3 : i32
      %dma_wait3A_1255 = arith.constant 0 : i32
      %dma_wait3A_1256 = arith.constant 0 : i32
      %dma_wait3A_1257 = tpu.memref_slice %arg15[%dma_wait3A_1251, %dma_wait3A_1252, %dma_wait3A_1255, %dma_wait3A_1256] : memref<2x4x32x128xf32, #tpu.memory_space<vmem>> -> memref<1x1x32x128xf32, #tpu.memory_space<vmem>>
      %dma_wait3A_1258 = tpu.memref_squeeze %dma_wait3A_1257 : memref<1x1x32x128xf32, #tpu.memory_space<vmem>> -> memref<32x128xf32, #tpu.memory_space<vmem>>
      %dma_wait3A_1259 = arith.constant 0 : i32
      %dma_wait3A_1260 = arith.constant 0 : i32
      %dma_wait3A_1261 = tpu.memref_slice %arg5[%dma_wait3A_1259, %dma_wait3A_1260] : memref<32x1000000xf32, #tpu.memory_space<hbm>> -> memref<32x128xf32, #tpu.memory_space<hbm>>
      %dma_wait3A_1262 = tpu.memref_slice %arg19[%dma_wait3A_1253, %dma_wait3A_1254] : memref<2x4x!tpu.dma_semaphore, #tpu.memory_space<semaphore_mem>> -> memref<1x1x!tpu.dma_semaphore, #tpu.memory_space<semaphore_mem>>
      %dma_wait3A_1263 = tpu.memref_squeeze %dma_wait3A_1262 : memref<1x1x!tpu.dma_semaphore, #tpu.memory_space<semaphore_mem>> -> memref<!tpu.dma_semaphore, #tpu.memory_space<semaphore_mem>>
      %dma_wait3A_1264 = arith.constant 0 : i32
      %dma_wait3A_1265 = arith.constant 0 : i32
      %dma_wait3A_1266 = tpu.memref_slice %arg15[%dma_wait3A_1251, %dma_wait3A_1252, %dma_wait3A_1264, %dma_wait3A_1265] : memref<2x4x32x128xf32, #tpu.memory_space<vmem>> -> memref<1x1x32x128xf32, #tpu.memory_space<vmem>>
      %dma_wait3A_1267 = tpu.memref_squeeze %dma_wait3A_1266 : memref<1x1x32x128xf32, #tpu.memory_space<vmem>> -> memref<32x128xf32, #tpu.memory_space<vmem>>
      %dma_wait3A_1268 = arith.constant 0 : i32
      %dma_wait3A_1269 = arith.constant 0 : i32
      %dma_wait3A_1270 = tpu.memref_slice %arg5[%dma_wait3A_1268, %dma_wait3A_1269] : memref<32x1000000xf32, #tpu.memory_space<hbm>> -> memref<32x128xf32, #tpu.memory_space<hbm>>
      tpu.wait_dma2 semaphore(%dma_wait3A_1263 : memref<!tpu.dma_semaphore, #tpu.memory_space<semaphore_mem>>) src(%dma_wait3A_1270 : memref<32x128xf32, #tpu.memory_space<hbm>>) dst(%dma_wait3A_1267 : memref<32x128xf32, #tpu.memory_space<vmem>>)
      %slice3A_1271 = vector.extract_strided_slice %get3A_654 {offsets = [3], sizes = [1], strides = [1]} : vector<16xi32> to vector<1xi32>
      %squeeze3A_1272 = vector.extract %slice3A_1271[0] : i32 from vector<1xi32>
      %slice3A_1273 = vector.extract_strided_slice %get3A_654 {offsets = [3], sizes = [1], strides = [1]} : vector<16xi32> to vector<1xi32>
      %squeeze3A_1274 = vector.extract %slice3A_1273[0] : i32 from vector<1xi32>
      %rem3A_1275 = arith.constant 128 : i32
      %rem3A_1276 = arith.remsi %squeeze3A_1274, %rem3A_1275 : i32
      %sub3A_1277 = arith.subi %squeeze3A_1274, %rem3A_1276 : i32
      %min3A_1278 = arith.constant 999872 : i32
      %min3A_1279 = arith.minsi %sub3A_1277, %min3A_1278 : i32
      %multiple_of3A_1280 = tpu.assume_multiple %min3A_1279, 128 : i32
      %sub3A_1281 = arith.subi %squeeze3A_1272, %multiple_of3A_1280 : i32
      %slice3A_1282 = vector.extract_strided_slice %get3A_656 {offsets = [3], sizes = [1], strides = [1]} : vector<16xi32> to vector<1xi32>
      %squeeze3A_1283 = vector.extract %slice3A_1282[0] : i32 from vector<1xi32>
      %slice3A_1284 = vector.extract_strided_slice %get3A_656 {offsets = [3], sizes = [1], strides = [1]} : vector<16xi32> to vector<1xi32>
      %squeeze3A_1285 = vector.extract %slice3A_1284[0] : i32 from vector<1xi32>
      %rem3A_1286 = arith.constant 128 : i32
      %rem3A_1287 = arith.remsi %squeeze3A_1285, %rem3A_1286 : i32
      %sub3A_1288 = arith.subi %squeeze3A_1285, %rem3A_1287 : i32
      %min3A_1289 = arith.constant 999872 : i32
      %min3A_1290 = arith.minsi %sub3A_1288, %min3A_1289 : i32
      %multiple_of3A_1291 = tpu.assume_multiple %min3A_1290, 128 : i32
      %sub3A_1292 = arith.subi %squeeze3A_1283, %multiple_of3A_1291 : i32
      %slice3A_1293 = vector.extract_strided_slice %get3A_658 {offsets = [3], sizes = [1], strides = [1]} : vector<16xi32> to vector<1xi32>
      %squeeze3A_1294 = vector.extract %slice3A_1293[0] : i32 from vector<1xi32>
      %slice3A_1295 = vector.extract_strided_slice %get3A_658 {offsets = [3], sizes = [1], strides = [1]} : vector<16xi32> to vector<1xi32>
      %squeeze3A_1296 = vector.extract %slice3A_1295[0] : i32 from vector<1xi32>
      %rem3A_1297 = arith.constant 128 : i32
      %rem3A_1298 = arith.remsi %squeeze3A_1296, %rem3A_1297 : i32
      %sub3A_1299 = arith.subi %squeeze3A_1296, %rem3A_1298 : i32
      %min3A_1300 = arith.constant 999872 : i32
      %min3A_1301 = arith.minsi %sub3A_1299, %min3A_1300 : i32
      %multiple_of3A_1302 = tpu.assume_multiple %min3A_1301, 128 : i32
      %sub3A_1303 = arith.subi %squeeze3A_1294, %multiple_of3A_1302 : i32
      %broadcast_in_dim3A_1304 = arith.constant 0 : i32
      %broadcast_in_dim3A_1305 = vector.broadcast %broadcast_in_dim3A_1304 : i32 to vector<16xi32>
      %add3A_1306 = vector.broadcast %sub3A_1281 : i32 to vector<16xi32>
      %add3A_1307 = arith.addi %broadcast_in_dim3A_1305, %add3A_1306 : vector<16xi32>
      %gather3A_1308 = arith.constant 0 : i32
      %gather3A_1309 = arith.constant 3 : i32
      %gather3A_1310 = arith.constant 0 : i32
      %gather3A_1311 = arith.constant 0 : i32
      %gather3A_1312 = tpu.memref_slice %arg13[%gather3A_1308, %gather3A_1309, %gather3A_1310, %gather3A_1311] : memref<2x4x32x128xf32, #tpu.memory_space<vmem>> -> memref<1x1x32x128xf32, #tpu.memory_space<vmem>>
      %gather3A_1313 = tpu.memref_squeeze %gather3A_1312 : memref<1x1x32x128xf32, #tpu.memory_space<vmem>> -> memref<32x128xf32, #tpu.memory_space<vmem>>
      %gather3A_1314 = tpu.vector_load_idx %gather3A_1313[%iota3A, %add3A_1307] : memref<32x128xf32, #tpu.memory_space<vmem>>[vector<16xi32>, vector<16xi32>], vector<16xf32>,
      %broadcast_in_dim3A_1315 = arith.constant 0 : i32
      %broadcast_in_dim3A_1316 = vector.broadcast %broadcast_in_dim3A_1315 : i32 to vector<16xi32>
      %add3A_1317 = vector.broadcast %sub3A_1281 : i32 to vector<16xi32>
      %add3A_1318 = arith.addi %broadcast_in_dim3A_1316, %add3A_1317 : vector<16xi32>
      %gather3A_1319 = arith.constant 0 : i32
      %gather3A_1320 = arith.constant 3 : i32
      %gather3A_1321 = arith.constant 0 : i32
      %gather3A_1322 = arith.constant 0 : i32
      %gather3A_1323 = tpu.memref_slice %arg13[%gather3A_1319, %gather3A_1320, %gather3A_1321, %gather3A_1322] : memref<2x4x32x128xf32, #tpu.memory_space<vmem>> -> memref<1x1x32x128xf32, #tpu.memory_space<vmem>>
      %gather3A_1324 = tpu.memref_squeeze %gather3A_1323 : memref<1x1x32x128xf32, #tpu.memory_space<vmem>> -> memref<32x128xf32, #tpu.memory_space<vmem>>
      %gather3A_1325 = tpu.vector_load_idx %gather3A_1324[%add3A_5, %add3A_1318] : memref<32x128xf32, #tpu.memory_space<vmem>>[vector<16xi32>, vector<16xi32>], vector<16xf32>,
      %broadcast_in_dim3A_1326 = arith.constant 0 : i32
      %broadcast_in_dim3A_1327 = vector.broadcast %broadcast_in_dim3A_1326 : i32 to vector<16xi32>
      %add3A_1328 = vector.broadcast %sub3A_1292 : i32 to vector<16xi32>
      %add3A_1329 = arith.addi %broadcast_in_dim3A_1327, %add3A_1328 : vector<16xi32>
      %gather3A_1330 = arith.constant 0 : i32
      %gather3A_1331 = arith.constant 3 : i32
      %gather3A_1332 = arith.constant 0 : i32
      %gather3A_1333 = arith.constant 0 : i32
      %gather3A_1334 = tpu.memref_slice %arg14[%gather3A_1330, %gather3A_1331, %gather3A_1332, %gather3A_1333] : memref<2x4x32x128xf32, #tpu.memory_space<vmem>> -> memref<1x1x32x128xf32, #tpu.memory_space<vmem>>
      %gather3A_1335 = tpu.memref_squeeze %gather3A_1334 : memref<1x1x32x128xf32, #tpu.memory_space<vmem>> -> memref<32x128xf32, #tpu.memory_space<vmem>>
      %gather3A_1336 = tpu.vector_load_idx %gather3A_1335[%iota3A, %add3A_1329] : memref<32x128xf32, #tpu.memory_space<vmem>>[vector<16xi32>, vector<16xi32>], vector<16xf32>,
      %broadcast_in_dim3A_1337 = arith.constant 0 : i32
      %broadcast_in_dim3A_1338 = vector.broadcast %broadcast_in_dim3A_1337 : i32 to vector<16xi32>
      %add3A_1339 = vector.broadcast %sub3A_1292 : i32 to vector<16xi32>
      %add3A_1340 = arith.addi %broadcast_in_dim3A_1338, %add3A_1339 : vector<16xi32>
      %gather3A_1341 = arith.constant 0 : i32
      %gather3A_1342 = arith.constant 3 : i32
      %gather3A_1343 = arith.constant 0 : i32
      %gather3A_1344 = arith.constant 0 : i32
      %gather3A_1345 = tpu.memref_slice %arg14[%gather3A_1341, %gather3A_1342, %gather3A_1343, %gather3A_1344] : memref<2x4x32x128xf32, #tpu.memory_space<vmem>> -> memref<1x1x32x128xf32, #tpu.memory_space<vmem>>
      %gather3A_1346 = tpu.memref_squeeze %gather3A_1345 : memref<1x1x32x128xf32, #tpu.memory_space<vmem>> -> memref<32x128xf32, #tpu.memory_space<vmem>>
      %gather3A_1347 = tpu.vector_load_idx %gather3A_1346[%add3A_5, %add3A_1340] : memref<32x128xf32, #tpu.memory_space<vmem>>[vector<16xi32>, vector<16xi32>], vector<16xf32>,
      %broadcast_in_dim3A_1348 = arith.constant 0 : i32
      %broadcast_in_dim3A_1349 = vector.broadcast %broadcast_in_dim3A_1348 : i32 to vector<16xi32>
      %add3A_1350 = vector.broadcast %sub3A_1303 : i32 to vector<16xi32>
      %add3A_1351 = arith.addi %broadcast_in_dim3A_1349, %add3A_1350 : vector<16xi32>
      %gather3A_1352 = arith.constant 0 : i32
      %gather3A_1353 = arith.constant 3 : i32
      %gather3A_1354 = arith.constant 0 : i32
      %gather3A_1355 = arith.constant 0 : i32
      %gather3A_1356 = tpu.memref_slice %arg15[%gather3A_1352, %gather3A_1353, %gather3A_1354, %gather3A_1355] : memref<2x4x32x128xf32, #tpu.memory_space<vmem>> -> memref<1x1x32x128xf32, #tpu.memory_space<vmem>>
      %gather3A_1357 = tpu.memref_squeeze %gather3A_1356 : memref<1x1x32x128xf32, #tpu.memory_space<vmem>> -> memref<32x128xf32, #tpu.memory_space<vmem>>
      %gather3A_1358 = tpu.vector_load_idx %gather3A_1357[%iota3A, %add3A_1351] : memref<32x128xf32, #tpu.memory_space<vmem>>[vector<16xi32>, vector<16xi32>], vector<16xf32>,
      %broadcast_in_dim3A_1359 = arith.constant 0 : i32
      %broadcast_in_dim3A_1360 = vector.broadcast %broadcast_in_dim3A_1359 : i32 to vector<16xi32>
      %add3A_1361 = vector.broadcast %sub3A_1303 : i32 to vector<16xi32>
      %add3A_1362 = arith.addi %broadcast_in_dim3A_1360, %add3A_1361 : vector<16xi32>
      %gather3A_1363 = arith.constant 0 : i32
      %gather3A_1364 = arith.constant 3 : i32
      %gather3A_1365 = arith.constant 0 : i32
      %gather3A_1366 = arith.constant 0 : i32
      %gather3A_1367 = tpu.memref_slice %arg15[%gather3A_1363, %gather3A_1364, %gather3A_1365, %gather3A_1366] : memref<2x4x32x128xf32, #tpu.memory_space<vmem>> -> memref<1x1x32x128xf32, #tpu.memory_space<vmem>>
      %gather3A_1368 = tpu.memref_squeeze %gather3A_1367 : memref<1x1x32x128xf32, #tpu.memory_space<vmem>> -> memref<32x128xf32, #tpu.memory_space<vmem>>
      %gather3A_1369 = tpu.vector_load_idx %gather3A_1368[%add3A_5, %add3A_1362] : memref<32x128xf32, #tpu.memory_space<vmem>>[vector<16xi32>, vector<16xi32>], vector<16xf32>,
      %mul3A_1370 = arith.mulf %gather3A_1314, %gather3A_1336 : vector<16xf32>
      %mul3A_1371 = arith.mulf %gather3A_1325, %gather3A_1347 : vector<16xf32>
      %add3A_1372 = arith.addf %mul3A_1370, %mul3A_1371 : vector<16xf32>
      %reduce_sum3A_1373 = arith.constant true
      %reduce_sum3A_1374 = vector.broadcast %reduce_sum3A_1373 : i1 to vector<16xi1>
      %reduce_sum3A_1375 = tpu.scan <sum>, %add3A_1372 masked %reduce_sum3A_1374 : vector<16xf32>, vector<16xi1> -> vector<16xf32>
      %reduce_sum3A_1376 = vector.extract %reduce_sum3A_1375[15] : f32 from vector<16xf32>
      %mul3A_1377 = arith.mulf %gather3A_1314, %gather3A_1358 : vector<16xf32>
      %mul3A_1378 = arith.mulf %gather3A_1325, %gather3A_1369 : vector<16xf32>
      %add3A_1379 = arith.addf %mul3A_1377, %mul3A_1378 : vector<16xf32>
      %reduce_sum3A_1380 = arith.constant true
      %reduce_sum3A_1381 = vector.broadcast %reduce_sum3A_1380 : i1 to vector<16xi1>
      %reduce_sum3A_1382 = tpu.scan <sum>, %add3A_1379 masked %reduce_sum3A_1381 : vector<16xf32>, vector<16xi1> -> vector<16xf32>
      %reduce_sum3A_1383 = vector.extract %reduce_sum3A_1382[15] : f32 from vector<16xf32>
      %mul3A_1384 = arith.mulf %gather3A_1314, %gather3A_1314 : vector<16xf32>
      %mul3A_1385 = arith.mulf %gather3A_1325, %gather3A_1325 : vector<16xf32>
      %add3A_1386 = arith.addf %mul3A_1384, %mul3A_1385 : vector<16xf32>
      %mul3A_1387 = arith.mulf %gather3A_1336, %gather3A_1336 : vector<16xf32>
      %add3A_1388 = arith.addf %add3A_1386, %mul3A_1387 : vector<16xf32>
      %mul3A_1389 = arith.mulf %gather3A_1347, %gather3A_1347 : vector<16xf32>
      %add3A_1390 = arith.addf %add3A_1388, %mul3A_1389 : vector<16xf32>
      %mul3A_1391 = arith.mulf %gather3A_1358, %gather3A_1358 : vector<16xf32>
      %add3A_1392 = arith.addf %add3A_1390, %mul3A_1391 : vector<16xf32>
      %mul3A_1393 = arith.mulf %gather3A_1369, %gather3A_1369 : vector<16xf32>
      %add3A_1394 = arith.addf %add3A_1392, %mul3A_1393 : vector<16xf32>
      %add3A_1395 = arith.addf %add3A_1210, %add3A_1394 : vector<16xf32>
      %eq3A = arith.constant 2 : i32
      %eq3A_1396 = vector.broadcast %eq3A : i32 to vector<16xi32>
      %eq3A_1397 = arith.cmpi eq, %iota3A, %eq3A_1396 : vector<16xi32>
      %broadcast_in_dim3A_1398 = vector.broadcast %reduce_sum3A_1191 : f32 to vector<16xf32>
      %broadcast_in_dim3A_1399 = vector.broadcast %reduce_sum3A_1376 : f32 to vector<16xf32>
      %select_n3A = arith.select %eq3A_1397, %broadcast_in_dim3A_1398, %broadcast_in_dim3A_1399 : vector<16xi1>, vector<16xf32>
      %eq3A_1400 = arith.constant 2 : i32
      %eq3A_1401 = vector.broadcast %eq3A_1400 : i32 to vector<16xi32>
      %eq3A_1402 = arith.cmpi eq, %iota3A, %eq3A_1401 : vector<16xi32>
      %broadcast_in_dim3A_1403 = vector.broadcast %reduce_sum3A_1198 : f32 to vector<16xf32>
      %broadcast_in_dim3A_1404 = vector.broadcast %reduce_sum3A_1383 : f32 to vector<16xf32>
      %select_n3A_1405 = arith.select %eq3A_1402, %broadcast_in_dim3A_1403, %broadcast_in_dim3A_1404 : vector<16xi1>, vector<16xf32>
      %eq3A_1406 = arith.constant 1 : i32
      %eq3A_1407 = vector.broadcast %eq3A_1406 : i32 to vector<16xi32>
      %eq3A_1408 = arith.cmpi eq, %iota3A, %eq3A_1407 : vector<16xi32>
      %broadcast_in_dim3A_1409 = vector.broadcast %reduce_sum3A_1006 : f32 to vector<16xf32>
      %select_n3A_1410 = arith.select %eq3A_1408, %broadcast_in_dim3A_1409, %select_n3A : vector<16xi1>, vector<16xf32>
      %eq3A_1411 = arith.constant 1 : i32
      %eq3A_1412 = vector.broadcast %eq3A_1411 : i32 to vector<16xi32>
      %eq3A_1413 = arith.cmpi eq, %iota3A, %eq3A_1412 : vector<16xi32>
      %broadcast_in_dim3A_1414 = vector.broadcast %reduce_sum3A_1013 : f32 to vector<16xf32>
      %select_n3A_1415 = arith.select %eq3A_1413, %broadcast_in_dim3A_1414, %select_n3A_1405 : vector<16xi1>, vector<16xf32>
      %eq3A_1416 = arith.constant 0 : i32
      %eq3A_1417 = vector.broadcast %eq3A_1416 : i32 to vector<16xi32>
      %eq3A_1418 = arith.cmpi eq, %iota3A, %eq3A_1417 : vector<16xi32>
      %broadcast_in_dim3A_1419 = vector.broadcast %reduce_sum3A_821 : f32 to vector<16xf32>
      %select_n3A_1420 = arith.select %eq3A_1418, %broadcast_in_dim3A_1419, %select_n3A_1410 : vector<16xi1>, vector<16xf32>
      %eq3A_1421 = arith.constant 0 : i32
      %eq3A_1422 = vector.broadcast %eq3A_1421 : i32 to vector<16xi32>
      %eq3A_1423 = arith.cmpi eq, %iota3A, %eq3A_1422 : vector<16xi32>
      %broadcast_in_dim3A_1424 = vector.broadcast %reduce_sum3A_828 : f32 to vector<16xf32>
      %select_n3A_1425 = arith.select %eq3A_1423, %broadcast_in_dim3A_1424, %select_n3A_1415 : vector<16xi1>, vector<16xf32>
      %lt3A = arith.constant 4 : i32
      %lt3A_1426 = vector.broadcast %lt3A : i32 to vector<16xi32>
      %lt3A_1427 = arith.cmpi slt, %iota3A, %lt3A_1426 : vector<16xi32>
      %add3A_1428 = vector.broadcast %mul3A_652 : i32 to vector<16xi32>
      %add3A_1429 = arith.addi %add3A_1428, %iota3A : vector<16xi32>
      tpu.vector_store_idx %arg16[%add3A_1429], %select_n3A_1420 masked %lt3A_1427 : memref<512xf32, #tpu.memory_space<vmem>>[vector<16xi32>], vector<16xf32>, vector<16xi1>
      %add3A_1430 = vector.broadcast %mul3A_652 : i32 to vector<16xi32>
      %add3A_1431 = arith.addi %add3A_1430, %iota3A : vector<16xi32>
      tpu.vector_store_idx %arg17[%add3A_1431], %select_n3A_1425 masked %lt3A_1427 : memref<512xf32, #tpu.memory_space<vmem>>[vector<16xi32>], vector<16xf32>, vector<16xi1>
      %lt3A_1432 = arith.constant 63 : i32
      %lt3A_1433 = arith.cmpi slt, %scan3A_323, %lt3A_1432 : i32
      %convert_element_type3A = arith.extui %lt3A_1433 : i1 to i32
      %cond3A = arith.constant 0 : i32
      %cond3A_1434 = arith.cmpi ne, %convert_element_type3A, %cond3A : i32
      scf.if %cond3A_1434 {
        %mul3A_2226 = arith.constant 2 : i32
        %mul3A_2227 = arith.muli %mul3A_2226, %scan3A_323 : i32
        %add3A_2228 = arith.constant 2 : i32
        %add3A_2229 = arith.addi %mul3A_2227, %add3A_2228 : i32
        %mul3A_2230 = arith.constant 4 : i32
        %mul3A_2231 = arith.muli %add3A_2229, %mul3A_2230 : i32
        %get3A_2232 = arith.index_cast %mul3A_2231 : i32 to index
        %get3A_2233 = tpu.vector_load %arg10[%get3A_2232] {strides = array<i32>} : memref<528xi32, #tpu.memory_space<vmem>>, vector<16xi32>,
        %get3A_2234 = arith.index_cast %mul3A_2231 : i32 to index
        %get3A_2235 = tpu.vector_load %arg11[%get3A_2234] {strides = array<i32>} : memref<528xi32, #tpu.memory_space<vmem>>, vector<16xi32>,
        %get3A_2236 = arith.index_cast %mul3A_2231 : i32 to index
        %get3A_2237 = tpu.vector_load %arg12[%get3A_2236] {strides = array<i32>} : memref<528xi32, #tpu.memory_space<vmem>>, vector<16xi32>,
        %slice3A_2238 = vector.extract_strided_slice %get3A_2233 {offsets = [0], sizes = [1], strides = [1]} : vector<16xi32> to vector<1xi32>
        %squeeze3A_2239 = vector.extract %slice3A_2238[0] : i32 from vector<1xi32>
        %rem3A_2240 = arith.constant 128 : i32
        %rem3A_2241 = arith.remsi %squeeze3A_2239, %rem3A_2240 : i32
        %sub3A_2242 = arith.subi %squeeze3A_2239, %rem3A_2241 : i32
        %min3A_2243 = arith.constant 999872 : i32
        %min3A_2244 = arith.minsi %sub3A_2242, %min3A_2243 : i32
        %multiple_of3A_2245 = tpu.assume_multiple %min3A_2244, 128 : i32
        %dma_start3A_2246 = arith.constant 0 : i32
        %dma_start3A_2247 = arith.constant 0 : i32
        %dma_start3A_2248 = arith.constant 0 : i32
        %dma_start3A_2249 = arith.constant 0 : i32
        %dma_start3A_2250 = arith.constant 0 : i32
        %dma_start3A_2251 = arith.constant 0 : i32
        %dma_start3A_2252 = tpu.memref_slice %arg13[%dma_start3A_2246, %dma_start3A_2247, %dma_start3A_2250, %dma_start3A_2251] : memref<2x4x32x128xf32, #tpu.memory_space<vmem>> -> memref<1x1x32x128xf32, #tpu.memory_space<vmem>>
        %dma_start3A_2253 = tpu.memref_squeeze %dma_start3A_2252 : memref<1x1x32x128xf32, #tpu.memory_space<vmem>> -> memref<32x128xf32, #tpu.memory_space<vmem>>
        %dma_start3A_2254 = arith.constant 0 : i32
        %dma_start3A_2255 = tpu.memref_slice %arg5[%dma_start3A_2254, %multiple_of3A_2245] : memref<32x1000000xf32, #tpu.memory_space<hbm>> -> memref<32x128xf32, #tpu.memory_space<hbm>>
        %dma_start3A_2256 = tpu.memref_slice %arg19[%dma_start3A_2248, %dma_start3A_2249] : memref<2x4x!tpu.dma_semaphore, #tpu.memory_space<semaphore_mem>> -> memref<1x1x!tpu.dma_semaphore, #tpu.memory_space<semaphore_mem>>
        %dma_start3A_2257 = tpu.memref_squeeze %dma_start3A_2256 : memref<1x1x!tpu.dma_semaphore, #tpu.memory_space<semaphore_mem>> -> memref<!tpu.dma_semaphore, #tpu.memory_space<semaphore_mem>>
        %dma_start3A_2258 = arith.constant 0 : i32
        %dma_start3A_2259 = arith.constant 0 : i32
        %dma_start3A_2260 = tpu.memref_slice %arg13[%dma_start3A_2246, %dma_start3A_2247, %dma_start3A_2258, %dma_start3A_2259] : memref<2x4x32x128xf32, #tpu.memory_space<vmem>> -> memref<1x1x32x128xf32, #tpu.memory_space<vmem>>
        %dma_start3A_2261 = tpu.memref_squeeze %dma_start3A_2260 : memref<1x1x32x128xf32, #tpu.memory_space<vmem>> -> memref<32x128xf32, #tpu.memory_space<vmem>>
        %dma_start3A_2262 = arith.constant 0 : i32
        %dma_start3A_2263 = tpu.memref_slice %arg5[%dma_start3A_2262, %multiple_of3A_2245] : memref<32x1000000xf32, #tpu.memory_space<hbm>> -> memref<32x128xf32, #tpu.memory_space<hbm>>
        tpu.enqueue_dma source(%dma_start3A_2263 : memref<32x128xf32, #tpu.memory_space<hbm>>) target(%dma_start3A_2261 : memref<32x128xf32, #tpu.memory_space<vmem>>) target_semaphore(%dma_start3A_2257 : memref<!tpu.dma_semaphore, #tpu.memory_space<semaphore_mem>>)
        %slice3A_2264 = vector.extract_strided_slice %get3A_2235 {offsets = [0], sizes = [1], strides = [1]} : vector<16xi32> to vector<1xi32>
        %squeeze3A_2265 = vector.extract %slice3A_2264[0] : i32 from vector<1xi32>
        %rem3A_2266 = arith.constant 128 : i32
        %rem3A_2267 = arith.remsi %squeeze3A_2265, %rem3A_2266 : i32
        %sub3A_2268 = arith.subi %squeeze3A_2265, %rem3A_2267 : i32
        %min3A_2269 = arith.constant 999872 : i32
        %min3A_2270 = arith.minsi %sub3A_2268, %min3A_2269 : i32
        %multiple_of3A_2271 = tpu.assume_multiple %min3A_2270, 128 : i32
        %dma_start3A_2272 = arith.constant 0 : i32
        %dma_start3A_2273 = arith.constant 0 : i32
        %dma_start3A_2274 = arith.constant 0 : i32
        %dma_start3A_2275 = arith.constant 0 : i32
        %dma_start3A_2276 = arith.constant 0 : i32
        %dma_start3A_2277 = arith.constant 0 : i32
        %dma_start3A_2278 = tpu.memref_slice %arg14[%dma_start3A_2272, %dma_start3A_2273, %dma_start3A_2276, %dma_start3A_2277] : memref<2x4x32x128xf32, #tpu.memory_space<vmem>> -> memref<1x1x32x128xf32, #tpu.memory_space<vmem>>
        %dma_start3A_2279 = tpu.memref_squeeze %dma_start3A_2278 : memref<1x1x32x128xf32, #tpu.memory_space<vmem>> -> memref<32x128xf32, #tpu.memory_space<vmem>>
        %dma_start3A_2280 = arith.constant 0 : i32
        %dma_start3A_2281 = tpu.memref_slice %arg6[%dma_start3A_2280, %multiple_of3A_2271] : memref<32x1000000xf32, #tpu.memory_space<hbm>> -> memref<32x128xf32, #tpu.memory_space<hbm>>
        %dma_start3A_2282 = tpu.memref_slice %arg19[%dma_start3A_2274, %dma_start3A_2275] : memref<2x4x!tpu.dma_semaphore, #tpu.memory_space<semaphore_mem>> -> memref<1x1x!tpu.dma_semaphore, #tpu.memory_space<semaphore_mem>>
        %dma_start3A_2283 = tpu.memref_squeeze %dma_start3A_2282 : memref<1x1x!tpu.dma_semaphore, #tpu.memory_space<semaphore_mem>> -> memref<!tpu.dma_semaphore, #tpu.memory_space<semaphore_mem>>
        %dma_start3A_2284 = arith.constant 0 : i32
        %dma_start3A_2285 = arith.constant 0 : i32
        %dma_start3A_2286 = tpu.memref_slice %arg14[%dma_start3A_2272, %dma_start3A_2273, %dma_start3A_2284, %dma_start3A_2285] : memref<2x4x32x128xf32, #tpu.memory_space<vmem>> -> memref<1x1x32x128xf32, #tpu.memory_space<vmem>>
        %dma_start3A_2287 = tpu.memref_squeeze %dma_start3A_2286 : memref<1x1x32x128xf32, #tpu.memory_space<vmem>> -> memref<32x128xf32, #tpu.memory_space<vmem>>
        %dma_start3A_2288 = arith.constant 0 : i32
        %dma_start3A_2289 = tpu.memref_slice %arg6[%dma_start3A_2288, %multiple_of3A_2271] : memref<32x1000000xf32, #tpu.memory_space<hbm>> -> memref<32x128xf32, #tpu.memory_space<hbm>>
        tpu.enqueue_dma source(%dma_start3A_2289 : memref<32x128xf32, #tpu.memory_space<hbm>>) target(%dma_start3A_2287 : memref<32x128xf32, #tpu.memory_space<vmem>>) target_semaphore(%dma_start3A_2283 : memref<!tpu.dma_semaphore, #tpu.memory_space<semaphore_mem>>)
        %slice3A_2290 = vector.extract_strided_slice %get3A_2237 {offsets = [0], sizes = [1], strides = [1]} : vector<16xi32> to vector<1xi32>
        %squeeze3A_2291 = vector.extract %slice3A_2290[0] : i32 from vector<1xi32>
        %rem3A_2292 = arith.constant 128 : i32
        %rem3A_2293 = arith.remsi %squeeze3A_2291, %rem3A_2292 : i32
        %sub3A_2294 = arith.subi %squeeze3A_2291, %rem3A_2293 : i32
        %min3A_2295 = arith.constant 999872 : i32
        %min3A_2296 = arith.minsi %sub3A_2294, %min3A_2295 : i32
        %multiple_of3A_2297 = tpu.assume_multiple %min3A_2296, 128 : i32
        %dma_start3A_2298 = arith.constant 0 : i32
        %dma_start3A_2299 = arith.constant 0 : i32
        %dma_start3A_2300 = arith.constant 0 : i32
        %dma_start3A_2301 = arith.constant 0 : i32
        %dma_start3A_2302 = arith.constant 0 : i32
        %dma_start3A_2303 = arith.constant 0 : i32
        %dma_start3A_2304 = tpu.memref_slice %arg15[%dma_start3A_2298, %dma_start3A_2299, %dma_start3A_2302, %dma_start3A_2303] : memref<2x4x32x128xf32, #tpu.memory_space<vmem>> -> memref<1x1x32x128xf32, #tpu.memory_space<vmem>>
        %dma_start3A_2305 = tpu.memref_squeeze %dma_start3A_2304 : memref<1x1x32x128xf32, #tpu.memory_space<vmem>> -> memref<32x128xf32, #tpu.memory_space<vmem>>
        %dma_start3A_2306 = arith.constant 0 : i32
        %dma_start3A_2307 = tpu.memref_slice %arg6[%dma_start3A_2306, %multiple_of3A_2297] : memref<32x1000000xf32, #tpu.memory_space<hbm>> -> memref<32x128xf32, #tpu.memory_space<hbm>>
        %dma_start3A_2308 = tpu.memref_slice %arg19[%dma_start3A_2300, %dma_start3A_2301] : memref<2x4x!tpu.dma_semaphore, #tpu.memory_space<semaphore_mem>> -> memref<1x1x!tpu.dma_semaphore, #tpu.memory_space<semaphore_mem>>
        %dma_start3A_2309 = tpu.memref_squeeze %dma_start3A_2308 : memref<1x1x!tpu.dma_semaphore, #tpu.memory_space<semaphore_mem>> -> memref<!tpu.dma_semaphore, #tpu.memory_space<semaphore_mem>>
        %dma_start3A_2310 = arith.constant 0 : i32
        %dma_start3A_2311 = arith.constant 0 : i32
        %dma_start3A_2312 = tpu.memref_slice %arg15[%dma_start3A_2298, %dma_start3A_2299, %dma_start3A_2310, %dma_start3A_2311] : memref<2x4x32x128xf32, #tpu.memory_space<vmem>> -> memref<1x1x32x128xf32, #tpu.memory_space<vmem>>
        %dma_start3A_2313 = tpu.memref_squeeze %dma_start3A_2312 : memref<1x1x32x128xf32, #tpu.memory_space<vmem>> -> memref<32x128xf32, #tpu.memory_space<vmem>>
        %dma_start3A_2314 = arith.constant 0 : i32
        %dma_start3A_2315 = tpu.memref_slice %arg6[%dma_start3A_2314, %multiple_of3A_2297] : memref<32x1000000xf32, #tpu.memory_space<hbm>> -> memref<32x128xf32, #tpu.memory_space<hbm>>
        tpu.enqueue_dma source(%dma_start3A_2315 : memref<32x128xf32, #tpu.memory_space<hbm>>) target(%dma_start3A_2313 : memref<32x128xf32, #tpu.memory_space<vmem>>) target_semaphore(%dma_start3A_2309 : memref<!tpu.dma_semaphore, #tpu.memory_space<semaphore_mem>>)
        %slice3A_2316 = vector.extract_strided_slice %get3A_2233 {offsets = [1], sizes = [1], strides = [1]} : vector<16xi32> to vector<1xi32>
        %squeeze3A_2317 = vector.extract %slice3A_2316[0] : i32 from vector<1xi32>
        %rem3A_2318 = arith.constant 128 : i32
        %rem3A_2319 = arith.remsi %squeeze3A_2317, %rem3A_2318 : i32
        %sub3A_2320 = arith.subi %squeeze3A_2317, %rem3A_2319 : i32
        %min3A_2321 = arith.constant 999872 : i32
        %min3A_2322 = arith.minsi %sub3A_2320, %min3A_2321 : i32
        %multiple_of3A_2323 = tpu.assume_multiple %min3A_2322, 128 : i32
        %dma_start3A_2324 = arith.constant 0 : i32
        %dma_start3A_2325 = arith.constant 1 : i32
        %dma_start3A_2326 = arith.constant 0 : i32
        %dma_start3A_2327 = arith.constant 1 : i32
        %dma_start3A_2328 = arith.constant 0 : i32
        %dma_start3A_2329 = arith.constant 0 : i32
        %dma_start3A_2330 = tpu.memref_slice %arg13[%dma_start3A_2324, %dma_start3A_2325, %dma_start3A_2328, %dma_start3A_2329] : memref<2x4x32x128xf32, #tpu.memory_space<vmem>> -> memref<1x1x32x128xf32, #tpu.memory_space<vmem>>
        %dma_start3A_2331 = tpu.memref_squeeze %dma_start3A_2330 : memref<1x1x32x128xf32, #tpu.memory_space<vmem>> -> memref<32x128xf32, #tpu.memory_space<vmem>>
        %dma_start3A_2332 = arith.constant 0 : i32
        %dma_start3A_2333 = tpu.memref_slice %arg5[%dma_start3A_2332, %multiple_of3A_2323] : memref<32x1000000xf32, #tpu.memory_space<hbm>> -> memref<32x128xf32, #tpu.memory_space<hbm>>
        %dma_start3A_2334 = tpu.memref_slice %arg19[%dma_start3A_2326, %dma_start3A_2327] : memref<2x4x!tpu.dma_semaphore, #tpu.memory_space<semaphore_mem>> -> memref<1x1x!tpu.dma_semaphore, #tpu.memory_space<semaphore_mem>>
        %dma_start3A_2335 = tpu.memref_squeeze %dma_start3A_2334 : memref<1x1x!tpu.dma_semaphore, #tpu.memory_space<semaphore_mem>> -> memref<!tpu.dma_semaphore, #tpu.memory_space<semaphore_mem>>
        %dma_start3A_2336 = arith.constant 0 : i32
        %dma_start3A_2337 = arith.constant 0 : i32
        %dma_start3A_2338 = tpu.memref_slice %arg13[%dma_start3A_2324, %dma_start3A_2325, %dma_start3A_2336, %dma_start3A_2337] : memref<2x4x32x128xf32, #tpu.memory_space<vmem>> -> memref<1x1x32x128xf32, #tpu.memory_space<vmem>>
        %dma_start3A_2339 = tpu.memref_squeeze %dma_start3A_2338 : memref<1x1x32x128xf32, #tpu.memory_space<vmem>> -> memref<32x128xf32, #tpu.memory_space<vmem>>
        %dma_start3A_2340 = arith.constant 0 : i32
        %dma_start3A_2341 = tpu.memref_slice %arg5[%dma_start3A_2340, %multiple_of3A_2323] : memref<32x1000000xf32, #tpu.memory_space<hbm>> -> memref<32x128xf32, #tpu.memory_space<hbm>>
        tpu.enqueue_dma source(%dma_start3A_2341 : memref<32x128xf32, #tpu.memory_space<hbm>>) target(%dma_start3A_2339 : memref<32x128xf32, #tpu.memory_space<vmem>>) target_semaphore(%dma_start3A_2335 : memref<!tpu.dma_semaphore, #tpu.memory_space<semaphore_mem>>)
        %slice3A_2342 = vector.extract_strided_slice %get3A_2235 {offsets = [1], sizes = [1], strides = [1]} : vector<16xi32> to vector<1xi32>
        %squeeze3A_2343 = vector.extract %slice3A_2342[0] : i32 from vector<1xi32>
        %rem3A_2344 = arith.constant 128 : i32
        %rem3A_2345 = arith.remsi %squeeze3A_2343, %rem3A_2344 : i32
        %sub3A_2346 = arith.subi %squeeze3A_2343, %rem3A_2345 : i32
        %min3A_2347 = arith.constant 999872 : i32
        %min3A_2348 = arith.minsi %sub3A_2346, %min3A_2347 : i32
        %multiple_of3A_2349 = tpu.assume_multiple %min3A_2348, 128 : i32
        %dma_start3A_2350 = arith.constant 0 : i32
        %dma_start3A_2351 = arith.constant 1 : i32
        %dma_start3A_2352 = arith.constant 0 : i32
        %dma_start3A_2353 = arith.constant 1 : i32
        %dma_start3A_2354 = arith.constant 0 : i32
        %dma_start3A_2355 = arith.constant 0 : i32
        %dma_start3A_2356 = tpu.memref_slice %arg14[%dma_start3A_2350, %dma_start3A_2351, %dma_start3A_2354, %dma_start3A_2355] : memref<2x4x32x128xf32, #tpu.memory_space<vmem>> -> memref<1x1x32x128xf32, #tpu.memory_space<vmem>>
        %dma_start3A_2357 = tpu.memref_squeeze %dma_start3A_2356 : memref<1x1x32x128xf32, #tpu.memory_space<vmem>> -> memref<32x128xf32, #tpu.memory_space<vmem>>
        %dma_start3A_2358 = arith.constant 0 : i32
        %dma_start3A_2359 = tpu.memref_slice %arg6[%dma_start3A_2358, %multiple_of3A_2349] : memref<32x1000000xf32, #tpu.memory_space<hbm>> -> memref<32x128xf32, #tpu.memory_space<hbm>>
        %dma_start3A_2360 = tpu.memref_slice %arg19[%dma_start3A_2352, %dma_start3A_2353] : memref<2x4x!tpu.dma_semaphore, #tpu.memory_space<semaphore_mem>> -> memref<1x1x!tpu.dma_semaphore, #tpu.memory_space<semaphore_mem>>
        %dma_start3A_2361 = tpu.memref_squeeze %dma_start3A_2360 : memref<1x1x!tpu.dma_semaphore, #tpu.memory_space<semaphore_mem>> -> memref<!tpu.dma_semaphore, #tpu.memory_space<semaphore_mem>>
        %dma_start3A_2362 = arith.constant 0 : i32
        %dma_start3A_2363 = arith.constant 0 : i32
        %dma_start3A_2364 = tpu.memref_slice %arg14[%dma_start3A_2350, %dma_start3A_2351, %dma_start3A_2362, %dma_start3A_2363] : memref<2x4x32x128xf32, #tpu.memory_space<vmem>> -> memref<1x1x32x128xf32, #tpu.memory_space<vmem>>
        %dma_start3A_2365 = tpu.memref_squeeze %dma_start3A_2364 : memref<1x1x32x128xf32, #tpu.memory_space<vmem>> -> memref<32x128xf32, #tpu.memory_space<vmem>>
        %dma_start3A_2366 = arith.constant 0 : i32
        %dma_start3A_2367 = tpu.memref_slice %arg6[%dma_start3A_2366, %multiple_of3A_2349] : memref<32x1000000xf32, #tpu.memory_space<hbm>> -> memref<32x128xf32, #tpu.memory_space<hbm>>
        tpu.enqueue_dma source(%dma_start3A_2367 : memref<32x128xf32, #tpu.memory_space<hbm>>) target(%dma_start3A_2365 : memref<32x128xf32, #tpu.memory_space<vmem>>) target_semaphore(%dma_start3A_2361 : memref<!tpu.dma_semaphore, #tpu.memory_space<semaphore_mem>>)
        %slice3A_2368 = vector.extract_strided_slice %get3A_2237 {offsets = [1], sizes = [1], strides = [1]} : vector<16xi32> to vector<1xi32>
        %squeeze3A_2369 = vector.extract %slice3A_2368[0] : i32 from vector<1xi32>
        %rem3A_2370 = arith.constant 128 : i32
        %rem3A_2371 = arith.remsi %squeeze3A_2369, %rem3A_2370 : i32
        %sub3A_2372 = arith.subi %squeeze3A_2369, %rem3A_2371 : i32
        %min3A_2373 = arith.constant 999872 : i32
        %min3A_2374 = arith.minsi %sub3A_2372, %min3A_2373 : i32
        %multiple_of3A_2375 = tpu.assume_multiple %min3A_2374, 128 : i32
        %dma_start3A_2376 = arith.constant 0 : i32
        %dma_start3A_2377 = arith.constant 1 : i32
        %dma_start3A_2378 = arith.constant 0 : i32
        %dma_start3A_2379 = arith.constant 1 : i32
        %dma_start3A_2380 = arith.constant 0 : i32
        %dma_start3A_2381 = arith.constant 0 : i32
        %dma_start3A_2382 = tpu.memref_slice %arg15[%dma_start3A_2376, %dma_start3A_2377, %dma_start3A_2380, %dma_start3A_2381] : memref<2x4x32x128xf32, #tpu.memory_space<vmem>> -> memref<1x1x32x128xf32, #tpu.memory_space<vmem>>
        %dma_start3A_2383 = tpu.memref_squeeze %dma_start3A_2382 : memref<1x1x32x128xf32, #tpu.memory_space<vmem>> -> memref<32x128xf32, #tpu.memory_space<vmem>>
        %dma_start3A_2384 = arith.constant 0 : i32
        %dma_start3A_2385 = tpu.memref_slice %arg6[%dma_start3A_2384, %multiple_of3A_2375] : memref<32x1000000xf32, #tpu.memory_space<hbm>> -> memref<32x128xf32, #tpu.memory_space<hbm>>
        %dma_start3A_2386 = tpu.memref_slice %arg19[%dma_start3A_2378, %dma_start3A_2379] : memref<2x4x!tpu.dma_semaphore, #tpu.memory_space<semaphore_mem>> -> memref<1x1x!tpu.dma_semaphore, #tpu.memory_space<semaphore_mem>>
        %dma_start3A_2387 = tpu.memref_squeeze %dma_start3A_2386 : memref<1x1x!tpu.dma_semaphore, #tpu.memory_space<semaphore_mem>> -> memref<!tpu.dma_semaphore, #tpu.memory_space<semaphore_mem>>
        %dma_start3A_2388 = arith.constant 0 : i32
        %dma_start3A_2389 = arith.constant 0 : i32
        %dma_start3A_2390 = tpu.memref_slice %arg15[%dma_start3A_2376, %dma_start3A_2377, %dma_start3A_2388, %dma_start3A_2389] : memref<2x4x32x128xf32, #tpu.memory_space<vmem>> -> memref<1x1x32x128xf32, #tpu.memory_space<vmem>>
        %dma_start3A_2391 = tpu.memref_squeeze %dma_start3A_2390 : memref<1x1x32x128xf32, #tpu.memory_space<vmem>> -> memref<32x128xf32, #tpu.memory_space<vmem>>
        %dma_start3A_2392 = arith.constant 0 : i32
        %dma_start3A_2393 = tpu.memref_slice %arg6[%dma_start3A_2392, %multiple_of3A_2375] : memref<32x1000000xf32, #tpu.memory_space<hbm>> -> memref<32x128xf32, #tpu.memory_space<hbm>>
        tpu.enqueue_dma source(%dma_start3A_2393 : memref<32x128xf32, #tpu.memory_space<hbm>>) target(%dma_start3A_2391 : memref<32x128xf32, #tpu.memory_space<vmem>>) target_semaphore(%dma_start3A_2387 : memref<!tpu.dma_semaphore, #tpu.memory_space<semaphore_mem>>)
        %slice3A_2394 = vector.extract_strided_slice %get3A_2233 {offsets = [2], sizes = [1], strides = [1]} : vector<16xi32> to vector<1xi32>
        %squeeze3A_2395 = vector.extract %slice3A_2394[0] : i32 from vector<1xi32>
        %rem3A_2396 = arith.constant 128 : i32
        %rem3A_2397 = arith.remsi %squeeze3A_2395, %rem3A_2396 : i32
        %sub3A_2398 = arith.subi %squeeze3A_2395, %rem3A_2397 : i32
        %min3A_2399 = arith.constant 999872 : i32
        %min3A_2400 = arith.minsi %sub3A_2398, %min3A_2399 : i32
        %multiple_of3A_2401 = tpu.assume_multiple %min3A_2400, 128 : i32
        %dma_start3A_2402 = arith.constant 0 : i32
        %dma_start3A_2403 = arith.constant 2 : i32
        %dma_start3A_2404 = arith.constant 0 : i32
        %dma_start3A_2405 = arith.constant 2 : i32
        %dma_start3A_2406 = arith.constant 0 : i32
        %dma_start3A_2407 = arith.constant 0 : i32
        %dma_start3A_2408 = tpu.memref_slice %arg13[%dma_start3A_2402, %dma_start3A_2403, %dma_start3A_2406, %dma_start3A_2407] : memref<2x4x32x128xf32, #tpu.memory_space<vmem>> -> memref<1x1x32x128xf32, #tpu.memory_space<vmem>>
        %dma_start3A_2409 = tpu.memref_squeeze %dma_start3A_2408 : memref<1x1x32x128xf32, #tpu.memory_space<vmem>> -> memref<32x128xf32, #tpu.memory_space<vmem>>
        %dma_start3A_2410 = arith.constant 0 : i32
        %dma_start3A_2411 = tpu.memref_slice %arg5[%dma_start3A_2410, %multiple_of3A_2401] : memref<32x1000000xf32, #tpu.memory_space<hbm>> -> memref<32x128xf32, #tpu.memory_space<hbm>>
        %dma_start3A_2412 = tpu.memref_slice %arg19[%dma_start3A_2404, %dma_start3A_2405] : memref<2x4x!tpu.dma_semaphore, #tpu.memory_space<semaphore_mem>> -> memref<1x1x!tpu.dma_semaphore, #tpu.memory_space<semaphore_mem>>
        %dma_start3A_2413 = tpu.memref_squeeze %dma_start3A_2412 : memref<1x1x!tpu.dma_semaphore, #tpu.memory_space<semaphore_mem>> -> memref<!tpu.dma_semaphore, #tpu.memory_space<semaphore_mem>>
        %dma_start3A_2414 = arith.constant 0 : i32
        %dma_start3A_2415 = arith.constant 0 : i32
        %dma_start3A_2416 = tpu.memref_slice %arg13[%dma_start3A_2402, %dma_start3A_2403, %dma_start3A_2414, %dma_start3A_2415] : memref<2x4x32x128xf32, #tpu.memory_space<vmem>> -> memref<1x1x32x128xf32, #tpu.memory_space<vmem>>
        %dma_start3A_2417 = tpu.memref_squeeze %dma_start3A_2416 : memref<1x1x32x128xf32, #tpu.memory_space<vmem>> -> memref<32x128xf32, #tpu.memory_space<vmem>>
        %dma_start3A_2418 = arith.constant 0 : i32
        %dma_start3A_2419 = tpu.memref_slice %arg5[%dma_start3A_2418, %multiple_of3A_2401] : memref<32x1000000xf32, #tpu.memory_space<hbm>> -> memref<32x128xf32, #tpu.memory_space<hbm>>
        tpu.enqueue_dma source(%dma_start3A_2419 : memref<32x128xf32, #tpu.memory_space<hbm>>) target(%dma_start3A_2417 : memref<32x128xf32, #tpu.memory_space<vmem>>) target_semaphore(%dma_start3A_2413 : memref<!tpu.dma_semaphore, #tpu.memory_space<semaphore_mem>>)
        %slice3A_2420 = vector.extract_strided_slice %get3A_2235 {offsets = [2], sizes = [1], strides = [1]} : vector<16xi32> to vector<1xi32>
        %squeeze3A_2421 = vector.extract %slice3A_2420[0] : i32 from vector<1xi32>
        %rem3A_2422 = arith.constant 128 : i32
        %rem3A_2423 = arith.remsi %squeeze3A_2421, %rem3A_2422 : i32
        %sub3A_2424 = arith.subi %squeeze3A_2421, %rem3A_2423 : i32
        %min3A_2425 = arith.constant 999872 : i32
        %min3A_2426 = arith.minsi %sub3A_2424, %min3A_2425 : i32
        %multiple_of3A_2427 = tpu.assume_multiple %min3A_2426, 128 : i32
        %dma_start3A_2428 = arith.constant 0 : i32
        %dma_start3A_2429 = arith.constant 2 : i32
        %dma_start3A_2430 = arith.constant 0 : i32
        %dma_start3A_2431 = arith.constant 2 : i32
        %dma_start3A_2432 = arith.constant 0 : i32
        %dma_start3A_2433 = arith.constant 0 : i32
        %dma_start3A_2434 = tpu.memref_slice %arg14[%dma_start3A_2428, %dma_start3A_2429, %dma_start3A_2432, %dma_start3A_2433] : memref<2x4x32x128xf32, #tpu.memory_space<vmem>> -> memref<1x1x32x128xf32, #tpu.memory_space<vmem>>
        %dma_start3A_2435 = tpu.memref_squeeze %dma_start3A_2434 : memref<1x1x32x128xf32, #tpu.memory_space<vmem>> -> memref<32x128xf32, #tpu.memory_space<vmem>>
        %dma_start3A_2436 = arith.constant 0 : i32
        %dma_start3A_2437 = tpu.memref_slice %arg6[%dma_start3A_2436, %multiple_of3A_2427] : memref<32x1000000xf32, #tpu.memory_space<hbm>> -> memref<32x128xf32, #tpu.memory_space<hbm>>
        %dma_start3A_2438 = tpu.memref_slice %arg19[%dma_start3A_2430, %dma_start3A_2431] : memref<2x4x!tpu.dma_semaphore, #tpu.memory_space<semaphore_mem>> -> memref<1x1x!tpu.dma_semaphore, #tpu.memory_space<semaphore_mem>>
        %dma_start3A_2439 = tpu.memref_squeeze %dma_start3A_2438 : memref<1x1x!tpu.dma_semaphore, #tpu.memory_space<semaphore_mem>> -> memref<!tpu.dma_semaphore, #tpu.memory_space<semaphore_mem>>
        %dma_start3A_2440 = arith.constant 0 : i32
        %dma_start3A_2441 = arith.constant 0 : i32
        %dma_start3A_2442 = tpu.memref_slice %arg14[%dma_start3A_2428, %dma_start3A_2429, %dma_start3A_2440, %dma_start3A_2441] : memref<2x4x32x128xf32, #tpu.memory_space<vmem>> -> memref<1x1x32x128xf32, #tpu.memory_space<vmem>>
        %dma_start3A_2443 = tpu.memref_squeeze %dma_start3A_2442 : memref<1x1x32x128xf32, #tpu.memory_space<vmem>> -> memref<32x128xf32, #tpu.memory_space<vmem>>
        %dma_start3A_2444 = arith.constant 0 : i32
        %dma_start3A_2445 = tpu.memref_slice %arg6[%dma_start3A_2444, %multiple_of3A_2427] : memref<32x1000000xf32, #tpu.memory_space<hbm>> -> memref<32x128xf32, #tpu.memory_space<hbm>>
        tpu.enqueue_dma source(%dma_start3A_2445 : memref<32x128xf32, #tpu.memory_space<hbm>>) target(%dma_start3A_2443 : memref<32x128xf32, #tpu.memory_space<vmem>>) target_semaphore(%dma_start3A_2439 : memref<!tpu.dma_semaphore, #tpu.memory_space<semaphore_mem>>)
        %slice3A_2446 = vector.extract_strided_slice %get3A_2237 {offsets = [2], sizes = [1], strides = [1]} : vector<16xi32> to vector<1xi32>
        %squeeze3A_2447 = vector.extract %slice3A_2446[0] : i32 from vector<1xi32>
        %rem3A_2448 = arith.constant 128 : i32
        %rem3A_2449 = arith.remsi %squeeze3A_2447, %rem3A_2448 : i32
        %sub3A_2450 = arith.subi %squeeze3A_2447, %rem3A_2449 : i32
        %min3A_2451 = arith.constant 999872 : i32
        %min3A_2452 = arith.minsi %sub3A_2450, %min3A_2451 : i32
        %multiple_of3A_2453 = tpu.assume_multiple %min3A_2452, 128 : i32
        %dma_start3A_2454 = arith.constant 0 : i32
        %dma_start3A_2455 = arith.constant 2 : i32
        %dma_start3A_2456 = arith.constant 0 : i32
        %dma_start3A_2457 = arith.constant 2 : i32
        %dma_start3A_2458 = arith.constant 0 : i32
        %dma_start3A_2459 = arith.constant 0 : i32
        %dma_start3A_2460 = tpu.memref_slice %arg15[%dma_start3A_2454, %dma_start3A_2455, %dma_start3A_2458, %dma_start3A_2459] : memref<2x4x32x128xf32, #tpu.memory_space<vmem>> -> memref<1x1x32x128xf32, #tpu.memory_space<vmem>>
        %dma_start3A_2461 = tpu.memref_squeeze %dma_start3A_2460 : memref<1x1x32x128xf32, #tpu.memory_space<vmem>> -> memref<32x128xf32, #tpu.memory_space<vmem>>
        %dma_start3A_2462 = arith.constant 0 : i32
        %dma_start3A_2463 = tpu.memref_slice %arg6[%dma_start3A_2462, %multiple_of3A_2453] : memref<32x1000000xf32, #tpu.memory_space<hbm>> -> memref<32x128xf32, #tpu.memory_space<hbm>>
        %dma_start3A_2464 = tpu.memref_slice %arg19[%dma_start3A_2456, %dma_start3A_2457] : memref<2x4x!tpu.dma_semaphore, #tpu.memory_space<semaphore_mem>> -> memref<1x1x!tpu.dma_semaphore, #tpu.memory_space<semaphore_mem>>
        %dma_start3A_2465 = tpu.memref_squeeze %dma_start3A_2464 : memref<1x1x!tpu.dma_semaphore, #tpu.memory_space<semaphore_mem>> -> memref<!tpu.dma_semaphore, #tpu.memory_space<semaphore_mem>>
        %dma_start3A_2466 = arith.constant 0 : i32
        %dma_start3A_2467 = arith.constant 0 : i32
        %dma_start3A_2468 = tpu.memref_slice %arg15[%dma_start3A_2454, %dma_start3A_2455, %dma_start3A_2466, %dma_start3A_2467] : memref<2x4x32x128xf32, #tpu.memory_space<vmem>> -> memref<1x1x32x128xf32, #tpu.memory_space<vmem>>
        %dma_start3A_2469 = tpu.memref_squeeze %dma_start3A_2468 : memref<1x1x32x128xf32, #tpu.memory_space<vmem>> -> memref<32x128xf32, #tpu.memory_space<vmem>>
        %dma_start3A_2470 = arith.constant 0 : i32
        %dma_start3A_2471 = tpu.memref_slice %arg6[%dma_start3A_2470, %multiple_of3A_2453] : memref<32x1000000xf32, #tpu.memory_space<hbm>> -> memref<32x128xf32, #tpu.memory_space<hbm>>
        tpu.enqueue_dma source(%dma_start3A_2471 : memref<32x128xf32, #tpu.memory_space<hbm>>) target(%dma_start3A_2469 : memref<32x128xf32, #tpu.memory_space<vmem>>) target_semaphore(%dma_start3A_2465 : memref<!tpu.dma_semaphore, #tpu.memory_space<semaphore_mem>>)
        %slice3A_2472 = vector.extract_strided_slice %get3A_2233 {offsets = [3], sizes = [1], strides = [1]} : vector<16xi32> to vector<1xi32>
        %squeeze3A_2473 = vector.extract %slice3A_2472[0] : i32 from vector<1xi32>
        %rem3A_2474 = arith.constant 128 : i32
        %rem3A_2475 = arith.remsi %squeeze3A_2473, %rem3A_2474 : i32
        %sub3A_2476 = arith.subi %squeeze3A_2473, %rem3A_2475 : i32
        %min3A_2477 = arith.constant 999872 : i32
        %min3A_2478 = arith.minsi %sub3A_2476, %min3A_2477 : i32
        %multiple_of3A_2479 = tpu.assume_multiple %min3A_2478, 128 : i32
        %dma_start3A_2480 = arith.constant 0 : i32
        %dma_start3A_2481 = arith.constant 3 : i32
        %dma_start3A_2482 = arith.constant 0 : i32
        %dma_start3A_2483 = arith.constant 3 : i32
        %dma_start3A_2484 = arith.constant 0 : i32
        %dma_start3A_2485 = arith.constant 0 : i32
        %dma_start3A_2486 = tpu.memref_slice %arg13[%dma_start3A_2480, %dma_start3A_2481, %dma_start3A_2484, %dma_start3A_2485] : memref<2x4x32x128xf32, #tpu.memory_space<vmem>> -> memref<1x1x32x128xf32, #tpu.memory_space<vmem>>
        %dma_start3A_2487 = tpu.memref_squeeze %dma_start3A_2486 : memref<1x1x32x128xf32, #tpu.memory_space<vmem>> -> memref<32x128xf32, #tpu.memory_space<vmem>>
        %dma_start3A_2488 = arith.constant 0 : i32
        %dma_start3A_2489 = tpu.memref_slice %arg5[%dma_start3A_2488, %multiple_of3A_2479] : memref<32x1000000xf32, #tpu.memory_space<hbm>> -> memref<32x128xf32, #tpu.memory_space<hbm>>
        %dma_start3A_2490 = tpu.memref_slice %arg19[%dma_start3A_2482, %dma_start3A_2483] : memref<2x4x!tpu.dma_semaphore, #tpu.memory_space<semaphore_mem>> -> memref<1x1x!tpu.dma_semaphore, #tpu.memory_space<semaphore_mem>>
        %dma_start3A_2491 = tpu.memref_squeeze %dma_start3A_2490 : memref<1x1x!tpu.dma_semaphore, #tpu.memory_space<semaphore_mem>> -> memref<!tpu.dma_semaphore, #tpu.memory_space<semaphore_mem>>
        %dma_start3A_2492 = arith.constant 0 : i32
        %dma_start3A_2493 = arith.constant 0 : i32
        %dma_start3A_2494 = tpu.memref_slice %arg13[%dma_start3A_2480, %dma_start3A_2481, %dma_start3A_2492, %dma_start3A_2493] : memref<2x4x32x128xf32, #tpu.memory_space<vmem>> -> memref<1x1x32x128xf32, #tpu.memory_space<vmem>>
        %dma_start3A_2495 = tpu.memref_squeeze %dma_start3A_2494 : memref<1x1x32x128xf32, #tpu.memory_space<vmem>> -> memref<32x128xf32, #tpu.memory_space<vmem>>
        %dma_start3A_2496 = arith.constant 0 : i32
        %dma_start3A_2497 = tpu.memref_slice %arg5[%dma_start3A_2496, %multiple_of3A_2479] : memref<32x1000000xf32, #tpu.memory_space<hbm>> -> memref<32x128xf32, #tpu.memory_space<hbm>>
        tpu.enqueue_dma source(%dma_start3A_2497 : memref<32x128xf32, #tpu.memory_space<hbm>>) target(%dma_start3A_2495 : memref<32x128xf32, #tpu.memory_space<vmem>>) target_semaphore(%dma_start3A_2491 : memref<!tpu.dma_semaphore, #tpu.memory_space<semaphore_mem>>)
        %slice3A_2498 = vector.extract_strided_slice %get3A_2235 {offsets = [3], sizes = [1], strides = [1]} : vector<16xi32> to vector<1xi32>
        %squeeze3A_2499 = vector.extract %slice3A_2498[0] : i32 from vector<1xi32>
        %rem3A_2500 = arith.constant 128 : i32
        %rem3A_2501 = arith.remsi %squeeze3A_2499, %rem3A_2500 : i32
        %sub3A_2502 = arith.subi %squeeze3A_2499, %rem3A_2501 : i32
        %min3A_2503 = arith.constant 999872 : i32
        %min3A_2504 = arith.minsi %sub3A_2502, %min3A_2503 : i32
        %multiple_of3A_2505 = tpu.assume_multiple %min3A_2504, 128 : i32
        %dma_start3A_2506 = arith.constant 0 : i32
        %dma_start3A_2507 = arith.constant 3 : i32
        %dma_start3A_2508 = arith.constant 0 : i32
        %dma_start3A_2509 = arith.constant 3 : i32
        %dma_start3A_2510 = arith.constant 0 : i32
        %dma_start3A_2511 = arith.constant 0 : i32
        %dma_start3A_2512 = tpu.memref_slice %arg14[%dma_start3A_2506, %dma_start3A_2507, %dma_start3A_2510, %dma_start3A_2511] : memref<2x4x32x128xf32, #tpu.memory_space<vmem>> -> memref<1x1x32x128xf32, #tpu.memory_space<vmem>>
        %dma_start3A_2513 = tpu.memref_squeeze %dma_start3A_2512 : memref<1x1x32x128xf32, #tpu.memory_space<vmem>> -> memref<32x128xf32, #tpu.memory_space<vmem>>
        %dma_start3A_2514 = arith.constant 0 : i32
        %dma_start3A_2515 = tpu.memref_slice %arg6[%dma_start3A_2514, %multiple_of3A_2505] : memref<32x1000000xf32, #tpu.memory_space<hbm>> -> memref<32x128xf32, #tpu.memory_space<hbm>>
        %dma_start3A_2516 = tpu.memref_slice %arg19[%dma_start3A_2508, %dma_start3A_2509] : memref<2x4x!tpu.dma_semaphore, #tpu.memory_space<semaphore_mem>> -> memref<1x1x!tpu.dma_semaphore, #tpu.memory_space<semaphore_mem>>
        %dma_start3A_2517 = tpu.memref_squeeze %dma_start3A_2516 : memref<1x1x!tpu.dma_semaphore, #tpu.memory_space<semaphore_mem>> -> memref<!tpu.dma_semaphore, #tpu.memory_space<semaphore_mem>>
        %dma_start3A_2518 = arith.constant 0 : i32
        %dma_start3A_2519 = arith.constant 0 : i32
        %dma_start3A_2520 = tpu.memref_slice %arg14[%dma_start3A_2506, %dma_start3A_2507, %dma_start3A_2518, %dma_start3A_2519] : memref<2x4x32x128xf32, #tpu.memory_space<vmem>> -> memref<1x1x32x128xf32, #tpu.memory_space<vmem>>
        %dma_start3A_2521 = tpu.memref_squeeze %dma_start3A_2520 : memref<1x1x32x128xf32, #tpu.memory_space<vmem>> -> memref<32x128xf32, #tpu.memory_space<vmem>>
        %dma_start3A_2522 = arith.constant 0 : i32
        %dma_start3A_2523 = tpu.memref_slice %arg6[%dma_start3A_2522, %multiple_of3A_2505] : memref<32x1000000xf32, #tpu.memory_space<hbm>> -> memref<32x128xf32, #tpu.memory_space<hbm>>
        tpu.enqueue_dma source(%dma_start3A_2523 : memref<32x128xf32, #tpu.memory_space<hbm>>) target(%dma_start3A_2521 : memref<32x128xf32, #tpu.memory_space<vmem>>) target_semaphore(%dma_start3A_2517 : memref<!tpu.dma_semaphore, #tpu.memory_space<semaphore_mem>>)
        %slice3A_2524 = vector.extract_strided_slice %get3A_2237 {offsets = [3], sizes = [1], strides = [1]} : vector<16xi32> to vector<1xi32>
        %squeeze3A_2525 = vector.extract %slice3A_2524[0] : i32 from vector<1xi32>
        %rem3A_2526 = arith.constant 128 : i32
        %rem3A_2527 = arith.remsi %squeeze3A_2525, %rem3A_2526 : i32
        %sub3A_2528 = arith.subi %squeeze3A_2525, %rem3A_2527 : i32
        %min3A_2529 = arith.constant 999872 : i32
        %min3A_2530 = arith.minsi %sub3A_2528, %min3A_2529 : i32
        %multiple_of3A_2531 = tpu.assume_multiple %min3A_2530, 128 : i32
        %dma_start3A_2532 = arith.constant 0 : i32
        %dma_start3A_2533 = arith.constant 3 : i32
        %dma_start3A_2534 = arith.constant 0 : i32
        %dma_start3A_2535 = arith.constant 3 : i32
        %dma_start3A_2536 = arith.constant 0 : i32
        %dma_start3A_2537 = arith.constant 0 : i32
        %dma_start3A_2538 = tpu.memref_slice %arg15[%dma_start3A_2532, %dma_start3A_2533, %dma_start3A_2536, %dma_start3A_2537] : memref<2x4x32x128xf32, #tpu.memory_space<vmem>> -> memref<1x1x32x128xf32, #tpu.memory_space<vmem>>
        %dma_start3A_2539 = tpu.memref_squeeze %dma_start3A_2538 : memref<1x1x32x128xf32, #tpu.memory_space<vmem>> -> memref<32x128xf32, #tpu.memory_space<vmem>>
        %dma_start3A_2540 = arith.constant 0 : i32
        %dma_start3A_2541 = tpu.memref_slice %arg6[%dma_start3A_2540, %multiple_of3A_2531] : memref<32x1000000xf32, #tpu.memory_space<hbm>> -> memref<32x128xf32, #tpu.memory_space<hbm>>
        %dma_start3A_2542 = tpu.memref_slice %arg19[%dma_start3A_2534, %dma_start3A_2535] : memref<2x4x!tpu.dma_semaphore, #tpu.memory_space<semaphore_mem>> -> memref<1x1x!tpu.dma_semaphore, #tpu.memory_space<semaphore_mem>>
        %dma_start3A_2543 = tpu.memref_squeeze %dma_start3A_2542 : memref<1x1x!tpu.dma_semaphore, #tpu.memory_space<semaphore_mem>> -> memref<!tpu.dma_semaphore, #tpu.memory_space<semaphore_mem>>
        %dma_start3A_2544 = arith.constant 0 : i32
        %dma_start3A_2545 = arith.constant 0 : i32
        %dma_start3A_2546 = tpu.memref_slice %arg15[%dma_start3A_2532, %dma_start3A_2533, %dma_start3A_2544, %dma_start3A_2545] : memref<2x4x32x128xf32, #tpu.memory_space<vmem>> -> memref<1x1x32x128xf32, #tpu.memory_space<vmem>>
        %dma_start3A_2547 = tpu.memref_squeeze %dma_start3A_2546 : memref<1x1x32x128xf32, #tpu.memory_space<vmem>> -> memref<32x128xf32, #tpu.memory_space<vmem>>
        %dma_start3A_2548 = arith.constant 0 : i32
        %dma_start3A_2549 = tpu.memref_slice %arg6[%dma_start3A_2548, %multiple_of3A_2531] : memref<32x1000000xf32, #tpu.memory_space<hbm>> -> memref<32x128xf32, #tpu.memory_space<hbm>>
        tpu.enqueue_dma source(%dma_start3A_2549 : memref<32x128xf32, #tpu.memory_space<hbm>>) target(%dma_start3A_2547 : memref<32x128xf32, #tpu.memory_space<vmem>>) target_semaphore(%dma_start3A_2543 : memref<!tpu.dma_semaphore, #tpu.memory_space<semaphore_mem>>)
      } else {
      }
      %mul3A_1435 = arith.constant 2 : i32
      %mul3A_1436 = arith.muli %mul3A_1435, %scan3A_323 : i32
      %add3A_1437 = arith.constant 1 : i32
      %add3A_1438 = arith.addi %mul3A_1436, %add3A_1437 : i32
      %mul3A_1439 = arith.constant 4 : i32
      %mul3A_1440 = arith.muli %add3A_1438, %mul3A_1439 : i32
      %get3A_1441 = arith.index_cast %mul3A_1440 : i32 to index
      %get3A_1442 = tpu.vector_load %arg10[%get3A_1441] {strides = array<i32>} : memref<528xi32, #tpu.memory_space<vmem>>, vector<16xi32>,
      %get3A_1443 = arith.index_cast %mul3A_1440 : i32 to index
      %get3A_1444 = tpu.vector_load %arg11[%get3A_1443] {strides = array<i32>} : memref<528xi32, #tpu.memory_space<vmem>>, vector<16xi32>,
      %get3A_1445 = arith.index_cast %mul3A_1440 : i32 to index
      %get3A_1446 = tpu.vector_load %arg12[%get3A_1445] {strides = array<i32>} : memref<528xi32, #tpu.memory_space<vmem>>, vector<16xi32>,
      %dma_wait3A_1447 = arith.constant 1 : i32
      %dma_wait3A_1448 = arith.constant 0 : i32
      %dma_wait3A_1449 = arith.constant 1 : i32
      %dma_wait3A_1450 = arith.constant 0 : i32
      %dma_wait3A_1451 = arith.constant 0 : i32
      %dma_wait3A_1452 = arith.constant 0 : i32
      %dma_wait3A_1453 = tpu.memref_slice %arg13[%dma_wait3A_1447, %dma_wait3A_1448, %dma_wait3A_1451, %dma_wait3A_1452] : memref<2x4x32x128xf32, #tpu.memory_space<vmem>> -> memref<1x1x32x128xf32, #tpu.memory_space<vmem>>
      %dma_wait3A_1454 = tpu.memref_squeeze %dma_wait3A_1453 : memref<1x1x32x128xf32, #tpu.memory_space<vmem>> -> memref<32x128xf32, #tpu.memory_space<vmem>>
      %dma_wait3A_1455 = arith.constant 0 : i32
      %dma_wait3A_1456 = arith.constant 0 : i32
      %dma_wait3A_1457 = tpu.memref_slice %arg5[%dma_wait3A_1455, %dma_wait3A_1456] : memref<32x1000000xf32, #tpu.memory_space<hbm>> -> memref<32x128xf32, #tpu.memory_space<hbm>>
      %dma_wait3A_1458 = tpu.memref_slice %arg19[%dma_wait3A_1449, %dma_wait3A_1450] : memref<2x4x!tpu.dma_semaphore, #tpu.memory_space<semaphore_mem>> -> memref<1x1x!tpu.dma_semaphore, #tpu.memory_space<semaphore_mem>>
      %dma_wait3A_1459 = tpu.memref_squeeze %dma_wait3A_1458 : memref<1x1x!tpu.dma_semaphore, #tpu.memory_space<semaphore_mem>> -> memref<!tpu.dma_semaphore, #tpu.memory_space<semaphore_mem>>
      %dma_wait3A_1460 = arith.constant 0 : i32
      %dma_wait3A_1461 = arith.constant 0 : i32
      %dma_wait3A_1462 = tpu.memref_slice %arg13[%dma_wait3A_1447, %dma_wait3A_1448, %dma_wait3A_1460, %dma_wait3A_1461] : memref<2x4x32x128xf32, #tpu.memory_space<vmem>> -> memref<1x1x32x128xf32, #tpu.memory_space<vmem>>
      %dma_wait3A_1463 = tpu.memref_squeeze %dma_wait3A_1462 : memref<1x1x32x128xf32, #tpu.memory_space<vmem>> -> memref<32x128xf32, #tpu.memory_space<vmem>>
      %dma_wait3A_1464 = arith.constant 0 : i32
      %dma_wait3A_1465 = arith.constant 0 : i32
      %dma_wait3A_1466 = tpu.memref_slice %arg5[%dma_wait3A_1464, %dma_wait3A_1465] : memref<32x1000000xf32, #tpu.memory_space<hbm>> -> memref<32x128xf32, #tpu.memory_space<hbm>>
      tpu.wait_dma2 semaphore(%dma_wait3A_1459 : memref<!tpu.dma_semaphore, #tpu.memory_space<semaphore_mem>>) src(%dma_wait3A_1466 : memref<32x128xf32, #tpu.memory_space<hbm>>) dst(%dma_wait3A_1463 : memref<32x128xf32, #tpu.memory_space<vmem>>)
      %dma_wait3A_1467 = arith.constant 1 : i32
      %dma_wait3A_1468 = arith.constant 0 : i32
      %dma_wait3A_1469 = arith.constant 1 : i32
      %dma_wait3A_1470 = arith.constant 0 : i32
      %dma_wait3A_1471 = arith.constant 0 : i32
      %dma_wait3A_1472 = arith.constant 0 : i32
      %dma_wait3A_1473 = tpu.memref_slice %arg14[%dma_wait3A_1467, %dma_wait3A_1468, %dma_wait3A_1471, %dma_wait3A_1472] : memref<2x4x32x128xf32, #tpu.memory_space<vmem>> -> memref<1x1x32x128xf32, #tpu.memory_space<vmem>>
      %dma_wait3A_1474 = tpu.memref_squeeze %dma_wait3A_1473 : memref<1x1x32x128xf32, #tpu.memory_space<vmem>> -> memref<32x128xf32, #tpu.memory_space<vmem>>
      %dma_wait3A_1475 = arith.constant 0 : i32
      %dma_wait3A_1476 = arith.constant 0 : i32
      %dma_wait3A_1477 = tpu.memref_slice %arg5[%dma_wait3A_1475, %dma_wait3A_1476] : memref<32x1000000xf32, #tpu.memory_space<hbm>> -> memref<32x128xf32, #tpu.memory_space<hbm>>
      %dma_wait3A_1478 = tpu.memref_slice %arg19[%dma_wait3A_1469, %dma_wait3A_1470] : memref<2x4x!tpu.dma_semaphore, #tpu.memory_space<semaphore_mem>> -> memref<1x1x!tpu.dma_semaphore, #tpu.memory_space<semaphore_mem>>
      %dma_wait3A_1479 = tpu.memref_squeeze %dma_wait3A_1478 : memref<1x1x!tpu.dma_semaphore, #tpu.memory_space<semaphore_mem>> -> memref<!tpu.dma_semaphore, #tpu.memory_space<semaphore_mem>>
      %dma_wait3A_1480 = arith.constant 0 : i32
      %dma_wait3A_1481 = arith.constant 0 : i32
      %dma_wait3A_1482 = tpu.memref_slice %arg14[%dma_wait3A_1467, %dma_wait3A_1468, %dma_wait3A_1480, %dma_wait3A_1481] : memref<2x4x32x128xf32, #tpu.memory_space<vmem>> -> memref<1x1x32x128xf32, #tpu.memory_space<vmem>>
      %dma_wait3A_1483 = tpu.memref_squeeze %dma_wait3A_1482 : memref<1x1x32x128xf32, #tpu.memory_space<vmem>> -> memref<32x128xf32, #tpu.memory_space<vmem>>
      %dma_wait3A_1484 = arith.constant 0 : i32
      %dma_wait3A_1485 = arith.constant 0 : i32
      %dma_wait3A_1486 = tpu.memref_slice %arg5[%dma_wait3A_1484, %dma_wait3A_1485] : memref<32x1000000xf32, #tpu.memory_space<hbm>> -> memref<32x128xf32, #tpu.memory_space<hbm>>
      tpu.wait_dma2 semaphore(%dma_wait3A_1479 : memref<!tpu.dma_semaphore, #tpu.memory_space<semaphore_mem>>) src(%dma_wait3A_1486 : memref<32x128xf32, #tpu.memory_space<hbm>>) dst(%dma_wait3A_1483 : memref<32x128xf32, #tpu.memory_space<vmem>>)
      %dma_wait3A_1487 = arith.constant 1 : i32
      %dma_wait3A_1488 = arith.constant 0 : i32
      %dma_wait3A_1489 = arith.constant 1 : i32
      %dma_wait3A_1490 = arith.constant 0 : i32
      %dma_wait3A_1491 = arith.constant 0 : i32
      %dma_wait3A_1492 = arith.constant 0 : i32
      %dma_wait3A_1493 = tpu.memref_slice %arg15[%dma_wait3A_1487, %dma_wait3A_1488, %dma_wait3A_1491, %dma_wait3A_1492] : memref<2x4x32x128xf32, #tpu.memory_space<vmem>> -> memref<1x1x32x128xf32, #tpu.memory_space<vmem>>
      %dma_wait3A_1494 = tpu.memref_squeeze %dma_wait3A_1493 : memref<1x1x32x128xf32, #tpu.memory_space<vmem>> -> memref<32x128xf32, #tpu.memory_space<vmem>>
      %dma_wait3A_1495 = arith.constant 0 : i32
      %dma_wait3A_1496 = arith.constant 0 : i32
      %dma_wait3A_1497 = tpu.memref_slice %arg5[%dma_wait3A_1495, %dma_wait3A_1496] : memref<32x1000000xf32, #tpu.memory_space<hbm>> -> memref<32x128xf32, #tpu.memory_space<hbm>>
      %dma_wait3A_1498 = tpu.memref_slice %arg19[%dma_wait3A_1489, %dma_wait3A_1490] : memref<2x4x!tpu.dma_semaphore, #tpu.memory_space<semaphore_mem>> -> memref<1x1x!tpu.dma_semaphore, #tpu.memory_space<semaphore_mem>>
      %dma_wait3A_1499 = tpu.memref_squeeze %dma_wait3A_1498 : memref<1x1x!tpu.dma_semaphore, #tpu.memory_space<semaphore_mem>> -> memref<!tpu.dma_semaphore, #tpu.memory_space<semaphore_mem>>
      %dma_wait3A_1500 = arith.constant 0 : i32
      %dma_wait3A_1501 = arith.constant 0 : i32
      %dma_wait3A_1502 = tpu.memref_slice %arg15[%dma_wait3A_1487, %dma_wait3A_1488, %dma_wait3A_1500, %dma_wait3A_1501] : memref<2x4x32x128xf32, #tpu.memory_space<vmem>> -> memref<1x1x32x128xf32, #tpu.memory_space<vmem>>
      %dma_wait3A_1503 = tpu.memref_squeeze %dma_wait3A_1502 : memref<1x1x32x128xf32, #tpu.memory_space<vmem>> -> memref<32x128xf32, #tpu.memory_space<vmem>>
      %dma_wait3A_1504 = arith.constant 0 : i32
      %dma_wait3A_1505 = arith.constant 0 : i32
      %dma_wait3A_1506 = tpu.memref_slice %arg5[%dma_wait3A_1504, %dma_wait3A_1505] : memref<32x1000000xf32, #tpu.memory_space<hbm>> -> memref<32x128xf32, #tpu.memory_space<hbm>>
      tpu.wait_dma2 semaphore(%dma_wait3A_1499 : memref<!tpu.dma_semaphore, #tpu.memory_space<semaphore_mem>>) src(%dma_wait3A_1506 : memref<32x128xf32, #tpu.memory_space<hbm>>) dst(%dma_wait3A_1503 : memref<32x128xf32, #tpu.memory_space<vmem>>)
      %slice3A_1507 = vector.extract_strided_slice %get3A_1442 {offsets = [0], sizes = [1], strides = [1]} : vector<16xi32> to vector<1xi32>
      %squeeze3A_1508 = vector.extract %slice3A_1507[0] : i32 from vector<1xi32>
      %slice3A_1509 = vector.extract_strided_slice %get3A_1442 {offsets = [0], sizes = [1], strides = [1]} : vector<16xi32> to vector<1xi32>
      %squeeze3A_1510 = vector.extract %slice3A_1509[0] : i32 from vector<1xi32>
      %rem3A_1511 = arith.constant 128 : i32
      %rem3A_1512 = arith.remsi %squeeze3A_1510, %rem3A_1511 : i32
      %sub3A_1513 = arith.subi %squeeze3A_1510, %rem3A_1512 : i32
      %min3A_1514 = arith.constant 999872 : i32
      %min3A_1515 = arith.minsi %sub3A_1513, %min3A_1514 : i32
      %multiple_of3A_1516 = tpu.assume_multiple %min3A_1515, 128 : i32
      %sub3A_1517 = arith.subi %squeeze3A_1508, %multiple_of3A_1516 : i32
      %slice3A_1518 = vector.extract_strided_slice %get3A_1444 {offsets = [0], sizes = [1], strides = [1]} : vector<16xi32> to vector<1xi32>
      %squeeze3A_1519 = vector.extract %slice3A_1518[0] : i32 from vector<1xi32>
      %slice3A_1520 = vector.extract_strided_slice %get3A_1444 {offsets = [0], sizes = [1], strides = [1]} : vector<16xi32> to vector<1xi32>
      %squeeze3A_1521 = vector.extract %slice3A_1520[0] : i32 from vector<1xi32>
      %rem3A_1522 = arith.constant 128 : i32
      %rem3A_1523 = arith.remsi %squeeze3A_1521, %rem3A_1522 : i32
      %sub3A_1524 = arith.subi %squeeze3A_1521, %rem3A_1523 : i32
      %min3A_1525 = arith.constant 999872 : i32
      %min3A_1526 = arith.minsi %sub3A_1524, %min3A_1525 : i32
      %multiple_of3A_1527 = tpu.assume_multiple %min3A_1526, 128 : i32
      %sub3A_1528 = arith.subi %squeeze3A_1519, %multiple_of3A_1527 : i32
      %slice3A_1529 = vector.extract_strided_slice %get3A_1446 {offsets = [0], sizes = [1], strides = [1]} : vector<16xi32> to vector<1xi32>
      %squeeze3A_1530 = vector.extract %slice3A_1529[0] : i32 from vector<1xi32>
      %slice3A_1531 = vector.extract_strided_slice %get3A_1446 {offsets = [0], sizes = [1], strides = [1]} : vector<16xi32> to vector<1xi32>
      %squeeze3A_1532 = vector.extract %slice3A_1531[0] : i32 from vector<1xi32>
      %rem3A_1533 = arith.constant 128 : i32
      %rem3A_1534 = arith.remsi %squeeze3A_1532, %rem3A_1533 : i32
      %sub3A_1535 = arith.subi %squeeze3A_1532, %rem3A_1534 : i32
      %min3A_1536 = arith.constant 999872 : i32
      %min3A_1537 = arith.minsi %sub3A_1535, %min3A_1536 : i32
      %multiple_of3A_1538 = tpu.assume_multiple %min3A_1537, 128 : i32
      %sub3A_1539 = arith.subi %squeeze3A_1530, %multiple_of3A_1538 : i32
      %broadcast_in_dim3A_1540 = arith.constant 0 : i32
      %broadcast_in_dim3A_1541 = vector.broadcast %broadcast_in_dim3A_1540 : i32 to vector<16xi32>
      %add3A_1542 = vector.broadcast %sub3A_1517 : i32 to vector<16xi32>
      %add3A_1543 = arith.addi %broadcast_in_dim3A_1541, %add3A_1542 : vector<16xi32>
      %gather3A_1544 = arith.constant 1 : i32
      %gather3A_1545 = arith.constant 0 : i32
      %gather3A_1546 = arith.constant 0 : i32
      %gather3A_1547 = arith.constant 0 : i32
      %gather3A_1548 = tpu.memref_slice %arg13[%gather3A_1544, %gather3A_1545, %gather3A_1546, %gather3A_1547] : memref<2x4x32x128xf32, #tpu.memory_space<vmem>> -> memref<1x1x32x128xf32, #tpu.memory_space<vmem>>
      %gather3A_1549 = tpu.memref_squeeze %gather3A_1548 : memref<1x1x32x128xf32, #tpu.memory_space<vmem>> -> memref<32x128xf32, #tpu.memory_space<vmem>>
      %gather3A_1550 = tpu.vector_load_idx %gather3A_1549[%iota3A, %add3A_1543] : memref<32x128xf32, #tpu.memory_space<vmem>>[vector<16xi32>, vector<16xi32>], vector<16xf32>,
      %broadcast_in_dim3A_1551 = arith.constant 0 : i32
      %broadcast_in_dim3A_1552 = vector.broadcast %broadcast_in_dim3A_1551 : i32 to vector<16xi32>
      %add3A_1553 = vector.broadcast %sub3A_1517 : i32 to vector<16xi32>
      %add3A_1554 = arith.addi %broadcast_in_dim3A_1552, %add3A_1553 : vector<16xi32>
      %gather3A_1555 = arith.constant 1 : i32
      %gather3A_1556 = arith.constant 0 : i32
      %gather3A_1557 = arith.constant 0 : i32
      %gather3A_1558 = arith.constant 0 : i32
      %gather3A_1559 = tpu.memref_slice %arg13[%gather3A_1555, %gather3A_1556, %gather3A_1557, %gather3A_1558] : memref<2x4x32x128xf32, #tpu.memory_space<vmem>> -> memref<1x1x32x128xf32, #tpu.memory_space<vmem>>
      %gather3A_1560 = tpu.memref_squeeze %gather3A_1559 : memref<1x1x32x128xf32, #tpu.memory_space<vmem>> -> memref<32x128xf32, #tpu.memory_space<vmem>>
      %gather3A_1561 = tpu.vector_load_idx %gather3A_1560[%add3A_5, %add3A_1554] : memref<32x128xf32, #tpu.memory_space<vmem>>[vector<16xi32>, vector<16xi32>], vector<16xf32>,
      %broadcast_in_dim3A_1562 = arith.constant 0 : i32
      %broadcast_in_dim3A_1563 = vector.broadcast %broadcast_in_dim3A_1562 : i32 to vector<16xi32>
      %add3A_1564 = vector.broadcast %sub3A_1528 : i32 to vector<16xi32>
      %add3A_1565 = arith.addi %broadcast_in_dim3A_1563, %add3A_1564 : vector<16xi32>
      %gather3A_1566 = arith.constant 1 : i32
      %gather3A_1567 = arith.constant 0 : i32
      %gather3A_1568 = arith.constant 0 : i32
      %gather3A_1569 = arith.constant 0 : i32
      %gather3A_1570 = tpu.memref_slice %arg14[%gather3A_1566, %gather3A_1567, %gather3A_1568, %gather3A_1569] : memref<2x4x32x128xf32, #tpu.memory_space<vmem>> -> memref<1x1x32x128xf32, #tpu.memory_space<vmem>>
      %gather3A_1571 = tpu.memref_squeeze %gather3A_1570 : memref<1x1x32x128xf32, #tpu.memory_space<vmem>> -> memref<32x128xf32, #tpu.memory_space<vmem>>
      %gather3A_1572 = tpu.vector_load_idx %gather3A_1571[%iota3A, %add3A_1565] : memref<32x128xf32, #tpu.memory_space<vmem>>[vector<16xi32>, vector<16xi32>], vector<16xf32>,
      %broadcast_in_dim3A_1573 = arith.constant 0 : i32
      %broadcast_in_dim3A_1574 = vector.broadcast %broadcast_in_dim3A_1573 : i32 to vector<16xi32>
      %add3A_1575 = vector.broadcast %sub3A_1528 : i32 to vector<16xi32>
      %add3A_1576 = arith.addi %broadcast_in_dim3A_1574, %add3A_1575 : vector<16xi32>
      %gather3A_1577 = arith.constant 1 : i32
      %gather3A_1578 = arith.constant 0 : i32
      %gather3A_1579 = arith.constant 0 : i32
      %gather3A_1580 = arith.constant 0 : i32
      %gather3A_1581 = tpu.memref_slice %arg14[%gather3A_1577, %gather3A_1578, %gather3A_1579, %gather3A_1580] : memref<2x4x32x128xf32, #tpu.memory_space<vmem>> -> memref<1x1x32x128xf32, #tpu.memory_space<vmem>>
      %gather3A_1582 = tpu.memref_squeeze %gather3A_1581 : memref<1x1x32x128xf32, #tpu.memory_space<vmem>> -> memref<32x128xf32, #tpu.memory_space<vmem>>
      %gather3A_1583 = tpu.vector_load_idx %gather3A_1582[%add3A_5, %add3A_1576] : memref<32x128xf32, #tpu.memory_space<vmem>>[vector<16xi32>, vector<16xi32>], vector<16xf32>,
      %broadcast_in_dim3A_1584 = arith.constant 0 : i32
      %broadcast_in_dim3A_1585 = vector.broadcast %broadcast_in_dim3A_1584 : i32 to vector<16xi32>
      %add3A_1586 = vector.broadcast %sub3A_1539 : i32 to vector<16xi32>
      %add3A_1587 = arith.addi %broadcast_in_dim3A_1585, %add3A_1586 : vector<16xi32>
      %gather3A_1588 = arith.constant 1 : i32
      %gather3A_1589 = arith.constant 0 : i32
      %gather3A_1590 = arith.constant 0 : i32
      %gather3A_1591 = arith.constant 0 : i32
      %gather3A_1592 = tpu.memref_slice %arg15[%gather3A_1588, %gather3A_1589, %gather3A_1590, %gather3A_1591] : memref<2x4x32x128xf32, #tpu.memory_space<vmem>> -> memref<1x1x32x128xf32, #tpu.memory_space<vmem>>
      %gather3A_1593 = tpu.memref_squeeze %gather3A_1592 : memref<1x1x32x128xf32, #tpu.memory_space<vmem>> -> memref<32x128xf32, #tpu.memory_space<vmem>>
      %gather3A_1594 = tpu.vector_load_idx %gather3A_1593[%iota3A, %add3A_1587] : memref<32x128xf32, #tpu.memory_space<vmem>>[vector<16xi32>, vector<16xi32>], vector<16xf32>,
      %broadcast_in_dim3A_1595 = arith.constant 0 : i32
      %broadcast_in_dim3A_1596 = vector.broadcast %broadcast_in_dim3A_1595 : i32 to vector<16xi32>
      %add3A_1597 = vector.broadcast %sub3A_1539 : i32 to vector<16xi32>
      %add3A_1598 = arith.addi %broadcast_in_dim3A_1596, %add3A_1597 : vector<16xi32>
      %gather3A_1599 = arith.constant 1 : i32
      %gather3A_1600 = arith.constant 0 : i32
      %gather3A_1601 = arith.constant 0 : i32
      %gather3A_1602 = arith.constant 0 : i32
      %gather3A_1603 = tpu.memref_slice %arg15[%gather3A_1599, %gather3A_1600, %gather3A_1601, %gather3A_1602] : memref<2x4x32x128xf32, #tpu.memory_space<vmem>> -> memref<1x1x32x128xf32, #tpu.memory_space<vmem>>
      %gather3A_1604 = tpu.memref_squeeze %gather3A_1603 : memref<1x1x32x128xf32, #tpu.memory_space<vmem>> -> memref<32x128xf32, #tpu.memory_space<vmem>>
      %gather3A_1605 = tpu.vector_load_idx %gather3A_1604[%add3A_5, %add3A_1598] : memref<32x128xf32, #tpu.memory_space<vmem>>[vector<16xi32>, vector<16xi32>], vector<16xf32>,
      %mul3A_1606 = arith.mulf %gather3A_1550, %gather3A_1572 : vector<16xf32>
      %mul3A_1607 = arith.mulf %gather3A_1561, %gather3A_1583 : vector<16xf32>
      %add3A_1608 = arith.addf %mul3A_1606, %mul3A_1607 : vector<16xf32>
      %reduce_sum3A_1609 = arith.constant true
      %reduce_sum3A_1610 = vector.broadcast %reduce_sum3A_1609 : i1 to vector<16xi1>
      %reduce_sum3A_1611 = tpu.scan <sum>, %add3A_1608 masked %reduce_sum3A_1610 : vector<16xf32>, vector<16xi1> -> vector<16xf32>
      %reduce_sum3A_1612 = vector.extract %reduce_sum3A_1611[15] : f32 from vector<16xf32>
      %mul3A_1613 = arith.mulf %gather3A_1550, %gather3A_1594 : vector<16xf32>
      %mul3A_1614 = arith.mulf %gather3A_1561, %gather3A_1605 : vector<16xf32>
      %add3A_1615 = arith.addf %mul3A_1613, %mul3A_1614 : vector<16xf32>
      %reduce_sum3A_1616 = arith.constant true
      %reduce_sum3A_1617 = vector.broadcast %reduce_sum3A_1616 : i1 to vector<16xi1>
      %reduce_sum3A_1618 = tpu.scan <sum>, %add3A_1615 masked %reduce_sum3A_1617 : vector<16xf32>, vector<16xi1> -> vector<16xf32>
      %reduce_sum3A_1619 = vector.extract %reduce_sum3A_1618[15] : f32 from vector<16xf32>
      %mul3A_1620 = arith.mulf %gather3A_1550, %gather3A_1550 : vector<16xf32>
      %mul3A_1621 = arith.mulf %gather3A_1561, %gather3A_1561 : vector<16xf32>
      %add3A_1622 = arith.addf %mul3A_1620, %mul3A_1621 : vector<16xf32>
      %mul3A_1623 = arith.mulf %gather3A_1572, %gather3A_1572 : vector<16xf32>
      %add3A_1624 = arith.addf %add3A_1622, %mul3A_1623 : vector<16xf32>
      %mul3A_1625 = arith.mulf %gather3A_1583, %gather3A_1583 : vector<16xf32>
      %add3A_1626 = arith.addf %add3A_1624, %mul3A_1625 : vector<16xf32>
      %mul3A_1627 = arith.mulf %gather3A_1594, %gather3A_1594 : vector<16xf32>
      %add3A_1628 = arith.addf %add3A_1626, %mul3A_1627 : vector<16xf32>
      %mul3A_1629 = arith.mulf %gather3A_1605, %gather3A_1605 : vector<16xf32>
      %add3A_1630 = arith.addf %add3A_1628, %mul3A_1629 : vector<16xf32>
      %add3A_1631 = arith.addf %add3A_1395, %add3A_1630 : vector<16xf32>
      %dma_wait3A_1632 = arith.constant 1 : i32
      %dma_wait3A_1633 = arith.constant 1 : i32
      %dma_wait3A_1634 = arith.constant 1 : i32
      %dma_wait3A_1635 = arith.constant 1 : i32
      %dma_wait3A_1636 = arith.constant 0 : i32
      %dma_wait3A_1637 = arith.constant 0 : i32
      %dma_wait3A_1638 = tpu.memref_slice %arg13[%dma_wait3A_1632, %dma_wait3A_1633, %dma_wait3A_1636, %dma_wait3A_1637] : memref<2x4x32x128xf32, #tpu.memory_space<vmem>> -> memref<1x1x32x128xf32, #tpu.memory_space<vmem>>
      %dma_wait3A_1639 = tpu.memref_squeeze %dma_wait3A_1638 : memref<1x1x32x128xf32, #tpu.memory_space<vmem>> -> memref<32x128xf32, #tpu.memory_space<vmem>>
      %dma_wait3A_1640 = arith.constant 0 : i32
      %dma_wait3A_1641 = arith.constant 0 : i32
      %dma_wait3A_1642 = tpu.memref_slice %arg5[%dma_wait3A_1640, %dma_wait3A_1641] : memref<32x1000000xf32, #tpu.memory_space<hbm>> -> memref<32x128xf32, #tpu.memory_space<hbm>>
      %dma_wait3A_1643 = tpu.memref_slice %arg19[%dma_wait3A_1634, %dma_wait3A_1635] : memref<2x4x!tpu.dma_semaphore, #tpu.memory_space<semaphore_mem>> -> memref<1x1x!tpu.dma_semaphore, #tpu.memory_space<semaphore_mem>>
      %dma_wait3A_1644 = tpu.memref_squeeze %dma_wait3A_1643 : memref<1x1x!tpu.dma_semaphore, #tpu.memory_space<semaphore_mem>> -> memref<!tpu.dma_semaphore, #tpu.memory_space<semaphore_mem>>
      %dma_wait3A_1645 = arith.constant 0 : i32
      %dma_wait3A_1646 = arith.constant 0 : i32
      %dma_wait3A_1647 = tpu.memref_slice %arg13[%dma_wait3A_1632, %dma_wait3A_1633, %dma_wait3A_1645, %dma_wait3A_1646] : memref<2x4x32x128xf32, #tpu.memory_space<vmem>> -> memref<1x1x32x128xf32, #tpu.memory_space<vmem>>
      %dma_wait3A_1648 = tpu.memref_squeeze %dma_wait3A_1647 : memref<1x1x32x128xf32, #tpu.memory_space<vmem>> -> memref<32x128xf32, #tpu.memory_space<vmem>>
      %dma_wait3A_1649 = arith.constant 0 : i32
      %dma_wait3A_1650 = arith.constant 0 : i32
      %dma_wait3A_1651 = tpu.memref_slice %arg5[%dma_wait3A_1649, %dma_wait3A_1650] : memref<32x1000000xf32, #tpu.memory_space<hbm>> -> memref<32x128xf32, #tpu.memory_space<hbm>>
      tpu.wait_dma2 semaphore(%dma_wait3A_1644 : memref<!tpu.dma_semaphore, #tpu.memory_space<semaphore_mem>>) src(%dma_wait3A_1651 : memref<32x128xf32, #tpu.memory_space<hbm>>) dst(%dma_wait3A_1648 : memref<32x128xf32, #tpu.memory_space<vmem>>)
      %dma_wait3A_1652 = arith.constant 1 : i32
      %dma_wait3A_1653 = arith.constant 1 : i32
      %dma_wait3A_1654 = arith.constant 1 : i32
      %dma_wait3A_1655 = arith.constant 1 : i32
      %dma_wait3A_1656 = arith.constant 0 : i32
      %dma_wait3A_1657 = arith.constant 0 : i32
      %dma_wait3A_1658 = tpu.memref_slice %arg14[%dma_wait3A_1652, %dma_wait3A_1653, %dma_wait3A_1656, %dma_wait3A_1657] : memref<2x4x32x128xf32, #tpu.memory_space<vmem>> -> memref<1x1x32x128xf32, #tpu.memory_space<vmem>>
      %dma_wait3A_1659 = tpu.memref_squeeze %dma_wait3A_1658 : memref<1x1x32x128xf32, #tpu.memory_space<vmem>> -> memref<32x128xf32, #tpu.memory_space<vmem>>
      %dma_wait3A_1660 = arith.constant 0 : i32
      %dma_wait3A_1661 = arith.constant 0 : i32
      %dma_wait3A_1662 = tpu.memref_slice %arg5[%dma_wait3A_1660, %dma_wait3A_1661] : memref<32x1000000xf32, #tpu.memory_space<hbm>> -> memref<32x128xf32, #tpu.memory_space<hbm>>
      %dma_wait3A_1663 = tpu.memref_slice %arg19[%dma_wait3A_1654, %dma_wait3A_1655] : memref<2x4x!tpu.dma_semaphore, #tpu.memory_space<semaphore_mem>> -> memref<1x1x!tpu.dma_semaphore, #tpu.memory_space<semaphore_mem>>
      %dma_wait3A_1664 = tpu.memref_squeeze %dma_wait3A_1663 : memref<1x1x!tpu.dma_semaphore, #tpu.memory_space<semaphore_mem>> -> memref<!tpu.dma_semaphore, #tpu.memory_space<semaphore_mem>>
      %dma_wait3A_1665 = arith.constant 0 : i32
      %dma_wait3A_1666 = arith.constant 0 : i32
      %dma_wait3A_1667 = tpu.memref_slice %arg14[%dma_wait3A_1652, %dma_wait3A_1653, %dma_wait3A_1665, %dma_wait3A_1666] : memref<2x4x32x128xf32, #tpu.memory_space<vmem>> -> memref<1x1x32x128xf32, #tpu.memory_space<vmem>>
      %dma_wait3A_1668 = tpu.memref_squeeze %dma_wait3A_1667 : memref<1x1x32x128xf32, #tpu.memory_space<vmem>> -> memref<32x128xf32, #tpu.memory_space<vmem>>
      %dma_wait3A_1669 = arith.constant 0 : i32
      %dma_wait3A_1670 = arith.constant 0 : i32
      %dma_wait3A_1671 = tpu.memref_slice %arg5[%dma_wait3A_1669, %dma_wait3A_1670] : memref<32x1000000xf32, #tpu.memory_space<hbm>> -> memref<32x128xf32, #tpu.memory_space<hbm>>
      tpu.wait_dma2 semaphore(%dma_wait3A_1664 : memref<!tpu.dma_semaphore, #tpu.memory_space<semaphore_mem>>) src(%dma_wait3A_1671 : memref<32x128xf32, #tpu.memory_space<hbm>>) dst(%dma_wait3A_1668 : memref<32x128xf32, #tpu.memory_space<vmem>>)
      %dma_wait3A_1672 = arith.constant 1 : i32
      %dma_wait3A_1673 = arith.constant 1 : i32
      %dma_wait3A_1674 = arith.constant 1 : i32
      %dma_wait3A_1675 = arith.constant 1 : i32
      %dma_wait3A_1676 = arith.constant 0 : i32
      %dma_wait3A_1677 = arith.constant 0 : i32
      %dma_wait3A_1678 = tpu.memref_slice %arg15[%dma_wait3A_1672, %dma_wait3A_1673, %dma_wait3A_1676, %dma_wait3A_1677] : memref<2x4x32x128xf32, #tpu.memory_space<vmem>> -> memref<1x1x32x128xf32, #tpu.memory_space<vmem>>
      %dma_wait3A_1679 = tpu.memref_squeeze %dma_wait3A_1678 : memref<1x1x32x128xf32, #tpu.memory_space<vmem>> -> memref<32x128xf32, #tpu.memory_space<vmem>>
      %dma_wait3A_1680 = arith.constant 0 : i32
      %dma_wait3A_1681 = arith.constant 0 : i32
      %dma_wait3A_1682 = tpu.memref_slice %arg5[%dma_wait3A_1680, %dma_wait3A_1681] : memref<32x1000000xf32, #tpu.memory_space<hbm>> -> memref<32x128xf32, #tpu.memory_space<hbm>>
      %dma_wait3A_1683 = tpu.memref_slice %arg19[%dma_wait3A_1674, %dma_wait3A_1675] : memref<2x4x!tpu.dma_semaphore, #tpu.memory_space<semaphore_mem>> -> memref<1x1x!tpu.dma_semaphore, #tpu.memory_space<semaphore_mem>>
      %dma_wait3A_1684 = tpu.memref_squeeze %dma_wait3A_1683 : memref<1x1x!tpu.dma_semaphore, #tpu.memory_space<semaphore_mem>> -> memref<!tpu.dma_semaphore, #tpu.memory_space<semaphore_mem>>
      %dma_wait3A_1685 = arith.constant 0 : i32
      %dma_wait3A_1686 = arith.constant 0 : i32
      %dma_wait3A_1687 = tpu.memref_slice %arg15[%dma_wait3A_1672, %dma_wait3A_1673, %dma_wait3A_1685, %dma_wait3A_1686] : memref<2x4x32x128xf32, #tpu.memory_space<vmem>> -> memref<1x1x32x128xf32, #tpu.memory_space<vmem>>
      %dma_wait3A_1688 = tpu.memref_squeeze %dma_wait3A_1687 : memref<1x1x32x128xf32, #tpu.memory_space<vmem>> -> memref<32x128xf32, #tpu.memory_space<vmem>>
      %dma_wait3A_1689 = arith.constant 0 : i32
      %dma_wait3A_1690 = arith.constant 0 : i32
      %dma_wait3A_1691 = tpu.memref_slice %arg5[%dma_wait3A_1689, %dma_wait3A_1690] : memref<32x1000000xf32, #tpu.memory_space<hbm>> -> memref<32x128xf32, #tpu.memory_space<hbm>>
      tpu.wait_dma2 semaphore(%dma_wait3A_1684 : memref<!tpu.dma_semaphore, #tpu.memory_space<semaphore_mem>>) src(%dma_wait3A_1691 : memref<32x128xf32, #tpu.memory_space<hbm>>) dst(%dma_wait3A_1688 : memref<32x128xf32, #tpu.memory_space<vmem>>)
      %slice3A_1692 = vector.extract_strided_slice %get3A_1442 {offsets = [1], sizes = [1], strides = [1]} : vector<16xi32> to vector<1xi32>
      %squeeze3A_1693 = vector.extract %slice3A_1692[0] : i32 from vector<1xi32>
      %slice3A_1694 = vector.extract_strided_slice %get3A_1442 {offsets = [1], sizes = [1], strides = [1]} : vector<16xi32> to vector<1xi32>
      %squeeze3A_1695 = vector.extract %slice3A_1694[0] : i32 from vector<1xi32>
      %rem3A_1696 = arith.constant 128 : i32
      %rem3A_1697 = arith.remsi %squeeze3A_1695, %rem3A_1696 : i32
      %sub3A_1698 = arith.subi %squeeze3A_1695, %rem3A_1697 : i32
      %min3A_1699 = arith.constant 999872 : i32
      %min3A_1700 = arith.minsi %sub3A_1698, %min3A_1699 : i32
      %multiple_of3A_1701 = tpu.assume_multiple %min3A_1700, 128 : i32
      %sub3A_1702 = arith.subi %squeeze3A_1693, %multiple_of3A_1701 : i32
      %slice3A_1703 = vector.extract_strided_slice %get3A_1444 {offsets = [1], sizes = [1], strides = [1]} : vector<16xi32> to vector<1xi32>
      %squeeze3A_1704 = vector.extract %slice3A_1703[0] : i32 from vector<1xi32>
      %slice3A_1705 = vector.extract_strided_slice %get3A_1444 {offsets = [1], sizes = [1], strides = [1]} : vector<16xi32> to vector<1xi32>
      %squeeze3A_1706 = vector.extract %slice3A_1705[0] : i32 from vector<1xi32>
      %rem3A_1707 = arith.constant 128 : i32
      %rem3A_1708 = arith.remsi %squeeze3A_1706, %rem3A_1707 : i32
      %sub3A_1709 = arith.subi %squeeze3A_1706, %rem3A_1708 : i32
      %min3A_1710 = arith.constant 999872 : i32
      %min3A_1711 = arith.minsi %sub3A_1709, %min3A_1710 : i32
      %multiple_of3A_1712 = tpu.assume_multiple %min3A_1711, 128 : i32
      %sub3A_1713 = arith.subi %squeeze3A_1704, %multiple_of3A_1712 : i32
      %slice3A_1714 = vector.extract_strided_slice %get3A_1446 {offsets = [1], sizes = [1], strides = [1]} : vector<16xi32> to vector<1xi32>
      %squeeze3A_1715 = vector.extract %slice3A_1714[0] : i32 from vector<1xi32>
      %slice3A_1716 = vector.extract_strided_slice %get3A_1446 {offsets = [1], sizes = [1], strides = [1]} : vector<16xi32> to vector<1xi32>
      %squeeze3A_1717 = vector.extract %slice3A_1716[0] : i32 from vector<1xi32>
      %rem3A_1718 = arith.constant 128 : i32
      %rem3A_1719 = arith.remsi %squeeze3A_1717, %rem3A_1718 : i32
      %sub3A_1720 = arith.subi %squeeze3A_1717, %rem3A_1719 : i32
      %min3A_1721 = arith.constant 999872 : i32
      %min3A_1722 = arith.minsi %sub3A_1720, %min3A_1721 : i32
      %multiple_of3A_1723 = tpu.assume_multiple %min3A_1722, 128 : i32
      %sub3A_1724 = arith.subi %squeeze3A_1715, %multiple_of3A_1723 : i32
      %broadcast_in_dim3A_1725 = arith.constant 0 : i32
      %broadcast_in_dim3A_1726 = vector.broadcast %broadcast_in_dim3A_1725 : i32 to vector<16xi32>
      %add3A_1727 = vector.broadcast %sub3A_1702 : i32 to vector<16xi32>
      %add3A_1728 = arith.addi %broadcast_in_dim3A_1726, %add3A_1727 : vector<16xi32>
      %gather3A_1729 = arith.constant 1 : i32
      %gather3A_1730 = arith.constant 1 : i32
      %gather3A_1731 = arith.constant 0 : i32
      %gather3A_1732 = arith.constant 0 : i32
      %gather3A_1733 = tpu.memref_slice %arg13[%gather3A_1729, %gather3A_1730, %gather3A_1731, %gather3A_1732] : memref<2x4x32x128xf32, #tpu.memory_space<vmem>> -> memref<1x1x32x128xf32, #tpu.memory_space<vmem>>
      %gather3A_1734 = tpu.memref_squeeze %gather3A_1733 : memref<1x1x32x128xf32, #tpu.memory_space<vmem>> -> memref<32x128xf32, #tpu.memory_space<vmem>>
      %gather3A_1735 = tpu.vector_load_idx %gather3A_1734[%iota3A, %add3A_1728] : memref<32x128xf32, #tpu.memory_space<vmem>>[vector<16xi32>, vector<16xi32>], vector<16xf32>,
      %broadcast_in_dim3A_1736 = arith.constant 0 : i32
      %broadcast_in_dim3A_1737 = vector.broadcast %broadcast_in_dim3A_1736 : i32 to vector<16xi32>
      %add3A_1738 = vector.broadcast %sub3A_1702 : i32 to vector<16xi32>
      %add3A_1739 = arith.addi %broadcast_in_dim3A_1737, %add3A_1738 : vector<16xi32>
      %gather3A_1740 = arith.constant 1 : i32
      %gather3A_1741 = arith.constant 1 : i32
      %gather3A_1742 = arith.constant 0 : i32
      %gather3A_1743 = arith.constant 0 : i32
      %gather3A_1744 = tpu.memref_slice %arg13[%gather3A_1740, %gather3A_1741, %gather3A_1742, %gather3A_1743] : memref<2x4x32x128xf32, #tpu.memory_space<vmem>> -> memref<1x1x32x128xf32, #tpu.memory_space<vmem>>
      %gather3A_1745 = tpu.memref_squeeze %gather3A_1744 : memref<1x1x32x128xf32, #tpu.memory_space<vmem>> -> memref<32x128xf32, #tpu.memory_space<vmem>>
      %gather3A_1746 = tpu.vector_load_idx %gather3A_1745[%add3A_5, %add3A_1739] : memref<32x128xf32, #tpu.memory_space<vmem>>[vector<16xi32>, vector<16xi32>], vector<16xf32>,
      %broadcast_in_dim3A_1747 = arith.constant 0 : i32
      %broadcast_in_dim3A_1748 = vector.broadcast %broadcast_in_dim3A_1747 : i32 to vector<16xi32>
      %add3A_1749 = vector.broadcast %sub3A_1713 : i32 to vector<16xi32>
      %add3A_1750 = arith.addi %broadcast_in_dim3A_1748, %add3A_1749 : vector<16xi32>
      %gather3A_1751 = arith.constant 1 : i32
      %gather3A_1752 = arith.constant 1 : i32
      %gather3A_1753 = arith.constant 0 : i32
      %gather3A_1754 = arith.constant 0 : i32
      %gather3A_1755 = tpu.memref_slice %arg14[%gather3A_1751, %gather3A_1752, %gather3A_1753, %gather3A_1754] : memref<2x4x32x128xf32, #tpu.memory_space<vmem>> -> memref<1x1x32x128xf32, #tpu.memory_space<vmem>>
      %gather3A_1756 = tpu.memref_squeeze %gather3A_1755 : memref<1x1x32x128xf32, #tpu.memory_space<vmem>> -> memref<32x128xf32, #tpu.memory_space<vmem>>
      %gather3A_1757 = tpu.vector_load_idx %gather3A_1756[%iota3A, %add3A_1750] : memref<32x128xf32, #tpu.memory_space<vmem>>[vector<16xi32>, vector<16xi32>], vector<16xf32>,
      %broadcast_in_dim3A_1758 = arith.constant 0 : i32
      %broadcast_in_dim3A_1759 = vector.broadcast %broadcast_in_dim3A_1758 : i32 to vector<16xi32>
      %add3A_1760 = vector.broadcast %sub3A_1713 : i32 to vector<16xi32>
      %add3A_1761 = arith.addi %broadcast_in_dim3A_1759, %add3A_1760 : vector<16xi32>
      %gather3A_1762 = arith.constant 1 : i32
      %gather3A_1763 = arith.constant 1 : i32
      %gather3A_1764 = arith.constant 0 : i32
      %gather3A_1765 = arith.constant 0 : i32
      %gather3A_1766 = tpu.memref_slice %arg14[%gather3A_1762, %gather3A_1763, %gather3A_1764, %gather3A_1765] : memref<2x4x32x128xf32, #tpu.memory_space<vmem>> -> memref<1x1x32x128xf32, #tpu.memory_space<vmem>>
      %gather3A_1767 = tpu.memref_squeeze %gather3A_1766 : memref<1x1x32x128xf32, #tpu.memory_space<vmem>> -> memref<32x128xf32, #tpu.memory_space<vmem>>
      %gather3A_1768 = tpu.vector_load_idx %gather3A_1767[%add3A_5, %add3A_1761] : memref<32x128xf32, #tpu.memory_space<vmem>>[vector<16xi32>, vector<16xi32>], vector<16xf32>,
      %broadcast_in_dim3A_1769 = arith.constant 0 : i32
      %broadcast_in_dim3A_1770 = vector.broadcast %broadcast_in_dim3A_1769 : i32 to vector<16xi32>
      %add3A_1771 = vector.broadcast %sub3A_1724 : i32 to vector<16xi32>
      %add3A_1772 = arith.addi %broadcast_in_dim3A_1770, %add3A_1771 : vector<16xi32>
      %gather3A_1773 = arith.constant 1 : i32
      %gather3A_1774 = arith.constant 1 : i32
      %gather3A_1775 = arith.constant 0 : i32
      %gather3A_1776 = arith.constant 0 : i32
      %gather3A_1777 = tpu.memref_slice %arg15[%gather3A_1773, %gather3A_1774, %gather3A_1775, %gather3A_1776] : memref<2x4x32x128xf32, #tpu.memory_space<vmem>> -> memref<1x1x32x128xf32, #tpu.memory_space<vmem>>
      %gather3A_1778 = tpu.memref_squeeze %gather3A_1777 : memref<1x1x32x128xf32, #tpu.memory_space<vmem>> -> memref<32x128xf32, #tpu.memory_space<vmem>>
      %gather3A_1779 = tpu.vector_load_idx %gather3A_1778[%iota3A, %add3A_1772] : memref<32x128xf32, #tpu.memory_space<vmem>>[vector<16xi32>, vector<16xi32>], vector<16xf32>,
      %broadcast_in_dim3A_1780 = arith.constant 0 : i32
      %broadcast_in_dim3A_1781 = vector.broadcast %broadcast_in_dim3A_1780 : i32 to vector<16xi32>
      %add3A_1782 = vector.broadcast %sub3A_1724 : i32 to vector<16xi32>
      %add3A_1783 = arith.addi %broadcast_in_dim3A_1781, %add3A_1782 : vector<16xi32>
      %gather3A_1784 = arith.constant 1 : i32
      %gather3A_1785 = arith.constant 1 : i32
      %gather3A_1786 = arith.constant 0 : i32
      %gather3A_1787 = arith.constant 0 : i32
      %gather3A_1788 = tpu.memref_slice %arg15[%gather3A_1784, %gather3A_1785, %gather3A_1786, %gather3A_1787] : memref<2x4x32x128xf32, #tpu.memory_space<vmem>> -> memref<1x1x32x128xf32, #tpu.memory_space<vmem>>
      %gather3A_1789 = tpu.memref_squeeze %gather3A_1788 : memref<1x1x32x128xf32, #tpu.memory_space<vmem>> -> memref<32x128xf32, #tpu.memory_space<vmem>>
      %gather3A_1790 = tpu.vector_load_idx %gather3A_1789[%add3A_5, %add3A_1783] : memref<32x128xf32, #tpu.memory_space<vmem>>[vector<16xi32>, vector<16xi32>], vector<16xf32>,
      %mul3A_1791 = arith.mulf %gather3A_1735, %gather3A_1757 : vector<16xf32>
      %mul3A_1792 = arith.mulf %gather3A_1746, %gather3A_1768 : vector<16xf32>
      %add3A_1793 = arith.addf %mul3A_1791, %mul3A_1792 : vector<16xf32>
      %reduce_sum3A_1794 = arith.constant true
      %reduce_sum3A_1795 = vector.broadcast %reduce_sum3A_1794 : i1 to vector<16xi1>
      %reduce_sum3A_1796 = tpu.scan <sum>, %add3A_1793 masked %reduce_sum3A_1795 : vector<16xf32>, vector<16xi1> -> vector<16xf32>
      %reduce_sum3A_1797 = vector.extract %reduce_sum3A_1796[15] : f32 from vector<16xf32>
      %mul3A_1798 = arith.mulf %gather3A_1735, %gather3A_1779 : vector<16xf32>
      %mul3A_1799 = arith.mulf %gather3A_1746, %gather3A_1790 : vector<16xf32>
      %add3A_1800 = arith.addf %mul3A_1798, %mul3A_1799 : vector<16xf32>
      %reduce_sum3A_1801 = arith.constant true
      %reduce_sum3A_1802 = vector.broadcast %reduce_sum3A_1801 : i1 to vector<16xi1>
      %reduce_sum3A_1803 = tpu.scan <sum>, %add3A_1800 masked %reduce_sum3A_1802 : vector<16xf32>, vector<16xi1> -> vector<16xf32>
      %reduce_sum3A_1804 = vector.extract %reduce_sum3A_1803[15] : f32 from vector<16xf32>
      %mul3A_1805 = arith.mulf %gather3A_1735, %gather3A_1735 : vector<16xf32>
      %mul3A_1806 = arith.mulf %gather3A_1746, %gather3A_1746 : vector<16xf32>
      %add3A_1807 = arith.addf %mul3A_1805, %mul3A_1806 : vector<16xf32>
      %mul3A_1808 = arith.mulf %gather3A_1757, %gather3A_1757 : vector<16xf32>
      %add3A_1809 = arith.addf %add3A_1807, %mul3A_1808 : vector<16xf32>
      %mul3A_1810 = arith.mulf %gather3A_1768, %gather3A_1768 : vector<16xf32>
      %add3A_1811 = arith.addf %add3A_1809, %mul3A_1810 : vector<16xf32>
      %mul3A_1812 = arith.mulf %gather3A_1779, %gather3A_1779 : vector<16xf32>
      %add3A_1813 = arith.addf %add3A_1811, %mul3A_1812 : vector<16xf32>
      %mul3A_1814 = arith.mulf %gather3A_1790, %gather3A_1790 : vector<16xf32>
      %add3A_1815 = arith.addf %add3A_1813, %mul3A_1814 : vector<16xf32>
      %add3A_1816 = arith.addf %add3A_1631, %add3A_1815 : vector<16xf32>
      %dma_wait3A_1817 = arith.constant 1 : i32
      %dma_wait3A_1818 = arith.constant 2 : i32
      %dma_wait3A_1819 = arith.constant 1 : i32
      %dma_wait3A_1820 = arith.constant 2 : i32
      %dma_wait3A_1821 = arith.constant 0 : i32
      %dma_wait3A_1822 = arith.constant 0 : i32
      %dma_wait3A_1823 = tpu.memref_slice %arg13[%dma_wait3A_1817, %dma_wait3A_1818, %dma_wait3A_1821, %dma_wait3A_1822] : memref<2x4x32x128xf32, #tpu.memory_space<vmem>> -> memref<1x1x32x128xf32, #tpu.memory_space<vmem>>
      %dma_wait3A_1824 = tpu.memref_squeeze %dma_wait3A_1823 : memref<1x1x32x128xf32, #tpu.memory_space<vmem>> -> memref<32x128xf32, #tpu.memory_space<vmem>>
      %dma_wait3A_1825 = arith.constant 0 : i32
      %dma_wait3A_1826 = arith.constant 0 : i32
      %dma_wait3A_1827 = tpu.memref_slice %arg5[%dma_wait3A_1825, %dma_wait3A_1826] : memref<32x1000000xf32, #tpu.memory_space<hbm>> -> memref<32x128xf32, #tpu.memory_space<hbm>>
      %dma_wait3A_1828 = tpu.memref_slice %arg19[%dma_wait3A_1819, %dma_wait3A_1820] : memref<2x4x!tpu.dma_semaphore, #tpu.memory_space<semaphore_mem>> -> memref<1x1x!tpu.dma_semaphore, #tpu.memory_space<semaphore_mem>>
      %dma_wait3A_1829 = tpu.memref_squeeze %dma_wait3A_1828 : memref<1x1x!tpu.dma_semaphore, #tpu.memory_space<semaphore_mem>> -> memref<!tpu.dma_semaphore, #tpu.memory_space<semaphore_mem>>
      %dma_wait3A_1830 = arith.constant 0 : i32
      %dma_wait3A_1831 = arith.constant 0 : i32
      %dma_wait3A_1832 = tpu.memref_slice %arg13[%dma_wait3A_1817, %dma_wait3A_1818, %dma_wait3A_1830, %dma_wait3A_1831] : memref<2x4x32x128xf32, #tpu.memory_space<vmem>> -> memref<1x1x32x128xf32, #tpu.memory_space<vmem>>
      %dma_wait3A_1833 = tpu.memref_squeeze %dma_wait3A_1832 : memref<1x1x32x128xf32, #tpu.memory_space<vmem>> -> memref<32x128xf32, #tpu.memory_space<vmem>>
      %dma_wait3A_1834 = arith.constant 0 : i32
      %dma_wait3A_1835 = arith.constant 0 : i32
      %dma_wait3A_1836 = tpu.memref_slice %arg5[%dma_wait3A_1834, %dma_wait3A_1835] : memref<32x1000000xf32, #tpu.memory_space<hbm>> -> memref<32x128xf32, #tpu.memory_space<hbm>>
      tpu.wait_dma2 semaphore(%dma_wait3A_1829 : memref<!tpu.dma_semaphore, #tpu.memory_space<semaphore_mem>>) src(%dma_wait3A_1836 : memref<32x128xf32, #tpu.memory_space<hbm>>) dst(%dma_wait3A_1833 : memref<32x128xf32, #tpu.memory_space<vmem>>)
      %dma_wait3A_1837 = arith.constant 1 : i32
      %dma_wait3A_1838 = arith.constant 2 : i32
      %dma_wait3A_1839 = arith.constant 1 : i32
      %dma_wait3A_1840 = arith.constant 2 : i32
      %dma_wait3A_1841 = arith.constant 0 : i32
      %dma_wait3A_1842 = arith.constant 0 : i32
      %dma_wait3A_1843 = tpu.memref_slice %arg14[%dma_wait3A_1837, %dma_wait3A_1838, %dma_wait3A_1841, %dma_wait3A_1842] : memref<2x4x32x128xf32, #tpu.memory_space<vmem>> -> memref<1x1x32x128xf32, #tpu.memory_space<vmem>>
      %dma_wait3A_1844 = tpu.memref_squeeze %dma_wait3A_1843 : memref<1x1x32x128xf32, #tpu.memory_space<vmem>> -> memref<32x128xf32, #tpu.memory_space<vmem>>
      %dma_wait3A_1845 = arith.constant 0 : i32
      %dma_wait3A_1846 = arith.constant 0 : i32
      %dma_wait3A_1847 = tpu.memref_slice %arg5[%dma_wait3A_1845, %dma_wait3A_1846] : memref<32x1000000xf32, #tpu.memory_space<hbm>> -> memref<32x128xf32, #tpu.memory_space<hbm>>
      %dma_wait3A_1848 = tpu.memref_slice %arg19[%dma_wait3A_1839, %dma_wait3A_1840] : memref<2x4x!tpu.dma_semaphore, #tpu.memory_space<semaphore_mem>> -> memref<1x1x!tpu.dma_semaphore, #tpu.memory_space<semaphore_mem>>
      %dma_wait3A_1849 = tpu.memref_squeeze %dma_wait3A_1848 : memref<1x1x!tpu.dma_semaphore, #tpu.memory_space<semaphore_mem>> -> memref<!tpu.dma_semaphore, #tpu.memory_space<semaphore_mem>>
      %dma_wait3A_1850 = arith.constant 0 : i32
      %dma_wait3A_1851 = arith.constant 0 : i32
      %dma_wait3A_1852 = tpu.memref_slice %arg14[%dma_wait3A_1837, %dma_wait3A_1838, %dma_wait3A_1850, %dma_wait3A_1851] : memref<2x4x32x128xf32, #tpu.memory_space<vmem>> -> memref<1x1x32x128xf32, #tpu.memory_space<vmem>>
      %dma_wait3A_1853 = tpu.memref_squeeze %dma_wait3A_1852 : memref<1x1x32x128xf32, #tpu.memory_space<vmem>> -> memref<32x128xf32, #tpu.memory_space<vmem>>
      %dma_wait3A_1854 = arith.constant 0 : i32
      %dma_wait3A_1855 = arith.constant 0 : i32
      %dma_wait3A_1856 = tpu.memref_slice %arg5[%dma_wait3A_1854, %dma_wait3A_1855] : memref<32x1000000xf32, #tpu.memory_space<hbm>> -> memref<32x128xf32, #tpu.memory_space<hbm>>
      tpu.wait_dma2 semaphore(%dma_wait3A_1849 : memref<!tpu.dma_semaphore, #tpu.memory_space<semaphore_mem>>) src(%dma_wait3A_1856 : memref<32x128xf32, #tpu.memory_space<hbm>>) dst(%dma_wait3A_1853 : memref<32x128xf32, #tpu.memory_space<vmem>>)
      %dma_wait3A_1857 = arith.constant 1 : i32
      %dma_wait3A_1858 = arith.constant 2 : i32
      %dma_wait3A_1859 = arith.constant 1 : i32
      %dma_wait3A_1860 = arith.constant 2 : i32
      %dma_wait3A_1861 = arith.constant 0 : i32
      %dma_wait3A_1862 = arith.constant 0 : i32
      %dma_wait3A_1863 = tpu.memref_slice %arg15[%dma_wait3A_1857, %dma_wait3A_1858, %dma_wait3A_1861, %dma_wait3A_1862] : memref<2x4x32x128xf32, #tpu.memory_space<vmem>> -> memref<1x1x32x128xf32, #tpu.memory_space<vmem>>
      %dma_wait3A_1864 = tpu.memref_squeeze %dma_wait3A_1863 : memref<1x1x32x128xf32, #tpu.memory_space<vmem>> -> memref<32x128xf32, #tpu.memory_space<vmem>>
      %dma_wait3A_1865 = arith.constant 0 : i32
      %dma_wait3A_1866 = arith.constant 0 : i32
      %dma_wait3A_1867 = tpu.memref_slice %arg5[%dma_wait3A_1865, %dma_wait3A_1866] : memref<32x1000000xf32, #tpu.memory_space<hbm>> -> memref<32x128xf32, #tpu.memory_space<hbm>>
      %dma_wait3A_1868 = tpu.memref_slice %arg19[%dma_wait3A_1859, %dma_wait3A_1860] : memref<2x4x!tpu.dma_semaphore, #tpu.memory_space<semaphore_mem>> -> memref<1x1x!tpu.dma_semaphore, #tpu.memory_space<semaphore_mem>>
      %dma_wait3A_1869 = tpu.memref_squeeze %dma_wait3A_1868 : memref<1x1x!tpu.dma_semaphore, #tpu.memory_space<semaphore_mem>> -> memref<!tpu.dma_semaphore, #tpu.memory_space<semaphore_mem>>
      %dma_wait3A_1870 = arith.constant 0 : i32
      %dma_wait3A_1871 = arith.constant 0 : i32
      %dma_wait3A_1872 = tpu.memref_slice %arg15[%dma_wait3A_1857, %dma_wait3A_1858, %dma_wait3A_1870, %dma_wait3A_1871] : memref<2x4x32x128xf32, #tpu.memory_space<vmem>> -> memref<1x1x32x128xf32, #tpu.memory_space<vmem>>
      %dma_wait3A_1873 = tpu.memref_squeeze %dma_wait3A_1872 : memref<1x1x32x128xf32, #tpu.memory_space<vmem>> -> memref<32x128xf32, #tpu.memory_space<vmem>>
      %dma_wait3A_1874 = arith.constant 0 : i32
      %dma_wait3A_1875 = arith.constant 0 : i32
      %dma_wait3A_1876 = tpu.memref_slice %arg5[%dma_wait3A_1874, %dma_wait3A_1875] : memref<32x1000000xf32, #tpu.memory_space<hbm>> -> memref<32x128xf32, #tpu.memory_space<hbm>>
      tpu.wait_dma2 semaphore(%dma_wait3A_1869 : memref<!tpu.dma_semaphore, #tpu.memory_space<semaphore_mem>>) src(%dma_wait3A_1876 : memref<32x128xf32, #tpu.memory_space<hbm>>) dst(%dma_wait3A_1873 : memref<32x128xf32, #tpu.memory_space<vmem>>)
      %slice3A_1877 = vector.extract_strided_slice %get3A_1442 {offsets = [2], sizes = [1], strides = [1]} : vector<16xi32> to vector<1xi32>
      %squeeze3A_1878 = vector.extract %slice3A_1877[0] : i32 from vector<1xi32>
      %slice3A_1879 = vector.extract_strided_slice %get3A_1442 {offsets = [2], sizes = [1], strides = [1]} : vector<16xi32> to vector<1xi32>
      %squeeze3A_1880 = vector.extract %slice3A_1879[0] : i32 from vector<1xi32>
      %rem3A_1881 = arith.constant 128 : i32
      %rem3A_1882 = arith.remsi %squeeze3A_1880, %rem3A_1881 : i32
      %sub3A_1883 = arith.subi %squeeze3A_1880, %rem3A_1882 : i32
      %min3A_1884 = arith.constant 999872 : i32
      %min3A_1885 = arith.minsi %sub3A_1883, %min3A_1884 : i32
      %multiple_of3A_1886 = tpu.assume_multiple %min3A_1885, 128 : i32
      %sub3A_1887 = arith.subi %squeeze3A_1878, %multiple_of3A_1886 : i32
      %slice3A_1888 = vector.extract_strided_slice %get3A_1444 {offsets = [2], sizes = [1], strides = [1]} : vector<16xi32> to vector<1xi32>
      %squeeze3A_1889 = vector.extract %slice3A_1888[0] : i32 from vector<1xi32>
      %slice3A_1890 = vector.extract_strided_slice %get3A_1444 {offsets = [2], sizes = [1], strides = [1]} : vector<16xi32> to vector<1xi32>
      %squeeze3A_1891 = vector.extract %slice3A_1890[0] : i32 from vector<1xi32>
      %rem3A_1892 = arith.constant 128 : i32
      %rem3A_1893 = arith.remsi %squeeze3A_1891, %rem3A_1892 : i32
      %sub3A_1894 = arith.subi %squeeze3A_1891, %rem3A_1893 : i32
      %min3A_1895 = arith.constant 999872 : i32
      %min3A_1896 = arith.minsi %sub3A_1894, %min3A_1895 : i32
      %multiple_of3A_1897 = tpu.assume_multiple %min3A_1896, 128 : i32
      %sub3A_1898 = arith.subi %squeeze3A_1889, %multiple_of3A_1897 : i32
      %slice3A_1899 = vector.extract_strided_slice %get3A_1446 {offsets = [2], sizes = [1], strides = [1]} : vector<16xi32> to vector<1xi32>
      %squeeze3A_1900 = vector.extract %slice3A_1899[0] : i32 from vector<1xi32>
      %slice3A_1901 = vector.extract_strided_slice %get3A_1446 {offsets = [2], sizes = [1], strides = [1]} : vector<16xi32> to vector<1xi32>
      %squeeze3A_1902 = vector.extract %slice3A_1901[0] : i32 from vector<1xi32>
      %rem3A_1903 = arith.constant 128 : i32
      %rem3A_1904 = arith.remsi %squeeze3A_1902, %rem3A_1903 : i32
      %sub3A_1905 = arith.subi %squeeze3A_1902, %rem3A_1904 : i32
      %min3A_1906 = arith.constant 999872 : i32
      %min3A_1907 = arith.minsi %sub3A_1905, %min3A_1906 : i32
      %multiple_of3A_1908 = tpu.assume_multiple %min3A_1907, 128 : i32
      %sub3A_1909 = arith.subi %squeeze3A_1900, %multiple_of3A_1908 : i32
      %broadcast_in_dim3A_1910 = arith.constant 0 : i32
      %broadcast_in_dim3A_1911 = vector.broadcast %broadcast_in_dim3A_1910 : i32 to vector<16xi32>
      %add3A_1912 = vector.broadcast %sub3A_1887 : i32 to vector<16xi32>
      %add3A_1913 = arith.addi %broadcast_in_dim3A_1911, %add3A_1912 : vector<16xi32>
      %gather3A_1914 = arith.constant 1 : i32
      %gather3A_1915 = arith.constant 2 : i32
      %gather3A_1916 = arith.constant 0 : i32
      %gather3A_1917 = arith.constant 0 : i32
      %gather3A_1918 = tpu.memref_slice %arg13[%gather3A_1914, %gather3A_1915, %gather3A_1916, %gather3A_1917] : memref<2x4x32x128xf32, #tpu.memory_space<vmem>> -> memref<1x1x32x128xf32, #tpu.memory_space<vmem>>
      %gather3A_1919 = tpu.memref_squeeze %gather3A_1918 : memref<1x1x32x128xf32, #tpu.memory_space<vmem>> -> memref<32x128xf32, #tpu.memory_space<vmem>>
      %gather3A_1920 = tpu.vector_load_idx %gather3A_1919[%iota3A, %add3A_1913] : memref<32x128xf32, #tpu.memory_space<vmem>>[vector<16xi32>, vector<16xi32>], vector<16xf32>,
      %broadcast_in_dim3A_1921 = arith.constant 0 : i32
      %broadcast_in_dim3A_1922 = vector.broadcast %broadcast_in_dim3A_1921 : i32 to vector<16xi32>
      %add3A_1923 = vector.broadcast %sub3A_1887 : i32 to vector<16xi32>
      %add3A_1924 = arith.addi %broadcast_in_dim3A_1922, %add3A_1923 : vector<16xi32>
      %gather3A_1925 = arith.constant 1 : i32
      %gather3A_1926 = arith.constant 2 : i32
      %gather3A_1927 = arith.constant 0 : i32
      %gather3A_1928 = arith.constant 0 : i32
      %gather3A_1929 = tpu.memref_slice %arg13[%gather3A_1925, %gather3A_1926, %gather3A_1927, %gather3A_1928] : memref<2x4x32x128xf32, #tpu.memory_space<vmem>> -> memref<1x1x32x128xf32, #tpu.memory_space<vmem>>
      %gather3A_1930 = tpu.memref_squeeze %gather3A_1929 : memref<1x1x32x128xf32, #tpu.memory_space<vmem>> -> memref<32x128xf32, #tpu.memory_space<vmem>>
      %gather3A_1931 = tpu.vector_load_idx %gather3A_1930[%add3A_5, %add3A_1924] : memref<32x128xf32, #tpu.memory_space<vmem>>[vector<16xi32>, vector<16xi32>], vector<16xf32>,
      %broadcast_in_dim3A_1932 = arith.constant 0 : i32
      %broadcast_in_dim3A_1933 = vector.broadcast %broadcast_in_dim3A_1932 : i32 to vector<16xi32>
      %add3A_1934 = vector.broadcast %sub3A_1898 : i32 to vector<16xi32>
      %add3A_1935 = arith.addi %broadcast_in_dim3A_1933, %add3A_1934 : vector<16xi32>
      %gather3A_1936 = arith.constant 1 : i32
      %gather3A_1937 = arith.constant 2 : i32
      %gather3A_1938 = arith.constant 0 : i32
      %gather3A_1939 = arith.constant 0 : i32
      %gather3A_1940 = tpu.memref_slice %arg14[%gather3A_1936, %gather3A_1937, %gather3A_1938, %gather3A_1939] : memref<2x4x32x128xf32, #tpu.memory_space<vmem>> -> memref<1x1x32x128xf32, #tpu.memory_space<vmem>>
      %gather3A_1941 = tpu.memref_squeeze %gather3A_1940 : memref<1x1x32x128xf32, #tpu.memory_space<vmem>> -> memref<32x128xf32, #tpu.memory_space<vmem>>
      %gather3A_1942 = tpu.vector_load_idx %gather3A_1941[%iota3A, %add3A_1935] : memref<32x128xf32, #tpu.memory_space<vmem>>[vector<16xi32>, vector<16xi32>], vector<16xf32>,
      %broadcast_in_dim3A_1943 = arith.constant 0 : i32
      %broadcast_in_dim3A_1944 = vector.broadcast %broadcast_in_dim3A_1943 : i32 to vector<16xi32>
      %add3A_1945 = vector.broadcast %sub3A_1898 : i32 to vector<16xi32>
      %add3A_1946 = arith.addi %broadcast_in_dim3A_1944, %add3A_1945 : vector<16xi32>
      %gather3A_1947 = arith.constant 1 : i32
      %gather3A_1948 = arith.constant 2 : i32
      %gather3A_1949 = arith.constant 0 : i32
      %gather3A_1950 = arith.constant 0 : i32
      %gather3A_1951 = tpu.memref_slice %arg14[%gather3A_1947, %gather3A_1948, %gather3A_1949, %gather3A_1950] : memref<2x4x32x128xf32, #tpu.memory_space<vmem>> -> memref<1x1x32x128xf32, #tpu.memory_space<vmem>>
      %gather3A_1952 = tpu.memref_squeeze %gather3A_1951 : memref<1x1x32x128xf32, #tpu.memory_space<vmem>> -> memref<32x128xf32, #tpu.memory_space<vmem>>
      %gather3A_1953 = tpu.vector_load_idx %gather3A_1952[%add3A_5, %add3A_1946] : memref<32x128xf32, #tpu.memory_space<vmem>>[vector<16xi32>, vector<16xi32>], vector<16xf32>,
      %broadcast_in_dim3A_1954 = arith.constant 0 : i32
      %broadcast_in_dim3A_1955 = vector.broadcast %broadcast_in_dim3A_1954 : i32 to vector<16xi32>
      %add3A_1956 = vector.broadcast %sub3A_1909 : i32 to vector<16xi32>
      %add3A_1957 = arith.addi %broadcast_in_dim3A_1955, %add3A_1956 : vector<16xi32>
      %gather3A_1958 = arith.constant 1 : i32
      %gather3A_1959 = arith.constant 2 : i32
      %gather3A_1960 = arith.constant 0 : i32
      %gather3A_1961 = arith.constant 0 : i32
      %gather3A_1962 = tpu.memref_slice %arg15[%gather3A_1958, %gather3A_1959, %gather3A_1960, %gather3A_1961] : memref<2x4x32x128xf32, #tpu.memory_space<vmem>> -> memref<1x1x32x128xf32, #tpu.memory_space<vmem>>
      %gather3A_1963 = tpu.memref_squeeze %gather3A_1962 : memref<1x1x32x128xf32, #tpu.memory_space<vmem>> -> memref<32x128xf32, #tpu.memory_space<vmem>>
      %gather3A_1964 = tpu.vector_load_idx %gather3A_1963[%iota3A, %add3A_1957] : memref<32x128xf32, #tpu.memory_space<vmem>>[vector<16xi32>, vector<16xi32>], vector<16xf32>,
      %broadcast_in_dim3A_1965 = arith.constant 0 : i32
      %broadcast_in_dim3A_1966 = vector.broadcast %broadcast_in_dim3A_1965 : i32 to vector<16xi32>
      %add3A_1967 = vector.broadcast %sub3A_1909 : i32 to vector<16xi32>
      %add3A_1968 = arith.addi %broadcast_in_dim3A_1966, %add3A_1967 : vector<16xi32>
      %gather3A_1969 = arith.constant 1 : i32
      %gather3A_1970 = arith.constant 2 : i32
      %gather3A_1971 = arith.constant 0 : i32
      %gather3A_1972 = arith.constant 0 : i32
      %gather3A_1973 = tpu.memref_slice %arg15[%gather3A_1969, %gather3A_1970, %gather3A_1971, %gather3A_1972] : memref<2x4x32x128xf32, #tpu.memory_space<vmem>> -> memref<1x1x32x128xf32, #tpu.memory_space<vmem>>
      %gather3A_1974 = tpu.memref_squeeze %gather3A_1973 : memref<1x1x32x128xf32, #tpu.memory_space<vmem>> -> memref<32x128xf32, #tpu.memory_space<vmem>>
      %gather3A_1975 = tpu.vector_load_idx %gather3A_1974[%add3A_5, %add3A_1968] : memref<32x128xf32, #tpu.memory_space<vmem>>[vector<16xi32>, vector<16xi32>], vector<16xf32>,
      %mul3A_1976 = arith.mulf %gather3A_1920, %gather3A_1942 : vector<16xf32>
      %mul3A_1977 = arith.mulf %gather3A_1931, %gather3A_1953 : vector<16xf32>
      %add3A_1978 = arith.addf %mul3A_1976, %mul3A_1977 : vector<16xf32>
      %reduce_sum3A_1979 = arith.constant true
      %reduce_sum3A_1980 = vector.broadcast %reduce_sum3A_1979 : i1 to vector<16xi1>
      %reduce_sum3A_1981 = tpu.scan <sum>, %add3A_1978 masked %reduce_sum3A_1980 : vector<16xf32>, vector<16xi1> -> vector<16xf32>
      %reduce_sum3A_1982 = vector.extract %reduce_sum3A_1981[15] : f32 from vector<16xf32>
      %mul3A_1983 = arith.mulf %gather3A_1920, %gather3A_1964 : vector<16xf32>
      %mul3A_1984 = arith.mulf %gather3A_1931, %gather3A_1975 : vector<16xf32>
      %add3A_1985 = arith.addf %mul3A_1983, %mul3A_1984 : vector<16xf32>
      %reduce_sum3A_1986 = arith.constant true
      %reduce_sum3A_1987 = vector.broadcast %reduce_sum3A_1986 : i1 to vector<16xi1>
      %reduce_sum3A_1988 = tpu.scan <sum>, %add3A_1985 masked %reduce_sum3A_1987 : vector<16xf32>, vector<16xi1> -> vector<16xf32>
      %reduce_sum3A_1989 = vector.extract %reduce_sum3A_1988[15] : f32 from vector<16xf32>
      %mul3A_1990 = arith.mulf %gather3A_1920, %gather3A_1920 : vector<16xf32>
      %mul3A_1991 = arith.mulf %gather3A_1931, %gather3A_1931 : vector<16xf32>
      %add3A_1992 = arith.addf %mul3A_1990, %mul3A_1991 : vector<16xf32>
      %mul3A_1993 = arith.mulf %gather3A_1942, %gather3A_1942 : vector<16xf32>
      %add3A_1994 = arith.addf %add3A_1992, %mul3A_1993 : vector<16xf32>
      %mul3A_1995 = arith.mulf %gather3A_1953, %gather3A_1953 : vector<16xf32>
      %add3A_1996 = arith.addf %add3A_1994, %mul3A_1995 : vector<16xf32>
      %mul3A_1997 = arith.mulf %gather3A_1964, %gather3A_1964 : vector<16xf32>
      %add3A_1998 = arith.addf %add3A_1996, %mul3A_1997 : vector<16xf32>
      %mul3A_1999 = arith.mulf %gather3A_1975, %gather3A_1975 : vector<16xf32>
      %add3A_2000 = arith.addf %add3A_1998, %mul3A_1999 : vector<16xf32>
      %add3A_2001 = arith.addf %add3A_1816, %add3A_2000 : vector<16xf32>
      %dma_wait3A_2002 = arith.constant 1 : i32
      %dma_wait3A_2003 = arith.constant 3 : i32
      %dma_wait3A_2004 = arith.constant 1 : i32
      %dma_wait3A_2005 = arith.constant 3 : i32
      %dma_wait3A_2006 = arith.constant 0 : i32
      %dma_wait3A_2007 = arith.constant 0 : i32
      %dma_wait3A_2008 = tpu.memref_slice %arg13[%dma_wait3A_2002, %dma_wait3A_2003, %dma_wait3A_2006, %dma_wait3A_2007] : memref<2x4x32x128xf32, #tpu.memory_space<vmem>> -> memref<1x1x32x128xf32, #tpu.memory_space<vmem>>
      %dma_wait3A_2009 = tpu.memref_squeeze %dma_wait3A_2008 : memref<1x1x32x128xf32, #tpu.memory_space<vmem>> -> memref<32x128xf32, #tpu.memory_space<vmem>>
      %dma_wait3A_2010 = arith.constant 0 : i32
      %dma_wait3A_2011 = arith.constant 0 : i32
      %dma_wait3A_2012 = tpu.memref_slice %arg5[%dma_wait3A_2010, %dma_wait3A_2011] : memref<32x1000000xf32, #tpu.memory_space<hbm>> -> memref<32x128xf32, #tpu.memory_space<hbm>>
      %dma_wait3A_2013 = tpu.memref_slice %arg19[%dma_wait3A_2004, %dma_wait3A_2005] : memref<2x4x!tpu.dma_semaphore, #tpu.memory_space<semaphore_mem>> -> memref<1x1x!tpu.dma_semaphore, #tpu.memory_space<semaphore_mem>>
      %dma_wait3A_2014 = tpu.memref_squeeze %dma_wait3A_2013 : memref<1x1x!tpu.dma_semaphore, #tpu.memory_space<semaphore_mem>> -> memref<!tpu.dma_semaphore, #tpu.memory_space<semaphore_mem>>
      %dma_wait3A_2015 = arith.constant 0 : i32
      %dma_wait3A_2016 = arith.constant 0 : i32
      %dma_wait3A_2017 = tpu.memref_slice %arg13[%dma_wait3A_2002, %dma_wait3A_2003, %dma_wait3A_2015, %dma_wait3A_2016] : memref<2x4x32x128xf32, #tpu.memory_space<vmem>> -> memref<1x1x32x128xf32, #tpu.memory_space<vmem>>
      %dma_wait3A_2018 = tpu.memref_squeeze %dma_wait3A_2017 : memref<1x1x32x128xf32, #tpu.memory_space<vmem>> -> memref<32x128xf32, #tpu.memory_space<vmem>>
      %dma_wait3A_2019 = arith.constant 0 : i32
      %dma_wait3A_2020 = arith.constant 0 : i32
      %dma_wait3A_2021 = tpu.memref_slice %arg5[%dma_wait3A_2019, %dma_wait3A_2020] : memref<32x1000000xf32, #tpu.memory_space<hbm>> -> memref<32x128xf32, #tpu.memory_space<hbm>>
      tpu.wait_dma2 semaphore(%dma_wait3A_2014 : memref<!tpu.dma_semaphore, #tpu.memory_space<semaphore_mem>>) src(%dma_wait3A_2021 : memref<32x128xf32, #tpu.memory_space<hbm>>) dst(%dma_wait3A_2018 : memref<32x128xf32, #tpu.memory_space<vmem>>)
      %dma_wait3A_2022 = arith.constant 1 : i32
      %dma_wait3A_2023 = arith.constant 3 : i32
      %dma_wait3A_2024 = arith.constant 1 : i32
      %dma_wait3A_2025 = arith.constant 3 : i32
      %dma_wait3A_2026 = arith.constant 0 : i32
      %dma_wait3A_2027 = arith.constant 0 : i32
      %dma_wait3A_2028 = tpu.memref_slice %arg14[%dma_wait3A_2022, %dma_wait3A_2023, %dma_wait3A_2026, %dma_wait3A_2027] : memref<2x4x32x128xf32, #tpu.memory_space<vmem>> -> memref<1x1x32x128xf32, #tpu.memory_space<vmem>>
      %dma_wait3A_2029 = tpu.memref_squeeze %dma_wait3A_2028 : memref<1x1x32x128xf32, #tpu.memory_space<vmem>> -> memref<32x128xf32, #tpu.memory_space<vmem>>
      %dma_wait3A_2030 = arith.constant 0 : i32
      %dma_wait3A_2031 = arith.constant 0 : i32
      %dma_wait3A_2032 = tpu.memref_slice %arg5[%dma_wait3A_2030, %dma_wait3A_2031] : memref<32x1000000xf32, #tpu.memory_space<hbm>> -> memref<32x128xf32, #tpu.memory_space<hbm>>
      %dma_wait3A_2033 = tpu.memref_slice %arg19[%dma_wait3A_2024, %dma_wait3A_2025] : memref<2x4x!tpu.dma_semaphore, #tpu.memory_space<semaphore_mem>> -> memref<1x1x!tpu.dma_semaphore, #tpu.memory_space<semaphore_mem>>
      %dma_wait3A_2034 = tpu.memref_squeeze %dma_wait3A_2033 : memref<1x1x!tpu.dma_semaphore, #tpu.memory_space<semaphore_mem>> -> memref<!tpu.dma_semaphore, #tpu.memory_space<semaphore_mem>>
      %dma_wait3A_2035 = arith.constant 0 : i32
      %dma_wait3A_2036 = arith.constant 0 : i32
      %dma_wait3A_2037 = tpu.memref_slice %arg14[%dma_wait3A_2022, %dma_wait3A_2023, %dma_wait3A_2035, %dma_wait3A_2036] : memref<2x4x32x128xf32, #tpu.memory_space<vmem>> -> memref<1x1x32x128xf32, #tpu.memory_space<vmem>>
      %dma_wait3A_2038 = tpu.memref_squeeze %dma_wait3A_2037 : memref<1x1x32x128xf32, #tpu.memory_space<vmem>> -> memref<32x128xf32, #tpu.memory_space<vmem>>
      %dma_wait3A_2039 = arith.constant 0 : i32
      %dma_wait3A_2040 = arith.constant 0 : i32
      %dma_wait3A_2041 = tpu.memref_slice %arg5[%dma_wait3A_2039, %dma_wait3A_2040] : memref<32x1000000xf32, #tpu.memory_space<hbm>> -> memref<32x128xf32, #tpu.memory_space<hbm>>
      tpu.wait_dma2 semaphore(%dma_wait3A_2034 : memref<!tpu.dma_semaphore, #tpu.memory_space<semaphore_mem>>) src(%dma_wait3A_2041 : memref<32x128xf32, #tpu.memory_space<hbm>>) dst(%dma_wait3A_2038 : memref<32x128xf32, #tpu.memory_space<vmem>>)
      %dma_wait3A_2042 = arith.constant 1 : i32
      %dma_wait3A_2043 = arith.constant 3 : i32
      %dma_wait3A_2044 = arith.constant 1 : i32
      %dma_wait3A_2045 = arith.constant 3 : i32
      %dma_wait3A_2046 = arith.constant 0 : i32
      %dma_wait3A_2047 = arith.constant 0 : i32
      %dma_wait3A_2048 = tpu.memref_slice %arg15[%dma_wait3A_2042, %dma_wait3A_2043, %dma_wait3A_2046, %dma_wait3A_2047] : memref<2x4x32x128xf32, #tpu.memory_space<vmem>> -> memref<1x1x32x128xf32, #tpu.memory_space<vmem>>
      %dma_wait3A_2049 = tpu.memref_squeeze %dma_wait3A_2048 : memref<1x1x32x128xf32, #tpu.memory_space<vmem>> -> memref<32x128xf32, #tpu.memory_space<vmem>>
      %dma_wait3A_2050 = arith.constant 0 : i32
      %dma_wait3A_2051 = arith.constant 0 : i32
      %dma_wait3A_2052 = tpu.memref_slice %arg5[%dma_wait3A_2050, %dma_wait3A_2051] : memref<32x1000000xf32, #tpu.memory_space<hbm>> -> memref<32x128xf32, #tpu.memory_space<hbm>>
      %dma_wait3A_2053 = tpu.memref_slice %arg19[%dma_wait3A_2044, %dma_wait3A_2045] : memref<2x4x!tpu.dma_semaphore, #tpu.memory_space<semaphore_mem>> -> memref<1x1x!tpu.dma_semaphore, #tpu.memory_space<semaphore_mem>>
      %dma_wait3A_2054 = tpu.memref_squeeze %dma_wait3A_2053 : memref<1x1x!tpu.dma_semaphore, #tpu.memory_space<semaphore_mem>> -> memref<!tpu.dma_semaphore, #tpu.memory_space<semaphore_mem>>
      %dma_wait3A_2055 = arith.constant 0 : i32
      %dma_wait3A_2056 = arith.constant 0 : i32
      %dma_wait3A_2057 = tpu.memref_slice %arg15[%dma_wait3A_2042, %dma_wait3A_2043, %dma_wait3A_2055, %dma_wait3A_2056] : memref<2x4x32x128xf32, #tpu.memory_space<vmem>> -> memref<1x1x32x128xf32, #tpu.memory_space<vmem>>
      %dma_wait3A_2058 = tpu.memref_squeeze %dma_wait3A_2057 : memref<1x1x32x128xf32, #tpu.memory_space<vmem>> -> memref<32x128xf32, #tpu.memory_space<vmem>>
      %dma_wait3A_2059 = arith.constant 0 : i32
      %dma_wait3A_2060 = arith.constant 0 : i32
      %dma_wait3A_2061 = tpu.memref_slice %arg5[%dma_wait3A_2059, %dma_wait3A_2060] : memref<32x1000000xf32, #tpu.memory_space<hbm>> -> memref<32x128xf32, #tpu.memory_space<hbm>>
      tpu.wait_dma2 semaphore(%dma_wait3A_2054 : memref<!tpu.dma_semaphore, #tpu.memory_space<semaphore_mem>>) src(%dma_wait3A_2061 : memref<32x128xf32, #tpu.memory_space<hbm>>) dst(%dma_wait3A_2058 : memref<32x128xf32, #tpu.memory_space<vmem>>)
      %slice3A_2062 = vector.extract_strided_slice %get3A_1442 {offsets = [3], sizes = [1], strides = [1]} : vector<16xi32> to vector<1xi32>
      %squeeze3A_2063 = vector.extract %slice3A_2062[0] : i32 from vector<1xi32>
      %slice3A_2064 = vector.extract_strided_slice %get3A_1442 {offsets = [3], sizes = [1], strides = [1]} : vector<16xi32> to vector<1xi32>
      %squeeze3A_2065 = vector.extract %slice3A_2064[0] : i32 from vector<1xi32>
      %rem3A_2066 = arith.constant 128 : i32
      %rem3A_2067 = arith.remsi %squeeze3A_2065, %rem3A_2066 : i32
      %sub3A_2068 = arith.subi %squeeze3A_2065, %rem3A_2067 : i32
      %min3A_2069 = arith.constant 999872 : i32
      %min3A_2070 = arith.minsi %sub3A_2068, %min3A_2069 : i32
      %multiple_of3A_2071 = tpu.assume_multiple %min3A_2070, 128 : i32
      %sub3A_2072 = arith.subi %squeeze3A_2063, %multiple_of3A_2071 : i32
      %slice3A_2073 = vector.extract_strided_slice %get3A_1444 {offsets = [3], sizes = [1], strides = [1]} : vector<16xi32> to vector<1xi32>
      %squeeze3A_2074 = vector.extract %slice3A_2073[0] : i32 from vector<1xi32>
      %slice3A_2075 = vector.extract_strided_slice %get3A_1444 {offsets = [3], sizes = [1], strides = [1]} : vector<16xi32> to vector<1xi32>
      %squeeze3A_2076 = vector.extract %slice3A_2075[0] : i32 from vector<1xi32>
      %rem3A_2077 = arith.constant 128 : i32
      %rem3A_2078 = arith.remsi %squeeze3A_2076, %rem3A_2077 : i32
      %sub3A_2079 = arith.subi %squeeze3A_2076, %rem3A_2078 : i32
      %min3A_2080 = arith.constant 999872 : i32
      %min3A_2081 = arith.minsi %sub3A_2079, %min3A_2080 : i32
      %multiple_of3A_2082 = tpu.assume_multiple %min3A_2081, 128 : i32
      %sub3A_2083 = arith.subi %squeeze3A_2074, %multiple_of3A_2082 : i32
      %slice3A_2084 = vector.extract_strided_slice %get3A_1446 {offsets = [3], sizes = [1], strides = [1]} : vector<16xi32> to vector<1xi32>
      %squeeze3A_2085 = vector.extract %slice3A_2084[0] : i32 from vector<1xi32>
      %slice3A_2086 = vector.extract_strided_slice %get3A_1446 {offsets = [3], sizes = [1], strides = [1]} : vector<16xi32> to vector<1xi32>
      %squeeze3A_2087 = vector.extract %slice3A_2086[0] : i32 from vector<1xi32>
      %rem3A_2088 = arith.constant 128 : i32
      %rem3A_2089 = arith.remsi %squeeze3A_2087, %rem3A_2088 : i32
      %sub3A_2090 = arith.subi %squeeze3A_2087, %rem3A_2089 : i32
      %min3A_2091 = arith.constant 999872 : i32
      %min3A_2092 = arith.minsi %sub3A_2090, %min3A_2091 : i32
      %multiple_of3A_2093 = tpu.assume_multiple %min3A_2092, 128 : i32
      %sub3A_2094 = arith.subi %squeeze3A_2085, %multiple_of3A_2093 : i32
      %broadcast_in_dim3A_2095 = arith.constant 0 : i32
      %broadcast_in_dim3A_2096 = vector.broadcast %broadcast_in_dim3A_2095 : i32 to vector<16xi32>
      %add3A_2097 = vector.broadcast %sub3A_2072 : i32 to vector<16xi32>
      %add3A_2098 = arith.addi %broadcast_in_dim3A_2096, %add3A_2097 : vector<16xi32>
      %gather3A_2099 = arith.constant 1 : i32
      %gather3A_2100 = arith.constant 3 : i32
      %gather3A_2101 = arith.constant 0 : i32
      %gather3A_2102 = arith.constant 0 : i32
      %gather3A_2103 = tpu.memref_slice %arg13[%gather3A_2099, %gather3A_2100, %gather3A_2101, %gather3A_2102] : memref<2x4x32x128xf32, #tpu.memory_space<vmem>> -> memref<1x1x32x128xf32, #tpu.memory_space<vmem>>
      %gather3A_2104 = tpu.memref_squeeze %gather3A_2103 : memref<1x1x32x128xf32, #tpu.memory_space<vmem>> -> memref<32x128xf32, #tpu.memory_space<vmem>>
      %gather3A_2105 = tpu.vector_load_idx %gather3A_2104[%iota3A, %add3A_2098] : memref<32x128xf32, #tpu.memory_space<vmem>>[vector<16xi32>, vector<16xi32>], vector<16xf32>,
      %broadcast_in_dim3A_2106 = arith.constant 0 : i32
      %broadcast_in_dim3A_2107 = vector.broadcast %broadcast_in_dim3A_2106 : i32 to vector<16xi32>
      %add3A_2108 = vector.broadcast %sub3A_2072 : i32 to vector<16xi32>
      %add3A_2109 = arith.addi %broadcast_in_dim3A_2107, %add3A_2108 : vector<16xi32>
      %gather3A_2110 = arith.constant 1 : i32
      %gather3A_2111 = arith.constant 3 : i32
      %gather3A_2112 = arith.constant 0 : i32
      %gather3A_2113 = arith.constant 0 : i32
      %gather3A_2114 = tpu.memref_slice %arg13[%gather3A_2110, %gather3A_2111, %gather3A_2112, %gather3A_2113] : memref<2x4x32x128xf32, #tpu.memory_space<vmem>> -> memref<1x1x32x128xf32, #tpu.memory_space<vmem>>
      %gather3A_2115 = tpu.memref_squeeze %gather3A_2114 : memref<1x1x32x128xf32, #tpu.memory_space<vmem>> -> memref<32x128xf32, #tpu.memory_space<vmem>>
      %gather3A_2116 = tpu.vector_load_idx %gather3A_2115[%add3A_5, %add3A_2109] : memref<32x128xf32, #tpu.memory_space<vmem>>[vector<16xi32>, vector<16xi32>], vector<16xf32>,
      %broadcast_in_dim3A_2117 = arith.constant 0 : i32
      %broadcast_in_dim3A_2118 = vector.broadcast %broadcast_in_dim3A_2117 : i32 to vector<16xi32>
      %add3A_2119 = vector.broadcast %sub3A_2083 : i32 to vector<16xi32>
      %add3A_2120 = arith.addi %broadcast_in_dim3A_2118, %add3A_2119 : vector<16xi32>
      %gather3A_2121 = arith.constant 1 : i32
      %gather3A_2122 = arith.constant 3 : i32
      %gather3A_2123 = arith.constant 0 : i32
      %gather3A_2124 = arith.constant 0 : i32
      %gather3A_2125 = tpu.memref_slice %arg14[%gather3A_2121, %gather3A_2122, %gather3A_2123, %gather3A_2124] : memref<2x4x32x128xf32, #tpu.memory_space<vmem>> -> memref<1x1x32x128xf32, #tpu.memory_space<vmem>>
      %gather3A_2126 = tpu.memref_squeeze %gather3A_2125 : memref<1x1x32x128xf32, #tpu.memory_space<vmem>> -> memref<32x128xf32, #tpu.memory_space<vmem>>
      %gather3A_2127 = tpu.vector_load_idx %gather3A_2126[%iota3A, %add3A_2120] : memref<32x128xf32, #tpu.memory_space<vmem>>[vector<16xi32>, vector<16xi32>], vector<16xf32>,
      %broadcast_in_dim3A_2128 = arith.constant 0 : i32
      %broadcast_in_dim3A_2129 = vector.broadcast %broadcast_in_dim3A_2128 : i32 to vector<16xi32>
      %add3A_2130 = vector.broadcast %sub3A_2083 : i32 to vector<16xi32>
      %add3A_2131 = arith.addi %broadcast_in_dim3A_2129, %add3A_2130 : vector<16xi32>
      %gather3A_2132 = arith.constant 1 : i32
      %gather3A_2133 = arith.constant 3 : i32
      %gather3A_2134 = arith.constant 0 : i32
      %gather3A_2135 = arith.constant 0 : i32
      %gather3A_2136 = tpu.memref_slice %arg14[%gather3A_2132, %gather3A_2133, %gather3A_2134, %gather3A_2135] : memref<2x4x32x128xf32, #tpu.memory_space<vmem>> -> memref<1x1x32x128xf32, #tpu.memory_space<vmem>>
      %gather3A_2137 = tpu.memref_squeeze %gather3A_2136 : memref<1x1x32x128xf32, #tpu.memory_space<vmem>> -> memref<32x128xf32, #tpu.memory_space<vmem>>
      %gather3A_2138 = tpu.vector_load_idx %gather3A_2137[%add3A_5, %add3A_2131] : memref<32x128xf32, #tpu.memory_space<vmem>>[vector<16xi32>, vector<16xi32>], vector<16xf32>,
      %broadcast_in_dim3A_2139 = arith.constant 0 : i32
      %broadcast_in_dim3A_2140 = vector.broadcast %broadcast_in_dim3A_2139 : i32 to vector<16xi32>
      %add3A_2141 = vector.broadcast %sub3A_2094 : i32 to vector<16xi32>
      %add3A_2142 = arith.addi %broadcast_in_dim3A_2140, %add3A_2141 : vector<16xi32>
      %gather3A_2143 = arith.constant 1 : i32
      %gather3A_2144 = arith.constant 3 : i32
      %gather3A_2145 = arith.constant 0 : i32
      %gather3A_2146 = arith.constant 0 : i32
      %gather3A_2147 = tpu.memref_slice %arg15[%gather3A_2143, %gather3A_2144, %gather3A_2145, %gather3A_2146] : memref<2x4x32x128xf32, #tpu.memory_space<vmem>> -> memref<1x1x32x128xf32, #tpu.memory_space<vmem>>
      %gather3A_2148 = tpu.memref_squeeze %gather3A_2147 : memref<1x1x32x128xf32, #tpu.memory_space<vmem>> -> memref<32x128xf32, #tpu.memory_space<vmem>>
      %gather3A_2149 = tpu.vector_load_idx %gather3A_2148[%iota3A, %add3A_2142] : memref<32x128xf32, #tpu.memory_space<vmem>>[vector<16xi32>, vector<16xi32>], vector<16xf32>,
      %broadcast_in_dim3A_2150 = arith.constant 0 : i32
      %broadcast_in_dim3A_2151 = vector.broadcast %broadcast_in_dim3A_2150 : i32 to vector<16xi32>
      %add3A_2152 = vector.broadcast %sub3A_2094 : i32 to vector<16xi32>
      %add3A_2153 = arith.addi %broadcast_in_dim3A_2151, %add3A_2152 : vector<16xi32>
      %gather3A_2154 = arith.constant 1 : i32
      %gather3A_2155 = arith.constant 3 : i32
      %gather3A_2156 = arith.constant 0 : i32
      %gather3A_2157 = arith.constant 0 : i32
      %gather3A_2158 = tpu.memref_slice %arg15[%gather3A_2154, %gather3A_2155, %gather3A_2156, %gather3A_2157] : memref<2x4x32x128xf32, #tpu.memory_space<vmem>> -> memref<1x1x32x128xf32, #tpu.memory_space<vmem>>
      %gather3A_2159 = tpu.memref_squeeze %gather3A_2158 : memref<1x1x32x128xf32, #tpu.memory_space<vmem>> -> memref<32x128xf32, #tpu.memory_space<vmem>>
      %gather3A_2160 = tpu.vector_load_idx %gather3A_2159[%add3A_5, %add3A_2153] : memref<32x128xf32, #tpu.memory_space<vmem>>[vector<16xi32>, vector<16xi32>], vector<16xf32>,
      %mul3A_2161 = arith.mulf %gather3A_2105, %gather3A_2127 : vector<16xf32>
      %mul3A_2162 = arith.mulf %gather3A_2116, %gather3A_2138 : vector<16xf32>
      %add3A_2163 = arith.addf %mul3A_2161, %mul3A_2162 : vector<16xf32>
      %reduce_sum3A_2164 = arith.constant true
      %reduce_sum3A_2165 = vector.broadcast %reduce_sum3A_2164 : i1 to vector<16xi1>
      %reduce_sum3A_2166 = tpu.scan <sum>, %add3A_2163 masked %reduce_sum3A_2165 : vector<16xf32>, vector<16xi1> -> vector<16xf32>
      %reduce_sum3A_2167 = vector.extract %reduce_sum3A_2166[15] : f32 from vector<16xf32>
      %mul3A_2168 = arith.mulf %gather3A_2105, %gather3A_2149 : vector<16xf32>
      %mul3A_2169 = arith.mulf %gather3A_2116, %gather3A_2160 : vector<16xf32>
      %add3A_2170 = arith.addf %mul3A_2168, %mul3A_2169 : vector<16xf32>
      %reduce_sum3A_2171 = arith.constant true
      %reduce_sum3A_2172 = vector.broadcast %reduce_sum3A_2171 : i1 to vector<16xi1>
      %reduce_sum3A_2173 = tpu.scan <sum>, %add3A_2170 masked %reduce_sum3A_2172 : vector<16xf32>, vector<16xi1> -> vector<16xf32>
      %reduce_sum3A_2174 = vector.extract %reduce_sum3A_2173[15] : f32 from vector<16xf32>
      %mul3A_2175 = arith.mulf %gather3A_2105, %gather3A_2105 : vector<16xf32>
      %mul3A_2176 = arith.mulf %gather3A_2116, %gather3A_2116 : vector<16xf32>
      %add3A_2177 = arith.addf %mul3A_2175, %mul3A_2176 : vector<16xf32>
      %mul3A_2178 = arith.mulf %gather3A_2127, %gather3A_2127 : vector<16xf32>
      %add3A_2179 = arith.addf %add3A_2177, %mul3A_2178 : vector<16xf32>
      %mul3A_2180 = arith.mulf %gather3A_2138, %gather3A_2138 : vector<16xf32>
      %add3A_2181 = arith.addf %add3A_2179, %mul3A_2180 : vector<16xf32>
      %mul3A_2182 = arith.mulf %gather3A_2149, %gather3A_2149 : vector<16xf32>
      %add3A_2183 = arith.addf %add3A_2181, %mul3A_2182 : vector<16xf32>
      %mul3A_2184 = arith.mulf %gather3A_2160, %gather3A_2160 : vector<16xf32>
      %add3A_2185 = arith.addf %add3A_2183, %mul3A_2184 : vector<16xf32>
      %add3A_2186 = arith.addf %add3A_2001, %add3A_2185 : vector<16xf32>
      %eq3A_2187 = arith.constant 2 : i32
      %eq3A_2188 = vector.broadcast %eq3A_2187 : i32 to vector<16xi32>
      %eq3A_2189 = arith.cmpi eq, %iota3A, %eq3A_2188 : vector<16xi32>
      %broadcast_in_dim3A_2190 = vector.broadcast %reduce_sum3A_1982 : f32 to vector<16xf32>
      %broadcast_in_dim3A_2191 = vector.broadcast %reduce_sum3A_2167 : f32 to vector<16xf32>
      %select_n3A_2192 = arith.select %eq3A_2189, %broadcast_in_dim3A_2190, %broadcast_in_dim3A_2191 : vector<16xi1>, vector<16xf32>
      %eq3A_2193 = arith.constant 2 : i32
      %eq3A_2194 = vector.broadcast %eq3A_2193 : i32 to vector<16xi32>
      %eq3A_2195 = arith.cmpi eq, %iota3A, %eq3A_2194 : vector<16xi32>
      %broadcast_in_dim3A_2196 = vector.broadcast %reduce_sum3A_1989 : f32 to vector<16xf32>
      %broadcast_in_dim3A_2197 = vector.broadcast %reduce_sum3A_2174 : f32 to vector<16xf32>
      %select_n3A_2198 = arith.select %eq3A_2195, %broadcast_in_dim3A_2196, %broadcast_in_dim3A_2197 : vector<16xi1>, vector<16xf32>
      %eq3A_2199 = arith.constant 1 : i32
      %eq3A_2200 = vector.broadcast %eq3A_2199 : i32 to vector<16xi32>
      %eq3A_2201 = arith.cmpi eq, %iota3A, %eq3A_2200 : vector<16xi32>
      %broadcast_in_dim3A_2202 = vector.broadcast %reduce_sum3A_1797 : f32 to vector<16xf32>
      %select_n3A_2203 = arith.select %eq3A_2201, %broadcast_in_dim3A_2202, %select_n3A_2192 : vector<16xi1>, vector<16xf32>
      %eq3A_2204 = arith.constant 1 : i32
      %eq3A_2205 = vector.broadcast %eq3A_2204 : i32 to vector<16xi32>
      %eq3A_2206 = arith.cmpi eq, %iota3A, %eq3A_2205 : vector<16xi32>
      %broadcast_in_dim3A_2207 = vector.broadcast %reduce_sum3A_1804 : f32 to vector<16xf32>
      %select_n3A_2208 = arith.select %eq3A_2206, %broadcast_in_dim3A_2207, %select_n3A_2198 : vector<16xi1>, vector<16xf32>
      %eq3A_2209 = arith.constant 0 : i32
      %eq3A_2210 = vector.broadcast %eq3A_2209 : i32 to vector<16xi32>
      %eq3A_2211 = arith.cmpi eq, %iota3A, %eq3A_2210 : vector<16xi32>
      %broadcast_in_dim3A_2212 = vector.broadcast %reduce_sum3A_1612 : f32 to vector<16xf32>
      %select_n3A_2213 = arith.select %eq3A_2211, %broadcast_in_dim3A_2212, %select_n3A_2203 : vector<16xi1>, vector<16xf32>
      %eq3A_2214 = arith.constant 0 : i32
      %eq3A_2215 = vector.broadcast %eq3A_2214 : i32 to vector<16xi32>
      %eq3A_2216 = arith.cmpi eq, %iota3A, %eq3A_2215 : vector<16xi32>
      %broadcast_in_dim3A_2217 = vector.broadcast %reduce_sum3A_1619 : f32 to vector<16xf32>
      %select_n3A_2218 = arith.select %eq3A_2216, %broadcast_in_dim3A_2217, %select_n3A_2208 : vector<16xi1>, vector<16xf32>
      %lt3A_2219 = arith.constant 4 : i32
      %lt3A_2220 = vector.broadcast %lt3A_2219 : i32 to vector<16xi32>
      %lt3A_2221 = arith.cmpi slt, %iota3A, %lt3A_2220 : vector<16xi32>
      %add3A_2222 = vector.broadcast %mul3A_1440 : i32 to vector<16xi32>
      %add3A_2223 = arith.addi %add3A_2222, %iota3A : vector<16xi32>
      tpu.vector_store_idx %arg16[%add3A_2223], %select_n3A_2213 masked %lt3A_2221 : memref<512xf32, #tpu.memory_space<vmem>>[vector<16xi32>], vector<16xf32>, vector<16xi1>
      %add3A_2224 = vector.broadcast %mul3A_1440 : i32 to vector<16xi32>
      %add3A_2225 = arith.addi %add3A_2224, %iota3A : vector<16xi32>
      tpu.vector_store_idx %arg17[%add3A_2225], %select_n3A_2218 masked %lt3A_2221 : memref<512xf32, #tpu.memory_space<vmem>>[vector<16xi32>], vector<16xf32>, vector<16xi1>
      scf.yield %add3A_2186 : vector<16xf32>
    }
    %scan3A_321 = arith.constant 64 : i32
    %swap3A = arith.constant 0 : index
    %swap3A_322 = tpu.vector_load %arg18[%swap3A] {strides = array<i32>} : memref<16xf32, #tpu.memory_space<vmem>>, vector<16xf32>,
    tpu.vector_store %arg18[%swap3A], %scan3A_320 {strides = array<i32>} : memref<16xf32, #tpu.memory_space<vmem>>, vector<16xf32>,
    "tpu.region"() ({
      %run_scoped3A = tpu.sem_alloc : memref<!tpu.dma_semaphore, #tpu.memory_space<semaphore_mem>>
      %dma_start3A_323 = tpu.memref_slice %arg7[%mul3A_2] : memref<16384xf32, #tpu.memory_space<hbm>> -> memref<512xf32, #tpu.memory_space<hbm>>
      %dma_start3A_324 = tpu.memref_slice %arg7[%mul3A_2] : memref<16384xf32, #tpu.memory_space<hbm>> -> memref<512xf32, #tpu.memory_space<hbm>>
      tpu.enqueue_dma source(%arg16 : memref<512xf32, #tpu.memory_space<vmem>>) target(%dma_start3A_324 : memref<512xf32, #tpu.memory_space<hbm>>) target_semaphore(%run_scoped3A : memref<!tpu.dma_semaphore, #tpu.memory_space<semaphore_mem>>)
      %dma_wait3A = tpu.memref_slice %arg7[%mul3A_2] : memref<16384xf32, #tpu.memory_space<hbm>> -> memref<512xf32, #tpu.memory_space<hbm>>
      %dma_wait3A_325 = tpu.memref_slice %arg7[%mul3A_2] : memref<16384xf32, #tpu.memory_space<hbm>> -> memref<512xf32, #tpu.memory_space<hbm>>
      tpu.wait_dma2 semaphore(%run_scoped3A : memref<!tpu.dma_semaphore, #tpu.memory_space<semaphore_mem>>) src(%arg16 : memref<512xf32, #tpu.memory_space<vmem>>) dst(%dma_wait3A_325 : memref<512xf32, #tpu.memory_space<hbm>>)
      tpu.yield
    }) : () -> ()
    "tpu.region"() ({
      %run_scoped3A = tpu.sem_alloc : memref<!tpu.dma_semaphore, #tpu.memory_space<semaphore_mem>>
      %dma_start3A_323 = tpu.memref_slice %arg8[%mul3A_2] : memref<16384xf32, #tpu.memory_space<hbm>> -> memref<512xf32, #tpu.memory_space<hbm>>
      %dma_start3A_324 = tpu.memref_slice %arg8[%mul3A_2] : memref<16384xf32, #tpu.memory_space<hbm>> -> memref<512xf32, #tpu.memory_space<hbm>>
      tpu.enqueue_dma source(%arg17 : memref<512xf32, #tpu.memory_space<vmem>>) target(%dma_start3A_324 : memref<512xf32, #tpu.memory_space<hbm>>) target_semaphore(%run_scoped3A : memref<!tpu.dma_semaphore, #tpu.memory_space<semaphore_mem>>)
      %dma_wait3A = tpu.memref_slice %arg8[%mul3A_2] : memref<16384xf32, #tpu.memory_space<hbm>> -> memref<512xf32, #tpu.memory_space<hbm>>
      %dma_wait3A_325 = tpu.memref_slice %arg8[%mul3A_2] : memref<16384xf32, #tpu.memory_space<hbm>> -> memref<512xf32, #tpu.memory_space<hbm>>
      tpu.wait_dma2 semaphore(%run_scoped3A : memref<!tpu.dma_semaphore, #tpu.memory_space<semaphore_mem>>) src(%arg17 : memref<512xf32, #tpu.memory_space<vmem>>) dst(%dma_wait3A_325 : memref<512xf32, #tpu.memory_space<hbm>>)
      tpu.yield
    }) : () -> ()
    "tpu.region"() ({
      %run_scoped3A = tpu.sem_alloc : memref<!tpu.dma_semaphore, #tpu.memory_space<semaphore_mem>>
      %dma_start3A_323 = arith.constant 0 : i32
      %dma_start3A_324 = tpu.memref_slice %arg9[%add3A, %dma_start3A_323] : memref<32x16xf32, #tpu.memory_space<hbm>> -> memref<1x16xf32, #tpu.memory_space<hbm>>
      %dma_start3A_325 = tpu.memref_squeeze %dma_start3A_324 : memref<1x16xf32, #tpu.memory_space<hbm>> -> memref<16xf32, #tpu.memory_space<hbm>>
      %dma_start3A_326 = arith.constant 0 : i32
      %dma_start3A_327 = tpu.memref_slice %arg9[%add3A, %dma_start3A_326] : memref<32x16xf32, #tpu.memory_space<hbm>> -> memref<1x16xf32, #tpu.memory_space<hbm>>
      %dma_start3A_328 = tpu.memref_squeeze %dma_start3A_327 : memref<1x16xf32, #tpu.memory_space<hbm>> -> memref<16xf32, #tpu.memory_space<hbm>>
      tpu.enqueue_dma source(%arg18 : memref<16xf32, #tpu.memory_space<vmem>>) target(%dma_start3A_328 : memref<16xf32, #tpu.memory_space<hbm>>) target_semaphore(%run_scoped3A : memref<!tpu.dma_semaphore, #tpu.memory_space<semaphore_mem>>)
      %dma_wait3A = arith.constant 0 : i32
      %dma_wait3A_329 = tpu.memref_slice %arg9[%add3A, %dma_wait3A] : memref<32x16xf32, #tpu.memory_space<hbm>> -> memref<1x16xf32, #tpu.memory_space<hbm>>
      %dma_wait3A_330 = tpu.memref_squeeze %dma_wait3A_329 : memref<1x16xf32, #tpu.memory_space<hbm>> -> memref<16xf32, #tpu.memory_space<hbm>>
      %dma_wait3A_331 = arith.constant 0 : i32
      %dma_wait3A_332 = tpu.memref_slice %arg9[%add3A, %dma_wait3A_331] : memref<32x16xf32, #tpu.memory_space<hbm>> -> memref<1x16xf32, #tpu.memory_space<hbm>>
      %dma_wait3A_333 = tpu.memref_squeeze %dma_wait3A_332 : memref<1x16xf32, #tpu.memory_space<hbm>> -> memref<16xf32, #tpu.memory_space<hbm>>
      tpu.wait_dma2 semaphore(%run_scoped3A : memref<!tpu.dma_semaphore, #tpu.memory_space<semaphore_mem>>) src(%arg18 : memref<16xf32, #tpu.memory_space<vmem>>) dst(%dma_wait3A_333 : memref<16xf32, #tpu.memory_space<hbm>>)
      tpu.yield
    }) : () -> ()
    return
  }
}

module attributes {stable_mosaic.version = 14 : i64} {
  func.func @_tc_loss_body(%arg0: memref<128x128xf32, #tpu.memory_space<vmem>>, %arg1: memref<128x128xf32, #tpu.memory_space<vmem>>, %arg2: memref<4x128xf32, #tpu.memory_space<vmem>>, %arg3: memref<1x1xf32, #tpu.memory_space<smem>>) attributes {dimension_semantics = [], scalar_prefetch = 0 : i64, scratch_operands = 0 : i64, tpu.core_type = #tpu.core_type<tc>} {
    %get3A = arith.constant 0 : index
    %get3A_0 = arith.constant 0 : index
    %get3A_1 = vector.load %arg0[%get3A, %get3A_0] : memref<128x128xf32, #tpu.memory_space<vmem>>, vector<128x128xf32>
    %get3A_2 = arith.constant 0 : index
    %get3A_3 = arith.constant 0 : index
    %get3A_4 = vector.load %arg1[%get3A_2, %get3A_3] : memref<128x128xf32, #tpu.memory_space<vmem>>, vector<128x128xf32>
    %neg3A = arith.constant 0.000000e+00 : f32
    %neg3A_5 = vector.broadcast %neg3A : f32 to vector<128x128xf32>
    %neg3A_6 = arith.subf %neg3A_5, %get3A_1 : vector<128x128xf32>
    %exp3A = math.exp %neg3A_6 : vector<128x128xf32>
    %add3A = arith.constant 1.000000e+00 : f32
    %add3A_7 = vector.broadcast %add3A : f32 to vector<128x128xf32>
    %add3A_8 = arith.addf %add3A_7, %exp3A : vector<128x128xf32>
    %log3A = math.log %add3A_8 : vector<128x128xf32>
    %reduce_sum3A = vector.shape_cast %log3A : vector<128x128xf32> to vector<1x128x128xf32>
    %reduce_sum3A_9 = arith.constant dense<0.000000e+00> : vector<1xf32>
    %reduce_sum3A_10 = vector.multi_reduction <add>, %reduce_sum3A, %reduce_sum3A_9 [1, 2] : vector<1x128x128xf32> to vector<1xf32>
    %reduce_sum3A_11 = vector.shape_cast %reduce_sum3A_10 : vector<1xf32> to vector<1x1x1xf32>
    %reduce_sum3A_12 = vector.extract %reduce_sum3A_11[0, 0, 0] : f32 from vector<1x1x1xf32>
    %exp3A_13 = math.exp %get3A_4 : vector<128x128xf32>
    %add3A_14 = arith.constant 1.000000e+00 : f32
    %add3A_15 = vector.broadcast %add3A_14 : f32 to vector<128x128xf32>
    %add3A_16 = arith.addf %add3A_15, %exp3A_13 : vector<128x128xf32>
    %log3A_17 = math.log %add3A_16 : vector<128x128xf32>
    %reduce_sum3A_18 = vector.shape_cast %log3A_17 : vector<128x128xf32> to vector<1x128x128xf32>
    %reduce_sum3A_19 = arith.constant dense<0.000000e+00> : vector<1xf32>
    %reduce_sum3A_20 = vector.multi_reduction <add>, %reduce_sum3A_18, %reduce_sum3A_19 [1, 2] : vector<1x128x128xf32> to vector<1xf32>
    %reduce_sum3A_21 = vector.shape_cast %reduce_sum3A_20 : vector<1xf32> to vector<1x1x1xf32>
    %reduce_sum3A_22 = vector.extract %reduce_sum3A_21[0, 0, 0] : f32 from vector<1x1x1xf32>
    %add3A_23 = arith.addf %reduce_sum3A_12, %reduce_sum3A_22 : f32
    %get3A_24 = arith.constant 0 : index
    %get3A_25 = arith.constant 0 : index
    %get3A_26 = vector.load %arg2[%get3A_24, %get3A_25] : memref<4x128xf32, #tpu.memory_space<vmem>>, vector<4x128xf32>
    %reduce_sum3A_27 = vector.shape_cast %get3A_26 : vector<4x128xf32> to vector<1x4x128xf32>
    %reduce_sum3A_28 = arith.constant dense<0.000000e+00> : vector<1xf32>
    %reduce_sum3A_29 = vector.multi_reduction <add>, %reduce_sum3A_27, %reduce_sum3A_28 [1, 2] : vector<1x4x128xf32> to vector<1xf32>
    %reduce_sum3A_30 = vector.shape_cast %reduce_sum3A_29 : vector<1xf32> to vector<1x1x1xf32>
    %reduce_sum3A_31 = vector.extract %reduce_sum3A_30[0, 0, 0] : f32 from vector<1x1x1xf32>
    %div3A = arith.constant 3.276800e+04 : f32
    %div3A_32 = arith.divf %add3A_23, %div3A : f32
    %mul3A = arith.constant 5.000000e-05 : f32
    %mul3A_33 = arith.mulf %mul3A, %reduce_sum3A_31 : f32
    %div3A_34 = arith.constant 1.638400e+04 : f32
    %div3A_35 = arith.divf %mul3A_33, %div3A_34 : f32
    %add3A_36 = arith.addf %div3A_32, %div3A_35 : f32
    %swap3A = arith.constant 0 : index
    %swap3A_37 = arith.constant 0 : index
    %swap3A_38 = memref.load %arg3[%swap3A, %swap3A_37] : memref<1x1xf32, #tpu.memory_space<smem>>
    memref.store %add3A_36, %arg3[%swap3A, %swap3A_37] : memref<1x1xf32, #tpu.memory_space<smem>>
    return
  }
}

</mosaic_0001>

<sc_bundles>
// kernel: kernel.4.cloned.1.call-start
scs
__scs_entry_jumppad:
0x0: {  	(pc) =	sbr.rel $0x88, $3  }
0x1: {  	(tag) =	ssettag $0x0;
	lr =	simm.s32 $0x1  }
0x2: {  	[smem:$0x3F9C] =	sst lr;
	_ =	strace $0xD0000000  }
0x3: {  	_ = 	snop  }
0x4: {  	_ = 	snop  }
0x5: {  	_ = 	snop  }
0x6: {  	_ = 	snop  }
0x7: {  	_ = 	snop  }
__scs_overlays_trampoline_lowered:
0x8: {  	[smem:$0x3FAB] =	sst s0  }
0x9: {  	[smem:$0x3FAC] =	sst s1  }
0xa: {  	[smem:$0x3FAD] =	sst s2  }
0xb: {  	[smem:$0x3FAE] =	sst s3  }
0xc: {  	[smem:$0x3FAF] =	sst s4  }
0xd: {  	[smem:$0x3FB0] =	sst s5  }
0xe: {  	[smem:$0x3FB1] =	sst s6  }
0xf: {  	[smem:$0x3FB2] =	sst s7  }
0x10: {  	[smem:$0x3FB3] =	sst s8  }
0x11: {  	[smem:$0x3FB4] =	sst s9;
	s0 =	simm.s32 @!p0 $0x0  }
0x12: {  	s1 =	sld [smem:$0x3F9A];
	s0 =	simm.s32 @p0 $0x1  }
0x13: {  	[smem:$0x3FB5] =	sst s0;
	s0 =	simm.s32 @!p1 $0x0  }
0x14: {  	s2 =	sld [smem:$0x3F99];
	s0 =	simm.s32 @p1 $0x1  }
0x15: {  	[smem:$0x3FB6] =	sst s0;
	s0 =	simm.s32 @!p2 $0x0  }
0x16: {  	s3 =	sld [smem:$0x3FDB];
	s0 =	simm.s32 @p2 $0x1  }
0x17: {  	s4 =	simm.s32 $0x1BF5;
	[smem:$0x3FB8] =	sst s0  }
0x18: {  	s0 =	sld [smem:$0x3F9B];
	_ =	swait.ge [sflag:s4], $0x0  }
0x19: {  	s7 =	sld [smem:$0x3F9C]  }
0x1a: {  	s8 =	sadd.s32 $0xFFFFE003, lr  }
0x1b: {  	s9 =	sadd.s32 $0xFFFFFEF7, lr;
	s5 =	simm.s32 $0xFFFFFFFF;
	p2 =	slt.u32 s8, $0xFFFFF086  }
0x1c: {  	p1 =	slt.u32 s9, $0xF7A;
	s5 =	simm.s32 @!p2 $0x0  }
0x1d: {  	s5 =	simm.s32 @p1 $0x1;
	p0 =	seq.s32 s7, s2  }
0x1e: {  	s7 =	smul.u32 @!p0 $0xF7A, s2;
	p2 =	seq.s32 @!p0 s5, $0x0  }
0x1f: {  	s9 =	smul.u32 $0xF7A, s1;
	s8 =	simm.s32 @!p0 $0x1BF5;
	p2 =	por !p2, p0  }
0x20: {  	[sflag:s8] =	ssyncset.s32 @!p0 $0xFFFFF086;
	s6 =	sadd.s32 @!p0 s3, s7;
	s7 =	simm.s32 @!p0 $0x108  }
0x21: {  	s3 =	sadd.s32 s3, s9;
	s6 =	sadd.s32 @!p0 $0x88, s6;
	s7 =	simm.s32 @p2 $0x1082  }
0x22: {  	[simem:s7], [sflag:s8] =	dma.local @!p0 [hbm:s6], $0xF7A  }
0x23: {  	s9 =	sor.u32 $0xD0000000, s2;
	s6 =	simm.s32 $0x108;
	_ =	swait.ge @!p0 [sflag:s8], $0x0  }
0x24: {  	s3 =	sadd.s32 $0x88, s3;
	s6 =	simm.s32 @!p1 $0x1082;
	[sflag:s4] =	ssyncset.s32 $0xFFFFF086  }
0x25: {  	[simem:s6], [sflag:s4] =	dma.local [hbm:s3], $0xF7A  }
0x26: {  	[smem:$0x3F9C] =	sst s1;
	(tag) =	ssettag s2;
	_ =	strace s9  }
0x27: {  	s1 =	sld [smem:$0x3FAC]  }
0x28: {  	s2 =	sld [smem:$0x3FAD]  }
0x29: {  	s4 =	sld [smem:$0x3FAF]  }
0x2a: {  	p0 =	seq.s32 s5, $0x0;
	s5 =	sld [smem:$0x3FB0]  }
0x2b: {  	s6 =	sld [smem:$0x3FB1]  }
0x2c: {  	s7 =	sld [smem:$0x3FB2]  }
0x2d: {  	s3 =	simm.s32 $0x108;
	s8 =	sld [smem:$0x3FB3]  }
0x2e: {  	s3 =	simm.s32 @!p0 $0x1082;
	s9 =	sld [smem:$0x3FB4]  }
0x2f: {  	lr =	sadd.s32 s0, s3;
	s0 =	sld [smem:$0x3FAB]  }
0x30: {  	s3 =	sld [smem:$0x3FAE]  }
0x31: {  	[smem:$0x3FB7] =	sst s10  }
0x32: {  	s10 =	sld [smem:$0x3FB5];
	_ =	sdelay $0x3  }
0x33: {  	p0 =	seq.s32 s10, $0x1;
	s10 =	sld [smem:$0x3FB7];
	_ =	sdelay $0x3  }
0x34: {  	[smem:$0x3FB7] =	sst s10  }
0x35: {  	s10 =	sld [smem:$0x3FB6];
	_ =	sdelay $0x3  }
0x36: {  	p1 =	seq.s32 s10, $0x1;
	s10 =	sld [smem:$0x3FB7];
	_ =	sdelay $0x3  }
0x37: {  	[smem:$0x3FB7] =	sst s10  }
0x38: {  	s10 =	sld [smem:$0x3FB8]  }
0x39: {  	_ = 	snop;
	(pc) =	sbr.ind lr, $3  }
0x3a: {  	_ = 	snop  }
0x3b: {  	_ = 	snop  }
0x3c: {  	p2 =	seq.s32 s10, $0x1;
	s10 =	sld [smem:$0x3FB7]  }
0x3d: {  	_ =	shalt  }
0x3e: {  	_ =	shalt  }
0x3f: {  	_ =	shalt  }
0x40: {  	_ =	shalt  }
0x41: {  	_ =	shalt  }
0x42: {  	_ =	shalt  }
0x43: {  	_ =	shalt  }
0x44: {  	_ =	shalt  }
0x45: {  	_ =	shalt  }
0x46: {  	_ =	shalt  }
0x47: {  	_ =	shalt  }
0x48: {  	_ =	shalt  }
0x49: {  	_ =	shalt  }
0x4a: {  	_ =	shalt  }
0x4b: {  	_ =	shalt  }
0x4c: {  	_ =	shalt  }
0x4d: {  	_ =	shalt  }
0x4e: {  	_ =	shalt  }
0x4f: {  	_ =	shalt  }
0x50: {  	_ =	shalt  }
0x51: {  	_ =	shalt  }
0x52: {  	_ =	shalt  }
0x53: {  	_ =	shalt  }
0x54: {  	_ =	shalt  }
0x55: {  	_ =	shalt  }
0x56: {  	_ =	shalt  }
0x57: {  	_ =	shalt  }
0x58: {  	_ =	shalt  }
0x59: {  	_ =	shalt  }
0x5a: {  	_ =	shalt  }
0x5b: {  	_ =	shalt  }
0x5c: {  	_ =	shalt  }
0x5d: {  	_ =	shalt  }
0x5e: {  	_ =	shalt  }
0x5f: {  	_ =	shalt  }
0x60: {  	_ =	shalt  }
0x61: {  	_ =	shalt  }
0x62: {  	_ =	shalt  }
0x63: {  	_ =	shalt  }
0x64: {  	_ =	shalt  }
0x65: {  	_ =	shalt  }
0x66: {  	_ =	shalt  }
0x67: {  	_ =	shalt  }
0x68: {  	_ =	shalt  }
0x69: {  	_ =	shalt  }
0x6a: {  	_ =	shalt  }
0x6b: {  	_ =	shalt  }
0x6c: {  	_ =	shalt  }
0x6d: {  	_ =	shalt  }
0x6e: {  	_ =	shalt  }
0x6f: {  	_ =	shalt  }
0x70: {  	_ =	shalt  }
0x71: {  	_ =	shalt  }
0x72: {  	_ =	shalt  }
0x73: {  	_ =	shalt  }
0x74: {  	_ =	shalt  }
0x75: {  	_ =	shalt  }
0x76: {  	_ =	shalt  }
0x77: {  	_ =	shalt  }
0x78: {  	_ =	shalt  }
0x79: {  	_ =	shalt  }
0x7a: {  	_ =	shalt  }
0x7b: {  	_ =	shalt  }
0x7c: {  	_ =	shalt  }
0x7d: {  	_ =	shalt  }
0x7e: {  	_ =	shalt  }
0x7f: {  	_ =	shalt  }
0x80: {  	_ =	shalt  }
0x81: {  	_ =	shalt  }
0x82: {  	_ =	shalt  }
0x83: {  	_ =	shalt  }
0x84: {  	_ =	shalt  }
0x85: {  	_ =	shalt  }
0x86: {  	_ =	shalt  }
0x87: {  	_ =	shalt  }
.Lfunc_end0:
.L_simem_size_0:
called_computation_lowered:
.L_overlay_start_0:
0x88: {  	s2 =	sld [smem:$0x3FD9]  }
0x89: {  	s3 =	sld [smem:$0x3FFE];
	_ =	sdelay $0x1  }
0x8a: {  	s1 =	srdreg.scid  }
0x8b: {  	s0 =	sand.u32 $0x1, s1  }
0x8c: {  	s17 =	sshll.u32 s0, $0xA;
	s2 =	sadd.s32 s3, s2  }
0x8d: {  	s2 =	sadd.s32 s2, s17  }
0x8e: {  	[smem:$0x3FC3] =	sst s2  }
0x8f: {  	_ = 	snop  }
0x90: {  	s2 =	sld [smem:$0x3FC9]  }
0x91: {  	s18 =	sld [smem:$0x3FC8]  }
0x92: {  	s4 =	sld [smem:$0x3FC7]  }
0x93: {  	s5 =	sld [smem:$0x3FC6]  }
0x94: {  	s6 =	sld [smem:$0x3FC5];
	(tm) =	ssettm $0x1  }
0x95: {  	s7 =	sld [smem:$0x3FFB];
	_ =	sdelay $0x3  }
0x96: {  	_ =	strace s7  }
0x97: {  	s7 =	sld [smem:$0x3FFC];
	_ =	sdelay $0x3  }
0x98: {  	_ =	strace s7  }
0x99: {  	s7 =	sld [smem:$0x3FFD];
	_ =	sdelay $0x3  }
0x9a: {  	_ =	strace s7  }
0x9b: {  	_ =	strace $0x8FFFFFFF  }
0x9c: {  	s19 =	sld [smem:$0x3FDB];
	_ =	sdelay $0x1  }
0x9d: {  	s8 =	simm.s32 $_scs_section_size  }
0x9e: {  	s9 =	simm.s32 $_size__tile_overlayer_lowered;
	s10 =	simm.s32 $_tile_overlayer_lowered  }
0x9f: {  	s22 =	simm.s32 $0x1BFF;
	s21 =	sshll.u32 s10, $0x1;
	s7 =	sadd.s32 s8, s19  }
0xa0: {  	s11 =	simm.s32 $0x0;
	s20 =	sshll.u32 s9, $0x1;
	s9 =	sadd.s32 s21, s7  }
0xa1: {  	[timem:s11], [sflag:s22] =	dma.local [hbm:s9], s20  }
0xa2: {  	_ =	swait.ge [sflag:s22], s20  }
0xa3: {  	s8 =	ssub.s32 $0x0, s20;
	[sflag:s22] =	ssyncset.done $0x0  }
0xa4: {  	[sflag:s22] =	ssyncadd.s32 s8;
	_ =	sdelay $0x1  }
0xa5: {  	s23 =	simm.s32 $0x1B8B  }
0xa6: {  	_ =	swait.ge [sflag:s23], $0x1  }
0xa7: {  	[sflag:s23] =	ssyncset.done $0x0  }
0xa8: {  	s25 =	simm.s32 $0x1B8E;
	s24 =	sld [smem:$0x3FFE];
	[sflag:s23] =	ssyncadd.s32 $0xFFFFFFFF  }
0xa9: {  	s26 =	simm.s32 $execute0_lowered;
	[smem:$0x3FD2] =	sst s25  }
0xaa: {  	s9 =	sshll.u32 s26, $0x1;
	_ =	strace $0x80000046;
	[dreg:$0x1] =	wrdreg $0xFFFFFFFF  }
0xab: {  	s28 =	simm.s32 $_size_execute0_lowered;
	s7 =	sadd.s32 s7, s9;
	[dreg:$0x0] =	wrdreg $0x0  }
0xac: {  	s9 =	sshll.u32 s28, $0x1;
	[dreg:$0x2] =	wrdreg s7  }
0xad: {  	[dreg:$0x3] =	wrdreg s9  }
0xae: {  	[dreg:$0x4] =	wrdreg $0xC0  }
0xaf: {  	_ =	task [dreg:s11], $0x5FFFF  }
0xb0: {  	[dreg:$0x1] =	wrdreg $0xFFFFFFFF  }
0xb1: {  	[dreg:$0x0] =	wrdreg $0x60  }
0xb2: {  	[dreg:$0x2] =	wrdreg s2  }
0xb3: {  	[dreg:$0x3] =	wrdreg s18  }
0xb4: {  	[dreg:$0x4] =	wrdreg s4  }
0xb5: {  	[dreg:$0x5] =	wrdreg s5  }
0xb6: {  	[dreg:$0x6] =	wrdreg s6  }
0xb7: {  	[dreg:$0x7] =	wrdreg s24  }
0xb8: {  	[dreg:$0x8] =	wrdreg $0x9  }
0xb9: {  	_ =	task.clear_ibuf [dreg:s11], $0x9FFFF;
	_ =	strace $0x90000046  }
0xba: {  	s29 =	simm.s32 $0x9;
	_ =	strace $0x80000048  }
0xbb: {  	_ =	swait.ge [sflag:s29], $0x1  }
0xbc: {  	[sflag:s29] =	ssyncadd.s32 $0xFFFFFFFF  }
0xbd: {  	_ =	strace $0x90000048  }
0xbe: {  	_ =	sfence  }
0xbf: {  	s30 =	sld [smem:$0x0];
	_ =	sdelay $0x2  }
0xc0: {  	s31 =	sshll.u32 s1, $0xD;
	s1 =	sshrl.u32 s1, $0x2  }
0xc1: {  	s3 =	sand.u32 $0x4000, s31;
	s1 =	sadd.s32 s1, s30  }
0xc2: {  	s0 =	sor.u32 s3, s0;
	s1 =	sshll.u32 s1, $0x11  }
0xc3: {  	s0 =	sor.u32 s1, s0  }
0xc4: {  	s0 =	sadd.s32 $0x8F2B, s0  }
0xc5: {  	[sflag:s0] =	ssyncadd.remote.s32 $0x1  }
0xc6: {  	_ =	sfence.sel $0xFFFF  }
0xc7: {  	[dreg:$0x0] =	wrdreg $0xFFFFFFFF;
	(pc) =	sbr.abs _section_cstart, $3  }
0xc8: {  	[dreg:$0x1] =	wrdreg $0xFFFFFFFF  }
0xc9: {  	_ =	task.clear_ibuf [dreg:s11], $0x2FFFF;
	_ =	strace $0x9FFFFFFF  }
0xca: {  	(tm) =	ssettm $0x7FFFFFFF  }
0xcb: {  	_ =	shalt  }
tec
execute0_lowered:
.L_overlay_start_1:
0x0: {  	(tag) =	ssettag $0x1  }
0x1: {  	s0 =	rddreg [dreg:$0x0]  }
0x2: {  	s3 =	rddreg [dreg:$0x1]  }
0x3: {  	s4 =	rddreg [dreg:$0x2]  }
0x4: {  	s1 =	rddreg [dreg:$0x3]  }
0x5: {  	s2 =	rddreg [dreg:$0x4]  }
0x6: {  	s5 =	rddreg [dreg:$0x5];
	s22 =	simm.s32 $0x0  }
0x7: {  	s6 =	srdreg.scid;
	s7 =	stileid.u32;
	s15 =	simm.s32 $0x400  }
0x8: {  	s16 =	simm.s32 $0x7A1400;
	s31 =	simm.s32 $0x3780;
	s28 =	simm.s32 $0x4780  }
0x9: {  	s29 =	simm.s32 $0xC780;
	s30 =	simm.s32 $0x14780;
	s11 =	simm.s32 $0x1  }
0xa: {  	s12 =	simm.s32 $0x3;
	s17 =	simm.s32 $0x4;
	s18 =	simm.s32 $0x5  }
0xb: {  	[smem:$0x7FF] =	sst s22;
	s6 =	sand.u32 $0x1, s6;
	s7 =	sshll.u32 s7, $0x1  }
0xc: {  	s19 =	simm.s32 $0x6;
	_ =	strace $0x80000047;
	s7 =	sor.u32 s6, s7  }
0xd: {  	s6 =	ssub.s32 $0x2, s6;
	s8 =	sshll.u32 s7, $0x6;
	s7 =	sshll.u32 s7, $0x4  }
0xe: {  	s9 =	sshrl.u32 s6, $0x1;
	s10 =	sadd.s32 s8, s5;
	s5 =	sadd.s32 s7, s5  }
0xf: {  	s6 =	ssub.s32 s6, s9;
	s0 =	sadd.s32 s0, s8;
	s20 =	sadd.s32 s3, s8  }
0x10: {  	s21 =	sadd.s32 s4, s8;
	s7 =	simm.s32 $0x2780;
	[dreg:$0x7] =	wrdreg s0  }
0x11: {  	s8 =	simm.s32 $0x13780;
	s4 =	simm.s32 $0x2;
	[dreg:$0x8] =	wrdreg s20  }
.Ltmp0:
0x12: {  	[dreg:$0x9] =	wrdreg s21;
	s23 =	sadd.s32 $0xE00, s10;
	(pc) =	sbr.rel .LBB2_1-.Ltmp0, $4  }
0x13: {  	v0 =	vlaneseq.u32;
	s24 =	sadd.s32 $0x1600, s10;
	s25 =	sadd.s32 $0xC00, s5;
	[dreg:$0xa] =	wrdreg s23  }
0x14: {  	v1 =	vmul.u32 $0x80, v0;
	s26 =	smax.u32 s6, $0x1;
	s10 =	simm.s32 $0xB780;
	[dreg:$0xb] =	wrdreg s24  }
0x15: {  	vm0 =	vcmask $0x3F0C;
	s20 =	simm.s32 $0x7;
	s21 =	simm.s32 $0x8;
	[dreg:$0xc] =	wrdreg s25  }
0x16: {  	vm1 =	vcmask $0x3F08;
	vm2 =	vcmask $0x3F04;
	v2 =	vor.u32 $0x800, v1;
	s0 =	simm.s32 $0x0;
	[dreg:$0xd] =	wrdreg s26;
	s24 =	simm.s32 $0x9  }
.LBB2_5:
0x17: {  	[tilespmem:$0x18B80] =	vst v3;
	s22 =	simm.s32 $0x0;
	s23 =	rddreg [dreg:$0xa];
	s24 =	simm.s32 $0x9  }
0x18: {  	[hbm4b:s23+s22] =	stream.linear.scatter [tilespmem:s13], [sflag:$0x9], $0x200, $0x38;
	[tilespmem:$0x18C00] =	vst v63  }
0x19: {  	_ =	swait.ge [sflag:s24], $0x200  }
0x1a: {  	[sflag:s24] =	ssyncset.done $0x0  }
0x1b: {  	s13 =	rddreg [dreg:$0xb];
	[sflag:s24] =	ssyncadd.s32 $0xFFFFFE00  }
0x1c: {  	[hbm4b:s13+s22] =	stream.linear.scatter [tilespmem:s25], [sflag:$0x9], $0x200, $0x38;
	[tilespmem:$0x18C00] =	vst v63  }
0x1d: {  	_ =	swait.ge [sflag:s24], $0x200  }
0x1e: {  	[sflag:s24] =	ssyncset.done $0x0  }
0x1f: {  	s0 =	simm.s32 $0x18B80;
	s14 =	rddreg [dreg:$0xc];
	[sflag:s24] =	ssyncadd.s32 $0xFFFFFE00  }
0x20: {  	[hbm4b:s14+s22] =	stream.linear.scatter [tilespmem:s0], [sflag:$0x9], $0x80, $0x38;
	[tilespmem:$0x18C00] =	vst v63  }
0x21: {  	_ =	swait.ge [sflag:s24], $0x80  }
0x22: {  	s25 =	rddreg [dreg:$0xe]  }
0x23: {  	s26 =	rddreg [dreg:$0xd];
	s0 =	sadd.s32 $0x1, s25  }
0x24: {  	p0 =	sne.s32 s0, s26  }
.Ltmp1:
0x25: {  	_ = 	snop;
	(pc) =	sbr.rel @!p0 .LBB2_6-.Ltmp1, $3  }
0x26: {  	_ =	sdelay $0x1  }
0x27: {  	[sflag:s24] =	ssyncset.done $0x0  }
0x28: {  	[sflag:s24] =	ssyncadd.s32 $0xFFFFFF80  }
.LBB2_1:
0x29: {  	[dreg:$0xe] =	wrdreg s0  }
0x2a: {  	s23 =	rddreg [dreg:$0x7]  }
0x2b: {  	[tilespmem:s22], [sflag:$0x9] =	stream.linear.gather [hbm4b:s23+s22], $0x200, $0x38;
	[tilespmem:$0x18C00] =	vst v63  }
0x2c: {  	_ =	swait.ge [sflag:s24], $0x200  }
0x2d: {  	[sflag:s24] =	ssyncset.done $0x0  }
0x2e: {  	s25 =	simm.s32 $0x280;
	s14 =	rddreg [dreg:$0x8];
	[sflag:s24] =	ssyncadd.s32 $0xFFFFFE00  }
0x2f: {  	[tilespmem:s25], [sflag:$0x9] =	stream.linear.gather [hbm4b:s14+s22], $0x200, $0x38;
	[tilespmem:$0x18C00] =	vst v63  }
0x30: {  	_ =	swait.ge [sflag:s24], $0x200  }
0x31: {  	[sflag:s24] =	ssyncset.done $0x0  }
0x32: {  	s26 =	simm.s32 $0x500;
	s25 =	rddreg [dreg:$0x9];
	[sflag:s24] =	ssyncadd.s32 $0xFFFFFE00  }
0x33: {  	[tilespmem:s26], [sflag:$0x9] =	stream.linear.gather [hbm4b:s25+s22], $0x200, $0x38;
	[tilespmem:$0x18C00] =	vst v63  }
0x34: {  	_ =	swait.ge [sflag:s24], $0x200  }
0x35: {  	[sflag:s24] =	ssyncset.done $0x0  }
0x36: {  	[sflag:s24] =	ssyncadd.s32 $0xFFFFFE00  }
0x37: {  	v3 =	vld [tilespmem:$0x0];
	_ =	sdelay $0x4  }
0x38: {  	(v2sf) =	vpush v3, $0x0  }
0x39: {  	v4 =	vld [tilespmem:$0x280];
	_ =	sdelay $0x4  }
0x3a: {  	(v2sf) =	vpush v4, $0x0;
	_ =	sdelay $0x5  }
0x3b: {  	v5 =	vld [tilespmem:$0x500];
	_ =	sdelay $0x2  }
0x3c: {  	s0 =	spop (v2sf)  }
0x3d: {  	s3 =	sshra.s32 s0, $0x1F  }
0x3e: {  	(v2sf) =	vpush v5, $0x0;
	s23 =	sshrl.u32 s3, $0x19  }
0x3f: {  	s22 =	sadd.s32 s23, s0  }
0x40: {  	s22 =	sand.u32 $0xFFFFFF80, s22  }
0x41: {  	p0 =	slt.s32 s22, $0xF41C0  }
0x42: {  	s6 =	spop (v2sf);
	s22 =	simm.s32 @!p0 $0xF41C0  }
0x43: {  	s9 =	sshra.s32 s6, $0x1F;
	s22 =	sand.u32 $0xFFFFF80, s22  }
0x44: {  	s5 =	simm.s32 $0x780;
	(v2sf) =	vpush v3, $0x1;
	s23 =	sshrl.u32 s9, $0x19;
	s22 =	sadd.s32 s1, s22  }
0x45: {  	[tilespmem:s5], [sflag:$0x1] =	stream.strided.gather [hbm4b:s22+s15], $0x1000, s16, s15, $0x38;
	[tilespmem:$0x18C00] =	vst v63  }
0x46: {  	s22 =	sadd.s32 s23, s6  }
0x47: {  	s22 =	sand.u32 $0xFFFFFF80, s22  }
0x48: {  	p0 =	slt.s32 s22, $0xF41C0  }
0x49: {  	s22 =	simm.s32 @!p0 $0xF41C0  }
0x4a: {  	s22 =	sand.u32 $0xFFFFF80, s22  }
0x4b: {  	s13 =	simm.s32 $0x8780;
	s22 =	sadd.s32 s2, s22  }
0x4c: {  	[tilespmem:s13], [sflag:$0x1] =	stream.strided.gather [hbm4b:s22+s15], $0x1000, s16, s15, $0x38;
	[tilespmem:$0x18C00] =	vst v63  }
0x4d: {  	s14 =	spop (v2sf)  }
0x4e: {  	s24 =	sshra.s32 s14, $0x1F  }
0x4f: {  	(v2sf) =	vpush v4, $0x1;
	s23 =	sshrl.u32 s24, $0x19  }
0x50: {  	s22 =	sadd.s32 s23, s14  }
0x51: {  	s22 =	sand.u32 $0xFFFFFF80, s22  }
0x52: {  	p0 =	slt.s32 s22, $0xF41C0  }
0x53: {  	s26 =	spop (v2sf);
	s22 =	simm.s32 @!p0 $0xF41C0  }
0x54: {  	s0 =	sshra.s32 s26, $0x1F;
	s22 =	sand.u32 $0xFFFFF80, s22  }
0x55: {  	s25 =	simm.s32 $0x10780;
	(v2sf) =	vpush v5, $0x1;
	s23 =	sshrl.u32 s0, $0x19;
	s22 =	sadd.s32 s2, s22  }
0x56: {  	[tilespmem:s25], [sflag:$0x1] =	stream.strided.gather [hbm4b:s22+s15], $0x1000, s16, s15, $0x38;
	[tilespmem:$0x18C00] =	vst v63  }
0x57: {  	s22 =	sadd.s32 s23, s26  }
0x58: {  	s22 =	sand.u32 $0xFFFFFF80, s22  }
0x59: {  	p0 =	slt.s32 s22, $0xF41C0  }
0x5a: {  	s22 =	simm.s32 @!p0 $0xF41C0  }
0x5b: {  	s22 =	sand.u32 $0xFFFFF80, s22  }
0x5c: {  	s3 =	simm.s32 $0x1780;
	s22 =	sadd.s32 s1, s22  }
0x5d: {  	[tilespmem:s3], [sflag:$0x2] =	stream.strided.gather [hbm4b:s22+s15], $0x1000, s16, s15, $0x38;
	[tilespmem:$0x18C00] =	vst v63  }
0x5e: {  	s5 =	spop (v2sf)  }
0x5f: {  	s6 =	sshra.s32 s5, $0x1F  }
0x60: {  	(v2sf) =	vpush v3, $0x2;
	s23 =	sshrl.u32 s6, $0x19  }
0x61: {  	s22 =	sadd.s32 s23, s5  }
0x62: {  	s22 =	sand.u32 $0xFFFFFF80, s22  }
0x63: {  	p0 =	slt.s32 s22, $0xF41C0  }
0x64: {  	s13 =	spop (v2sf);
	s22 =	simm.s32 @!p0 $0xF41C0  }
0x65: {  	s14 =	sshra.s32 s13, $0x1F;
	s22 =	sand.u32 $0xFFFFF80, s22  }
0x66: {  	s9 =	simm.s32 $0x9780;
	(v2sf) =	vpush v4, $0x2;
	s23 =	sshrl.u32 s14, $0x19;
	s22 =	sadd.s32 s2, s22  }
0x67: {  	[tilespmem:s9], [sflag:$0x2] =	stream.strided.gather [hbm4b:s22+s15], $0x1000, s16, s15, $0x38;
	[tilespmem:$0x18C00] =	vst v63  }
0x68: {  	s22 =	sadd.s32 s23, s13  }
0x69: {  	s22 =	sand.u32 $0xFFFFFF80, s22  }
0x6a: {  	p0 =	slt.s32 s22, $0xF41C0  }
0x6b: {  	s22 =	simm.s32 @!p0 $0xF41C0  }
0x6c: {  	s22 =	sand.u32 $0xFFFFF80, s22  }
0x6d: {  	s24 =	simm.s32 $0x11780;
	s22 =	sadd.s32 s2, s22  }
0x6e: {  	[tilespmem:s24], [sflag:$0x2] =	stream.strided.gather [hbm4b:s22+s15], $0x1000, s16, s15, $0x38;
	[tilespmem:$0x18C00] =	vst v63  }
0x6f: {  	s25 =	spop (v2sf)  }
0x70: {  	s26 =	sshra.s32 s25, $0x1F  }
0x71: {  	(v2sf) =	vpush v5, $0x2;
	s23 =	sshrl.u32 s26, $0x19  }
0x72: {  	s22 =	sadd.s32 s23, s25  }
0x73: {  	s22 =	sand.u32 $0xFFFFFF80, s22  }
0x74: {  	p0 =	slt.s32 s22, $0xF41C0  }
0x75: {  	s0 =	spop (v2sf);
	s22 =	simm.s32 @!p0 $0xF41C0  }
0x76: {  	s3 =	sshra.s32 s0, $0x1F;
	s22 =	sand.u32 $0xFFFFF80, s22  }
0x77: {  	(v2sf) =	vpush v3, $0x3;
	s23 =	sshrl.u32 s3, $0x19;
	s22 =	sadd.s32 s1, s22  }
0x78: {  	[tilespmem:s7], [sflag:$0x3] =	stream.strided.gather [hbm4b:s22+s15], $0x1000, s16, s15, $0x38;
	[tilespmem:$0x18C00] =	vst v63  }
0x79: {  	s22 =	sadd.s32 s23, s0  }
0x7a: {  	s22 =	sand.u32 $0xFFFFFF80, s22  }
0x7b: {  	p0 =	slt.s32 s22, $0xF41C0  }
0x7c: {  	s22 =	simm.s32 @!p0 $0xF41C0  }
0x7d: {  	s22 =	sand.u32 $0xFFFFF80, s22  }
0x7e: {  	s5 =	simm.s32 $0xA780;
	s22 =	sadd.s32 s2, s22  }
0x7f: {  	[tilespmem:s5], [sflag:$0x3] =	stream.strided.gather [hbm4b:s22+s15], $0x1000, s16, s15, $0x38;
	[tilespmem:$0x18C00] =	vst v63  }
0x80: {  	s6 =	spop (v2sf);
	(v2sf) =	vpush v4, $0x3  }
0x81: {  	s7 =	sshra.s32 s6, $0x1F  }
0x82: {  	s23 =	sshrl.u32 s7, $0x19  }
0x83: {  	s22 =	sadd.s32 s23, s6  }
0x84: {  	s22 =	sand.u32 $0xFFFFFF80, s22  }
0x85: {  	p0 =	slt.s32 s22, $0xF41C0  }
0x86: {  	s13 =	spop (v2sf);
	s22 =	simm.s32 @!p0 $0xF41C0  }
0x87: {  	(v2sf) =	vpush v5, $0x3;
	s14 =	sshra.s32 s13, $0x1F;
	s22 =	sand.u32 $0xFFFFF80, s22  }
0x88: {  	s9 =	simm.s32 $0x12780;
	s23 =	sshrl.u32 s14, $0x19;
	s22 =	sadd.s32 s2, s22  }
0x89: {  	[tilespmem:s9], [sflag:$0x3] =	stream.strided.gather [hbm4b:s22+s15], $0x1000, s16, s15, $0x38;
	[tilespmem:$0x18C00] =	vst v63  }
0x8a: {  	s22 =	sadd.s32 s23, s13  }
0x8b: {  	s22 =	sand.u32 $0xFFFFFF80, s22  }
0x8c: {  	p0 =	slt.s32 s22, $0xF41C0  }
0x8d: {  	s22 =	simm.s32 @!p0 $0xF41C0  }
0x8e: {  	s22 =	sand.u32 $0xFFFFF80, s22  }
0x8f: {  	s22 =	sadd.s32 s1, s22;
	s24 =	spop (v2sf)  }
0x90: {  	[tilespmem:s31], [sflag:$0x4] =	stream.strided.gather [hbm4b:s22+s15], $0x1000, s16, s15, $0x38;
	[tilespmem:$0x18C00] =	vst v63  }
0x91: {  	s25 =	sshra.s32 s24, $0x1F  }
0x92: {  	s22 =	sshrl.u32 s25, $0x19  }
0x93: {  	s22 =	sadd.s32 s22, s24  }
0x94: {  	s22 =	sand.u32 $0xFFFFFF80, s22  }
0x95: {  	p0 =	slt.s32 s22, $0xF41C0  }
0x96: {  	s26 =	spop (v2sf);
	s22 =	simm.s32 @!p0 $0xF41C0  }
0x97: {  	s31 =	sshra.s32 s26, $0x1F;
	s22 =	sand.u32 $0xFFFFF80, s22  }
0x98: {  	s23 =	sshrl.u32 s31, $0x19;
	s22 =	sadd.s32 s2, s22  }
0x99: {  	[tilespmem:s10], [sflag:$0x4] =	stream.strided.gather [hbm4b:s22+s15], $0x1000, s16, s15, $0x38;
	[tilespmem:$0x18C00] =	vst v63  }
0x9a: {  	s22 =	sadd.s32 s23, s26  }
0x9b: {  	s22 =	sand.u32 $0xFFFFFF80, s22  }
0x9c: {  	p0 =	slt.s32 s22, $0xF41C0  }
.Ltmp2:
0x9d: {  	s3 =	simm.s32 $0x5780;
	s22 =	simm.s32 @!p0 $0xF41C0;
	(pc) =	sbr.rel .LBB2_2-.Ltmp2, $4  }
0x9e: {  	s0 =	simm.s32 $0xD780;
	s5 =	simm.s32 $0x6780;
	s22 =	sand.u32 $0xFFFFF80, s22  }
0x9f: {  	s6 =	simm.s32 $0x15780;
	s14 =	simm.s32 $0xE780;
	s22 =	sadd.s32 s2, s22  }
0xa0: {  	[tilespmem:s8], [sflag:$0x4] =	stream.strided.gather [hbm4b:s22+s15], $0x1000, s16, s15, $0x38;
	[tilespmem:$0x18C00] =	vst v63  }
0xa1: {  	v3 =	vimm.f32 $0.0e+00;
	s9 =	simm.s32 $0x16780;
	s23 =	simm.s32 $0x0;
	s22 =	simm.s32 $0x0  }
.LBB2_4:
0xa2: {  	v41 =	vld [tilespmem:s24+$0x4]  }
0xa3: {  	v42 =	vld [tilespmem:s24+$0x284]  }
0xa4: {  	v43 =	vld [tilespmem:s24+$0x504];
	_ =	swait.ge [sflag:s18], $0x1000  }
0xa5: {  	[sflag:s18] =	ssyncset.done $0x0  }
0xa6: {  	[sflag:s18] =	ssyncadd.s32 $0xFFFFF000  }
0xa7: {  	_ =	swait.ge [sflag:s18], $0x1000  }
0xa8: {  	[sflag:s18] =	ssyncset.done $0x0  }
0xa9: {  	[sflag:s18] =	ssyncadd.s32 $0xFFFFF000  }
0xaa: {  	_ =	swait.ge [sflag:s18], $0x1000  }
0xab: {  	(v2sf) =	vpush v41, $0x0;
	_ =	sdelay $0x1  }
0xac: {  	(v2sf) =	vpush v42, $0x0;
	_ =	sdelay $0x1  }
0xad: {  	(v2sf) =	vpush v43, $0x0;
	_ =	sdelay $0xa  }
0xae: {  	s5 =	spop (v2sf)  }
0xaf: {  	s25 =	sshra.s32 s5, $0x1F  }
0xb0: {  	s26 =	spop (v2sf);
	s25 =	sshrl.u32 s25, $0x19  }
0xb1: {  	s28 =	sshra.s32 s26, $0x1F;
	s25 =	sadd.s32 s25, s5  }
0xb2: {  	s29 =	spop (v2sf);
	s28 =	sshrl.u32 s28, $0x19;
	s25 =	sand.u32 $0xFFFFFF80, s25  }
0xb3: {  	s30 =	sshra.s32 s29, $0x1F;
	s28 =	sadd.s32 s28, s26;
	p0 =	slt.s32 s25, $0xF41C0  }
0xb4: {  	s30 =	sshrl.u32 s30, $0x19;
	s28 =	sand.u32 $0xFFFFFF80, s28;
	s25 =	simm.s32 @!p0 $0xF41C0  }
0xb5: {  	s6 =	sadd.s32 s30, s29;
	p0 =	slt.s32 s28, $0xF41C0;
	s24 =	ssub.s32 s5, s25  }
0xb6: {  	s28 =	simm.s32 @!p0 $0xF41C0;
	s25 =	sand.u32 $0xFFFFFF80, s6;
	v28 =	vadd.s32 s24, v1  }
0xb7: {  	s26 =	ssub.s32 s26, s28;
	p0 =	slt.s32 s25, $0xF41C0;
	v29 =	vadd.s32 s24, v2  }
0xb8: {  	s25 =	simm.s32 @!p0 $0xF41C0;
	v30 =	vadd.s32 s26, v1  }
0xb9: {  	[sflag:s18] =	ssyncset.done $0x0;
	v31 =	vadd.s32 s26, v2;
	s9 =	ssub.s32 s29, s25  }
0xba: {  	s13 =	simm.s32 $0x4780;
	[sflag:s18] =	ssyncadd.s32 $0xFFFFF000;
	v34 =	vadd.s32 s9, v1  }
0xbb: {  	v51 =	vadd.s32 s9, v2;
	v35 =	vld.idx.msk [tilespmem:v28+s13+$0x0], $0xffff  }
0xbc: {  	s14 =	simm.s32 $0xC780;
	v37 =	vld.idx.msk [tilespmem:v29+s13+$0x0], $0xffff  }
0xbd: {  	v33 =	vld.idx.msk [tilespmem:v30+s14+$0x0], $0xffff  }
0xbe: {  	s25 =	simm.s32 $0x14780;
	v32 =	vld.idx.msk [tilespmem:v31+s14+$0x0], $0xffff  }
0xbf: {  	v31 =	vld.idx.msk [tilespmem:v34+s25+$0x0], $0xffff  }
0xc0: {  	v30 =	vld.idx.msk [tilespmem:v51+s25+$0x0], $0xffff;
	_ =	sdelay $0x3  }
0xc1: {  	v52 =	vmul.f32 v33, v35;
	v29 =	vmul.f32 v32, v37  }
0xc2: {  	v34 =	vmul.f32 v31, v35;
	v36 =	vmul.f32 v30, v37  }
0xc3: {  	v28 =	vadd.f32 v29, v52  }
0xc4: {  	v53 =	vadd.f32 v36, v34  }
0xc5: {  	(xrf2) =	vadd.scan.msk.f32 $0xffff, v28  }
0xc6: {  	(xrf2) =	vadd.scan.msk.f32 $0xffff, v53;
	_ =	sdelay $0x8  }
0xc7: {  	v29, _, _ =	vpop (xrf2)  }
0xc8: {  	v28, _, _ =	vpop (xrf2)  }
0xc9: {  	_ =	swait.ge [sflag:s19], $0x1000  }
0xca: {  	[sflag:s19] =	ssyncset.done $0x0  }
0xcb: {  	[sflag:s19] =	ssyncadd.s32 $0xFFFFF000  }
0xcc: {  	_ =	swait.ge [sflag:s19], $0x1000  }
0xcd: {  	[sflag:s19] =	ssyncset.done $0x0  }
0xce: {  	[sflag:s19] =	ssyncadd.s32 $0xFFFFF000  }
0xcf: {  	_ =	swait.ge [sflag:s19], $0x1000  }
0xd0: {  	(v2sf) =	vpush v41, $0x1;
	_ =	sdelay $0x1  }
0xd1: {  	(v2sf) =	vpush v42, $0x1;
	_ =	sdelay $0x1  }
0xd2: {  	(v2sf) =	vpush v43, $0x1;
	_ =	sdelay $0xa  }
0xd3: {  	s26 =	spop (v2sf)  }
0xd4: {  	s0 =	sshra.s32 s26, $0x1F  }
0xd5: {  	s3 =	spop (v2sf);
	s25 =	sshrl.u32 s0, $0x19  }
0xd6: {  	s28 =	sshra.s32 s3, $0x1F;
	s25 =	sadd.s32 s25, s26  }
0xd7: {  	s29 =	spop (v2sf);
	s28 =	sshrl.u32 s28, $0x19;
	s25 =	sand.u32 $0xFFFFFF80, s25  }
0xd8: {  	s30 =	sshra.s32 s29, $0x1F;
	s28 =	sadd.s32 s28, s3;
	p0 =	slt.s32 s25, $0xF41C0  }
0xd9: {  	s30 =	sshrl.u32 s30, $0x19;
	s28 =	sand.u32 $0xFFFFFF80, s28;
	s25 =	simm.s32 @!p0 $0xF41C0  }
0xda: {  	s5 =	sadd.s32 s30, s29;
	p0 =	slt.s32 s28, $0xF41C0;
	s24 =	ssub.s32 s26, s25  }
0xdb: {  	s28 =	simm.s32 @!p0 $0xF41C0;
	s25 =	sand.u32 $0xFFFFFF80, s5;
	v54 =	vadd.s32 s24, v1  }
0xdc: {  	s26 =	ssub.s32 s3, s28;
	p0 =	slt.s32 s25, $0xF41C0;
	v55 =	vadd.s32 s24, v2  }
0xdd: {  	s25 =	simm.s32 @!p0 $0xF41C0;
	v38 =	vadd.s32 s26, v1  }
0xde: {  	[sflag:s19] =	ssyncset.done $0x0;
	v39 =	vadd.s32 s26, v2;
	s6 =	ssub.s32 s29, s25  }
0xdf: {  	[sflag:s19] =	ssyncadd.s32 $0xFFFFF000;
	s3 =	simm.s32 $0x5780;
	v47 =	vadd.s32 s6, v1  }
0xe0: {  	v56 =	vadd.s32 s6, v2;
	v44 =	vld.idx.msk [tilespmem:v54+s3+$0x0], $0xffff  }
0xe1: {  	s0 =	simm.s32 $0xD780;
	v45 =	vld.idx.msk [tilespmem:v55+s3+$0x0], $0xffff  }
0xe2: {  	v46 =	vld.idx.msk [tilespmem:v38+s0+$0x0], $0xffff  }
0xe3: {  	s6 =	simm.s32 $0x15780;
	v40 =	vld.idx.msk [tilespmem:v39+s0+$0x0], $0xffff  }
0xe4: {  	v39 =	vld.idx.msk [tilespmem:v47+s6+$0x0], $0xffff  }
0xe5: {  	v38 =	vld.idx.msk [tilespmem:v56+s6+$0x0], $0xffff;
	_ =	sdelay $0x3  }
0xe6: {  	v57 =	vmul.f32 v46, v44;
	v36 =	vmul.f32 v40, v45  }
0xe7: {  	v47 =	vmul.f32 v39, v44;
	v48 =	vmul.f32 v38, v45  }
0xe8: {  	v34 =	vadd.f32 v36, v57  }
0xe9: {  	v58 =	vadd.f32 v48, v47  }
0xea: {  	(xrf2) =	vadd.scan.msk.f32 $0xffff, v34  }
0xeb: {  	(xrf2) =	vadd.scan.msk.f32 $0xffff, v58;
	_ =	sdelay $0x8  }
0xec: {  	v36, _, _ =	vpop (xrf2)  }
0xed: {  	v34, _, _ =	vpop (xrf2)  }
0xee: {  	_ =	swait.ge [sflag:s20], $0x1000  }
0xef: {  	[sflag:s20] =	ssyncset.done $0x0  }
0xf0: {  	[sflag:s20] =	ssyncadd.s32 $0xFFFFF000  }
0xf1: {  	_ =	swait.ge [sflag:s20], $0x1000  }
0xf2: {  	[sflag:s20] =	ssyncset.done $0x0  }
0xf3: {  	[sflag:s20] =	ssyncadd.s32 $0xFFFFF000  }
0xf4: {  	_ =	swait.ge [sflag:s20], $0x1000  }
0xf5: {  	(v2sf) =	vpush v41, $0x2;
	_ =	sdelay $0x1  }
0xf6: {  	(v2sf) =	vpush v42, $0x2;
	_ =	sdelay $0x1  }
0xf7: {  	(v2sf) =	vpush v43, $0x2;
	_ =	sdelay $0xa  }
0xf8: {  	s9 =	spop (v2sf)  }
0xf9: {  	s13 =	sshra.s32 s9, $0x1F  }
0xfa: {  	s14 =	spop (v2sf);
	s25 =	sshrl.u32 s13, $0x19  }
0xfb: {  	s28 =	sshra.s32 s14, $0x1F;
	s25 =	sadd.s32 s25, s9  }
0xfc: {  	s29 =	spop (v2sf);
	s28 =	sshrl.u32 s28, $0x19;
	s25 =	sand.u32 $0xFFFFFF80, s25  }
0xfd: {  	s30 =	sshra.s32 s29, $0x1F;
	s28 =	sadd.s32 s28, s14;
	p0 =	slt.s32 s25, $0xF41C0  }
0xfe: {  	s30 =	sshrl.u32 s30, $0x19;
	s28 =	sand.u32 $0xFFFFFF80, s28;
	s25 =	simm.s32 @!p0 $0xF41C0  }
0xff: {  	s5 =	sadd.s32 s30, s29;
	p0 =	slt.s32 s28, $0xF41C0;
	s24 =	ssub.s32 s9, s25  }
0x100: {  	s28 =	simm.s32 @!p0 $0xF41C0;
	s25 =	sand.u32 $0xFFFFFF80, s5;
	v59 =	vadd.s32 s24, v1  }
0x101: {  	s26 =	ssub.s32 s14, s28;
	p0 =	slt.s32 s25, $0xF41C0;
	v60 =	vadd.s32 s24, v2  }
0x102: {  	s25 =	simm.s32 @!p0 $0xF41C0;
	v49 =	vadd.s32 s26, v1  }
0x103: {  	[sflag:s20] =	ssyncset.done $0x0;
	v50 =	vadd.s32 s26, v2;
	s9 =	ssub.s32 s29, s25  }
0x104: {  	[sflag:s20] =	ssyncadd.s32 $0xFFFFF000;
	s5 =	simm.s32 $0x6780;
	v53 =	vadd.s32 s9, v1  }
0x105: {  	v61 =	vadd.s32 s9, v2;
	v54 =	vld.idx.msk [tilespmem:v59+s5+$0x0], $0xffff  }
0x106: {  	s14 =	simm.s32 $0xE780;
	v55 =	vld.idx.msk [tilespmem:v60+s5+$0x0], $0xffff  }
0x107: {  	v52 =	vld.idx.msk [tilespmem:v49+s14+$0x0], $0xffff  }
0x108: {  	s9 =	simm.s32 $0x16780;
	v51 =	vld.idx.msk [tilespmem:v50+s14+$0x0], $0xffff  }
0x109: {  	v50 =	vld.idx.msk [tilespmem:v53+s9+$0x0], $0xffff  }
0x10a: {  	v49 =	vld.idx.msk [tilespmem:v61+s9+$0x0], $0xffff;
	_ =	sdelay $0x3  }
0x10b: {  	v62 =	vmul.f32 v52, v54;
	v48 =	vmul.f32 v51, v55  }
0x10c: {  	v53 =	vmul.f32 v50, v54;
	v56 =	vmul.f32 v49, v55  }
0x10d: {  	v47 =	vadd.f32 v48, v62  }
0x10e: {  	v63 =	vadd.f32 v56, v53  }
0x10f: {  	(xrf2) =	vadd.scan.msk.f32 $0xffff, v47  }
0x110: {  	(xrf2) =	vadd.scan.msk.f32 $0xffff, v63;
	_ =	sdelay $0x8  }
0x111: {  	v48, _, _ =	vpop (xrf2)  }
0x112: {  	v47, _, _ =	vpop (xrf2)  }
0x113: {  	_ =	swait.ge [sflag:s21], $0x1000  }
0x114: {  	[sflag:s21] =	ssyncset.done $0x0  }
0x115: {  	[sflag:s21] =	ssyncadd.s32 $0xFFFFF000  }
0x116: {  	_ =	swait.ge [sflag:s21], $0x1000  }
0x117: {  	[sflag:s21] =	ssyncset.done $0x0  }
0x118: {  	[sflag:s21] =	ssyncadd.s32 $0xFFFFF000  }
0x119: {  	_ =	swait.ge [sflag:s21], $0x1000  }
0x11a: {  	(v2sf) =	vpush v41, $0x3;
	_ =	sdelay $0x1  }
0x11b: {  	(v2sf) =	vpush v42, $0x3;
	_ =	sdelay $0x1  }
0x11c: {  	(v2sf) =	vpush v43, $0x3;
	_ =	sdelay $0x5  }
0x11d: {  	v7 =	vmul.f32 v7, v7;
	v9 =	vmul.f32 v9, v9;
	_ =	sdelay $0x1  }
0x11e: {  	v8 =	vmul.f32 v8, v8;
	v7 =	vadd.f32 v9, v7  }
0x11f: {  	v53 =	vmul.f32 v15, v15;
	v43 =	vmul.f32 v14, v14  }
0x120: {  	v6 =	vmul.f32 v6, v6;
	v7 =	vadd.f32 v8, v7  }
0x121: {  	v57 =	vmul.f32 v13, v13;
	v56 =	vadd.f32 v53, v43;
	s24 =	spop (v2sf)  }
0x122: {  	v5 =	vmul.f32 v5, v5;
	v6 =	vadd.f32 v6, v7;
	s13 =	sshra.s32 s24, $0x1F  }
0x123: {  	v59 =	vmul.f32 v12, v12;
	v58 =	vadd.f32 v57, v56;
	s26 =	spop (v2sf);
	s25 =	sshrl.u32 s13, $0x19  }
0x124: {  	v4 =	vmul.f32 v4, v4;
	v5 =	vadd.f32 v5, v6;
	s28 =	sshra.s32 s26, $0x1F;
	s25 =	sadd.s32 s25, s24  }
0x125: {  	v61 =	vmul.f32 v11, v11;
	v60 =	vadd.f32 v59, v58;
	s29 =	spop (v2sf);
	s28 =	sshrl.u32 s28, $0x19;
	s25 =	sand.u32 $0xFFFFFF80, s25  }
0x126: {  	v4 =	vadd.f32 v4, v5;
	s30 =	sshra.s32 s29, $0x1F;
	s28 =	sadd.s32 s28, s26;
	p0 =	slt.s32 s25, $0xF41C0  }
0x127: {  	v12 =	vmul.f32 v10, v10;
	v5 =	vadd.f32 v61, v60;
	s30 =	sshrl.u32 s30, $0x19;
	s28 =	sand.u32 $0xFFFFFF80, s28;
	s25 =	simm.s32 @!p0 $0xF41C0  }
0x128: {  	v3 =	vadd.f32 v4, v3;
	v62 =	vmul.f32 v20, v20;
	s13 =	sadd.s32 s30, s29;
	p0 =	slt.s32 s28, $0xF41C0;
	s24 =	ssub.s32 s24, s25  }
0x129: {  	v63 =	vmul.f32 v21, v21;
	v4 =	vadd.f32 v12, v5;
	s28 =	simm.s32 @!p0 $0xF41C0;
	s25 =	sand.u32 $0xFFFFFF80, s13;
	v5 =	vadd.s32 s24, v1  }
0x12a: {  	v20 =	vmul.f32 v26, v26;
	v14 =	vmul.f32 v19, v19;
	s26 =	ssub.s32 s26, s28;
	p0 =	slt.s32 s25, $0xF41C0;
	v19 =	vadd.s32 s24, v2  }
0x12b: {  	v21 =	vmul.f32 v27, v27;
	v13 =	vadd.f32 v63, v62;
	s25 =	simm.s32 @!p0 $0xF41C0;
	v26 =	vadd.s32 s26, v1  }
0x12c: {  	v18 =	vmul.f32 v18, v18;
	v27 =	vmul.f32 v17, v17;
	[sflag:s21] =	ssyncset.done $0x0;
	v41 =	vadd.s32 s26, v2;
	s25 =	ssub.s32 s29, s25  }
0x12d: {  	v9 =	vadd.f32 v21, v20;
	[sflag:s21] =	ssyncadd.s32 $0xFFFFF000;
	v15 =	vadd.f32 v14, v13;
	s26 =	simm.s32 $0x7780;
	v43 =	vadd.s32 s25, v1  }
0x12e: {  	v62 =	vmul.f32 v33, v33;
	v20 =	vmul.f32 v32, v32;
	v56 =	vadd.s32 s25, v2;
	v5 =	vld.idx.msk [tilespmem:v5+s26+$0x0], $0xffff  }
0x12f: {  	v21 =	vmul.f32 v31, v31;
	v42 =	vmul.f32 v25, v25;
	v6 =	vadd.f32 v18, v15;
	s13 =	simm.s32 $0xF780;
	v8 =	vld.idx.msk [tilespmem:v19+s26+$0x0], $0xffff  }
0x130: {  	v25 =	vmul.f32 v54, v54;
	v53 =	vmul.f32 v16, v16;
	v11 =	vld.idx.msk [tilespmem:v26+s13+$0x0], $0xffff  }
0x131: {  	v6 =	vadd.f32 v27, v6;
	v58 =	vmul.f32 v35, v35;
	v59 =	vmul.f32 v37, v37;
	s25 =	simm.s32 $0x17780;
	v12 =	vld.idx.msk [tilespmem:v41+s13+$0x0], $0xffff  }
0x132: {  	v57 =	vmul.f32 v24, v24;
	v3 =	vadd.f32 v4, v3;
	v4 =	vadd.f32 v42, v9;
	v63 =	vld.idx.msk [tilespmem:v43+s25+$0x0], $0xffff  }
0x133: {  	v24 =	vmul.f32 v46, v46;
	v6 =	vadd.f32 v53, v6;
	v61 =	vadd.f32 v59, v58;
	v14 =	vld.idx.msk [tilespmem:v56+s25+$0x0], $0xffff  }
0x134: {  	v60 =	vmul.f32 v23, v23;
	v23 =	vmul.f32 v45, v45;
	v4 =	vadd.f32 v57, v4  }
0x135: {  	v3 =	vadd.f32 v6, v3;
	v6 =	vadd.f32 v62, v61;
	v19 =	vmul.f32 v22, v22  }
0x136: {  	v4 =	vadd.f32 v60, v4;
	v22 =	vmul.f32 v44, v44;
	v26 =	vmul.f32 v55, v55  }
0x137: {  	v6 =	vadd.f32 v20, v6;
	v27 =	vmul.f32 v11, v5;
	v31 =	vmul.f32 v12, v8  }
0x138: {  	v4 =	vadd.f32 v19, v4;
	v32 =	vmul.f32 v63, v5;
	v33 =	vmul.f32 v14, v8  }
0x139: {  	v35 =	vmul.f32 v40, v40;
	v9 =	vadd.f32 v23, v22;
	v15 =	vadd.f32 v31, v27  }
0x13a: {  	v37 =	vmul.f32 v52, v52;
	v13 =	vadd.f32 v26, v25;
	v7 =	vadd.f32 v33, v32  }
0x13b: {  	v40 =	vmul.f32 v30, v30;
	v6 =	vadd.f32 v21, v6;
	v9 =	vadd.f32 v24, v9;
	(xrf2) =	vadd.scan.msk.f32 $0xffff, v15  }
0x13c: {  	v42 =	vmul.f32 v51, v51;
	v3 =	vadd.f32 v4, v3;
	v4 =	vadd.f32 v37, v13;
	(xrf2) =	vadd.scan.msk.f32 $0xffff, v7  }
0x13d: {  	v45 =	vmul.f32 v50, v50;
	v41 =	vmul.f32 v39, v39;
	v9 =	vadd.f32 v35, v9  }
0x13e: {  	v6 =	vadd.f32 v40, v6;
	v44 =	vmul.f32 v38, v38;
	v4 =	vadd.f32 v42, v4  }
0x13f: {  	v46 =	vmul.f32 v8, v8;
	v43 =	vadd.f32 v41, v9;
	v5 =	vmul.f32 v5, v5  }
0x140: {  	v50 =	vmul.f32 v49, v49;
	v3 =	vadd.f32 v6, v3;
	v4 =	vadd.f32 v45, v4  }
0x141: {  	v51 =	vmul.f32 v11, v11;
	v5 =	vadd.f32 v46, v5;
	v7 =	vadd.f32 v44, v43  }
0x142: {  	v59 =	vbroadcast v36, $0xF;
	v4 =	vadd.f32 v50, v4  }
0x143: {  	v52 =	vmul.f32 v12, v12;
	v5 =	vadd.f32 v51, v5;
	v3 =	vadd.f32 v7, v3  }
0x144: {  	v57 =	vbroadcast v47, $0xF;
	v61 =	vbroadcast v29, $0xF  }
0x145: {  	s26 =	sadd.s32 $0x4, s22;
	v5 =	vadd.f32 v52, v5;
	v3 =	vadd.f32 v4, v3;
	v4 =	vmul.f32 v63, v63;
	v53, _, _ =	vpop (xrf2)  }
0x146: {  	s23 =	sadd.s32 $0x20, s23;
	v55 =	vbroadcast v48, $0xF;
	v58 =	vadd.s32 s26, v0;
	v7 =	vbroadcast v53, $0xF;
	v56, _, _ =	vpop (xrf2)  }
0x147: {  	p0 =	sne.s32 s23, $0x800;
	v54 =	vmul.f32 v14, v14;
	v4 =	vadd.f32 v4, v5;
	v5 =	vbroadcast v56, $0xF  }
.Ltmp3:
0x148: {  	v62 =	vbroadcast v28, $0xF;
	v60 =	vbroadcast v34, $0xF;
	v7 =	vsel vm0, v7, v55;
	(pc) =	sbr.rel @!p0 .LBB2_5-.Ltmp3, $4  }
0x149: {  	v4 =	vadd.f32 v54, v4;
	v7 =	vsel vm1, v7, v59;
	v5 =	vsel vm0, v5, v57  }
0x14a: {  	s13 =	simm.s32 $0x18780;
	v63 =	vsel vm2, v7, v61;
	v5 =	vsel vm1, v5, v60  }
0x14b: {  	s30 =	simm.s32 $0x14780;
	s25 =	simm.s32 $0x18980;
	v3 =	vadd.f32 v4, v3;
	[tilespmem:v58+s13+$0x0] =	vst.idx.msk $0xf, v63;
	v5 =	vsel vm2, v5, v62  }
0x14c: {  	s28 =	simm.s32 $0x4780;
	s29 =	simm.s32 $0xC780;
	s22 =	sadd.s32 $0x8, s22;
	[tilespmem:v58+s25+$0x0] =	vst.idx.msk $0xf, v5  }
.LBB2_2:
0x14d: {  	s24 =	sshra.s32 s23, $0x2  }
0x14e: {  	v4 =	vld [tilespmem:s24+$0x4];
	_ =	sdelay $0x4  }
0x14f: {  	(v2sf) =	vpush v4, $0x0;
	_ =	sdelay $0x4  }
0x150: {  	v5 =	vld [tilespmem:s24+$0x284];
	_ =	sdelay $0x4  }
0x151: {  	(v2sf) =	vpush v5, $0x0;
	_ =	sdelay $0x2  }
0x152: {  	v6 =	vld [tilespmem:s24+$0x504];
	_ =	sdelay $0x1  }
0x153: {  	s25 =	spop (v2sf)  }
0x154: {  	s26 =	sshra.s32 s25, $0x1F  }
0x155: {  	s26 =	sshrl.u32 s26, $0x19  }
0x156: {  	(v2sf) =	vpush v6, $0x0;
	s25 =	sadd.s32 s26, s25  }
0x157: {  	s25 =	sand.u32 $0xFFFFFF80, s25  }
0x158: {  	p0 =	slt.s32 s25, $0xF41C0  }
0x159: {  	s25 =	simm.s32 @!p0 $0xF41C0  }
0x15a: {  	s25 =	sand.u32 $0xFFFFF80, s25  }
0x15b: {  	s25 =	sadd.s32 s1, s25  }
0x15c: {  	[tilespmem:s28], [sflag:$0x5] =	stream.strided.gather [hbm4b:s25+s15], $0x1000, s16, s15, $0x38;
	[tilespmem:$0x18C00] =	vst v63  }
0x15d: {  	(v2sf) =	vpush v4, $0x1;
	s25 =	spop (v2sf)  }
0x15e: {  	s28 =	sshra.s32 s25, $0x1F  }
0x15f: {  	s26 =	sshrl.u32 s28, $0x19  }
0x160: {  	s25 =	sadd.s32 s26, s25  }
0x161: {  	s25 =	sand.u32 $0xFFFFFF80, s25  }
0x162: {  	p0 =	slt.s32 s25, $0xF41C0  }
0x163: {  	s25 =	simm.s32 @!p0 $0xF41C0  }
0x164: {  	s25 =	sand.u32 $0xFFFFF80, s25  }
0x165: {  	s28 =	spop (v2sf);
	s25 =	sadd.s32 s2, s25  }
0x166: {  	(v2sf) =	vpush v5, $0x1;
	[tilespmem:s29], [sflag:$0x5] =	stream.strided.gather [hbm4b:s25+s15], $0x1000, s16, s15, $0x38;
	[tilespmem:$0x18C00] =	vst v63  }
0x167: {  	s29 =	sshra.s32 s28, $0x1F  }
0x168: {  	s26 =	sshrl.u32 s29, $0x19  }
0x169: {  	s25 =	sadd.s32 s26, s28  }
0x16a: {  	s25 =	sand.u32 $0xFFFFFF80, s25  }
0x16b: {  	p0 =	slt.s32 s25, $0xF41C0  }
0x16c: {  	s28 =	spop (v2sf);
	s25 =	simm.s32 @!p0 $0xF41C0  }
0x16d: {  	(v2sf) =	vpush v6, $0x1;
	s29 =	sshra.s32 s28, $0x1F;
	s25 =	sand.u32 $0xFFFFF80, s25  }
0x16e: {  	s26 =	sshrl.u32 s29, $0x19;
	s25 =	sadd.s32 s2, s25  }
0x16f: {  	[tilespmem:s30], [sflag:$0x5] =	stream.strided.gather [hbm4b:s25+s15], $0x1000, s16, s15, $0x38;
	[tilespmem:$0x18C00] =	vst v63  }
0x170: {  	s25 =	sadd.s32 s26, s28  }
0x171: {  	s25 =	sand.u32 $0xFFFFFF80, s25  }
0x172: {  	p0 =	slt.s32 s25, $0xF41C0  }
0x173: {  	s25 =	simm.s32 @!p0 $0xF41C0  }
0x174: {  	s25 =	sand.u32 $0xFFFFF80, s25  }
0x175: {  	s30 =	spop (v2sf);
	s25 =	sadd.s32 s1, s25  }
0x176: {  	(v2sf) =	vpush v4, $0x2;
	[tilespmem:s3], [sflag:$0x6] =	stream.strided.gather [hbm4b:s25+s15], $0x1000, s16, s15, $0x38;
	[tilespmem:$0x18C00] =	vst v63  }
0x177: {  	s3 =	sshra.s32 s30, $0x1F  }
0x178: {  	s26 =	sshrl.u32 s3, $0x19  }
0x179: {  	s25 =	sadd.s32 s26, s30  }
0x17a: {  	s25 =	sand.u32 $0xFFFFFF80, s25  }
0x17b: {  	p0 =	slt.s32 s25, $0xF41C0  }
0x17c: {  	s28 =	spop (v2sf);
	s25 =	simm.s32 @!p0 $0xF41C0  }
0x17d: {  	s29 =	sshra.s32 s28, $0x1F;
	s25 =	sand.u32 $0xFFFFF80, s25  }
0x17e: {  	s26 =	sshrl.u32 s29, $0x19;
	s25 =	sadd.s32 s2, s25  }
0x17f: {  	(v2sf) =	vpush v5, $0x2;
	[tilespmem:s0], [sflag:$0x6] =	stream.strided.gather [hbm4b:s25+s15], $0x1000, s16, s15, $0x38;
	[tilespmem:$0x18C00] =	vst v63  }
0x180: {  	s25 =	sadd.s32 s26, s28  }
0x181: {  	s25 =	sand.u32 $0xFFFFFF80, s25  }
0x182: {  	p0 =	slt.s32 s25, $0xF41C0  }
0x183: {  	s25 =	simm.s32 @!p0 $0xF41C0  }
0x184: {  	s25 =	sand.u32 $0xFFFFF80, s25  }
0x185: {  	s25 =	sadd.s32 s2, s25;
	s30 =	spop (v2sf)  }
0x186: {  	[tilespmem:s6], [sflag:$0x6] =	stream.strided.gather [hbm4b:s25+s15], $0x1000, s16, s15, $0x38;
	[tilespmem:$0x18C00] =	vst v63  }
0x187: {  	s0 =	sshra.s32 s30, $0x1F  }
0x188: {  	(v2sf) =	vpush v6, $0x2;
	s26 =	sshrl.u32 s0, $0x19  }
0x189: {  	s25 =	sadd.s32 s26, s30  }
0x18a: {  	s25 =	sand.u32 $0xFFFFFF80, s25  }
0x18b: {  	p0 =	slt.s32 s25, $0xF41C0  }
0x18c: {  	s25 =	simm.s32 @!p0 $0xF41C0  }
0x18d: {  	s25 =	sand.u32 $0xFFFFF80, s25  }
0x18e: {  	s3 =	spop (v2sf);
	s25 =	sadd.s32 s1, s25  }
0x18f: {  	(v2sf) =	vpush v4, $0x3;
	[tilespmem:s5], [sflag:$0x7] =	stream.strided.gather [hbm4b:s25+s15], $0x1000, s16, s15, $0x38;
	[tilespmem:$0x18C00] =	vst v63  }
0x190: {  	s5 =	sshra.s32 s3, $0x1F  }
0x191: {  	s26 =	sshrl.u32 s5, $0x19  }
0x192: {  	s25 =	sadd.s32 s26, s3  }
0x193: {  	s25 =	sand.u32 $0xFFFFFF80, s25  }
0x194: {  	p0 =	slt.s32 s25, $0xF41C0  }
0x195: {  	s25 =	simm.s32 @!p0 $0xF41C0  }
0x196: {  	s25 =	sand.u32 $0xFFFFF80, s25  }
0x197: {  	s6 =	spop (v2sf);
	s25 =	sadd.s32 s2, s25  }
0x198: {  	(v2sf) =	vpush v5, $0x3;
	[tilespmem:s14], [sflag:$0x7] =	stream.strided.gather [hbm4b:s25+s15], $0x1000, s16, s15, $0x38;
	[tilespmem:$0x18C00] =	vst v63  }
0x199: {  	s14 =	sshra.s32 s6, $0x1F  }
0x19a: {  	s26 =	sshrl.u32 s14, $0x19  }
0x19b: {  	s25 =	sadd.s32 s26, s6  }
0x19c: {  	s25 =	sand.u32 $0xFFFFFF80, s25  }
0x19d: {  	p0 =	slt.s32 s25, $0xF41C0  }
0x19e: {  	s28 =	spop (v2sf);
	s25 =	simm.s32 @!p0 $0xF41C0  }
0x19f: {  	(v2sf) =	vpush v6, $0x3;
	s29 =	sshra.s32 s28, $0x1F;
	s25 =	sand.u32 $0xFFFFF80, s25  }
0x1a0: {  	s26 =	sshrl.u32 s29, $0x19;
	s25 =	sadd.s32 s2, s25  }
0x1a1: {  	[tilespmem:s9], [sflag:$0x7] =	stream.strided.gather [hbm4b:s25+s15], $0x1000, s16, s15, $0x38;
	[tilespmem:$0x18C00] =	vst v63  }
0x1a2: {  	s25 =	sadd.s32 s26, s28  }
0x1a3: {  	s25 =	sand.u32 $0xFFFFFF80, s25  }
0x1a4: {  	p0 =	slt.s32 s25, $0xF41C0  }
0x1a5: {  	s25 =	simm.s32 @!p0 $0xF41C0  }
0x1a6: {  	s25 =	sand.u32 $0xFFFFF80, s25  }
0x1a7: {  	s7 =	simm.s32 $0x7780;
	s25 =	sadd.s32 s1, s25;
	s30 =	spop (v2sf)  }
0x1a8: {  	[tilespmem:s7], [sflag:$0x8] =	stream.strided.gather [hbm4b:s25+s15], $0x1000, s16, s15, $0x38;
	[tilespmem:$0x18C00] =	vst v63  }
0x1a9: {  	s0 =	sshra.s32 s30, $0x1F  }
0x1aa: {  	s26 =	sshrl.u32 s0, $0x19  }
0x1ab: {  	s25 =	sadd.s32 s26, s30  }
0x1ac: {  	s25 =	sand.u32 $0xFFFFFF80, s25  }
0x1ad: {  	p0 =	slt.s32 s25, $0xF41C0  }
0x1ae: {  	s3 =	spop (v2sf);
	s25 =	simm.s32 @!p0 $0xF41C0  }
0x1af: {  	s5 =	sshra.s32 s3, $0x1F;
	s25 =	sand.u32 $0xFFFFF80, s25  }
0x1b0: {  	s8 =	simm.s32 $0xF780;
	s26 =	sshrl.u32 s5, $0x19;
	s25 =	sadd.s32 s2, s25  }
0x1b1: {  	[tilespmem:s8], [sflag:$0x8] =	stream.strided.gather [hbm4b:s25+s15], $0x1000, s16, s15, $0x38;
	[tilespmem:$0x18C00] =	vst v63  }
0x1b2: {  	s25 =	sadd.s32 s26, s3  }
0x1b3: {  	s25 =	sand.u32 $0xFFFFFF80, s25  }
0x1b4: {  	p0 =	slt.s32 s25, $0xF41C0  }
0x1b5: {  	s25 =	simm.s32 @!p0 $0xF41C0  }
0x1b6: {  	s25 =	sand.u32 $0xFFFFF80, s25  }
0x1b7: {  	s10 =	simm.s32 $0x17780;
	s25 =	sadd.s32 s2, s25  }
0x1b8: {  	[tilespmem:s10], [sflag:$0x8] =	stream.strided.gather [hbm4b:s25+s15], $0x1000, s16, s15, $0x38;
	[tilespmem:$0x18C00] =	vst v63  }
0x1b9: {  	v22 =	vld [tilespmem:s24+$0x0]  }
0x1ba: {  	v23 =	vld [tilespmem:s24+$0x280]  }
0x1bb: {  	v24 =	vld [tilespmem:s24+$0x500];
	_ =	swait.ge [sflag:s11], $0x1000  }
0x1bc: {  	[sflag:s11] =	ssyncset.done $0x0  }
0x1bd: {  	[sflag:s11] =	ssyncadd.s32 $0xFFFFF000  }
0x1be: {  	_ =	swait.ge [sflag:s11], $0x1000  }
0x1bf: {  	[sflag:s11] =	ssyncset.done $0x0  }
0x1c0: {  	[sflag:s11] =	ssyncadd.s32 $0xFFFFF000  }
0x1c1: {  	_ =	swait.ge [sflag:s11], $0x1000  }
0x1c2: {  	(v2sf) =	vpush v22, $0x0;
	_ =	sdelay $0x1  }
0x1c3: {  	(v2sf) =	vpush v23, $0x0;
	_ =	sdelay $0x1  }
0x1c4: {  	(v2sf) =	vpush v24, $0x0;
	_ =	sdelay $0xa  }
0x1c5: {  	s6 =	spop (v2sf)  }
0x1c6: {  	s7 =	sshra.s32 s6, $0x1F  }
0x1c7: {  	s8 =	spop (v2sf);
	s26 =	sshrl.u32 s7, $0x19  }
0x1c8: {  	s9 =	sshra.s32 s8, $0x1F;
	s26 =	sadd.s32 s26, s6  }
0x1c9: {  	s10 =	spop (v2sf);
	s29 =	sshrl.u32 s9, $0x19;
	s26 =	sand.u32 $0xFFFFFF80, s26  }
0x1ca: {  	s31 =	sshra.s32 s10, $0x1F;
	s29 =	sadd.s32 s29, s8;
	p0 =	slt.s32 s26, $0xF41C0  }
0x1cb: {  	s31 =	sshrl.u32 s31, $0x19;
	s29 =	sand.u32 $0xFFFFFF80, s29;
	s26 =	simm.s32 @!p0 $0xF41C0  }
0x1cc: {  	s14 =	sadd.s32 s31, s10;
	p0 =	slt.s32 s29, $0xF41C0;
	s25 =	ssub.s32 s6, s26  }
0x1cd: {  	s29 =	simm.s32 @!p0 $0xF41C0;
	s26 =	sand.u32 $0xFFFFFF80, s14;
	v4 =	vadd.s32 s25, v1  }
0x1ce: {  	s28 =	ssub.s32 s8, s29;
	p0 =	slt.s32 s26, $0xF41C0;
	v5 =	vadd.s32 s25, v2  }
0x1cf: {  	s26 =	simm.s32 @!p0 $0xF41C0;
	v6 =	vadd.s32 s28, v1  }
0x1d0: {  	[sflag:s11] =	ssyncset.done $0x0;
	v10 =	vadd.s32 s28, v2;
	s30 =	ssub.s32 s10, s26  }
0x1d1: {  	s0 =	simm.s32 $0x780;
	[sflag:s11] =	ssyncadd.s32 $0xFFFFF000;
	v11 =	vadd.s32 s30, v1  }
0x1d2: {  	v7 =	vld.idx.msk [tilespmem:v4+s0+$0x0], $0xffff;
	v4 =	vadd.s32 s30, v2  }
0x1d3: {  	s3 =	simm.s32 $0x8780;
	v9 =	vld.idx.msk [tilespmem:v5+s0+$0x0], $0xffff  }
0x1d4: {  	v8 =	vld.idx.msk [tilespmem:v6+s3+$0x0], $0xffff  }
0x1d5: {  	s5 =	simm.s32 $0x10780;
	v6 =	vld.idx.msk [tilespmem:v10+s3+$0x0], $0xffff  }
0x1d6: {  	v5 =	vld.idx.msk [tilespmem:v11+s5+$0x0], $0xffff  }
0x1d7: {  	v4 =	vld.idx.msk [tilespmem:v4+s5+$0x0], $0xffff;
	_ =	sdelay $0x3  }
0x1d8: {  	v10 =	vmul.f32 v8, v7;
	v11 =	vmul.f32 v6, v9  }
0x1d9: {  	v12 =	vmul.f32 v5, v7;
	v13 =	vmul.f32 v4, v9  }
0x1da: {  	v10 =	vadd.f32 v11, v10  }
0x1db: {  	v11 =	vadd.f32 v13, v12  }
0x1dc: {  	(xrf2) =	vadd.scan.msk.f32 $0xffff, v10  }
0x1dd: {  	(xrf2) =	vadd.scan.msk.f32 $0xffff, v11;
	_ =	sdelay $0x8  }
0x1de: {  	v29, _, _ =	vpop (xrf2)  }
0x1df: {  	v28, _, _ =	vpop (xrf2)  }
0x1e0: {  	_ =	swait.ge [sflag:s4], $0x1000  }
0x1e1: {  	[sflag:s4] =	ssyncset.done $0x0  }
0x1e2: {  	[sflag:s4] =	ssyncadd.s32 $0xFFFFF000  }
0x1e3: {  	_ =	swait.ge [sflag:s4], $0x1000  }
0x1e4: {  	[sflag:s4] =	ssyncset.done $0x0  }
0x1e5: {  	[sflag:s4] =	ssyncadd.s32 $0xFFFFF000  }
0x1e6: {  	_ =	swait.ge [sflag:s4], $0x1000  }
0x1e7: {  	(v2sf) =	vpush v22, $0x1;
	_ =	sdelay $0x1  }
0x1e8: {  	(v2sf) =	vpush v23, $0x1;
	_ =	sdelay $0x1  }
0x1e9: {  	(v2sf) =	vpush v24, $0x1;
	_ =	sdelay $0xa  }
0x1ea: {  	s6 =	spop (v2sf)  }
0x1eb: {  	s7 =	sshra.s32 s6, $0x1F  }
0x1ec: {  	s8 =	spop (v2sf);
	s26 =	sshrl.u32 s7, $0x19  }
0x1ed: {  	s9 =	sshra.s32 s8, $0x1F;
	s26 =	sadd.s32 s26, s6  }
0x1ee: {  	s10 =	spop (v2sf);
	s29 =	sshrl.u32 s9, $0x19;
	s26 =	sand.u32 $0xFFFFFF80, s26  }
0x1ef: {  	s31 =	sshra.s32 s10, $0x1F;
	s29 =	sadd.s32 s29, s8;
	p0 =	slt.s32 s26, $0xF41C0  }
0x1f0: {  	s31 =	sshrl.u32 s31, $0x19;
	s29 =	sand.u32 $0xFFFFFF80, s29;
	s26 =	simm.s32 @!p0 $0xF41C0  }
0x1f1: {  	s14 =	sadd.s32 s31, s10;
	p0 =	slt.s32 s29, $0xF41C0;
	s25 =	ssub.s32 s6, s26  }
0x1f2: {  	s29 =	simm.s32 @!p0 $0xF41C0;
	s26 =	sand.u32 $0xFFFFFF80, s14;
	v10 =	vadd.s32 s25, v1  }
0x1f3: {  	s28 =	ssub.s32 s8, s29;
	p0 =	slt.s32 s26, $0xF41C0;
	v11 =	vadd.s32 s25, v2  }
0x1f4: {  	s26 =	simm.s32 @!p0 $0xF41C0;
	v12 =	vadd.s32 s28, v1  }
0x1f5: {  	[sflag:s4] =	ssyncset.done $0x0;
	v16 =	vadd.s32 s28, v2;
	s30 =	ssub.s32 s10, s26  }
0x1f6: {  	s0 =	simm.s32 $0x1780;
	[sflag:s4] =	ssyncadd.s32 $0xFFFFF000;
	v17 =	vadd.s32 s30, v1  }
0x1f7: {  	v14 =	vld.idx.msk [tilespmem:v10+s0+$0x0], $0xffff;
	v10 =	vadd.s32 s30, v2  }
0x1f8: {  	s3 =	simm.s32 $0x9780;
	v15 =	vld.idx.msk [tilespmem:v11+s0+$0x0], $0xffff  }
0x1f9: {  	v13 =	vld.idx.msk [tilespmem:v12+s3+$0x0], $0xffff  }
0x1fa: {  	s5 =	simm.s32 $0x11780;
	v12 =	vld.idx.msk [tilespmem:v16+s3+$0x0], $0xffff  }
0x1fb: {  	v11 =	vld.idx.msk [tilespmem:v17+s5+$0x0], $0xffff  }
0x1fc: {  	v10 =	vld.idx.msk [tilespmem:v10+s5+$0x0], $0xffff;
	_ =	sdelay $0x3  }
0x1fd: {  	v16 =	vmul.f32 v13, v14;
	v17 =	vmul.f32 v12, v15  }
0x1fe: {  	v18 =	vmul.f32 v11, v14;
	v19 =	vmul.f32 v10, v15  }
0x1ff: {  	v16 =	vadd.f32 v17, v16  }
0x200: {  	v17 =	vadd.f32 v19, v18  }
0x201: {  	(xrf2) =	vadd.scan.msk.f32 $0xffff, v16  }
0x202: {  	(xrf2) =	vadd.scan.msk.f32 $0xffff, v17;
	_ =	sdelay $0x8  }
0x203: {  	v30, _, _ =	vpop (xrf2)  }
0x204: {  	v31, _, _ =	vpop (xrf2)  }
0x205: {  	_ =	swait.ge [sflag:s12], $0x1000  }
0x206: {  	[sflag:s12] =	ssyncset.done $0x0  }
0x207: {  	[sflag:s12] =	ssyncadd.s32 $0xFFFFF000  }
0x208: {  	_ =	swait.ge [sflag:s12], $0x1000  }
0x209: {  	[sflag:s12] =	ssyncset.done $0x0  }
0x20a: {  	[sflag:s12] =	ssyncadd.s32 $0xFFFFF000  }
0x20b: {  	_ =	swait.ge [sflag:s12], $0x1000  }
0x20c: {  	(v2sf) =	vpush v22, $0x2;
	_ =	sdelay $0x1  }
0x20d: {  	(v2sf) =	vpush v23, $0x2;
	_ =	sdelay $0x1  }
0x20e: {  	(v2sf) =	vpush v24, $0x2;
	_ =	sdelay $0xa  }
0x20f: {  	s6 =	spop (v2sf)  }
0x210: {  	s7 =	sshra.s32 s6, $0x1F  }
0x211: {  	s8 =	spop (v2sf);
	s26 =	sshrl.u32 s7, $0x19  }
0x212: {  	s9 =	sshra.s32 s8, $0x1F;
	s26 =	sadd.s32 s26, s6  }
0x213: {  	s10 =	spop (v2sf);
	s29 =	sshrl.u32 s9, $0x19;
	s26 =	sand.u32 $0xFFFFFF80, s26  }
0x214: {  	s31 =	sshra.s32 s10, $0x1F;
	s29 =	sadd.s32 s29, s8;
	p0 =	slt.s32 s26, $0xF41C0  }
0x215: {  	s31 =	sshrl.u32 s31, $0x19;
	s29 =	sand.u32 $0xFFFFFF80, s29;
	s26 =	simm.s32 @!p0 $0xF41C0  }
0x216: {  	s14 =	sadd.s32 s31, s10;
	p0 =	slt.s32 s29, $0xF41C0;
	s25 =	ssub.s32 s6, s26  }
0x217: {  	s29 =	simm.s32 @!p0 $0xF41C0;
	s26 =	sand.u32 $0xFFFFFF80, s14;
	v16 =	vadd.s32 s25, v1  }
0x218: {  	s28 =	ssub.s32 s8, s29;
	p0 =	slt.s32 s26, $0xF41C0;
	v17 =	vadd.s32 s25, v2  }
0x219: {  	s26 =	simm.s32 @!p0 $0xF41C0;
	v18 =	vadd.s32 s28, v1  }
0x21a: {  	[sflag:s12] =	ssyncset.done $0x0;
	v25 =	vadd.s32 s28, v2;
	s26 =	ssub.s32 s10, s26  }
0x21b: {  	[sflag:s12] =	ssyncadd.s32 $0xFFFFF000;
	s29 =	simm.s32 $0x2780;
	v26 =	vadd.s32 s26, v1  }
0x21c: {  	v20 =	vld.idx.msk [tilespmem:v16+s29+$0x0], $0xffff;
	v16 =	vadd.s32 s26, v2  }
0x21d: {  	s30 =	simm.s32 $0xA780;
	v21 =	vld.idx.msk [tilespmem:v17+s29+$0x0], $0xffff  }
0x21e: {  	v19 =	vld.idx.msk [tilespmem:v18+s30+$0x0], $0xffff  }
0x21f: {  	s0 =	simm.s32 $0x12780;
	v18 =	vld.idx.msk [tilespmem:v25+s30+$0x0], $0xffff  }
0x220: {  	v17 =	vld.idx.msk [tilespmem:v26+s0+$0x0], $0xffff  }
0x221: {  	v16 =	vld.idx.msk [tilespmem:v16+s0+$0x0], $0xffff;
	_ =	sdelay $0x3  }
0x222: {  	v25 =	vmul.f32 v19, v20;
	v26 =	vmul.f32 v18, v21  }
0x223: {  	v27 =	vmul.f32 v17, v20;
	v32 =	vmul.f32 v16, v21  }
0x224: {  	v25 =	vadd.f32 v26, v25  }
0x225: {  	v26 =	vadd.f32 v32, v27  }
0x226: {  	(xrf2) =	vadd.scan.msk.f32 $0xffff, v25  }
0x227: {  	(xrf2) =	vadd.scan.msk.f32 $0xffff, v26;
	_ =	sdelay $0x8  }
0x228: {  	v58, _, _ =	vpop (xrf2)  }
0x229: {  	v33, _, _ =	vpop (xrf2)  }
0x22a: {  	_ =	swait.ge [sflag:s17], $0x1000  }
0x22b: {  	[sflag:s17] =	ssyncset.done $0x0  }
0x22c: {  	[sflag:s17] =	ssyncadd.s32 $0xFFFFF000  }
0x22d: {  	_ =	swait.ge [sflag:s17], $0x1000  }
0x22e: {  	[sflag:s17] =	ssyncset.done $0x0  }
0x22f: {  	[sflag:s17] =	ssyncadd.s32 $0xFFFFF000  }
0x230: {  	_ =	swait.ge [sflag:s17], $0x1000  }
0x231: {  	(v2sf) =	vpush v22, $0x3;
	_ =	sdelay $0x1  }
0x232: {  	(v2sf) =	vpush v23, $0x3;
	_ =	sdelay $0x1  }
0x233: {  	(v2sf) =	vpush v24, $0x3;
	_ =	sdelay $0xa  }
0x234: {  	s3 =	spop (v2sf)  }
0x235: {  	s5 =	sshra.s32 s3, $0x1F  }
0x236: {  	s6 =	spop (v2sf);
	s26 =	sshrl.u32 s5, $0x19  }
0x237: {  	s8 =	sshra.s32 s6, $0x1F;
	s26 =	sadd.s32 s26, s3  }
0x238: {  	s9 =	spop (v2sf);
	s29 =	sshrl.u32 s8, $0x19;
	s26 =	sand.u32 $0xFFFFFF80, s26  }
0x239: {  	s31 =	sshra.s32 s9, $0x1F;
	s29 =	sadd.s32 s29, s6;
	p0 =	slt.s32 s26, $0xF41C0  }
0x23a: {  	s31 =	sshrl.u32 s31, $0x19;
	s29 =	sand.u32 $0xFFFFFF80, s29;
	s26 =	simm.s32 @!p0 $0xF41C0  }
0x23b: {  	s10 =	sadd.s32 s31, s9;
	p0 =	slt.s32 s29, $0xF41C0;
	s25 =	ssub.s32 s3, s26  }
0x23c: {  	s29 =	simm.s32 @!p0 $0xF41C0;
	s26 =	sand.u32 $0xFFFFFF80, s10;
	v22 =	vadd.s32 s25, v1  }
0x23d: {  	s28 =	ssub.s32 s6, s29;
	v23 =	vadd.s32 s25, v2;
	p0 =	slt.s32 s26, $0xF41C0  }
0x23e: {  	s26 =	simm.s32 @!p0 $0xF41C0;
	v24 =	vadd.s32 s28, v1  }
0x23f: {  	[sflag:s17] =	ssyncset.done $0x0;
	v34 =	vadd.s32 s28, v2;
	s14 =	ssub.s32 s9, s26  }
0x240: {  	[sflag:s17] =	ssyncadd.s32 $0xFFFFF000;
	s26 =	simm.s32 $0x3780;
	v35 =	vadd.s32 s14, v1  }
0x241: {  	v36 =	vadd.s32 s14, v2;
	v26 =	vld.idx.msk [tilespmem:v22+s26+$0x0], $0xffff  }
0x242: {  	s28 =	simm.s32 $0xB780;
	v27 =	vld.idx.msk [tilespmem:v23+s26+$0x0], $0xffff  }
0x243: {  	v25 =	vld.idx.msk [tilespmem:v24+s28+$0x0], $0xffff  }
0x244: {  	s29 =	simm.s32 $0x13780;
	v24 =	vld.idx.msk [tilespmem:v34+s28+$0x0], $0xffff  }
0x245: {  	v23 =	vld.idx.msk [tilespmem:v35+s29+$0x0], $0xffff  }
0x246: {  	v22 =	vld.idx.msk [tilespmem:v36+s29+$0x0], $0xffff;
	_ =	sdelay $0x3  }
0x247: {  	v59 =	vmul.f32 v25, v26;
	v60 =	vmul.f32 v24, v27  }
0x248: {  	v61 =	vmul.f32 v23, v26;
	v37 =	vmul.f32 v22, v27  }
0x249: {  	v34 =	vadd.f32 v60, v59  }
0x24a: {  	v62 =	vadd.f32 v37, v61  }
0x24b: {  	(xrf2) =	vadd.scan.msk.f32 $0xffff, v34  }
0x24c: {  	(xrf2) =	vadd.scan.msk.f32 $0xffff, v62;
	_ =	sdelay $0x8  }
0x24d: {  	v30 =	vbroadcast v30, $0xF;
	v34, _, _ =	vpop (xrf2)  }
0x24e: {  	v63 =	vadd.s32 s22, v0;
	v32 =	vbroadcast v58, $0xF;
	v34 =	vbroadcast v34, $0xF;
	v35, _, _ =	vpop (xrf2)  }
0x24f: {  	v33 =	vbroadcast v33, $0xF;
	p0 =	seq.s32 s23, $0x7E0;
	v35 =	vbroadcast v35, $0xF  }
.Ltmp4:
0x250: {  	v29 =	vbroadcast v29, $0xF;
	v31 =	vbroadcast v31, $0xF;
	v32 =	vsel vm0, v34, v32;
	(pc) =	sbr.rel @p0 .LBB2_4-.Ltmp4, $4  }
0x251: {  	v28 =	vbroadcast v28, $0xF;
	v30 =	vsel vm1, v32, v30;
	v33 =	vsel vm0, v35, v33  }
0x252: {  	s13 =	simm.s32 $0x18780;
	v29 =	vsel vm2, v30, v29;
	v31 =	vsel vm1, v33, v31  }
0x253: {  	s7 =	simm.s32 $0x2780;
	s30 =	simm.s32 $0x18980;
	[tilespmem:v63+s13+$0x0] =	vst.idx.msk $0xf, v29;
	v28 =	vsel vm2, v31, v28  }
0x254: {  	s8 =	simm.s32 $0x13780;
	s31 =	simm.s32 $0x3780;
	s10 =	simm.s32 $0xB780;
	[tilespmem:v63+s30+$0x0] =	vst.idx.msk $0xf, v28  }
0x255: {  	v28 =	vld [tilespmem:s24+$0x8];
	_ =	sdelay $0x4  }
0x256: {  	(v2sf) =	vpush v28, $0x0  }
0x257: {  	v29 =	vld [tilespmem:s24+$0x288];
	_ =	sdelay $0x4  }
0x258: {  	(v2sf) =	vpush v29, $0x0;
	_ =	sdelay $0x5  }
0x259: {  	v30 =	vld [tilespmem:s24+$0x508];
	_ =	sdelay $0x2  }
0x25a: {  	s25 =	spop (v2sf)  }
0x25b: {  	s26 =	sshra.s32 s25, $0x1F  }
0x25c: {  	(v2sf) =	vpush v30, $0x0;
	s26 =	sshrl.u32 s26, $0x19  }
0x25d: {  	s25 =	sadd.s32 s26, s25  }
0x25e: {  	s25 =	sand.u32 $0xFFFFFF80, s25  }
0x25f: {  	p0 =	slt.s32 s25, $0xF41C0  }
0x260: {  	s3 =	spop (v2sf);
	s25 =	simm.s32 @!p0 $0xF41C0  }
0x261: {  	s5 =	sshra.s32 s3, $0x1F;
	s25 =	sand.u32 $0xFFFFF80, s25  }
0x262: {  	s0 =	simm.s32 $0x780;
	(v2sf) =	vpush v28, $0x1;
	s26 =	sshrl.u32 s5, $0x19;
	s25 =	sadd.s32 s1, s25  }
0x263: {  	[tilespmem:s0], [sflag:$0x1] =	stream.strided.gather [hbm4b:s25+s15], $0x1000, s16, s15, $0x38;
	[tilespmem:$0x18C00] =	vst v63  }
0x264: {  	s25 =	sadd.s32 s26, s3  }
0x265: {  	s25 =	sand.u32 $0xFFFFFF80, s25  }
0x266: {  	p0 =	slt.s32 s25, $0xF41C0  }
0x267: {  	s25 =	simm.s32 @!p0 $0xF41C0  }
0x268: {  	s25 =	sand.u32 $0xFFFFF80, s25  }
0x269: {  	s3 =	simm.s32 $0x8780;
	s25 =	sadd.s32 s2, s25  }
0x26a: {  	[tilespmem:s3], [sflag:$0x1] =	stream.strided.gather [hbm4b:s25+s15], $0x1000, s16, s15, $0x38;
	[tilespmem:$0x18C00] =	vst v63  }
0x26b: {  	s6 =	spop (v2sf)  }
0x26c: {  	s9 =	sshra.s32 s6, $0x1F  }
0x26d: {  	(v2sf) =	vpush v29, $0x1;
	s26 =	sshrl.u32 s9, $0x19  }
0x26e: {  	s25 =	sadd.s32 s26, s6  }
0x26f: {  	s25 =	sand.u32 $0xFFFFFF80, s25  }
0x270: {  	p0 =	slt.s32 s25, $0xF41C0  }
0x271: {  	s14 =	spop (v2sf);
	s25 =	simm.s32 @!p0 $0xF41C0  }
0x272: {  	s28 =	sshra.s32 s14, $0x1F;
	s25 =	sand.u32 $0xFFFFF80, s25  }
0x273: {  	s13 =	simm.s32 $0x10780;
	(v2sf) =	vpush v30, $0x1;
	s26 =	sshrl.u32 s28, $0x19;
	s25 =	sadd.s32 s2, s25  }
0x274: {  	[tilespmem:s13], [sflag:$0x1] =	stream.strided.gather [hbm4b:s25+s15], $0x1000, s16, s15, $0x38;
	[tilespmem:$0x18C00] =	vst v63  }
0x275: {  	s25 =	sadd.s32 s26, s14  }
0x276: {  	s25 =	sand.u32 $0xFFFFFF80, s25  }
0x277: {  	p0 =	slt.s32 s25, $0xF41C0  }
0x278: {  	s25 =	simm.s32 @!p0 $0xF41C0  }
0x279: {  	s25 =	sand.u32 $0xFFFFF80, s25  }
0x27a: {  	s29 =	simm.s32 $0x1780;
	s25 =	sadd.s32 s1, s25  }
0x27b: {  	[tilespmem:s29], [sflag:$0x2] =	stream.strided.gather [hbm4b:s25+s15], $0x1000, s16, s15, $0x38;
	[tilespmem:$0x18C00] =	vst v63  }
0x27c: {  	s30 =	spop (v2sf)  }
0x27d: {  	s0 =	sshra.s32 s30, $0x1F  }
0x27e: {  	(v2sf) =	vpush v28, $0x2;
	s26 =	sshrl.u32 s0, $0x19  }
0x27f: {  	s25 =	sadd.s32 s26, s30  }
0x280: {  	s25 =	sand.u32 $0xFFFFFF80, s25  }
0x281: {  	p0 =	slt.s32 s25, $0xF41C0  }
0x282: {  	s5 =	spop (v2sf);
	s25 =	simm.s32 @!p0 $0xF41C0  }
0x283: {  	s6 =	sshra.s32 s5, $0x1F;
	s25 =	sand.u32 $0xFFFFF80, s25  }
0x284: {  	s3 =	simm.s32 $0x9780;
	(v2sf) =	vpush v29, $0x2;
	s26 =	sshrl.u32 s6, $0x19;
	s25 =	sadd.s32 s2, s25  }
0x285: {  	[tilespmem:s3], [sflag:$0x2] =	stream.strided.gather [hbm4b:s25+s15], $0x1000, s16, s15, $0x38;
	[tilespmem:$0x18C00] =	vst v63  }
0x286: {  	s25 =	sadd.s32 s26, s5  }
0x287: {  	s25 =	sand.u32 $0xFFFFFF80, s25  }
0x288: {  	p0 =	slt.s32 s25, $0xF41C0  }
0x289: {  	s25 =	simm.s32 @!p0 $0xF41C0  }
0x28a: {  	s25 =	sand.u32 $0xFFFFF80, s25  }
0x28b: {  	s9 =	simm.s32 $0x11780;
	s25 =	sadd.s32 s2, s25  }
0x28c: {  	[tilespmem:s9], [sflag:$0x2] =	stream.strided.gather [hbm4b:s25+s15], $0x1000, s16, s15, $0x38;
	[tilespmem:$0x18C00] =	vst v63  }
0x28d: {  	s13 =	spop (v2sf)  }
0x28e: {  	s14 =	sshra.s32 s13, $0x1F  }
0x28f: {  	(v2sf) =	vpush v30, $0x2;
	s26 =	sshrl.u32 s14, $0x19  }
0x290: {  	s25 =	sadd.s32 s26, s13  }
0x291: {  	s25 =	sand.u32 $0xFFFFFF80, s25  }
0x292: {  	p0 =	slt.s32 s25, $0xF41C0  }
0x293: {  	s28 =	spop (v2sf);
	s25 =	simm.s32 @!p0 $0xF41C0  }
0x294: {  	s29 =	sshra.s32 s28, $0x1F;
	s25 =	sand.u32 $0xFFFFF80, s25  }
0x295: {  	(v2sf) =	vpush v28, $0x3;
	s26 =	sshrl.u32 s29, $0x19;
	s25 =	sadd.s32 s1, s25  }
0x296: {  	[tilespmem:s7], [sflag:$0x3] =	stream.strided.gather [hbm4b:s25+s15], $0x1000, s16, s15, $0x38;
	[tilespmem:$0x18C00] =	vst v63  }
0x297: {  	s25 =	sadd.s32 s26, s28  }
0x298: {  	s25 =	sand.u32 $0xFFFFFF80, s25  }
0x299: {  	p0 =	slt.s32 s25, $0xF41C0  }
0x29a: {  	s25 =	simm.s32 @!p0 $0xF41C0  }
0x29b: {  	s25 =	sand.u32 $0xFFFFF80, s25  }
0x29c: {  	s30 =	simm.s32 $0xA780;
	s25 =	sadd.s32 s2, s25  }
0x29d: {  	[tilespmem:s30], [sflag:$0x3] =	stream.strided.gather [hbm4b:s25+s15], $0x1000, s16, s15, $0x38;
	[tilespmem:$0x18C00] =	vst v63  }
0x29e: {  	s3 =	spop (v2sf);
	(v2sf) =	vpush v29, $0x3  }
0x29f: {  	s5 =	sshra.s32 s3, $0x1F  }
0x2a0: {  	s26 =	sshrl.u32 s5, $0x19  }
0x2a1: {  	s25 =	sadd.s32 s26, s3  }
0x2a2: {  	s25 =	sand.u32 $0xFFFFFF80, s25  }
0x2a3: {  	p0 =	slt.s32 s25, $0xF41C0  }
0x2a4: {  	s9 =	spop (v2sf);
	s25 =	simm.s32 @!p0 $0xF41C0  }
0x2a5: {  	(v2sf) =	vpush v30, $0x3;
	s13 =	sshra.s32 s9, $0x1F;
	s25 =	sand.u32 $0xFFFFF80, s25  }
0x2a6: {  	s6 =	simm.s32 $0x12780;
	s26 =	sshrl.u32 s13, $0x19;
	s25 =	sadd.s32 s2, s25  }
0x2a7: {  	[tilespmem:s6], [sflag:$0x3] =	stream.strided.gather [hbm4b:s25+s15], $0x1000, s16, s15, $0x38;
	[tilespmem:$0x18C00] =	vst v63  }
0x2a8: {  	s25 =	sadd.s32 s26, s9  }
0x2a9: {  	s25 =	sand.u32 $0xFFFFFF80, s25  }
0x2aa: {  	p0 =	slt.s32 s25, $0xF41C0  }
0x2ab: {  	s25 =	simm.s32 @!p0 $0xF41C0  }
0x2ac: {  	s25 =	sand.u32 $0xFFFFF80, s25  }
0x2ad: {  	s25 =	sadd.s32 s1, s25;
	s14 =	spop (v2sf)  }
0x2ae: {  	[tilespmem:s31], [sflag:$0x4] =	stream.strided.gather [hbm4b:s25+s15], $0x1000, s16, s15, $0x38;
	[tilespmem:$0x18C00] =	vst v63  }
0x2af: {  	s28 =	sshra.s32 s14, $0x1F  }
0x2b0: {  	s25 =	sshrl.u32 s28, $0x19  }
0x2b1: {  	s25 =	sadd.s32 s25, s14  }
0x2b2: {  	s25 =	sand.u32 $0xFFFFFF80, s25  }
0x2b3: {  	p0 =	slt.s32 s25, $0xF41C0  }
0x2b4: {  	s29 =	spop (v2sf);
	s25 =	simm.s32 @!p0 $0xF41C0  }
0x2b5: {  	s30 =	sshra.s32 s29, $0x1F;
	s25 =	sand.u32 $0xFFFFF80, s25  }
0x2b6: {  	s26 =	sshrl.u32 s30, $0x19;
	s25 =	sadd.s32 s2, s25  }
0x2b7: {  	[tilespmem:s10], [sflag:$0x4] =	stream.strided.gather [hbm4b:s25+s15], $0x1000, s16, s15, $0x38;
	[tilespmem:$0x18C00] =	vst v63  }
0x2b8: {  	s25 =	sadd.s32 s26, s29  }
0x2b9: {  	s25 =	sand.u32 $0xFFFFFF80, s25  }
.Ltmp5:
0x2ba: {  	p0 =	slt.s32 s25, $0xF41C0;
	(pc) =	sbr.rel .LBB2_4-.Ltmp5, $4  }
0x2bb: {  	s25 =	simm.s32 @!p0 $0xF41C0  }
0x2bc: {  	s25 =	sand.u32 $0xFFFFF80, s25  }
0x2bd: {  	s25 =	sadd.s32 s2, s25  }
0x2be: {  	[tilespmem:s8], [sflag:$0x4] =	stream.strided.gather [hbm4b:s25+s15], $0x1000, s16, s15, $0x38;
	[tilespmem:$0x18C00] =	vst v63  }
.LBB2_6:
0x2bf: {  	_ =	sfence.sel $0x180000  }
0x2c0: {  	[bflag:$0x0] =	sbarrier.arrive $0xFFFF  }
0x2c1: {  	_ =	strace $0x90000047  }
0x2c2: {  	s0 =	stileid.u32;
	[bflag:$0x2] =	sbarrier.arrive $0xFFFF  }
0x2c3: {  	p0 =	sne.s32 s0, $0x0;
	s0 =	rddreg [dreg:$0x6]  }
0x2c4: {  	s0 =	sadd.s32 @!p0 $0x100000, s0  }
0x2c5: {  	[sflag:s0] =	ssyncadd.tile.s32 @!p0 $0x1;
	_ =	shalt  }
.Lfunc_end2:
_tile_overlayer_lowered:
.L_overlay_start_2:
0x2c6: {  	(tag) =	ssettag $0x2  }
0x2c7: {  	s0 =	rddreg [dreg:$0x0];
	s2 =	stileid.u32  }
0x2c8: {  	s1 =	rddreg [dreg:$0x1];
	p0 =	sne.s32 s2, $0x0  }
0x2c9: {  	s3 =	rddreg [dreg:$0x2];
	[bflag:$0x3] =	sbarrier.arrive $0xFFFF;
	s2 =	simm.s32 @!p0 $0x1C09  }
0x2ca: {  	[timem:s3], [sflag:s2] =	dma.local @!p0 [hbm:s0], s1  }
0x2cb: {  	s0 =	simm.s32 @!p0 $0x9  }
0x2cc: {  	_ =	swait.ge @!p0 [sflag:s0], s1  }
0x2cd: {  	s1 =	ssub.s32 @!p0 $0x0, s1;
	[sflag:s0] =	ssyncset.done @!p0 $0x0  }
0x2ce: {  	[sflag:s0] =	ssyncadd.s32 @!p0 s1  }
0x2cf: {  	[bflag:$0x3] =	sbarrier.arrive $0xFFFF  }
0x2d0: {  	_ =	shalt  }

</sc_bundles>
